<compile_context>
chip_gen: v7x
topology: tpu7x:2x2x1
jax: 0.10.2.dev20260603
libtpu: 0.0.44.dev20260713+nightly
codegen_flags: <defaults>
</compile_context>

<pallas_src>
import functools

import jax
import jax.numpy as jnp
from jax import lax
from jax.experimental import pallas as pl
from jax.experimental.pallas import tpu as pltpu
from jax.experimental.pallas import tpu_sc as plsc

N = 10000
E = 160000
NP = 10240
ZI = N
OI = N + 1
NSUB = 16
CHUNK = 128
NCHUNK = 40
EPAD = 2 * NSUB * NCHUNK * CHUNK
ROWS_PER_SUB = NP // NSUB
BR = 1280
D = 128
NBUF = 2


def _make_sc_prop():
    mesh = plsc.VectorSubcoreMesh(core_axis_name="c", subcore_axis_name="s")

    @functools.partial(
        pl.kernel,
        mesh=mesh,
        out_type=jax.ShapeDtypeStruct((2, NP, D), jnp.float32),
        scratch_types=[
            pltpu.VMEM((NCHUNK + 1, CHUNK), jnp.int32),
            pltpu.VMEM((NCHUNK, CHUNK), jnp.int32),
            *[pltpu.VMEM((CHUNK, D), jnp.float32) for _ in range(NBUF)],
            pltpu.VMEM_SHARED((NP, D), jnp.float32),
            *[pltpu.SemaphoreType.DMA for _ in range(2 * NBUF)],
        ],
    )
    def sc_prop(u_hbm, gidx_hbm, sidx_hbm, out_hbm,
                gidx_v, sidx_v, *rest):
        bufs = rest[:NBUF]
        s_acc = rest[NBUF]
        gsems = rest[NBUF + 1:2 * NBUF + 1]
        ssems = rest[2 * NBUF + 1:]
        c = lax.axis_index("c")
        s = lax.axis_index("s")
        pltpu.sync_copy(gidx_hbm.at[c, s], gidx_v)
        pltpu.sync_copy(sidx_hbm.at[c, s], sidx_v)
        pltpu.async_copy(u_hbm.at[gidx_v.at[NCHUNK]], bufs[0], gsems[0]).wait()
        for t in range(ROWS_PER_SUB // CHUNK):
            pltpu.sync_copy(
                bufs[0], s_acc.at[pl.ds(s * ROWS_PER_SUB + t * CHUNK, CHUNK)])
        plsc.subcore_barrier()

        for b in range(NBUF):
            pltpu.async_copy(u_hbm.at[gidx_v.at[b]], bufs[b], gsems[b])

        def group(g, _):
            base = g * NBUF
            for b in range(NBUF):
                j = base + b
                pltpu.make_async_copy(
                    u_hbm.at[gidx_v.at[j]], bufs[b], gsems[b]).wait()
                pltpu.async_copy(
                    bufs[b], s_acc.at[sidx_v.at[j]], ssems[b], add=True)
            for b in range(NBUF):
                j = base + b
                pltpu.make_async_copy(
                    bufs[b], s_acc.at[sidx_v.at[j]], ssems[b]).wait()

                @pl.when(j + NBUF < NCHUNK)
                def _():
                    pltpu.async_copy(
                        u_hbm.at[gidx_v.at[j + NBUF]], bufs[b], gsems[b])

            return 0

        lax.fori_loop(0, NCHUNK // NBUF, group, 0)
        plsc.subcore_barrier()
        rows = pl.ds(s * ROWS_PER_SUB, ROWS_PER_SUB)
        pltpu.sync_copy(s_acc.at[rows], out_hbm.at[c, rows])

    return sc_prop


_SC_PROP_CACHE = {}


def _get_sc_prop():
    if "sc" not in _SC_PROP_CACHE:
        _SC_PROP_CACHE["sc"] = _make_sc_prop()
    return _SC_PROP_CACHE["sc"]


def _make_tc_step(DOUT, scale):

    def body(s_ref, tpp_ref, acc_ref, w_ref, dis_ref,
             tnew_ref, u_ref, accn_ref):
        d = dis_ref[...]
        tn = scale * d * (s_ref[0] + s_ref[1]) - tpp_ref[...]
        tnew_ref[...] = tn
        u_ref[...] = d * tn
        accn_ref[...] = acc_ref[...] + jnp.dot(
            tn, w_ref[...], preferred_element_type=jnp.float32)

    return pl.pallas_call(
        body,
        grid=(NP // BR,),
        in_specs=[
            pl.BlockSpec((2, BR, D), lambda i: (0, i, 0)),
            pl.BlockSpec((BR, D), lambda i: (i, 0)),
            pl.BlockSpec((BR, DOUT), lambda i: (i, 0)),
            pl.BlockSpec((D, DOUT), lambda i: (0, 0)),
            pl.BlockSpec((BR, 1), lambda i: (i, 0)),
        ],
        out_specs=[
            pl.BlockSpec((BR, D), lambda i: (i, 0)),
            pl.BlockSpec((BR, D), lambda i: (i, 0)),
            pl.BlockSpec((BR, DOUT), lambda i: (i, 0)),
        ],
        out_shape=[
            jax.ShapeDtypeStruct((NP, D), jnp.float32),
            jax.ShapeDtypeStruct((NP, D), jnp.float32),
            jax.ShapeDtypeStruct((NP, DOUT), jnp.float32),
        ],
    )


def _make_tc_matmul(DIN, DOUT, pre_silu):

    def body(t_ref, w_ref, b_ref, o_ref):
        t = t_ref[...]
        if pre_silu:
            t = t * jax.nn.sigmoid(t)
        o_ref[...] = jnp.dot(t, w_ref[...],
                             preferred_element_type=jnp.float32) + b_ref[...]

    return pl.pallas_call(
        body,
        grid=(NP // BR,),
        in_specs=[
            pl.BlockSpec((BR, DIN), lambda i: (i, 0)),
            pl.BlockSpec((DIN, DOUT), lambda i: (0, 0)),
            pl.BlockSpec((1, DOUT), lambda i: (0, 0)),
        ],
        out_specs=pl.BlockSpec((BR, DOUT), lambda i: (i, 0)),
        out_shape=jax.ShapeDtypeStruct((NP, DOUT), jnp.float32),
    )


def _make_layer_init(DIN, do_silu):

    def body(a_ref, dis_ref, t_ref, u_ref):
        t = a_ref[...]
        if do_silu:
            t = t * jax.nn.sigmoid(t)
        if DIN < D:
            t = jnp.concatenate(
                [t, jnp.zeros((BR, D - DIN), jnp.float32)], axis=1)
        d = dis_ref[...]
        t_ref[...] = t
        u_ref[...] = d * t

    return pl.pallas_call(
        body,
        grid=(NP // BR,),
        in_specs=[
            pl.BlockSpec((BR, DIN), lambda i: (i, 0)),
            pl.BlockSpec((BR, 1), lambda i: (i, 0)),
        ],
        out_specs=[
            pl.BlockSpec((BR, D), lambda i: (i, 0)),
            pl.BlockSpec((BR, D), lambda i: (i, 0)),
        ],
        out_shape=[
            jax.ShapeDtypeStruct((NP, D), jnp.float32),
            jax.ShapeDtypeStruct((NP, D), jnp.float32),
        ],
    )


def _dis_body(deg_ref, dis_ref):
    deg = deg_ref[...]
    idx = lax.broadcasted_iota(jnp.int32, (NP, 1), 0)
    ok = (deg > 0.0) & (idx < N)
    dis_ref[...] = jnp.where(ok, lax.rsqrt(jnp.maximum(deg, 1e-12)), 0.0)


def _make_dis_kernel():
    return pl.pallas_call(
        _dis_body,
        out_shape=jax.ShapeDtypeStruct((NP, 1), jnp.float32),
    )


def _run_layer(T0, U0, Wp, bp, DOUT, gidx, sidx, dis):
    acc = _make_tc_matmul(D, DOUT, False)(T0, Wp[0], bp)
    K = Wp.shape[0]
    if K == 1:
        return acc
    sc = _get_sc_prop()
    step1 = _make_tc_step(DOUT, -1.0)
    stepk = _make_tc_step(DOUT, -2.0)
    Tzero = jnp.zeros((NP, D), jnp.float32)

    S = sc(U0, gidx, sidx)
    T1, U1, acc = step1(S, Tzero, acc, Wp[1], dis)
    if K == 2:
        return acc

    def step(carry, Wk):
        Tp, Tpp, U, a = carry
        Sk = sc(U, gidx, sidx)
        Tn, Un, a = stepk(Sk, Tpp, a, Wk, dis)
        return (Tn, Tp, Un, a), None

    (_, _, _, acc), _ = lax.scan(step, (T1, T0, U1, acc), Wp[2:])
    return acc


def kernel(x, edge_index, batch, edge_attr, W1, b1, W2, b2, W3, b3, W4):
    f32 = jnp.float32
    row = edge_index[0]
    col = edge_index[1]
    pad = EPAD - E
    rowp = jnp.concatenate([row, jnp.zeros((pad,), jnp.int32)])
    colp = jnp.concatenate([col, jnp.zeros((pad,), jnp.int32)])
    realm = jnp.arange(EPAD, dtype=jnp.int32) < E
    valid = (rowp != colp) & realm

    zchunk = jnp.full((2, NSUB, 1, CHUNK), ZI, jnp.int32)

    def to_chunks(idx):
        return idx.reshape(2, NSUB, NCHUNK, CHUNK)

    def gather_layout(idx):
        return jnp.concatenate([to_chunks(idx), zchunk], axis=2)

    gidx = gather_layout(jnp.where(valid, rowp, ZI))
    sidx = to_chunks(jnp.where(valid, colp, ZI))
    gidx_deg = gather_layout(jnp.where(valid, OI, ZI))
    sidx_deg = to_chunks(jnp.where(valid, rowp, ZI))

    u_deg = jnp.zeros((NP, D), f32).at[OI].set(1.0)

    S_deg = _get_sc_prop()(u_deg, gidx_deg, sidx_deg)
    deg = S_deg[0, :, 0:1] + S_deg[1, :, 0:1]
    dis = _make_dis_kernel()(deg)

    W1p = jnp.pad(W1, ((0, 0), (0, 0), (0, 8)))
    b1p = jnp.pad(b1, (0, 8)).reshape(1, 128)
    W2p = jnp.pad(W2, ((0, 0), (0, 8), (0, 4)))
    b2p = jnp.pad(b2, (0, 4)).reshape(1, 64)
    W3p = jnp.pad(W3, ((0, 0), (0, 68), (0, 2)))
    b3p = jnp.pad(b3, (0, 2)).reshape(1, 32)
    W4p = jnp.pad(W4[0], ((0, 2), (0, 0)))
    zb4 = jnp.zeros((1, 128), f32)

    x_pad = jnp.pad(x, ((0, NP - N), (0, 0)))

    T0, U0 = _make_layer_init(128, False)(x_pad, dis)
    acc = _run_layer(T0, U0, W1p, b1p, 128, gidx, sidx, dis)
    T0, U0 = _make_layer_init(128, True)(acc, dis)
    acc = _run_layer(T0, U0, W2p, b2p, 64, gidx, sidx, dis)
    T0, U0 = _make_layer_init(64, True)(acc, dis)
    acc = _run_layer(T0, U0, W3p, b3p, 32, gidx, sidx, dis)
    out = _make_tc_matmul(32, 128, True)(acc, W4p, zb4)
    return out[:N]

# --- scband reference (transcript-rebuilt; emitter-appended) ---
"""Pipeline reference for scband-graph-conv-wat-35716948034099 (READ-ONLY COPY).

The authoritative reference and input builder live on the scoring server;
editing this copy changes nothing except your own understanding.
"""

import jax, jax.numpy as jnp
import numpy as np

N = 10000
E = 160000
D_IN = 128
D_OUT = 128
D_EDGE = 4


def _glorot(key, shape):
    fan_in, fan_out = shape[-2], shape[-1]
    lim = float(np.sqrt(6.0 / (fan_in + fan_out)))
    return jax.random.uniform(key, shape, jnp.float32, -lim, lim)


def setup_inputs(seed: int = 0):
    key = jax.random.key(seed)
    ks = jax.random.split(key, 8)
    x = jax.random.normal(ks[0], (N, D_IN), dtype=jnp.float32)
    edge_index = jax.random.randint(ks[1], (2, E), 0, N, dtype=jnp.int32)
    batch = jnp.zeros((N,), dtype=jnp.int32)
    edge_attr = jax.random.normal(ks[2], (E, D_EDGE), dtype=jnp.float32)
    W1 = _glorot(ks[3], (240, D_IN, 120))
    b1 = jnp.zeros((120,), jnp.float32)
    W2 = _glorot(ks[4], (120, 120, 60))
    b2 = jnp.zeros((60,), jnp.float32)
    W3 = _glorot(ks[5], (20, 60, 30))
    b3 = jnp.zeros((30,), jnp.float32)
    W4 = _glorot(ks[6], (1, 30, D_OUT))
    return {"x": x, "edge_index": edge_index, "batch": batch, "edge_attr": edge_attr,
            "W1": W1, "b1": b1, "W2": W2, "b2": b2, "W3": W3, "b3": b3, "W4": W4}


def _cheb_norm(edge_index, num_nodes):
    # PyG ChebConv norm with normalization='sym', lambda_max=2.0:
    # remove self loops; L = I - D^-1/2 A D^-1/2; (2/lambda_max)*L = L; add self loops with -1
    # -> diagonal cancels exactly: L_hat edges are just -d_i^-1/2 * d_j^-1/2 on off-diagonal edges.
    row, col = edge_index[0], edge_index[1]
    ew = jnp.where(row != col, 1.0, 0.0).astype(jnp.float32)
    deg = jnp.zeros((num_nodes,), jnp.float32).at[row].add(ew)
    dis = jnp.where(deg > 0, jax.lax.rsqrt(jnp.maximum(deg, 1e-12)), 0.0)
    w = -dis[row] * ew * dis[col]
    return row, col, w


def _cheb_conv(x, W, b, row, col, w, num_nodes):
    K = W.shape[0]

    def prop(t):
        return jnp.zeros((num_nodes, t.shape[1]), t.dtype).at[col].add(w[:, None] * t[row])

    out = x @ W[0]
    if K > 1:
        Tx1 = prop(x)
        out = out + Tx1 @ W[1]
        if K > 2:
            def step(carry, Wk):
                Tx0, Txp, acc = carry
                Tx2 = 2.0 * prop(Txp) - Tx0
                return (Txp, Tx2, acc + Tx2 @ Wk), None
            (_, _, out), _ = jax.lax.scan(step, (x, Tx1, out), W[2:])
    if b is not None:
        out = out + b
    return out


def reference(x, edge_index, batch, edge_attr, W1, b1, W2, b2, W3, b3, W4):
    num_nodes = x.shape[0]
    row, col, w = _cheb_norm(edge_index, num_nodes)
    h = jax.nn.silu(_cheb_conv(x, W1, b1, row, col, w, num_nodes))
    h = jax.nn.silu(_cheb_conv(h, W2, b2, row, col, w, num_nodes))
    h = jax.nn.silu(_cheb_conv(h, W3, b3, row, col, w, num_nodes))
    h = _cheb_conv(h, W4, None, row, col, w, num_nodes)
    return h

if __name__ == "__main__":
    import jax
    _d = setup_inputs()
    print(jax.jit(kernel)(*tuple(_d.values())))

</pallas_src>

<mosaic_0001>
#map = affine_map<(d0, d1) -> (0, 0)>
#map1 = affine_map<(d0, d1) -> (0, 0, 0, 0)>
#map2 = affine_map<(d0, d1) -> (0, 0, 0)>
module attributes {stable_mosaic.version = 14 : i64} {
  func.func @sc_prop(%arg0: i32, %arg1: i32, %arg2: memref<10240x128xf32, #tpu.memory_space<hbm>>, %arg3: memref<2x16x41x128xi32, #tpu.memory_space<hbm>>, %arg4: memref<2x16x40x128xi32, #tpu.memory_space<hbm>>, %arg5: memref<2x10240x128xf32, #tpu.memory_space<hbm>>, %arg6: memref<41x128xi32, #tpu.memory_space<vmem>>, %arg7: memref<40x128xi32, #tpu.memory_space<vmem>>, %arg8: memref<128x128xf32, #tpu.memory_space<vmem>>, %arg9: memref<128x128xf32, #tpu.memory_space<vmem>>, %arg10: memref<10240x128xf32, #tpu.memory_space<vmem_shared>>, %arg11: memref<!tpu.dma_semaphore, #tpu.memory_space<semaphore_mem>>, %arg12: memref<!tpu.dma_semaphore, #tpu.memory_space<semaphore_mem>>, %arg13: memref<!tpu.dma_semaphore, #tpu.memory_space<semaphore_mem>>, %arg14: memref<!tpu.dma_semaphore, #tpu.memory_space<semaphore_mem>>) attributes {dimension_semantics = [#tpu.dimension_semantics<core_parallel>, #tpu.dimension_semantics<subcore_parallel>], iteration_bounds = array<i64: 2, 16>, scalar_prefetch = 0 : i64, scratch_operands = 9 : i64, tpu.core_type = #tpu.core_type<sc_vector_subcore>, window_params = [{transform_indices = #map}, {transform_indices = #map1}, {transform_indices = #map1}, {transform_indices = #map2}]} {
    "tpu.region"() ({
      %run_scoped3A = tpu.sem_alloc : memref<!tpu.dma_semaphore, #tpu.memory_space<semaphore_mem>>
      %dma_start3A_53 = arith.constant 0 : i32
      %dma_start3A_54 = arith.constant 0 : i32
      %dma_start3A_55 = tpu.memref_slice %arg3[%arg0, %arg1, %dma_start3A_53, %dma_start3A_54] : memref<2x16x41x128xi32, #tpu.memory_space<hbm>> -> memref<1x1x41x128xi32, #tpu.memory_space<hbm>>
      %dma_start3A_56 = tpu.memref_squeeze %dma_start3A_55 : memref<1x1x41x128xi32, #tpu.memory_space<hbm>> -> memref<41x128xi32, #tpu.memory_space<hbm>>
      %dma_start3A_57 = arith.constant 0 : i32
      %dma_start3A_58 = arith.constant 0 : i32
      %dma_start3A_59 = tpu.memref_slice %arg3[%arg0, %arg1, %dma_start3A_57, %dma_start3A_58] : memref<2x16x41x128xi32, #tpu.memory_space<hbm>> -> memref<1x1x41x128xi32, #tpu.memory_space<hbm>>
      %dma_start3A_60 = tpu.memref_squeeze %dma_start3A_59 : memref<1x1x41x128xi32, #tpu.memory_space<hbm>> -> memref<41x128xi32, #tpu.memory_space<hbm>>
      tpu.enqueue_dma source(%dma_start3A_60 : memref<41x128xi32, #tpu.memory_space<hbm>>) target(%arg6 : memref<41x128xi32, #tpu.memory_space<vmem>>) target_semaphore(%run_scoped3A : memref<!tpu.dma_semaphore, #tpu.memory_space<semaphore_mem>>)
      %dma_wait3A_61 = arith.constant 0 : i32
      %dma_wait3A_62 = arith.constant 0 : i32
      %dma_wait3A_63 = tpu.memref_slice %arg3[%arg0, %arg1, %dma_wait3A_61, %dma_wait3A_62] : memref<2x16x41x128xi32, #tpu.memory_space<hbm>> -> memref<1x1x41x128xi32, #tpu.memory_space<hbm>>
      %dma_wait3A_64 = tpu.memref_squeeze %dma_wait3A_63 : memref<1x1x41x128xi32, #tpu.memory_space<hbm>> -> memref<41x128xi32, #tpu.memory_space<hbm>>
      %dma_wait3A_65 = arith.constant 0 : i32
      %dma_wait3A_66 = arith.constant 0 : i32
      %dma_wait3A_67 = tpu.memref_slice %arg3[%arg0, %arg1, %dma_wait3A_65, %dma_wait3A_66] : memref<2x16x41x128xi32, #tpu.memory_space<hbm>> -> memref<1x1x41x128xi32, #tpu.memory_space<hbm>>
      %dma_wait3A_68 = tpu.memref_squeeze %dma_wait3A_67 : memref<1x1x41x128xi32, #tpu.memory_space<hbm>> -> memref<41x128xi32, #tpu.memory_space<hbm>>
      tpu.wait_dma2 semaphore(%run_scoped3A : memref<!tpu.dma_semaphore, #tpu.memory_space<semaphore_mem>>) src(%dma_wait3A_68 : memref<41x128xi32, #tpu.memory_space<hbm>>) dst(%arg6 : memref<41x128xi32, #tpu.memory_space<vmem>>)
      tpu.yield
    }) : () -> ()
    "tpu.region"() ({
      %run_scoped3A = tpu.sem_alloc : memref<!tpu.dma_semaphore, #tpu.memory_space<semaphore_mem>>
      %dma_start3A_53 = arith.constant 0 : i32
      %dma_start3A_54 = arith.constant 0 : i32
      %dma_start3A_55 = tpu.memref_slice %arg4[%arg0, %arg1, %dma_start3A_53, %dma_start3A_54] : memref<2x16x40x128xi32, #tpu.memory_space<hbm>> -> memref<1x1x40x128xi32, #tpu.memory_space<hbm>>
      %dma_start3A_56 = tpu.memref_squeeze %dma_start3A_55 : memref<1x1x40x128xi32, #tpu.memory_space<hbm>> -> memref<40x128xi32, #tpu.memory_space<hbm>>
      %dma_start3A_57 = arith.constant 0 : i32
      %dma_start3A_58 = arith.constant 0 : i32
      %dma_start3A_59 = tpu.memref_slice %arg4[%arg0, %arg1, %dma_start3A_57, %dma_start3A_58] : memref<2x16x40x128xi32, #tpu.memory_space<hbm>> -> memref<1x1x40x128xi32, #tpu.memory_space<hbm>>
      %dma_start3A_60 = tpu.memref_squeeze %dma_start3A_59 : memref<1x1x40x128xi32, #tpu.memory_space<hbm>> -> memref<40x128xi32, #tpu.memory_space<hbm>>
      tpu.enqueue_dma source(%dma_start3A_60 : memref<40x128xi32, #tpu.memory_space<hbm>>) target(%arg7 : memref<40x128xi32, #tpu.memory_space<vmem>>) target_semaphore(%run_scoped3A : memref<!tpu.dma_semaphore, #tpu.memory_space<semaphore_mem>>)
      %dma_wait3A_61 = arith.constant 0 : i32
      %dma_wait3A_62 = arith.constant 0 : i32
      %dma_wait3A_63 = tpu.memref_slice %arg4[%arg0, %arg1, %dma_wait3A_61, %dma_wait3A_62] : memref<2x16x40x128xi32, #tpu.memory_space<hbm>> -> memref<1x1x40x128xi32, #tpu.memory_space<hbm>>
      %dma_wait3A_64 = tpu.memref_squeeze %dma_wait3A_63 : memref<1x1x40x128xi32, #tpu.memory_space<hbm>> -> memref<40x128xi32, #tpu.memory_space<hbm>>
      %dma_wait3A_65 = arith.constant 0 : i32
      %dma_wait3A_66 = arith.constant 0 : i32
      %dma_wait3A_67 = tpu.memref_slice %arg4[%arg0, %arg1, %dma_wait3A_65, %dma_wait3A_66] : memref<2x16x40x128xi32, #tpu.memory_space<hbm>> -> memref<1x1x40x128xi32, #tpu.memory_space<hbm>>
      %dma_wait3A_68 = tpu.memref_squeeze %dma_wait3A_67 : memref<1x1x40x128xi32, #tpu.memory_space<hbm>> -> memref<40x128xi32, #tpu.memory_space<hbm>>
      tpu.wait_dma2 semaphore(%run_scoped3A : memref<!tpu.dma_semaphore, #tpu.memory_space<semaphore_mem>>) src(%dma_wait3A_68 : memref<40x128xi32, #tpu.memory_space<hbm>>) dst(%arg7 : memref<40x128xi32, #tpu.memory_space<vmem>>)
      tpu.yield
    }) : () -> ()
    %dma_start3A = arith.constant 40 : i32
    %dma_start3A_0 = arith.constant 0 : i32
    %dma_start3A_1 = tpu.memref_slice %arg6[%dma_start3A, %dma_start3A_0] : memref<41x128xi32, #tpu.memory_space<vmem>> -> memref<1x128xi32, #tpu.memory_space<vmem>>
    %dma_start3A_2 = tpu.memref_squeeze %dma_start3A_1 : memref<1x128xi32, #tpu.memory_space<vmem>> -> memref<128xi32, #tpu.memory_space<vmem>>
    %dma_start3A_3 = arith.constant 0 : i32
    %dma_start3A_4 = arith.constant 0 : i32
    %dma_start3A_5 = tpu.memref_slice %arg2[%dma_start3A_3, %dma_start3A_4] : memref<10240x128xf32, #tpu.memory_space<hbm>> -> memref<10240x128xf32, #tpu.memory_space<hbm>>
    tpu.enqueue_indirect_dma source(%dma_start3A_5 : memref<10240x128xf32, #tpu.memory_space<hbm>>) target(%arg8 : memref<128x128xf32, #tpu.memory_space<vmem>>) offsets(%dma_start3A_2 : memref<128xi32, #tpu.memory_space<vmem>>) semaphore(%arg11 : memref<!tpu.dma_semaphore, #tpu.memory_space<semaphore_mem>>)
    %dma_wait3A = arith.constant 40 : i32
    %dma_wait3A_6 = arith.constant 0 : i32
    %dma_wait3A_7 = tpu.memref_slice %arg6[%dma_wait3A, %dma_wait3A_6] : memref<41x128xi32, #tpu.memory_space<vmem>> -> memref<1x128xi32, #tpu.memory_space<vmem>>
    %dma_wait3A_8 = tpu.memref_squeeze %dma_wait3A_7 : memref<1x128xi32, #tpu.memory_space<vmem>> -> memref<128xi32, #tpu.memory_space<vmem>>
    %dma_wait3A_9 = arith.constant 0 : i32
    %dma_wait3A_10 = arith.constant 0 : i32
    %dma_wait3A_11 = tpu.memref_slice %arg2[%dma_wait3A_9, %dma_wait3A_10] : memref<10240x128xf32, #tpu.memory_space<hbm>> -> memref<10240x128xf32, #tpu.memory_space<hbm>>
    tpu.wait_indirect_dma semaphore(%arg11 : memref<!tpu.dma_semaphore, #tpu.memory_space<semaphore_mem>>) src(%dma_wait3A_11 : memref<10240x128xf32, #tpu.memory_space<hbm>>) dst(%arg8 : memref<128x128xf32, #tpu.memory_space<vmem>>)
    %mul3A = arith.constant 640 : i32
    %mul3A_12 = arith.muli %arg1, %mul3A : i32
    %add3A = arith.constant 0 : i32
    %add3A_13 = arith.addi %mul3A_12, %add3A : i32
    "tpu.region"() ({
      %run_scoped3A = tpu.sem_alloc : memref<!tpu.dma_semaphore, #tpu.memory_space<semaphore_mem>>
      %dma_start3A_53 = arith.constant 0 : i32
      %dma_start3A_54 = tpu.memref_slice %arg10[%add3A_13, %dma_start3A_53] : memref<10240x128xf32, #tpu.memory_space<vmem_shared>> -> memref<128x128xf32, #tpu.memory_space<vmem_shared>>
      %dma_start3A_55 = arith.constant 0 : i32
      %dma_start3A_56 = tpu.memref_slice %arg10[%add3A_13, %dma_start3A_55] : memref<10240x128xf32, #tpu.memory_space<vmem_shared>> -> memref<128x128xf32, #tpu.memory_space<vmem_shared>>
      tpu.enqueue_dma source(%arg8 : memref<128x128xf32, #tpu.memory_space<vmem>>) target(%dma_start3A_56 : memref<128x128xf32, #tpu.memory_space<vmem_shared>>) target_semaphore(%run_scoped3A : memref<!tpu.dma_semaphore, #tpu.memory_space<semaphore_mem>>)
      %dma_wait3A_57 = arith.constant 0 : i32
      %dma_wait3A_58 = tpu.memref_slice %arg10[%add3A_13, %dma_wait3A_57] : memref<10240x128xf32, #tpu.memory_space<vmem_shared>> -> memref<128x128xf32, #tpu.memory_space<vmem_shared>>
      %dma_wait3A_59 = arith.constant 0 : i32
      %dma_wait3A_60 = tpu.memref_slice %arg10[%add3A_13, %dma_wait3A_59] : memref<10240x128xf32, #tpu.memory_space<vmem_shared>> -> memref<128x128xf32, #tpu.memory_space<vmem_shared>>
      tpu.wait_dma2 semaphore(%run_scoped3A : memref<!tpu.dma_semaphore, #tpu.memory_space<semaphore_mem>>) src(%arg8 : memref<128x128xf32, #tpu.memory_space<vmem>>) dst(%dma_wait3A_60 : memref<128x128xf32, #tpu.memory_space<vmem_shared>>)
      tpu.yield
    }) : () -> ()
    %mul3A_14 = arith.constant 640 : i32
    %mul3A_15 = arith.muli %arg1, %mul3A_14 : i32
    %add3A_16 = arith.constant 128 : i32
    %add3A_17 = arith.addi %mul3A_15, %add3A_16 : i32
    "tpu.region"() ({
      %run_scoped3A = tpu.sem_alloc : memref<!tpu.dma_semaphore, #tpu.memory_space<semaphore_mem>>
      %dma_start3A_53 = arith.constant 0 : i32
      %dma_start3A_54 = tpu.memref_slice %arg10[%add3A_17, %dma_start3A_53] : memref<10240x128xf32, #tpu.memory_space<vmem_shared>> -> memref<128x128xf32, #tpu.memory_space<vmem_shared>>
      %dma_start3A_55 = arith.constant 0 : i32
      %dma_start3A_56 = tpu.memref_slice %arg10[%add3A_17, %dma_start3A_55] : memref<10240x128xf32, #tpu.memory_space<vmem_shared>> -> memref<128x128xf32, #tpu.memory_space<vmem_shared>>
      tpu.enqueue_dma source(%arg8 : memref<128x128xf32, #tpu.memory_space<vmem>>) target(%dma_start3A_56 : memref<128x128xf32, #tpu.memory_space<vmem_shared>>) target_semaphore(%run_scoped3A : memref<!tpu.dma_semaphore, #tpu.memory_space<semaphore_mem>>)
      %dma_wait3A_57 = arith.constant 0 : i32
      %dma_wait3A_58 = tpu.memref_slice %arg10[%add3A_17, %dma_wait3A_57] : memref<10240x128xf32, #tpu.memory_space<vmem_shared>> -> memref<128x128xf32, #tpu.memory_space<vmem_shared>>
      %dma_wait3A_59 = arith.constant 0 : i32
      %dma_wait3A_60 = tpu.memref_slice %arg10[%add3A_17, %dma_wait3A_59] : memref<10240x128xf32, #tpu.memory_space<vmem_shared>> -> memref<128x128xf32, #tpu.memory_space<vmem_shared>>
      tpu.wait_dma2 semaphore(%run_scoped3A : memref<!tpu.dma_semaphore, #tpu.memory_space<semaphore_mem>>) src(%arg8 : memref<128x128xf32, #tpu.memory_space<vmem>>) dst(%dma_wait3A_60 : memref<128x128xf32, #tpu.memory_space<vmem_shared>>)
      tpu.yield
    }) : () -> ()
    %mul3A_18 = arith.constant 640 : i32
    %mul3A_19 = arith.muli %arg1, %mul3A_18 : i32
    %add3A_20 = arith.constant 256 : i32
    %add3A_21 = arith.addi %mul3A_19, %add3A_20 : i32
    "tpu.region"() ({
      %run_scoped3A = tpu.sem_alloc : memref<!tpu.dma_semaphore, #tpu.memory_space<semaphore_mem>>
      %dma_start3A_53 = arith.constant 0 : i32
      %dma_start3A_54 = tpu.memref_slice %arg10[%add3A_21, %dma_start3A_53] : memref<10240x128xf32, #tpu.memory_space<vmem_shared>> -> memref<128x128xf32, #tpu.memory_space<vmem_shared>>
      %dma_start3A_55 = arith.constant 0 : i32
      %dma_start3A_56 = tpu.memref_slice %arg10[%add3A_21, %dma_start3A_55] : memref<10240x128xf32, #tpu.memory_space<vmem_shared>> -> memref<128x128xf32, #tpu.memory_space<vmem_shared>>
      tpu.enqueue_dma source(%arg8 : memref<128x128xf32, #tpu.memory_space<vmem>>) target(%dma_start3A_56 : memref<128x128xf32, #tpu.memory_space<vmem_shared>>) target_semaphore(%run_scoped3A : memref<!tpu.dma_semaphore, #tpu.memory_space<semaphore_mem>>)
      %dma_wait3A_57 = arith.constant 0 : i32
      %dma_wait3A_58 = tpu.memref_slice %arg10[%add3A_21, %dma_wait3A_57] : memref<10240x128xf32, #tpu.memory_space<vmem_shared>> -> memref<128x128xf32, #tpu.memory_space<vmem_shared>>
      %dma_wait3A_59 = arith.constant 0 : i32
      %dma_wait3A_60 = tpu.memref_slice %arg10[%add3A_21, %dma_wait3A_59] : memref<10240x128xf32, #tpu.memory_space<vmem_shared>> -> memref<128x128xf32, #tpu.memory_space<vmem_shared>>
      tpu.wait_dma2 semaphore(%run_scoped3A : memref<!tpu.dma_semaphore, #tpu.memory_space<semaphore_mem>>) src(%arg8 : memref<128x128xf32, #tpu.memory_space<vmem>>) dst(%dma_wait3A_60 : memref<128x128xf32, #tpu.memory_space<vmem_shared>>)
      tpu.yield
    }) : () -> ()
    %mul3A_22 = arith.constant 640 : i32
    %mul3A_23 = arith.muli %arg1, %mul3A_22 : i32
    %add3A_24 = arith.constant 384 : i32
    %add3A_25 = arith.addi %mul3A_23, %add3A_24 : i32
    "tpu.region"() ({
      %run_scoped3A = tpu.sem_alloc : memref<!tpu.dma_semaphore, #tpu.memory_space<semaphore_mem>>
      %dma_start3A_53 = arith.constant 0 : i32
      %dma_start3A_54 = tpu.memref_slice %arg10[%add3A_25, %dma_start3A_53] : memref<10240x128xf32, #tpu.memory_space<vmem_shared>> -> memref<128x128xf32, #tpu.memory_space<vmem_shared>>
      %dma_start3A_55 = arith.constant 0 : i32
      %dma_start3A_56 = tpu.memref_slice %arg10[%add3A_25, %dma_start3A_55] : memref<10240x128xf32, #tpu.memory_space<vmem_shared>> -> memref<128x128xf32, #tpu.memory_space<vmem_shared>>
      tpu.enqueue_dma source(%arg8 : memref<128x128xf32, #tpu.memory_space<vmem>>) target(%dma_start3A_56 : memref<128x128xf32, #tpu.memory_space<vmem_shared>>) target_semaphore(%run_scoped3A : memref<!tpu.dma_semaphore, #tpu.memory_space<semaphore_mem>>)
      %dma_wait3A_57 = arith.constant 0 : i32
      %dma_wait3A_58 = tpu.memref_slice %arg10[%add3A_25, %dma_wait3A_57] : memref<10240x128xf32, #tpu.memory_space<vmem_shared>> -> memref<128x128xf32, #tpu.memory_space<vmem_shared>>
      %dma_wait3A_59 = arith.constant 0 : i32
      %dma_wait3A_60 = tpu.memref_slice %arg10[%add3A_25, %dma_wait3A_59] : memref<10240x128xf32, #tpu.memory_space<vmem_shared>> -> memref<128x128xf32, #tpu.memory_space<vmem_shared>>
      tpu.wait_dma2 semaphore(%run_scoped3A : memref<!tpu.dma_semaphore, #tpu.memory_space<semaphore_mem>>) src(%arg8 : memref<128x128xf32, #tpu.memory_space<vmem>>) dst(%dma_wait3A_60 : memref<128x128xf32, #tpu.memory_space<vmem_shared>>)
      tpu.yield
    }) : () -> ()
    %mul3A_26 = arith.constant 640 : i32
    %mul3A_27 = arith.muli %arg1, %mul3A_26 : i32
    %add3A_28 = arith.constant 512 : i32
    %add3A_29 = arith.addi %mul3A_27, %add3A_28 : i32
    "tpu.region"() ({
      %run_scoped3A = tpu.sem_alloc : memref<!tpu.dma_semaphore, #tpu.memory_space<semaphore_mem>>
      %dma_start3A_53 = arith.constant 0 : i32
      %dma_start3A_54 = tpu.memref_slice %arg10[%add3A_29, %dma_start3A_53] : memref<10240x128xf32, #tpu.memory_space<vmem_shared>> -> memref<128x128xf32, #tpu.memory_space<vmem_shared>>
      %dma_start3A_55 = arith.constant 0 : i32
      %dma_start3A_56 = tpu.memref_slice %arg10[%add3A_29, %dma_start3A_55] : memref<10240x128xf32, #tpu.memory_space<vmem_shared>> -> memref<128x128xf32, #tpu.memory_space<vmem_shared>>
      tpu.enqueue_dma source(%arg8 : memref<128x128xf32, #tpu.memory_space<vmem>>) target(%dma_start3A_56 : memref<128x128xf32, #tpu.memory_space<vmem_shared>>) target_semaphore(%run_scoped3A : memref<!tpu.dma_semaphore, #tpu.memory_space<semaphore_mem>>)
      %dma_wait3A_57 = arith.constant 0 : i32
      %dma_wait3A_58 = tpu.memref_slice %arg10[%add3A_29, %dma_wait3A_57] : memref<10240x128xf32, #tpu.memory_space<vmem_shared>> -> memref<128x128xf32, #tpu.memory_space<vmem_shared>>
      %dma_wait3A_59 = arith.constant 0 : i32
      %dma_wait3A_60 = tpu.memref_slice %arg10[%add3A_29, %dma_wait3A_59] : memref<10240x128xf32, #tpu.memory_space<vmem_shared>> -> memref<128x128xf32, #tpu.memory_space<vmem_shared>>
      tpu.wait_dma2 semaphore(%run_scoped3A : memref<!tpu.dma_semaphore, #tpu.memory_space<semaphore_mem>>) src(%arg8 : memref<128x128xf32, #tpu.memory_space<vmem>>) dst(%dma_wait3A_60 : memref<128x128xf32, #tpu.memory_space<vmem_shared>>)
      tpu.yield
    }) : () -> ()
    %barrier3A = arith.constant 0 : index
    tpu.barrier barrier_id(%barrier3A)
    %dma_start3A_30 = arith.constant 0 : i32
    %dma_start3A_31 = arith.constant 0 : i32
    %dma_start3A_32 = tpu.memref_slice %arg6[%dma_start3A_30, %dma_start3A_31] : memref<41x128xi32, #tpu.memory_space<vmem>> -> memref<1x128xi32, #tpu.memory_space<vmem>>
    %dma_start3A_33 = tpu.memref_squeeze %dma_start3A_32 : memref<1x128xi32, #tpu.memory_space<vmem>> -> memref<128xi32, #tpu.memory_space<vmem>>
    %dma_start3A_34 = arith.constant 0 : i32
    %dma_start3A_35 = arith.constant 0 : i32
    %dma_start3A_36 = tpu.memref_slice %arg2[%dma_start3A_34, %dma_start3A_35] : memref<10240x128xf32, #tpu.memory_space<hbm>> -> memref<10240x128xf32, #tpu.memory_space<hbm>>
    tpu.enqueue_indirect_dma source(%dma_start3A_36 : memref<10240x128xf32, #tpu.memory_space<hbm>>) target(%arg8 : memref<128x128xf32, #tpu.memory_space<vmem>>) offsets(%dma_start3A_33 : memref<128xi32, #tpu.memory_space<vmem>>) semaphore(%arg11 : memref<!tpu.dma_semaphore, #tpu.memory_space<semaphore_mem>>)
    %dma_start3A_37 = arith.constant 1 : i32
    %dma_start3A_38 = arith.constant 0 : i32
    %dma_start3A_39 = tpu.memref_slice %arg6[%dma_start3A_37, %dma_start3A_38] : memref<41x128xi32, #tpu.memory_space<vmem>> -> memref<1x128xi32, #tpu.memory_space<vmem>>
    %dma_start3A_40 = tpu.memref_squeeze %dma_start3A_39 : memref<1x128xi32, #tpu.memory_space<vmem>> -> memref<128xi32, #tpu.memory_space<vmem>>
    %dma_start3A_41 = arith.constant 0 : i32
    %dma_start3A_42 = arith.constant 0 : i32
    %dma_start3A_43 = tpu.memref_slice %arg2[%dma_start3A_41, %dma_start3A_42] : memref<10240x128xf32, #tpu.memory_space<hbm>> -> memref<10240x128xf32, #tpu.memory_space<hbm>>
    tpu.enqueue_indirect_dma source(%dma_start3A_43 : memref<10240x128xf32, #tpu.memory_space<hbm>>) target(%arg9 : memref<128x128xf32, #tpu.memory_space<vmem>>) offsets(%dma_start3A_40 : memref<128xi32, #tpu.memory_space<vmem>>) semaphore(%arg12 : memref<!tpu.dma_semaphore, #tpu.memory_space<semaphore_mem>>)
    %scan3A = arith.constant 0 : i32
    %scan3A_44 = arith.constant 0 : i32
    %scan3A_45 = arith.constant 20 : i32
    %scan3A_46 = arith.addi %scan3A_44, %scan3A_45 : i32
    %scan3A_47 = arith.constant 1 : i32
    %scan3A_48 = scf.for %scan3A_53 = %scan3A_44 to %scan3A_46 step %scan3A_47 iter_args(%scan3A_54 = %scan3A) -> (i32)  : i32 {
      %mul3A_55 = arith.constant 2 : i32
      %mul3A_56 = arith.muli %scan3A_53, %mul3A_55 : i32
      %add3A_57 = arith.constant 0 : i32
      %add3A_58 = arith.addi %mul3A_56, %add3A_57 : i32
      %dma_wait3A_59 = arith.constant 0 : i32
      %dma_wait3A_60 = tpu.memref_slice %arg6[%add3A_58, %dma_wait3A_59] : memref<41x128xi32, #tpu.memory_space<vmem>> -> memref<1x128xi32, #tpu.memory_space<vmem>>
      %dma_wait3A_61 = tpu.memref_squeeze %dma_wait3A_60 : memref<1x128xi32, #tpu.memory_space<vmem>> -> memref<128xi32, #tpu.memory_space<vmem>>
      %dma_wait3A_62 = arith.constant 0 : i32
      %dma_wait3A_63 = arith.constant 0 : i32
      %dma_wait3A_64 = tpu.memref_slice %arg2[%dma_wait3A_62, %dma_wait3A_63] : memref<10240x128xf32, #tpu.memory_space<hbm>> -> memref<10240x128xf32, #tpu.memory_space<hbm>>
      tpu.wait_indirect_dma semaphore(%arg11 : memref<!tpu.dma_semaphore, #tpu.memory_space<semaphore_mem>>) src(%dma_wait3A_64 : memref<10240x128xf32, #tpu.memory_space<hbm>>) dst(%arg8 : memref<128x128xf32, #tpu.memory_space<vmem>>)
      %dma_start3A_65 = arith.constant 0 : i32
      %dma_start3A_66 = tpu.memref_slice %arg7[%add3A_58, %dma_start3A_65] : memref<40x128xi32, #tpu.memory_space<vmem>> -> memref<1x128xi32, #tpu.memory_space<vmem>>
      %dma_start3A_67 = tpu.memref_squeeze %dma_start3A_66 : memref<1x128xi32, #tpu.memory_space<vmem>> -> memref<128xi32, #tpu.memory_space<vmem>>
      %dma_start3A_68 = arith.constant 0 : i32
      %dma_start3A_69 = arith.constant 0 : i32
      %dma_start3A_70 = tpu.memref_slice %arg10[%dma_start3A_68, %dma_start3A_69] : memref<10240x128xf32, #tpu.memory_space<vmem_shared>> -> memref<10240x128xf32, #tpu.memory_space<vmem_shared>>
      tpu.enqueue_indirect_dma source(%arg8 : memref<128x128xf32, #tpu.memory_space<vmem>>) target(%dma_start3A_70 : memref<10240x128xf32, #tpu.memory_space<vmem_shared>>) offsets(%dma_start3A_67 : memref<128xi32, #tpu.memory_space<vmem>>) semaphore(%arg13 : memref<!tpu.dma_semaphore, #tpu.memory_space<semaphore_mem>>) {add = true}
      %add3A_71 = arith.constant 1 : i32
      %add3A_72 = arith.addi %mul3A_56, %add3A_71 : i32
      %dma_wait3A_73 = arith.constant 0 : i32
      %dma_wait3A_74 = tpu.memref_slice %arg6[%add3A_72, %dma_wait3A_73] : memref<41x128xi32, #tpu.memory_space<vmem>> -> memref<1x128xi32, #tpu.memory_space<vmem>>
      %dma_wait3A_75 = tpu.memref_squeeze %dma_wait3A_74 : memref<1x128xi32, #tpu.memory_space<vmem>> -> memref<128xi32, #tpu.memory_space<vmem>>
      %dma_wait3A_76 = arith.constant 0 : i32
      %dma_wait3A_77 = arith.constant 0 : i32
      %dma_wait3A_78 = tpu.memref_slice %arg2[%dma_wait3A_76, %dma_wait3A_77] : memref<10240x128xf32, #tpu.memory_space<hbm>> -> memref<10240x128xf32, #tpu.memory_space<hbm>>
      tpu.wait_indirect_dma semaphore(%arg12 : memref<!tpu.dma_semaphore, #tpu.memory_space<semaphore_mem>>) src(%dma_wait3A_78 : memref<10240x128xf32, #tpu.memory_space<hbm>>) dst(%arg9 : memref<128x128xf32, #tpu.memory_space<vmem>>)
      %dma_start3A_79 = arith.constant 0 : i32
      %dma_start3A_80 = tpu.memref_slice %arg7[%add3A_72, %dma_start3A_79] : memref<40x128xi32, #tpu.memory_space<vmem>> -> memref<1x128xi32, #tpu.memory_space<vmem>>
      %dma_start3A_81 = tpu.memref_squeeze %dma_start3A_80 : memref<1x128xi32, #tpu.memory_space<vmem>> -> memref<128xi32, #tpu.memory_space<vmem>>
      %dma_start3A_82 = arith.constant 0 : i32
      %dma_start3A_83 = arith.constant 0 : i32
      %dma_start3A_84 = tpu.memref_slice %arg10[%dma_start3A_82, %dma_start3A_83] : memref<10240x128xf32, #tpu.memory_space<vmem_shared>> -> memref<10240x128xf32, #tpu.memory_space<vmem_shared>>
      tpu.enqueue_indirect_dma source(%arg9 : memref<128x128xf32, #tpu.memory_space<vmem>>) target(%dma_start3A_84 : memref<10240x128xf32, #tpu.memory_space<vmem_shared>>) offsets(%dma_start3A_81 : memref<128xi32, #tpu.memory_space<vmem>>) semaphore(%arg14 : memref<!tpu.dma_semaphore, #tpu.memory_space<semaphore_mem>>) {add = true}
      %add3A_85 = arith.constant 0 : i32
      %add3A_86 = arith.addi %mul3A_56, %add3A_85 : i32
      %dma_wait3A_87 = arith.constant 0 : i32
      %dma_wait3A_88 = tpu.memref_slice %arg7[%add3A_86, %dma_wait3A_87] : memref<40x128xi32, #tpu.memory_space<vmem>> -> memref<1x128xi32, #tpu.memory_space<vmem>>
      %dma_wait3A_89 = tpu.memref_squeeze %dma_wait3A_88 : memref<1x128xi32, #tpu.memory_space<vmem>> -> memref<128xi32, #tpu.memory_space<vmem>>
      %dma_wait3A_90 = arith.constant 0 : i32
      %dma_wait3A_91 = arith.constant 0 : i32
      %dma_wait3A_92 = tpu.memref_slice %arg10[%dma_wait3A_90, %dma_wait3A_91] : memref<10240x128xf32, #tpu.memory_space<vmem_shared>> -> memref<10240x128xf32, #tpu.memory_space<vmem_shared>>
      tpu.wait_indirect_dma semaphore(%arg13 : memref<!tpu.dma_semaphore, #tpu.memory_space<semaphore_mem>>) src(%arg8 : memref<128x128xf32, #tpu.memory_space<vmem>>) dst(%dma_wait3A_92 : memref<10240x128xf32, #tpu.memory_space<vmem_shared>>)
      %add3A_93 = arith.constant 2 : i32
      %add3A_94 = arith.addi %add3A_86, %add3A_93 : i32
      %lt3A = arith.constant 40 : i32
      %lt3A_95 = arith.cmpi slt, %add3A_94, %lt3A : i32
      %convert_element_type3A = arith.extui %lt3A_95 : i1 to i32
      %cond3A = arith.constant 0 : i32
      %cond3A_96 = arith.cmpi ne, %convert_element_type3A, %cond3A : i32
      scf.if %cond3A_96 {
        %add3A_113 = arith.constant 2 : i32
        %add3A_114 = arith.addi %add3A_86, %add3A_113 : i32
        %dma_start3A_115 = arith.constant 0 : i32
        %dma_start3A_116 = tpu.memref_slice %arg6[%add3A_114, %dma_start3A_115] : memref<41x128xi32, #tpu.memory_space<vmem>> -> memref<1x128xi32, #tpu.memory_space<vmem>>
        %dma_start3A_117 = tpu.memref_squeeze %dma_start3A_116 : memref<1x128xi32, #tpu.memory_space<vmem>> -> memref<128xi32, #tpu.memory_space<vmem>>
        %dma_start3A_118 = arith.constant 0 : i32
        %dma_start3A_119 = arith.constant 0 : i32
        %dma_start3A_120 = tpu.memref_slice %arg2[%dma_start3A_118, %dma_start3A_119] : memref<10240x128xf32, #tpu.memory_space<hbm>> -> memref<10240x128xf32, #tpu.memory_space<hbm>>
        tpu.enqueue_indirect_dma source(%dma_start3A_120 : memref<10240x128xf32, #tpu.memory_space<hbm>>) target(%arg8 : memref<128x128xf32, #tpu.memory_space<vmem>>) offsets(%dma_start3A_117 : memref<128xi32, #tpu.memory_space<vmem>>) semaphore(%arg11 : memref<!tpu.dma_semaphore, #tpu.memory_space<semaphore_mem>>)
      } else {
      }
      %add3A_97 = arith.constant 1 : i32
      %add3A_98 = arith.addi %mul3A_56, %add3A_97 : i32
      %dma_wait3A_99 = arith.constant 0 : i32
      %dma_wait3A_100 = tpu.memref_slice %arg7[%add3A_98, %dma_wait3A_99] : memref<40x128xi32, #tpu.memory_space<vmem>> -> memref<1x128xi32, #tpu.memory_space<vmem>>
      %dma_wait3A_101 = tpu.memref_squeeze %dma_wait3A_100 : memref<1x128xi32, #tpu.memory_space<vmem>> -> memref<128xi32, #tpu.memory_space<vmem>>
      %dma_wait3A_102 = arith.constant 0 : i32
      %dma_wait3A_103 = arith.constant 0 : i32
      %dma_wait3A_104 = tpu.memref_slice %arg10[%dma_wait3A_102, %dma_wait3A_103] : memref<10240x128xf32, #tpu.memory_space<vmem_shared>> -> memref<10240x128xf32, #tpu.memory_space<vmem_shared>>
      tpu.wait_indirect_dma semaphore(%arg14 : memref<!tpu.dma_semaphore, #tpu.memory_space<semaphore_mem>>) src(%arg9 : memref<128x128xf32, #tpu.memory_space<vmem>>) dst(%dma_wait3A_104 : memref<10240x128xf32, #tpu.memory_space<vmem_shared>>)
      %add3A_105 = arith.constant 2 : i32
      %add3A_106 = arith.addi %add3A_98, %add3A_105 : i32
      %lt3A_107 = arith.constant 40 : i32
      %lt3A_108 = arith.cmpi slt, %add3A_106, %lt3A_107 : i32
      %convert_element_type3A_109 = arith.extui %lt3A_108 : i1 to i32
      %cond3A_110 = arith.constant 0 : i32
      %cond3A_111 = arith.cmpi ne, %convert_element_type3A_109, %cond3A_110 : i32
      scf.if %cond3A_111 {
        %add3A_113 = arith.constant 2 : i32
        %add3A_114 = arith.addi %add3A_98, %add3A_113 : i32
        %dma_start3A_115 = arith.constant 0 : i32
        %dma_start3A_116 = tpu.memref_slice %arg6[%add3A_114, %dma_start3A_115] : memref<41x128xi32, #tpu.memory_space<vmem>> -> memref<1x128xi32, #tpu.memory_space<vmem>>
        %dma_start3A_117 = tpu.memref_squeeze %dma_start3A_116 : memref<1x128xi32, #tpu.memory_space<vmem>> -> memref<128xi32, #tpu.memory_space<vmem>>
        %dma_start3A_118 = arith.constant 0 : i32
        %dma_start3A_119 = arith.constant 0 : i32
        %dma_start3A_120 = tpu.memref_slice %arg2[%dma_start3A_118, %dma_start3A_119] : memref<10240x128xf32, #tpu.memory_space<hbm>> -> memref<10240x128xf32, #tpu.memory_space<hbm>>
        tpu.enqueue_indirect_dma source(%dma_start3A_120 : memref<10240x128xf32, #tpu.memory_space<hbm>>) target(%arg9 : memref<128x128xf32, #tpu.memory_space<vmem>>) offsets(%dma_start3A_117 : memref<128xi32, #tpu.memory_space<vmem>>) semaphore(%arg12 : memref<!tpu.dma_semaphore, #tpu.memory_space<semaphore_mem>>)
      } else {
      }
      %scan3A_112 = arith.constant 0 : i32
      scf.yield %scan3A_112 : i32
    }
    %scan3A_49 = arith.constant 20 : i32
    %barrier3A_50 = arith.constant 0 : index
    tpu.barrier barrier_id(%barrier3A_50)
    %mul3A_51 = arith.constant 640 : i32
    %mul3A_52 = arith.muli %arg1, %mul3A_51 : i32
    "tpu.region"() ({
      %run_scoped3A = tpu.sem_alloc : memref<!tpu.dma_semaphore, #tpu.memory_space<semaphore_mem>>
      %dma_start3A_53 = arith.constant 0 : i32
      %dma_start3A_54 = tpu.memref_slice %arg5[%arg0, %mul3A_52, %dma_start3A_53] : memref<2x10240x128xf32, #tpu.memory_space<hbm>> -> memref<1x640x128xf32, #tpu.memory_space<hbm>>
      %dma_start3A_55 = tpu.memref_squeeze %dma_start3A_54 : memref<1x640x128xf32, #tpu.memory_space<hbm>> -> memref<640x128xf32, #tpu.memory_space<hbm>>
      %dma_start3A_56 = arith.constant 0 : i32
      %dma_start3A_57 = tpu.memref_slice %arg10[%mul3A_52, %dma_start3A_56] : memref<10240x128xf32, #tpu.memory_space<vmem_shared>> -> memref<640x128xf32, #tpu.memory_space<vmem_shared>>
      tpu.enqueue_dma source(%dma_start3A_57 : memref<640x128xf32, #tpu.memory_space<vmem_shared>>) target(%dma_start3A_55 : memref<640x128xf32, #tpu.memory_space<hbm>>) target_semaphore(%run_scoped3A : memref<!tpu.dma_semaphore, #tpu.memory_space<semaphore_mem>>)
      %dma_wait3A_58 = arith.constant 0 : i32
      %dma_wait3A_59 = tpu.memref_slice %arg5[%arg0, %mul3A_52, %dma_wait3A_58] : memref<2x10240x128xf32, #tpu.memory_space<hbm>> -> memref<1x640x128xf32, #tpu.memory_space<hbm>>
      %dma_wait3A_60 = tpu.memref_squeeze %dma_wait3A_59 : memref<1x640x128xf32, #tpu.memory_space<hbm>> -> memref<640x128xf32, #tpu.memory_space<hbm>>
      %dma_wait3A_61 = arith.constant 0 : i32
      %dma_wait3A_62 = tpu.memref_slice %arg10[%mul3A_52, %dma_wait3A_61] : memref<10240x128xf32, #tpu.memory_space<vmem_shared>> -> memref<640x128xf32, #tpu.memory_space<vmem_shared>>
      tpu.wait_dma2 semaphore(%run_scoped3A : memref<!tpu.dma_semaphore, #tpu.memory_space<semaphore_mem>>) src(%dma_wait3A_62 : memref<640x128xf32, #tpu.memory_space<vmem_shared>>) dst(%dma_wait3A_60 : memref<640x128xf32, #tpu.memory_space<hbm>>)
      tpu.yield
    }) : () -> ()
    return
  }
}

#map = affine_map<(d0, d1) -> (0, 0)>
#map1 = affine_map<(d0, d1) -> (0, 0, 0, 0)>
#map2 = affine_map<(d0, d1) -> (0, 0, 0)>
module attributes {stable_mosaic.version = 14 : i64} {
  func.func @sc_prop(%arg0: i32, %arg1: i32, %arg2: memref<10240x128xf32, #tpu.memory_space<hbm>>, %arg3: memref<2x16x41x128xi32, #tpu.memory_space<hbm>>, %arg4: memref<2x16x40x128xi32, #tpu.memory_space<hbm>>, %arg5: memref<2x10240x128xf32, #tpu.memory_space<hbm>>, %arg6: memref<41x128xi32, #tpu.memory_space<vmem>>, %arg7: memref<40x128xi32, #tpu.memory_space<vmem>>, %arg8: memref<128x128xf32, #tpu.memory_space<vmem>>, %arg9: memref<128x128xf32, #tpu.memory_space<vmem>>, %arg10: memref<10240x128xf32, #tpu.memory_space<vmem_shared>>, %arg11: memref<!tpu.dma_semaphore, #tpu.memory_space<semaphore_mem>>, %arg12: memref<!tpu.dma_semaphore, #tpu.memory_space<semaphore_mem>>, %arg13: memref<!tpu.dma_semaphore, #tpu.memory_space<semaphore_mem>>, %arg14: memref<!tpu.dma_semaphore, #tpu.memory_space<semaphore_mem>>) attributes {dimension_semantics = [#tpu.dimension_semantics<core_parallel>, #tpu.dimension_semantics<subcore_parallel>], iteration_bounds = array<i64: 2, 16>, scalar_prefetch = 0 : i64, scratch_operands = 9 : i64, tpu.core_type = #tpu.core_type<sc_vector_subcore>, window_params = [{transform_indices = #map}, {transform_indices = #map1}, {transform_indices = #map1}, {transform_indices = #map2}]} {
    "tpu.region"() ({
      %run_scoped3A = tpu.sem_alloc : memref<!tpu.dma_semaphore, #tpu.memory_space<semaphore_mem>>
      %dma_start3A_53 = arith.constant 0 : i32
      %dma_start3A_54 = arith.constant 0 : i32
      %dma_start3A_55 = tpu.memref_slice %arg3[%arg0, %arg1, %dma_start3A_53, %dma_start3A_54] : memref<2x16x41x128xi32, #tpu.memory_space<hbm>> -> memref<1x1x41x128xi32, #tpu.memory_space<hbm>>
      %dma_start3A_56 = tpu.memref_squeeze %dma_start3A_55 : memref<1x1x41x128xi32, #tpu.memory_space<hbm>> -> memref<41x128xi32, #tpu.memory_space<hbm>>
      %dma_start3A_57 = arith.constant 0 : i32
      %dma_start3A_58 = arith.constant 0 : i32
      %dma_start3A_59 = tpu.memref_slice %arg3[%arg0, %arg1, %dma_start3A_57, %dma_start3A_58] : memref<2x16x41x128xi32, #tpu.memory_space<hbm>> -> memref<1x1x41x128xi32, #tpu.memory_space<hbm>>
      %dma_start3A_60 = tpu.memref_squeeze %dma_start3A_59 : memref<1x1x41x128xi32, #tpu.memory_space<hbm>> -> memref<41x128xi32, #tpu.memory_space<hbm>>
      tpu.enqueue_dma source(%dma_start3A_60 : memref<41x128xi32, #tpu.memory_space<hbm>>) target(%arg6 : memref<41x128xi32, #tpu.memory_space<vmem>>) target_semaphore(%run_scoped3A : memref<!tpu.dma_semaphore, #tpu.memory_space<semaphore_mem>>)
      %dma_wait3A_61 = arith.constant 0 : i32
      %dma_wait3A_62 = arith.constant 0 : i32
      %dma_wait3A_63 = tpu.memref_slice %arg3[%arg0, %arg1, %dma_wait3A_61, %dma_wait3A_62] : memref<2x16x41x128xi32, #tpu.memory_space<hbm>> -> memref<1x1x41x128xi32, #tpu.memory_space<hbm>>
      %dma_wait3A_64 = tpu.memref_squeeze %dma_wait3A_63 : memref<1x1x41x128xi32, #tpu.memory_space<hbm>> -> memref<41x128xi32, #tpu.memory_space<hbm>>
      %dma_wait3A_65 = arith.constant 0 : i32
      %dma_wait3A_66 = arith.constant 0 : i32
      %dma_wait3A_67 = tpu.memref_slice %arg3[%arg0, %arg1, %dma_wait3A_65, %dma_wait3A_66] : memref<2x16x41x128xi32, #tpu.memory_space<hbm>> -> memref<1x1x41x128xi32, #tpu.memory_space<hbm>>
      %dma_wait3A_68 = tpu.memref_squeeze %dma_wait3A_67 : memref<1x1x41x128xi32, #tpu.memory_space<hbm>> -> memref<41x128xi32, #tpu.memory_space<hbm>>
      tpu.wait_dma2 semaphore(%run_scoped3A : memref<!tpu.dma_semaphore, #tpu.memory_space<semaphore_mem>>) src(%dma_wait3A_68 : memref<41x128xi32, #tpu.memory_space<hbm>>) dst(%arg6 : memref<41x128xi32, #tpu.memory_space<vmem>>)
      tpu.yield
    }) : () -> ()
    "tpu.region"() ({
      %run_scoped3A = tpu.sem_alloc : memref<!tpu.dma_semaphore, #tpu.memory_space<semaphore_mem>>
      %dma_start3A_53 = arith.constant 0 : i32
      %dma_start3A_54 = arith.constant 0 : i32
      %dma_start3A_55 = tpu.memref_slice %arg4[%arg0, %arg1, %dma_start3A_53, %dma_start3A_54] : memref<2x16x40x128xi32, #tpu.memory_space<hbm>> -> memref<1x1x40x128xi32, #tpu.memory_space<hbm>>
      %dma_start3A_56 = tpu.memref_squeeze %dma_start3A_55 : memref<1x1x40x128xi32, #tpu.memory_space<hbm>> -> memref<40x128xi32, #tpu.memory_space<hbm>>
      %dma_start3A_57 = arith.constant 0 : i32
      %dma_start3A_58 = arith.constant 0 : i32
      %dma_start3A_59 = tpu.memref_slice %arg4[%arg0, %arg1, %dma_start3A_57, %dma_start3A_58] : memref<2x16x40x128xi32, #tpu.memory_space<hbm>> -> memref<1x1x40x128xi32, #tpu.memory_space<hbm>>
      %dma_start3A_60 = tpu.memref_squeeze %dma_start3A_59 : memref<1x1x40x128xi32, #tpu.memory_space<hbm>> -> memref<40x128xi32, #tpu.memory_space<hbm>>
      tpu.enqueue_dma source(%dma_start3A_60 : memref<40x128xi32, #tpu.memory_space<hbm>>) target(%arg7 : memref<40x128xi32, #tpu.memory_space<vmem>>) target_semaphore(%run_scoped3A : memref<!tpu.dma_semaphore, #tpu.memory_space<semaphore_mem>>)
      %dma_wait3A_61 = arith.constant 0 : i32
      %dma_wait3A_62 = arith.constant 0 : i32
      %dma_wait3A_63 = tpu.memref_slice %arg4[%arg0, %arg1, %dma_wait3A_61, %dma_wait3A_62] : memref<2x16x40x128xi32, #tpu.memory_space<hbm>> -> memref<1x1x40x128xi32, #tpu.memory_space<hbm>>
      %dma_wait3A_64 = tpu.memref_squeeze %dma_wait3A_63 : memref<1x1x40x128xi32, #tpu.memory_space<hbm>> -> memref<40x128xi32, #tpu.memory_space<hbm>>
      %dma_wait3A_65 = arith.constant 0 : i32
      %dma_wait3A_66 = arith.constant 0 : i32
      %dma_wait3A_67 = tpu.memref_slice %arg4[%arg0, %arg1, %dma_wait3A_65, %dma_wait3A_66] : memref<2x16x40x128xi32, #tpu.memory_space<hbm>> -> memref<1x1x40x128xi32, #tpu.memory_space<hbm>>
      %dma_wait3A_68 = tpu.memref_squeeze %dma_wait3A_67 : memref<1x1x40x128xi32, #tpu.memory_space<hbm>> -> memref<40x128xi32, #tpu.memory_space<hbm>>
      tpu.wait_dma2 semaphore(%run_scoped3A : memref<!tpu.dma_semaphore, #tpu.memory_space<semaphore_mem>>) src(%dma_wait3A_68 : memref<40x128xi32, #tpu.memory_space<hbm>>) dst(%arg7 : memref<40x128xi32, #tpu.memory_space<vmem>>)
      tpu.yield
    }) : () -> ()
    %dma_start3A = arith.constant 40 : i32
    %dma_start3A_0 = arith.constant 0 : i32
    %dma_start3A_1 = tpu.memref_slice %arg6[%dma_start3A, %dma_start3A_0] : memref<41x128xi32, #tpu.memory_space<vmem>> -> memref<1x128xi32, #tpu.memory_space<vmem>>
    %dma_start3A_2 = tpu.memref_squeeze %dma_start3A_1 : memref<1x128xi32, #tpu.memory_space<vmem>> -> memref<128xi32, #tpu.memory_space<vmem>>
    %dma_start3A_3 = arith.constant 0 : i32
    %dma_start3A_4 = arith.constant 0 : i32
    %dma_start3A_5 = tpu.memref_slice %arg2[%dma_start3A_3, %dma_start3A_4] : memref<10240x128xf32, #tpu.memory_space<hbm>> -> memref<10240x128xf32, #tpu.memory_space<hbm>>
    tpu.enqueue_indirect_dma source(%dma_start3A_5 : memref<10240x128xf32, #tpu.memory_space<hbm>>) target(%arg8 : memref<128x128xf32, #tpu.memory_space<vmem>>) offsets(%dma_start3A_2 : memref<128xi32, #tpu.memory_space<vmem>>) semaphore(%arg11 : memref<!tpu.dma_semaphore, #tpu.memory_space<semaphore_mem>>)
    %dma_wait3A = arith.constant 40 : i32
    %dma_wait3A_6 = arith.constant 0 : i32
    %dma_wait3A_7 = tpu.memref_slice %arg6[%dma_wait3A, %dma_wait3A_6] : memref<41x128xi32, #tpu.memory_space<vmem>> -> memref<1x128xi32, #tpu.memory_space<vmem>>
    %dma_wait3A_8 = tpu.memref_squeeze %dma_wait3A_7 : memref<1x128xi32, #tpu.memory_space<vmem>> -> memref<128xi32, #tpu.memory_space<vmem>>
    %dma_wait3A_9 = arith.constant 0 : i32
    %dma_wait3A_10 = arith.constant 0 : i32
    %dma_wait3A_11 = tpu.memref_slice %arg2[%dma_wait3A_9, %dma_wait3A_10] : memref<10240x128xf32, #tpu.memory_space<hbm>> -> memref<10240x128xf32, #tpu.memory_space<hbm>>
    tpu.wait_indirect_dma semaphore(%arg11 : memref<!tpu.dma_semaphore, #tpu.memory_space<semaphore_mem>>) src(%dma_wait3A_11 : memref<10240x128xf32, #tpu.memory_space<hbm>>) dst(%arg8 : memref<128x128xf32, #tpu.memory_space<vmem>>)
    %mul3A = arith.constant 640 : i32
    %mul3A_12 = arith.muli %arg1, %mul3A : i32
    %add3A = arith.constant 0 : i32
    %add3A_13 = arith.addi %mul3A_12, %add3A : i32
    "tpu.region"() ({
      %run_scoped3A = tpu.sem_alloc : memref<!tpu.dma_semaphore, #tpu.memory_space<semaphore_mem>>
      %dma_start3A_53 = arith.constant 0 : i32
      %dma_start3A_54 = tpu.memref_slice %arg10[%add3A_13, %dma_start3A_53] : memref<10240x128xf32, #tpu.memory_space<vmem_shared>> -> memref<128x128xf32, #tpu.memory_space<vmem_shared>>
      %dma_start3A_55 = arith.constant 0 : i32
      %dma_start3A_56 = tpu.memref_slice %arg10[%add3A_13, %dma_start3A_55] : memref<10240x128xf32, #tpu.memory_space<vmem_shared>> -> memref<128x128xf32, #tpu.memory_space<vmem_shared>>
      tpu.enqueue_dma source(%arg8 : memref<128x128xf32, #tpu.memory_space<vmem>>) target(%dma_start3A_56 : memref<128x128xf32, #tpu.memory_space<vmem_shared>>) target_semaphore(%run_scoped3A : memref<!tpu.dma_semaphore, #tpu.memory_space<semaphore_mem>>)
      %dma_wait3A_57 = arith.constant 0 : i32
      %dma_wait3A_58 = tpu.memref_slice %arg10[%add3A_13, %dma_wait3A_57] : memref<10240x128xf32, #tpu.memory_space<vmem_shared>> -> memref<128x128xf32, #tpu.memory_space<vmem_shared>>
      %dma_wait3A_59 = arith.constant 0 : i32
      %dma_wait3A_60 = tpu.memref_slice %arg10[%add3A_13, %dma_wait3A_59] : memref<10240x128xf32, #tpu.memory_space<vmem_shared>> -> memref<128x128xf32, #tpu.memory_space<vmem_shared>>
      tpu.wait_dma2 semaphore(%run_scoped3A : memref<!tpu.dma_semaphore, #tpu.memory_space<semaphore_mem>>) src(%arg8 : memref<128x128xf32, #tpu.memory_space<vmem>>) dst(%dma_wait3A_60 : memref<128x128xf32, #tpu.memory_space<vmem_shared>>)
      tpu.yield
    }) : () -> ()
    %mul3A_14 = arith.constant 640 : i32
    %mul3A_15 = arith.muli %arg1, %mul3A_14 : i32
    %add3A_16 = arith.constant 128 : i32
    %add3A_17 = arith.addi %mul3A_15, %add3A_16 : i32
    "tpu.region"() ({
      %run_scoped3A = tpu.sem_alloc : memref<!tpu.dma_semaphore, #tpu.memory_space<semaphore_mem>>
      %dma_start3A_53 = arith.constant 0 : i32
      %dma_start3A_54 = tpu.memref_slice %arg10[%add3A_17, %dma_start3A_53] : memref<10240x128xf32, #tpu.memory_space<vmem_shared>> -> memref<128x128xf32, #tpu.memory_space<vmem_shared>>
      %dma_start3A_55 = arith.constant 0 : i32
      %dma_start3A_56 = tpu.memref_slice %arg10[%add3A_17, %dma_start3A_55] : memref<10240x128xf32, #tpu.memory_space<vmem_shared>> -> memref<128x128xf32, #tpu.memory_space<vmem_shared>>
      tpu.enqueue_dma source(%arg8 : memref<128x128xf32, #tpu.memory_space<vmem>>) target(%dma_start3A_56 : memref<128x128xf32, #tpu.memory_space<vmem_shared>>) target_semaphore(%run_scoped3A : memref<!tpu.dma_semaphore, #tpu.memory_space<semaphore_mem>>)
      %dma_wait3A_57 = arith.constant 0 : i32
      %dma_wait3A_58 = tpu.memref_slice %arg10[%add3A_17, %dma_wait3A_57] : memref<10240x128xf32, #tpu.memory_space<vmem_shared>> -> memref<128x128xf32, #tpu.memory_space<vmem_shared>>
      %dma_wait3A_59 = arith.constant 0 : i32
      %dma_wait3A_60 = tpu.memref_slice %arg10[%add3A_17, %dma_wait3A_59] : memref<10240x128xf32, #tpu.memory_space<vmem_shared>> -> memref<128x128xf32, #tpu.memory_space<vmem_shared>>
      tpu.wait_dma2 semaphore(%run_scoped3A : memref<!tpu.dma_semaphore, #tpu.memory_space<semaphore_mem>>) src(%arg8 : memref<128x128xf32, #tpu.memory_space<vmem>>) dst(%dma_wait3A_60 : memref<128x128xf32, #tpu.memory_space<vmem_shared>>)
      tpu.yield
    }) : () -> ()
    %mul3A_18 = arith.constant 640 : i32
    %mul3A_19 = arith.muli %arg1, %mul3A_18 : i32
    %add3A_20 = arith.constant 256 : i32
    %add3A_21 = arith.addi %mul3A_19, %add3A_20 : i32
    "tpu.region"() ({
      %run_scoped3A = tpu.sem_alloc : memref<!tpu.dma_semaphore, #tpu.memory_space<semaphore_mem>>
      %dma_start3A_53 = arith.constant 0 : i32
      %dma_start3A_54 = tpu.memref_slice %arg10[%add3A_21, %dma_start3A_53] : memref<10240x128xf32, #tpu.memory_space<vmem_shared>> -> memref<128x128xf32, #tpu.memory_space<vmem_shared>>
      %dma_start3A_55 = arith.constant 0 : i32
      %dma_start3A_56 = tpu.memref_slice %arg10[%add3A_21, %dma_start3A_55] : memref<10240x128xf32, #tpu.memory_space<vmem_shared>> -> memref<128x128xf32, #tpu.memory_space<vmem_shared>>
      tpu.enqueue_dma source(%arg8 : memref<128x128xf32, #tpu.memory_space<vmem>>) target(%dma_start3A_56 : memref<128x128xf32, #tpu.memory_space<vmem_shared>>) target_semaphore(%run_scoped3A : memref<!tpu.dma_semaphore, #tpu.memory_space<semaphore_mem>>)
      %dma_wait3A_57 = arith.constant 0 : i32
      %dma_wait3A_58 = tpu.memref_slice %arg10[%add3A_21, %dma_wait3A_57] : memref<10240x128xf32, #tpu.memory_space<vmem_shared>> -> memref<128x128xf32, #tpu.memory_space<vmem_shared>>
      %dma_wait3A_59 = arith.constant 0 : i32
      %dma_wait3A_60 = tpu.memref_slice %arg10[%add3A_21, %dma_wait3A_59] : memref<10240x128xf32, #tpu.memory_space<vmem_shared>> -> memref<128x128xf32, #tpu.memory_space<vmem_shared>>
      tpu.wait_dma2 semaphore(%run_scoped3A : memref<!tpu.dma_semaphore, #tpu.memory_space<semaphore_mem>>) src(%arg8 : memref<128x128xf32, #tpu.memory_space<vmem>>) dst(%dma_wait3A_60 : memref<128x128xf32, #tpu.memory_space<vmem_shared>>)
      tpu.yield
    }) : () -> ()
    %mul3A_22 = arith.constant 640 : i32
    %mul3A_23 = arith.muli %arg1, %mul3A_22 : i32
    %add3A_24 = arith.constant 384 : i32
    %add3A_25 = arith.addi %mul3A_23, %add3A_24 : i32
    "tpu.region"() ({
      %run_scoped3A = tpu.sem_alloc : memref<!tpu.dma_semaphore, #tpu.memory_space<semaphore_mem>>
      %dma_start3A_53 = arith.constant 0 : i32
      %dma_start3A_54 = tpu.memref_slice %arg10[%add3A_25, %dma_start3A_53] : memref<10240x128xf32, #tpu.memory_space<vmem_shared>> -> memref<128x128xf32, #tpu.memory_space<vmem_shared>>
      %dma_start3A_55 = arith.constant 0 : i32
      %dma_start3A_56 = tpu.memref_slice %arg10[%add3A_25, %dma_start3A_55] : memref<10240x128xf32, #tpu.memory_space<vmem_shared>> -> memref<128x128xf32, #tpu.memory_space<vmem_shared>>
      tpu.enqueue_dma source(%arg8 : memref<128x128xf32, #tpu.memory_space<vmem>>) target(%dma_start3A_56 : memref<128x128xf32, #tpu.memory_space<vmem_shared>>) target_semaphore(%run_scoped3A : memref<!tpu.dma_semaphore, #tpu.memory_space<semaphore_mem>>)
      %dma_wait3A_57 = arith.constant 0 : i32
      %dma_wait3A_58 = tpu.memref_slice %arg10[%add3A_25, %dma_wait3A_57] : memref<10240x128xf32, #tpu.memory_space<vmem_shared>> -> memref<128x128xf32, #tpu.memory_space<vmem_shared>>
      %dma_wait3A_59 = arith.constant 0 : i32
      %dma_wait3A_60 = tpu.memref_slice %arg10[%add3A_25, %dma_wait3A_59] : memref<10240x128xf32, #tpu.memory_space<vmem_shared>> -> memref<128x128xf32, #tpu.memory_space<vmem_shared>>
      tpu.wait_dma2 semaphore(%run_scoped3A : memref<!tpu.dma_semaphore, #tpu.memory_space<semaphore_mem>>) src(%arg8 : memref<128x128xf32, #tpu.memory_space<vmem>>) dst(%dma_wait3A_60 : memref<128x128xf32, #tpu.memory_space<vmem_shared>>)
      tpu.yield
    }) : () -> ()
    %mul3A_26 = arith.constant 640 : i32
    %mul3A_27 = arith.muli %arg1, %mul3A_26 : i32
    %add3A_28 = arith.constant 512 : i32
    %add3A_29 = arith.addi %mul3A_27, %add3A_28 : i32
    "tpu.region"() ({
      %run_scoped3A = tpu.sem_alloc : memref<!tpu.dma_semaphore, #tpu.memory_space<semaphore_mem>>
      %dma_start3A_53 = arith.constant 0 : i32
      %dma_start3A_54 = tpu.memref_slice %arg10[%add3A_29, %dma_start3A_53] : memref<10240x128xf32, #tpu.memory_space<vmem_shared>> -> memref<128x128xf32, #tpu.memory_space<vmem_shared>>
      %dma_start3A_55 = arith.constant 0 : i32
      %dma_start3A_56 = tpu.memref_slice %arg10[%add3A_29, %dma_start3A_55] : memref<10240x128xf32, #tpu.memory_space<vmem_shared>> -> memref<128x128xf32, #tpu.memory_space<vmem_shared>>
      tpu.enqueue_dma source(%arg8 : memref<128x128xf32, #tpu.memory_space<vmem>>) target(%dma_start3A_56 : memref<128x128xf32, #tpu.memory_space<vmem_shared>>) target_semaphore(%run_scoped3A : memref<!tpu.dma_semaphore, #tpu.memory_space<semaphore_mem>>)
      %dma_wait3A_57 = arith.constant 0 : i32
      %dma_wait3A_58 = tpu.memref_slice %arg10[%add3A_29, %dma_wait3A_57] : memref<10240x128xf32, #tpu.memory_space<vmem_shared>> -> memref<128x128xf32, #tpu.memory_space<vmem_shared>>
      %dma_wait3A_59 = arith.constant 0 : i32
      %dma_wait3A_60 = tpu.memref_slice %arg10[%add3A_29, %dma_wait3A_59] : memref<10240x128xf32, #tpu.memory_space<vmem_shared>> -> memref<128x128xf32, #tpu.memory_space<vmem_shared>>
      tpu.wait_dma2 semaphore(%run_scoped3A : memref<!tpu.dma_semaphore, #tpu.memory_space<semaphore_mem>>) src(%arg8 : memref<128x128xf32, #tpu.memory_space<vmem>>) dst(%dma_wait3A_60 : memref<128x128xf32, #tpu.memory_space<vmem_shared>>)
      tpu.yield
    }) : () -> ()
    %barrier3A = arith.constant 0 : index
    tpu.barrier barrier_id(%barrier3A)
    %dma_start3A_30 = arith.constant 0 : i32
    %dma_start3A_31 = arith.constant 0 : i32
    %dma_start3A_32 = tpu.memref_slice %arg6[%dma_start3A_30, %dma_start3A_31] : memref<41x128xi32, #tpu.memory_space<vmem>> -> memref<1x128xi32, #tpu.memory_space<vmem>>
    %dma_start3A_33 = tpu.memref_squeeze %dma_start3A_32 : memref<1x128xi32, #tpu.memory_space<vmem>> -> memref<128xi32, #tpu.memory_space<vmem>>
    %dma_start3A_34 = arith.constant 0 : i32
    %dma_start3A_35 = arith.constant 0 : i32
    %dma_start3A_36 = tpu.memref_slice %arg2[%dma_start3A_34, %dma_start3A_35] : memref<10240x128xf32, #tpu.memory_space<hbm>> -> memref<10240x128xf32, #tpu.memory_space<hbm>>
    tpu.enqueue_indirect_dma source(%dma_start3A_36 : memref<10240x128xf32, #tpu.memory_space<hbm>>) target(%arg8 : memref<128x128xf32, #tpu.memory_space<vmem>>) offsets(%dma_start3A_33 : memref<128xi32, #tpu.memory_space<vmem>>) semaphore(%arg11 : memref<!tpu.dma_semaphore, #tpu.memory_space<semaphore_mem>>)
    %dma_start3A_37 = arith.constant 1 : i32
    %dma_start3A_38 = arith.constant 0 : i32
    %dma_start3A_39 = tpu.memref_slice %arg6[%dma_start3A_37, %dma_start3A_38] : memref<41x128xi32, #tpu.memory_space<vmem>> -> memref<1x128xi32, #tpu.memory_space<vmem>>
    %dma_start3A_40 = tpu.memref_squeeze %dma_start3A_39 : memref<1x128xi32, #tpu.memory_space<vmem>> -> memref<128xi32, #tpu.memory_space<vmem>>
    %dma_start3A_41 = arith.constant 0 : i32
    %dma_start3A_42 = arith.constant 0 : i32
    %dma_start3A_43 = tpu.memref_slice %arg2[%dma_start3A_41, %dma_start3A_42] : memref<10240x128xf32, #tpu.memory_space<hbm>> -> memref<10240x128xf32, #tpu.memory_space<hbm>>
    tpu.enqueue_indirect_dma source(%dma_start3A_43 : memref<10240x128xf32, #tpu.memory_space<hbm>>) target(%arg9 : memref<128x128xf32, #tpu.memory_space<vmem>>) offsets(%dma_start3A_40 : memref<128xi32, #tpu.memory_space<vmem>>) semaphore(%arg12 : memref<!tpu.dma_semaphore, #tpu.memory_space<semaphore_mem>>)
    %scan3A = arith.constant 0 : i32
    %scan3A_44 = arith.constant 0 : i32
    %scan3A_45 = arith.constant 20 : i32
    %scan3A_46 = arith.addi %scan3A_44, %scan3A_45 : i32
    %scan3A_47 = arith.constant 1 : i32
    %scan3A_48 = scf.for %scan3A_53 = %scan3A_44 to %scan3A_46 step %scan3A_47 iter_args(%scan3A_54 = %scan3A) -> (i32)  : i32 {
      %mul3A_55 = arith.constant 2 : i32
      %mul3A_56 = arith.muli %scan3A_53, %mul3A_55 : i32
      %add3A_57 = arith.constant 0 : i32
      %add3A_58 = arith.addi %mul3A_56, %add3A_57 : i32
      %dma_wait3A_59 = arith.constant 0 : i32
      %dma_wait3A_60 = tpu.memref_slice %arg6[%add3A_58, %dma_wait3A_59] : memref<41x128xi32, #tpu.memory_space<vmem>> -> memref<1x128xi32, #tpu.memory_space<vmem>>
      %dma_wait3A_61 = tpu.memref_squeeze %dma_wait3A_60 : memref<1x128xi32, #tpu.memory_space<vmem>> -> memref<128xi32, #tpu.memory_space<vmem>>
      %dma_wait3A_62 = arith.constant 0 : i32
      %dma_wait3A_63 = arith.constant 0 : i32
      %dma_wait3A_64 = tpu.memref_slice %arg2[%dma_wait3A_62, %dma_wait3A_63] : memref<10240x128xf32, #tpu.memory_space<hbm>> -> memref<10240x128xf32, #tpu.memory_space<hbm>>
      tpu.wait_indirect_dma semaphore(%arg11 : memref<!tpu.dma_semaphore, #tpu.memory_space<semaphore_mem>>) src(%dma_wait3A_64 : memref<10240x128xf32, #tpu.memory_space<hbm>>) dst(%arg8 : memref<128x128xf32, #tpu.memory_space<vmem>>)
      %dma_start3A_65 = arith.constant 0 : i32
      %dma_start3A_66 = tpu.memref_slice %arg7[%add3A_58, %dma_start3A_65] : memref<40x128xi32, #tpu.memory_space<vmem>> -> memref<1x128xi32, #tpu.memory_space<vmem>>
      %dma_start3A_67 = tpu.memref_squeeze %dma_start3A_66 : memref<1x128xi32, #tpu.memory_space<vmem>> -> memref<128xi32, #tpu.memory_space<vmem>>
      %dma_start3A_68 = arith.constant 0 : i32
      %dma_start3A_69 = arith.constant 0 : i32
      %dma_start3A_70 = tpu.memref_slice %arg10[%dma_start3A_68, %dma_start3A_69] : memref<10240x128xf32, #tpu.memory_space<vmem_shared>> -> memref<10240x128xf32, #tpu.memory_space<vmem_shared>>
      tpu.enqueue_indirect_dma source(%arg8 : memref<128x128xf32, #tpu.memory_space<vmem>>) target(%dma_start3A_70 : memref<10240x128xf32, #tpu.memory_space<vmem_shared>>) offsets(%dma_start3A_67 : memref<128xi32, #tpu.memory_space<vmem>>) semaphore(%arg13 : memref<!tpu.dma_semaphore, #tpu.memory_space<semaphore_mem>>) {add = true}
      %add3A_71 = arith.constant 1 : i32
      %add3A_72 = arith.addi %mul3A_56, %add3A_71 : i32
      %dma_wait3A_73 = arith.constant 0 : i32
      %dma_wait3A_74 = tpu.memref_slice %arg6[%add3A_72, %dma_wait3A_73] : memref<41x128xi32, #tpu.memory_space<vmem>> -> memref<1x128xi32, #tpu.memory_space<vmem>>
      %dma_wait3A_75 = tpu.memref_squeeze %dma_wait3A_74 : memref<1x128xi32, #tpu.memory_space<vmem>> -> memref<128xi32, #tpu.memory_space<vmem>>
      %dma_wait3A_76 = arith.constant 0 : i32
      %dma_wait3A_77 = arith.constant 0 : i32
      %dma_wait3A_78 = tpu.memref_slice %arg2[%dma_wait3A_76, %dma_wait3A_77] : memref<10240x128xf32, #tpu.memory_space<hbm>> -> memref<10240x128xf32, #tpu.memory_space<hbm>>
      tpu.wait_indirect_dma semaphore(%arg12 : memref<!tpu.dma_semaphore, #tpu.memory_space<semaphore_mem>>) src(%dma_wait3A_78 : memref<10240x128xf32, #tpu.memory_space<hbm>>) dst(%arg9 : memref<128x128xf32, #tpu.memory_space<vmem>>)
      %dma_start3A_79 = arith.constant 0 : i32
      %dma_start3A_80 = tpu.memref_slice %arg7[%add3A_72, %dma_start3A_79] : memref<40x128xi32, #tpu.memory_space<vmem>> -> memref<1x128xi32, #tpu.memory_space<vmem>>
      %dma_start3A_81 = tpu.memref_squeeze %dma_start3A_80 : memref<1x128xi32, #tpu.memory_space<vmem>> -> memref<128xi32, #tpu.memory_space<vmem>>
      %dma_start3A_82 = arith.constant 0 : i32
      %dma_start3A_83 = arith.constant 0 : i32
      %dma_start3A_84 = tpu.memref_slice %arg10[%dma_start3A_82, %dma_start3A_83] : memref<10240x128xf32, #tpu.memory_space<vmem_shared>> -> memref<10240x128xf32, #tpu.memory_space<vmem_shared>>
      tpu.enqueue_indirect_dma source(%arg9 : memref<128x128xf32, #tpu.memory_space<vmem>>) target(%dma_start3A_84 : memref<10240x128xf32, #tpu.memory_space<vmem_shared>>) offsets(%dma_start3A_81 : memref<128xi32, #tpu.memory_space<vmem>>) semaphore(%arg14 : memref<!tpu.dma_semaphore, #tpu.memory_space<semaphore_mem>>) {add = true}
      %add3A_85 = arith.constant 0 : i32
      %add3A_86 = arith.addi %mul3A_56, %add3A_85 : i32
      %dma_wait3A_87 = arith.constant 0 : i32
      %dma_wait3A_88 = tpu.memref_slice %arg7[%add3A_86, %dma_wait3A_87] : memref<40x128xi32, #tpu.memory_space<vmem>> -> memref<1x128xi32, #tpu.memory_space<vmem>>
      %dma_wait3A_89 = tpu.memref_squeeze %dma_wait3A_88 : memref<1x128xi32, #tpu.memory_space<vmem>> -> memref<128xi32, #tpu.memory_space<vmem>>
      %dma_wait3A_90 = arith.constant 0 : i32
      %dma_wait3A_91 = arith.constant 0 : i32
      %dma_wait3A_92 = tpu.memref_slice %arg10[%dma_wait3A_90, %dma_wait3A_91] : memref<10240x128xf32, #tpu.memory_space<vmem_shared>> -> memref<10240x128xf32, #tpu.memory_space<vmem_shared>>
      tpu.wait_indirect_dma semaphore(%arg13 : memref<!tpu.dma_semaphore, #tpu.memory_space<semaphore_mem>>) src(%arg8 : memref<128x128xf32, #tpu.memory_space<vmem>>) dst(%dma_wait3A_92 : memref<10240x128xf32, #tpu.memory_space<vmem_shared>>)
      %add3A_93 = arith.constant 2 : i32
      %add3A_94 = arith.addi %add3A_86, %add3A_93 : i32
      %lt3A = arith.constant 40 : i32
      %lt3A_95 = arith.cmpi slt, %add3A_94, %lt3A : i32
      %convert_element_type3A = arith.extui %lt3A_95 : i1 to i32
      %cond3A = arith.constant 0 : i32
      %cond3A_96 = arith.cmpi ne, %convert_element_type3A, %cond3A : i32
      scf.if %cond3A_96 {
        %add3A_113 = arith.constant 2 : i32
        %add3A_114 = arith.addi %add3A_86, %add3A_113 : i32
        %dma_start3A_115 = arith.constant 0 : i32
        %dma_start3A_116 = tpu.memref_slice %arg6[%add3A_114, %dma_start3A_115] : memref<41x128xi32, #tpu.memory_space<vmem>> -> memref<1x128xi32, #tpu.memory_space<vmem>>
        %dma_start3A_117 = tpu.memref_squeeze %dma_start3A_116 : memref<1x128xi32, #tpu.memory_space<vmem>> -> memref<128xi32, #tpu.memory_space<vmem>>
        %dma_start3A_118 = arith.constant 0 : i32
        %dma_start3A_119 = arith.constant 0 : i32
        %dma_start3A_120 = tpu.memref_slice %arg2[%dma_start3A_118, %dma_start3A_119] : memref<10240x128xf32, #tpu.memory_space<hbm>> -> memref<10240x128xf32, #tpu.memory_space<hbm>>
        tpu.enqueue_indirect_dma source(%dma_start3A_120 : memref<10240x128xf32, #tpu.memory_space<hbm>>) target(%arg8 : memref<128x128xf32, #tpu.memory_space<vmem>>) offsets(%dma_start3A_117 : memref<128xi32, #tpu.memory_space<vmem>>) semaphore(%arg11 : memref<!tpu.dma_semaphore, #tpu.memory_space<semaphore_mem>>)
      } else {
      }
      %add3A_97 = arith.constant 1 : i32
      %add3A_98 = arith.addi %mul3A_56, %add3A_97 : i32
      %dma_wait3A_99 = arith.constant 0 : i32
      %dma_wait3A_100 = tpu.memref_slice %arg7[%add3A_98, %dma_wait3A_99] : memref<40x128xi32, #tpu.memory_space<vmem>> -> memref<1x128xi32, #tpu.memory_space<vmem>>
      %dma_wait3A_101 = tpu.memref_squeeze %dma_wait3A_100 : memref<1x128xi32, #tpu.memory_space<vmem>> -> memref<128xi32, #tpu.memory_space<vmem>>
      %dma_wait3A_102 = arith.constant 0 : i32
      %dma_wait3A_103 = arith.constant 0 : i32
      %dma_wait3A_104 = tpu.memref_slice %arg10[%dma_wait3A_102, %dma_wait3A_103] : memref<10240x128xf32, #tpu.memory_space<vmem_shared>> -> memref<10240x128xf32, #tpu.memory_space<vmem_shared>>
      tpu.wait_indirect_dma semaphore(%arg14 : memref<!tpu.dma_semaphore, #tpu.memory_space<semaphore_mem>>) src(%arg9 : memref<128x128xf32, #tpu.memory_space<vmem>>) dst(%dma_wait3A_104 : memref<10240x128xf32, #tpu.memory_space<vmem_shared>>)
      %add3A_105 = arith.constant 2 : i32
      %add3A_106 = arith.addi %add3A_98, %add3A_105 : i32
      %lt3A_107 = arith.constant 40 : i32
      %lt3A_108 = arith.cmpi slt, %add3A_106, %lt3A_107 : i32
      %convert_element_type3A_109 = arith.extui %lt3A_108 : i1 to i32
      %cond3A_110 = arith.constant 0 : i32
      %cond3A_111 = arith.cmpi ne, %convert_element_type3A_109, %cond3A_110 : i32
      scf.if %cond3A_111 {
        %add3A_113 = arith.constant 2 : i32
        %add3A_114 = arith.addi %add3A_98, %add3A_113 : i32
        %dma_start3A_115 = arith.constant 0 : i32
        %dma_start3A_116 = tpu.memref_slice %arg6[%add3A_114, %dma_start3A_115] : memref<41x128xi32, #tpu.memory_space<vmem>> -> memref<1x128xi32, #tpu.memory_space<vmem>>
        %dma_start3A_117 = tpu.memref_squeeze %dma_start3A_116 : memref<1x128xi32, #tpu.memory_space<vmem>> -> memref<128xi32, #tpu.memory_space<vmem>>
        %dma_start3A_118 = arith.constant 0 : i32
        %dma_start3A_119 = arith.constant 0 : i32
        %dma_start3A_120 = tpu.memref_slice %arg2[%dma_start3A_118, %dma_start3A_119] : memref<10240x128xf32, #tpu.memory_space<hbm>> -> memref<10240x128xf32, #tpu.memory_space<hbm>>
        tpu.enqueue_indirect_dma source(%dma_start3A_120 : memref<10240x128xf32, #tpu.memory_space<hbm>>) target(%arg9 : memref<128x128xf32, #tpu.memory_space<vmem>>) offsets(%dma_start3A_117 : memref<128xi32, #tpu.memory_space<vmem>>) semaphore(%arg12 : memref<!tpu.dma_semaphore, #tpu.memory_space<semaphore_mem>>)
      } else {
      }
      %scan3A_112 = arith.constant 0 : i32
      scf.yield %scan3A_112 : i32
    }
    %scan3A_49 = arith.constant 20 : i32
    %barrier3A_50 = arith.constant 0 : index
    tpu.barrier barrier_id(%barrier3A_50)
    %mul3A_51 = arith.constant 640 : i32
    %mul3A_52 = arith.muli %arg1, %mul3A_51 : i32
    "tpu.region"() ({
      %run_scoped3A = tpu.sem_alloc : memref<!tpu.dma_semaphore, #tpu.memory_space<semaphore_mem>>
      %dma_start3A_53 = arith.constant 0 : i32
      %dma_start3A_54 = tpu.memref_slice %arg5[%arg0, %mul3A_52, %dma_start3A_53] : memref<2x10240x128xf32, #tpu.memory_space<hbm>> -> memref<1x640x128xf32, #tpu.memory_space<hbm>>
      %dma_start3A_55 = tpu.memref_squeeze %dma_start3A_54 : memref<1x640x128xf32, #tpu.memory_space<hbm>> -> memref<640x128xf32, #tpu.memory_space<hbm>>
      %dma_start3A_56 = arith.constant 0 : i32
      %dma_start3A_57 = tpu.memref_slice %arg10[%mul3A_52, %dma_start3A_56] : memref<10240x128xf32, #tpu.memory_space<vmem_shared>> -> memref<640x128xf32, #tpu.memory_space<vmem_shared>>
      tpu.enqueue_dma source(%dma_start3A_57 : memref<640x128xf32, #tpu.memory_space<vmem_shared>>) target(%dma_start3A_55 : memref<640x128xf32, #tpu.memory_space<hbm>>) target_semaphore(%run_scoped3A : memref<!tpu.dma_semaphore, #tpu.memory_space<semaphore_mem>>)
      %dma_wait3A_58 = arith.constant 0 : i32
      %dma_wait3A_59 = tpu.memref_slice %arg5[%arg0, %mul3A_52, %dma_wait3A_58] : memref<2x10240x128xf32, #tpu.memory_space<hbm>> -> memref<1x640x128xf32, #tpu.memory_space<hbm>>
      %dma_wait3A_60 = tpu.memref_squeeze %dma_wait3A_59 : memref<1x640x128xf32, #tpu.memory_space<hbm>> -> memref<640x128xf32, #tpu.memory_space<hbm>>
      %dma_wait3A_61 = arith.constant 0 : i32
      %dma_wait3A_62 = tpu.memref_slice %arg10[%mul3A_52, %dma_wait3A_61] : memref<10240x128xf32, #tpu.memory_space<vmem_shared>> -> memref<640x128xf32, #tpu.memory_space<vmem_shared>>
      tpu.wait_dma2 semaphore(%run_scoped3A : memref<!tpu.dma_semaphore, #tpu.memory_space<semaphore_mem>>) src(%dma_wait3A_62 : memref<640x128xf32, #tpu.memory_space<vmem_shared>>) dst(%dma_wait3A_60 : memref<640x128xf32, #tpu.memory_space<hbm>>)
      tpu.yield
    }) : () -> ()
    return
  }
}

#map = affine_map<(d0, d1) -> (0, 0)>
#map1 = affine_map<(d0, d1) -> (0, 0, 0, 0)>
#map2 = affine_map<(d0, d1) -> (0, 0, 0)>
module attributes {stable_mosaic.version = 14 : i64} {
  func.func @sc_prop(%arg0: i32, %arg1: i32, %arg2: memref<10240x128xf32, #tpu.memory_space<hbm>>, %arg3: memref<2x16x41x128xi32, #tpu.memory_space<hbm>>, %arg4: memref<2x16x40x128xi32, #tpu.memory_space<hbm>>, %arg5: memref<2x10240x128xf32, #tpu.memory_space<hbm>>, %arg6: memref<41x128xi32, #tpu.memory_space<vmem>>, %arg7: memref<40x128xi32, #tpu.memory_space<vmem>>, %arg8: memref<128x128xf32, #tpu.memory_space<vmem>>, %arg9: memref<128x128xf32, #tpu.memory_space<vmem>>, %arg10: memref<10240x128xf32, #tpu.memory_space<vmem_shared>>, %arg11: memref<!tpu.dma_semaphore, #tpu.memory_space<semaphore_mem>>, %arg12: memref<!tpu.dma_semaphore, #tpu.memory_space<semaphore_mem>>, %arg13: memref<!tpu.dma_semaphore, #tpu.memory_space<semaphore_mem>>, %arg14: memref<!tpu.dma_semaphore, #tpu.memory_space<semaphore_mem>>) attributes {dimension_semantics = [#tpu.dimension_semantics<core_parallel>, #tpu.dimension_semantics<subcore_parallel>], iteration_bounds = array<i64: 2, 16>, scalar_prefetch = 0 : i64, scratch_operands = 9 : i64, tpu.core_type = #tpu.core_type<sc_vector_subcore>, window_params = [{transform_indices = #map}, {transform_indices = #map1}, {transform_indices = #map1}, {transform_indices = #map2}]} {
    "tpu.region"() ({
      %run_scoped3A = tpu.sem_alloc : memref<!tpu.dma_semaphore, #tpu.memory_space<semaphore_mem>>
      %dma_start3A_53 = arith.constant 0 : i32
      %dma_start3A_54 = arith.constant 0 : i32
      %dma_start3A_55 = tpu.memref_slice %arg3[%arg0, %arg1, %dma_start3A_53, %dma_start3A_54] : memref<2x16x41x128xi32, #tpu.memory_space<hbm>> -> memref<1x1x41x128xi32, #tpu.memory_space<hbm>>
      %dma_start3A_56 = tpu.memref_squeeze %dma_start3A_55 : memref<1x1x41x128xi32, #tpu.memory_space<hbm>> -> memref<41x128xi32, #tpu.memory_space<hbm>>
      %dma_start3A_57 = arith.constant 0 : i32
      %dma_start3A_58 = arith.constant 0 : i32
      %dma_start3A_59 = tpu.memref_slice %arg3[%arg0, %arg1, %dma_start3A_57, %dma_start3A_58] : memref<2x16x41x128xi32, #tpu.memory_space<hbm>> -> memref<1x1x41x128xi32, #tpu.memory_space<hbm>>
      %dma_start3A_60 = tpu.memref_squeeze %dma_start3A_59 : memref<1x1x41x128xi32, #tpu.memory_space<hbm>> -> memref<41x128xi32, #tpu.memory_space<hbm>>
      tpu.enqueue_dma source(%dma_start3A_60 : memref<41x128xi32, #tpu.memory_space<hbm>>) target(%arg6 : memref<41x128xi32, #tpu.memory_space<vmem>>) target_semaphore(%run_scoped3A : memref<!tpu.dma_semaphore, #tpu.memory_space<semaphore_mem>>)
      %dma_wait3A_61 = arith.constant 0 : i32
      %dma_wait3A_62 = arith.constant 0 : i32
      %dma_wait3A_63 = tpu.memref_slice %arg3[%arg0, %arg1, %dma_wait3A_61, %dma_wait3A_62] : memref<2x16x41x128xi32, #tpu.memory_space<hbm>> -> memref<1x1x41x128xi32, #tpu.memory_space<hbm>>
      %dma_wait3A_64 = tpu.memref_squeeze %dma_wait3A_63 : memref<1x1x41x128xi32, #tpu.memory_space<hbm>> -> memref<41x128xi32, #tpu.memory_space<hbm>>
      %dma_wait3A_65 = arith.constant 0 : i32
      %dma_wait3A_66 = arith.constant 0 : i32
      %dma_wait3A_67 = tpu.memref_slice %arg3[%arg0, %arg1, %dma_wait3A_65, %dma_wait3A_66] : memref<2x16x41x128xi32, #tpu.memory_space<hbm>> -> memref<1x1x41x128xi32, #tpu.memory_space<hbm>>
      %dma_wait3A_68 = tpu.memref_squeeze %dma_wait3A_67 : memref<1x1x41x128xi32, #tpu.memory_space<hbm>> -> memref<41x128xi32, #tpu.memory_space<hbm>>
      tpu.wait_dma2 semaphore(%run_scoped3A : memref<!tpu.dma_semaphore, #tpu.memory_space<semaphore_mem>>) src(%dma_wait3A_68 : memref<41x128xi32, #tpu.memory_space<hbm>>) dst(%arg6 : memref<41x128xi32, #tpu.memory_space<vmem>>)
      tpu.yield
    }) : () -> ()
    "tpu.region"() ({
      %run_scoped3A = tpu.sem_alloc : memref<!tpu.dma_semaphore, #tpu.memory_space<semaphore_mem>>
      %dma_start3A_53 = arith.constant 0 : i32
      %dma_start3A_54 = arith.constant 0 : i32
      %dma_start3A_55 = tpu.memref_slice %arg4[%arg0, %arg1, %dma_start3A_53, %dma_start3A_54] : memref<2x16x40x128xi32, #tpu.memory_space<hbm>> -> memref<1x1x40x128xi32, #tpu.memory_space<hbm>>
      %dma_start3A_56 = tpu.memref_squeeze %dma_start3A_55 : memref<1x1x40x128xi32, #tpu.memory_space<hbm>> -> memref<40x128xi32, #tpu.memory_space<hbm>>
      %dma_start3A_57 = arith.constant 0 : i32
      %dma_start3A_58 = arith.constant 0 : i32
      %dma_start3A_59 = tpu.memref_slice %arg4[%arg0, %arg1, %dma_start3A_57, %dma_start3A_58] : memref<2x16x40x128xi32, #tpu.memory_space<hbm>> -> memref<1x1x40x128xi32, #tpu.memory_space<hbm>>
      %dma_start3A_60 = tpu.memref_squeeze %dma_start3A_59 : memref<1x1x40x128xi32, #tpu.memory_space<hbm>> -> memref<40x128xi32, #tpu.memory_space<hbm>>
      tpu.enqueue_dma source(%dma_start3A_60 : memref<40x128xi32, #tpu.memory_space<hbm>>) target(%arg7 : memref<40x128xi32, #tpu.memory_space<vmem>>) target_semaphore(%run_scoped3A : memref<!tpu.dma_semaphore, #tpu.memory_space<semaphore_mem>>)
      %dma_wait3A_61 = arith.constant 0 : i32
      %dma_wait3A_62 = arith.constant 0 : i32
      %dma_wait3A_63 = tpu.memref_slice %arg4[%arg0, %arg1, %dma_wait3A_61, %dma_wait3A_62] : memref<2x16x40x128xi32, #tpu.memory_space<hbm>> -> memref<1x1x40x128xi32, #tpu.memory_space<hbm>>
      %dma_wait3A_64 = tpu.memref_squeeze %dma_wait3A_63 : memref<1x1x40x128xi32, #tpu.memory_space<hbm>> -> memref<40x128xi32, #tpu.memory_space<hbm>>
      %dma_wait3A_65 = arith.constant 0 : i32
      %dma_wait3A_66 = arith.constant 0 : i32
      %dma_wait3A_67 = tpu.memref_slice %arg4[%arg0, %arg1, %dma_wait3A_65, %dma_wait3A_66] : memref<2x16x40x128xi32, #tpu.memory_space<hbm>> -> memref<1x1x40x128xi32, #tpu.memory_space<hbm>>
      %dma_wait3A_68 = tpu.memref_squeeze %dma_wait3A_67 : memref<1x1x40x128xi32, #tpu.memory_space<hbm>> -> memref<40x128xi32, #tpu.memory_space<hbm>>
      tpu.wait_dma2 semaphore(%run_scoped3A : memref<!tpu.dma_semaphore, #tpu.memory_space<semaphore_mem>>) src(%dma_wait3A_68 : memref<40x128xi32, #tpu.memory_space<hbm>>) dst(%arg7 : memref<40x128xi32, #tpu.memory_space<vmem>>)
      tpu.yield
    }) : () -> ()
    %dma_start3A = arith.constant 40 : i32
    %dma_start3A_0 = arith.constant 0 : i32
    %dma_start3A_1 = tpu.memref_slice %arg6[%dma_start3A, %dma_start3A_0] : memref<41x128xi32, #tpu.memory_space<vmem>> -> memref<1x128xi32, #tpu.memory_space<vmem>>
    %dma_start3A_2 = tpu.memref_squeeze %dma_start3A_1 : memref<1x128xi32, #tpu.memory_space<vmem>> -> memref<128xi32, #tpu.memory_space<vmem>>
    %dma_start3A_3 = arith.constant 0 : i32
    %dma_start3A_4 = arith.constant 0 : i32
    %dma_start3A_5 = tpu.memref_slice %arg2[%dma_start3A_3, %dma_start3A_4] : memref<10240x128xf32, #tpu.memory_space<hbm>> -> memref<10240x128xf32, #tpu.memory_space<hbm>>
    tpu.enqueue_indirect_dma source(%dma_start3A_5 : memref<10240x128xf32, #tpu.memory_space<hbm>>) target(%arg8 : memref<128x128xf32, #tpu.memory_space<vmem>>) offsets(%dma_start3A_2 : memref<128xi32, #tpu.memory_space<vmem>>) semaphore(%arg11 : memref<!tpu.dma_semaphore, #tpu.memory_space<semaphore_mem>>)
    %dma_wait3A = arith.constant 40 : i32
    %dma_wait3A_6 = arith.constant 0 : i32
    %dma_wait3A_7 = tpu.memref_slice %arg6[%dma_wait3A, %dma_wait3A_6] : memref<41x128xi32, #tpu.memory_space<vmem>> -> memref<1x128xi32, #tpu.memory_space<vmem>>
    %dma_wait3A_8 = tpu.memref_squeeze %dma_wait3A_7 : memref<1x128xi32, #tpu.memory_space<vmem>> -> memref<128xi32, #tpu.memory_space<vmem>>
    %dma_wait3A_9 = arith.constant 0 : i32
    %dma_wait3A_10 = arith.constant 0 : i32
    %dma_wait3A_11 = tpu.memref_slice %arg2[%dma_wait3A_9, %dma_wait3A_10] : memref<10240x128xf32, #tpu.memory_space<hbm>> -> memref<10240x128xf32, #tpu.memory_space<hbm>>
    tpu.wait_indirect_dma semaphore(%arg11 : memref<!tpu.dma_semaphore, #tpu.memory_space<semaphore_mem>>) src(%dma_wait3A_11 : memref<10240x128xf32, #tpu.memory_space<hbm>>) dst(%arg8 : memref<128x128xf32, #tpu.memory_space<vmem>>)
    %mul3A = arith.constant 640 : i32
    %mul3A_12 = arith.muli %arg1, %mul3A : i32
    %add3A = arith.constant 0 : i32
    %add3A_13 = arith.addi %mul3A_12, %add3A : i32
    "tpu.region"() ({
      %run_scoped3A = tpu.sem_alloc : memref<!tpu.dma_semaphore, #tpu.memory_space<semaphore_mem>>
      %dma_start3A_53 = arith.constant 0 : i32
      %dma_start3A_54 = tpu.memref_slice %arg10[%add3A_13, %dma_start3A_53] : memref<10240x128xf32, #tpu.memory_space<vmem_shared>> -> memref<128x128xf32, #tpu.memory_space<vmem_shared>>
      %dma_start3A_55 = arith.constant 0 : i32
      %dma_start3A_56 = tpu.memref_slice %arg10[%add3A_13, %dma_start3A_55] : memref<10240x128xf32, #tpu.memory_space<vmem_shared>> -> memref<128x128xf32, #tpu.memory_space<vmem_shared>>
      tpu.enqueue_dma source(%arg8 : memref<128x128xf32, #tpu.memory_space<vmem>>) target(%dma_start3A_56 : memref<128x128xf32, #tpu.memory_space<vmem_shared>>) target_semaphore(%run_scoped3A : memref<!tpu.dma_semaphore, #tpu.memory_space<semaphore_mem>>)
      %dma_wait3A_57 = arith.constant 0 : i32
      %dma_wait3A_58 = tpu.memref_slice %arg10[%add3A_13, %dma_wait3A_57] : memref<10240x128xf32, #tpu.memory_space<vmem_shared>> -> memref<128x128xf32, #tpu.memory_space<vmem_shared>>
      %dma_wait3A_59 = arith.constant 0 : i32
      %dma_wait3A_60 = tpu.memref_slice %arg10[%add3A_13, %dma_wait3A_59] : memref<10240x128xf32, #tpu.memory_space<vmem_shared>> -> memref<128x128xf32, #tpu.memory_space<vmem_shared>>
      tpu.wait_dma2 semaphore(%run_scoped3A : memref<!tpu.dma_semaphore, #tpu.memory_space<semaphore_mem>>) src(%arg8 : memref<128x128xf32, #tpu.memory_space<vmem>>) dst(%dma_wait3A_60 : memref<128x128xf32, #tpu.memory_space<vmem_shared>>)
      tpu.yield
    }) : () -> ()
    %mul3A_14 = arith.constant 640 : i32
    %mul3A_15 = arith.muli %arg1, %mul3A_14 : i32
    %add3A_16 = arith.constant 128 : i32
    %add3A_17 = arith.addi %mul3A_15, %add3A_16 : i32
    "tpu.region"() ({
      %run_scoped3A = tpu.sem_alloc : memref<!tpu.dma_semaphore, #tpu.memory_space<semaphore_mem>>
      %dma_start3A_53 = arith.constant 0 : i32
      %dma_start3A_54 = tpu.memref_slice %arg10[%add3A_17, %dma_start3A_53] : memref<10240x128xf32, #tpu.memory_space<vmem_shared>> -> memref<128x128xf32, #tpu.memory_space<vmem_shared>>
      %dma_start3A_55 = arith.constant 0 : i32
      %dma_start3A_56 = tpu.memref_slice %arg10[%add3A_17, %dma_start3A_55] : memref<10240x128xf32, #tpu.memory_space<vmem_shared>> -> memref<128x128xf32, #tpu.memory_space<vmem_shared>>
      tpu.enqueue_dma source(%arg8 : memref<128x128xf32, #tpu.memory_space<vmem>>) target(%dma_start3A_56 : memref<128x128xf32, #tpu.memory_space<vmem_shared>>) target_semaphore(%run_scoped3A : memref<!tpu.dma_semaphore, #tpu.memory_space<semaphore_mem>>)
      %dma_wait3A_57 = arith.constant 0 : i32
      %dma_wait3A_58 = tpu.memref_slice %arg10[%add3A_17, %dma_wait3A_57] : memref<10240x128xf32, #tpu.memory_space<vmem_shared>> -> memref<128x128xf32, #tpu.memory_space<vmem_shared>>
      %dma_wait3A_59 = arith.constant 0 : i32
      %dma_wait3A_60 = tpu.memref_slice %arg10[%add3A_17, %dma_wait3A_59] : memref<10240x128xf32, #tpu.memory_space<vmem_shared>> -> memref<128x128xf32, #tpu.memory_space<vmem_shared>>
      tpu.wait_dma2 semaphore(%run_scoped3A : memref<!tpu.dma_semaphore, #tpu.memory_space<semaphore_mem>>) src(%arg8 : memref<128x128xf32, #tpu.memory_space<vmem>>) dst(%dma_wait3A_60 : memref<128x128xf32, #tpu.memory_space<vmem_shared>>)
      tpu.yield
    }) : () -> ()
    %mul3A_18 = arith.constant 640 : i32
    %mul3A_19 = arith.muli %arg1, %mul3A_18 : i32
    %add3A_20 = arith.constant 256 : i32
    %add3A_21 = arith.addi %mul3A_19, %add3A_20 : i32
    "tpu.region"() ({
      %run_scoped3A = tpu.sem_alloc : memref<!tpu.dma_semaphore, #tpu.memory_space<semaphore_mem>>
      %dma_start3A_53 = arith.constant 0 : i32
      %dma_start3A_54 = tpu.memref_slice %arg10[%add3A_21, %dma_start3A_53] : memref<10240x128xf32, #tpu.memory_space<vmem_shared>> -> memref<128x128xf32, #tpu.memory_space<vmem_shared>>
      %dma_start3A_55 = arith.constant 0 : i32
      %dma_start3A_56 = tpu.memref_slice %arg10[%add3A_21, %dma_start3A_55] : memref<10240x128xf32, #tpu.memory_space<vmem_shared>> -> memref<128x128xf32, #tpu.memory_space<vmem_shared>>
      tpu.enqueue_dma source(%arg8 : memref<128x128xf32, #tpu.memory_space<vmem>>) target(%dma_start3A_56 : memref<128x128xf32, #tpu.memory_space<vmem_shared>>) target_semaphore(%run_scoped3A : memref<!tpu.dma_semaphore, #tpu.memory_space<semaphore_mem>>)
      %dma_wait3A_57 = arith.constant 0 : i32
      %dma_wait3A_58 = tpu.memref_slice %arg10[%add3A_21, %dma_wait3A_57] : memref<10240x128xf32, #tpu.memory_space<vmem_shared>> -> memref<128x128xf32, #tpu.memory_space<vmem_shared>>
      %dma_wait3A_59 = arith.constant 0 : i32
      %dma_wait3A_60 = tpu.memref_slice %arg10[%add3A_21, %dma_wait3A_59] : memref<10240x128xf32, #tpu.memory_space<vmem_shared>> -> memref<128x128xf32, #tpu.memory_space<vmem_shared>>
      tpu.wait_dma2 semaphore(%run_scoped3A : memref<!tpu.dma_semaphore, #tpu.memory_space<semaphore_mem>>) src(%arg8 : memref<128x128xf32, #tpu.memory_space<vmem>>) dst(%dma_wait3A_60 : memref<128x128xf32, #tpu.memory_space<vmem_shared>>)
      tpu.yield
    }) : () -> ()
    %mul3A_22 = arith.constant 640 : i32
    %mul3A_23 = arith.muli %arg1, %mul3A_22 : i32
    %add3A_24 = arith.constant 384 : i32
    %add3A_25 = arith.addi %mul3A_23, %add3A_24 : i32
    "tpu.region"() ({
      %run_scoped3A = tpu.sem_alloc : memref<!tpu.dma_semaphore, #tpu.memory_space<semaphore_mem>>
      %dma_start3A_53 = arith.constant 0 : i32
      %dma_start3A_54 = tpu.memref_slice %arg10[%add3A_25, %dma_start3A_53] : memref<10240x128xf32, #tpu.memory_space<vmem_shared>> -> memref<128x128xf32, #tpu.memory_space<vmem_shared>>
      %dma_start3A_55 = arith.constant 0 : i32
      %dma_start3A_56 = tpu.memref_slice %arg10[%add3A_25, %dma_start3A_55] : memref<10240x128xf32, #tpu.memory_space<vmem_shared>> -> memref<128x128xf32, #tpu.memory_space<vmem_shared>>
      tpu.enqueue_dma source(%arg8 : memref<128x128xf32, #tpu.memory_space<vmem>>) target(%dma_start3A_56 : memref<128x128xf32, #tpu.memory_space<vmem_shared>>) target_semaphore(%run_scoped3A : memref<!tpu.dma_semaphore, #tpu.memory_space<semaphore_mem>>)
      %dma_wait3A_57 = arith.constant 0 : i32
      %dma_wait3A_58 = tpu.memref_slice %arg10[%add3A_25, %dma_wait3A_57] : memref<10240x128xf32, #tpu.memory_space<vmem_shared>> -> memref<128x128xf32, #tpu.memory_space<vmem_shared>>
      %dma_wait3A_59 = arith.constant 0 : i32
      %dma_wait3A_60 = tpu.memref_slice %arg10[%add3A_25, %dma_wait3A_59] : memref<10240x128xf32, #tpu.memory_space<vmem_shared>> -> memref<128x128xf32, #tpu.memory_space<vmem_shared>>
      tpu.wait_dma2 semaphore(%run_scoped3A : memref<!tpu.dma_semaphore, #tpu.memory_space<semaphore_mem>>) src(%arg8 : memref<128x128xf32, #tpu.memory_space<vmem>>) dst(%dma_wait3A_60 : memref<128x128xf32, #tpu.memory_space<vmem_shared>>)
      tpu.yield
    }) : () -> ()
    %mul3A_26 = arith.constant 640 : i32
    %mul3A_27 = arith.muli %arg1, %mul3A_26 : i32
    %add3A_28 = arith.constant 512 : i32
    %add3A_29 = arith.addi %mul3A_27, %add3A_28 : i32
    "tpu.region"() ({
      %run_scoped3A = tpu.sem_alloc : memref<!tpu.dma_semaphore, #tpu.memory_space<semaphore_mem>>
      %dma_start3A_53 = arith.constant 0 : i32
      %dma_start3A_54 = tpu.memref_slice %arg10[%add3A_29, %dma_start3A_53] : memref<10240x128xf32, #tpu.memory_space<vmem_shared>> -> memref<128x128xf32, #tpu.memory_space<vmem_shared>>
      %dma_start3A_55 = arith.constant 0 : i32
      %dma_start3A_56 = tpu.memref_slice %arg10[%add3A_29, %dma_start3A_55] : memref<10240x128xf32, #tpu.memory_space<vmem_shared>> -> memref<128x128xf32, #tpu.memory_space<vmem_shared>>
      tpu.enqueue_dma source(%arg8 : memref<128x128xf32, #tpu.memory_space<vmem>>) target(%dma_start3A_56 : memref<128x128xf32, #tpu.memory_space<vmem_shared>>) target_semaphore(%run_scoped3A : memref<!tpu.dma_semaphore, #tpu.memory_space<semaphore_mem>>)
      %dma_wait3A_57 = arith.constant 0 : i32
      %dma_wait3A_58 = tpu.memref_slice %arg10[%add3A_29, %dma_wait3A_57] : memref<10240x128xf32, #tpu.memory_space<vmem_shared>> -> memref<128x128xf32, #tpu.memory_space<vmem_shared>>
      %dma_wait3A_59 = arith.constant 0 : i32
      %dma_wait3A_60 = tpu.memref_slice %arg10[%add3A_29, %dma_wait3A_59] : memref<10240x128xf32, #tpu.memory_space<vmem_shared>> -> memref<128x128xf32, #tpu.memory_space<vmem_shared>>
      tpu.wait_dma2 semaphore(%run_scoped3A : memref<!tpu.dma_semaphore, #tpu.memory_space<semaphore_mem>>) src(%arg8 : memref<128x128xf32, #tpu.memory_space<vmem>>) dst(%dma_wait3A_60 : memref<128x128xf32, #tpu.memory_space<vmem_shared>>)
      tpu.yield
    }) : () -> ()
    %barrier3A = arith.constant 0 : index
    tpu.barrier barrier_id(%barrier3A)
    %dma_start3A_30 = arith.constant 0 : i32
    %dma_start3A_31 = arith.constant 0 : i32
    %dma_start3A_32 = tpu.memref_slice %arg6[%dma_start3A_30, %dma_start3A_31] : memref<41x128xi32, #tpu.memory_space<vmem>> -> memref<1x128xi32, #tpu.memory_space<vmem>>
    %dma_start3A_33 = tpu.memref_squeeze %dma_start3A_32 : memref<1x128xi32, #tpu.memory_space<vmem>> -> memref<128xi32, #tpu.memory_space<vmem>>
    %dma_start3A_34 = arith.constant 0 : i32
    %dma_start3A_35 = arith.constant 0 : i32
    %dma_start3A_36 = tpu.memref_slice %arg2[%dma_start3A_34, %dma_start3A_35] : memref<10240x128xf32, #tpu.memory_space<hbm>> -> memref<10240x128xf32, #tpu.memory_space<hbm>>
    tpu.enqueue_indirect_dma source(%dma_start3A_36 : memref<10240x128xf32, #tpu.memory_space<hbm>>) target(%arg8 : memref<128x128xf32, #tpu.memory_space<vmem>>) offsets(%dma_start3A_33 : memref<128xi32, #tpu.memory_space<vmem>>) semaphore(%arg11 : memref<!tpu.dma_semaphore, #tpu.memory_space<semaphore_mem>>)
    %dma_start3A_37 = arith.constant 1 : i32
    %dma_start3A_38 = arith.constant 0 : i32
    %dma_start3A_39 = tpu.memref_slice %arg6[%dma_start3A_37, %dma_start3A_38] : memref<41x128xi32, #tpu.memory_space<vmem>> -> memref<1x128xi32, #tpu.memory_space<vmem>>
    %dma_start3A_40 = tpu.memref_squeeze %dma_start3A_39 : memref<1x128xi32, #tpu.memory_space<vmem>> -> memref<128xi32, #tpu.memory_space<vmem>>
    %dma_start3A_41 = arith.constant 0 : i32
    %dma_start3A_42 = arith.constant 0 : i32
    %dma_start3A_43 = tpu.memref_slice %arg2[%dma_start3A_41, %dma_start3A_42] : memref<10240x128xf32, #tpu.memory_space<hbm>> -> memref<10240x128xf32, #tpu.memory_space<hbm>>
    tpu.enqueue_indirect_dma source(%dma_start3A_43 : memref<10240x128xf32, #tpu.memory_space<hbm>>) target(%arg9 : memref<128x128xf32, #tpu.memory_space<vmem>>) offsets(%dma_start3A_40 : memref<128xi32, #tpu.memory_space<vmem>>) semaphore(%arg12 : memref<!tpu.dma_semaphore, #tpu.memory_space<semaphore_mem>>)
    %scan3A = arith.constant 0 : i32
    %scan3A_44 = arith.constant 0 : i32
    %scan3A_45 = arith.constant 20 : i32
    %scan3A_46 = arith.addi %scan3A_44, %scan3A_45 : i32
    %scan3A_47 = arith.constant 1 : i32
    %scan3A_48 = scf.for %scan3A_53 = %scan3A_44 to %scan3A_46 step %scan3A_47 iter_args(%scan3A_54 = %scan3A) -> (i32)  : i32 {
      %mul3A_55 = arith.constant 2 : i32
      %mul3A_56 = arith.muli %scan3A_53, %mul3A_55 : i32
      %add3A_57 = arith.constant 0 : i32
      %add3A_58 = arith.addi %mul3A_56, %add3A_57 : i32
      %dma_wait3A_59 = arith.constant 0 : i32
      %dma_wait3A_60 = tpu.memref_slice %arg6[%add3A_58, %dma_wait3A_59] : memref<41x128xi32, #tpu.memory_space<vmem>> -> memref<1x128xi32, #tpu.memory_space<vmem>>
      %dma_wait3A_61 = tpu.memref_squeeze %dma_wait3A_60 : memref<1x128xi32, #tpu.memory_space<vmem>> -> memref<128xi32, #tpu.memory_space<vmem>>
      %dma_wait3A_62 = arith.constant 0 : i32
      %dma_wait3A_63 = arith.constant 0 : i32
      %dma_wait3A_64 = tpu.memref_slice %arg2[%dma_wait3A_62, %dma_wait3A_63] : memref<10240x128xf32, #tpu.memory_space<hbm>> -> memref<10240x128xf32, #tpu.memory_space<hbm>>
      tpu.wait_indirect_dma semaphore(%arg11 : memref<!tpu.dma_semaphore, #tpu.memory_space<semaphore_mem>>) src(%dma_wait3A_64 : memref<10240x128xf32, #tpu.memory_space<hbm>>) dst(%arg8 : memref<128x128xf32, #tpu.memory_space<vmem>>)
      %dma_start3A_65 = arith.constant 0 : i32
      %dma_start3A_66 = tpu.memref_slice %arg7[%add3A_58, %dma_start3A_65] : memref<40x128xi32, #tpu.memory_space<vmem>> -> memref<1x128xi32, #tpu.memory_space<vmem>>
      %dma_start3A_67 = tpu.memref_squeeze %dma_start3A_66 : memref<1x128xi32, #tpu.memory_space<vmem>> -> memref<128xi32, #tpu.memory_space<vmem>>
      %dma_start3A_68 = arith.constant 0 : i32
      %dma_start3A_69 = arith.constant 0 : i32
      %dma_start3A_70 = tpu.memref_slice %arg10[%dma_start3A_68, %dma_start3A_69] : memref<10240x128xf32, #tpu.memory_space<vmem_shared>> -> memref<10240x128xf32, #tpu.memory_space<vmem_shared>>
      tpu.enqueue_indirect_dma source(%arg8 : memref<128x128xf32, #tpu.memory_space<vmem>>) target(%dma_start3A_70 : memref<10240x128xf32, #tpu.memory_space<vmem_shared>>) offsets(%dma_start3A_67 : memref<128xi32, #tpu.memory_space<vmem>>) semaphore(%arg13 : memref<!tpu.dma_semaphore, #tpu.memory_space<semaphore_mem>>) {add = true}
      %add3A_71 = arith.constant 1 : i32
      %add3A_72 = arith.addi %mul3A_56, %add3A_71 : i32
      %dma_wait3A_73 = arith.constant 0 : i32
      %dma_wait3A_74 = tpu.memref_slice %arg6[%add3A_72, %dma_wait3A_73] : memref<41x128xi32, #tpu.memory_space<vmem>> -> memref<1x128xi32, #tpu.memory_space<vmem>>
      %dma_wait3A_75 = tpu.memref_squeeze %dma_wait3A_74 : memref<1x128xi32, #tpu.memory_space<vmem>> -> memref<128xi32, #tpu.memory_space<vmem>>
      %dma_wait3A_76 = arith.constant 0 : i32
      %dma_wait3A_77 = arith.constant 0 : i32
      %dma_wait3A_78 = tpu.memref_slice %arg2[%dma_wait3A_76, %dma_wait3A_77] : memref<10240x128xf32, #tpu.memory_space<hbm>> -> memref<10240x128xf32, #tpu.memory_space<hbm>>
      tpu.wait_indirect_dma semaphore(%arg12 : memref<!tpu.dma_semaphore, #tpu.memory_space<semaphore_mem>>) src(%dma_wait3A_78 : memref<10240x128xf32, #tpu.memory_space<hbm>>) dst(%arg9 : memref<128x128xf32, #tpu.memory_space<vmem>>)
      %dma_start3A_79 = arith.constant 0 : i32
      %dma_start3A_80 = tpu.memref_slice %arg7[%add3A_72, %dma_start3A_79] : memref<40x128xi32, #tpu.memory_space<vmem>> -> memref<1x128xi32, #tpu.memory_space<vmem>>
      %dma_start3A_81 = tpu.memref_squeeze %dma_start3A_80 : memref<1x128xi32, #tpu.memory_space<vmem>> -> memref<128xi32, #tpu.memory_space<vmem>>
      %dma_start3A_82 = arith.constant 0 : i32
      %dma_start3A_83 = arith.constant 0 : i32
      %dma_start3A_84 = tpu.memref_slice %arg10[%dma_start3A_82, %dma_start3A_83] : memref<10240x128xf32, #tpu.memory_space<vmem_shared>> -> memref<10240x128xf32, #tpu.memory_space<vmem_shared>>
      tpu.enqueue_indirect_dma source(%arg9 : memref<128x128xf32, #tpu.memory_space<vmem>>) target(%dma_start3A_84 : memref<10240x128xf32, #tpu.memory_space<vmem_shared>>) offsets(%dma_start3A_81 : memref<128xi32, #tpu.memory_space<vmem>>) semaphore(%arg14 : memref<!tpu.dma_semaphore, #tpu.memory_space<semaphore_mem>>) {add = true}
      %add3A_85 = arith.constant 0 : i32
      %add3A_86 = arith.addi %mul3A_56, %add3A_85 : i32
      %dma_wait3A_87 = arith.constant 0 : i32
      %dma_wait3A_88 = tpu.memref_slice %arg7[%add3A_86, %dma_wait3A_87] : memref<40x128xi32, #tpu.memory_space<vmem>> -> memref<1x128xi32, #tpu.memory_space<vmem>>
      %dma_wait3A_89 = tpu.memref_squeeze %dma_wait3A_88 : memref<1x128xi32, #tpu.memory_space<vmem>> -> memref<128xi32, #tpu.memory_space<vmem>>
      %dma_wait3A_90 = arith.constant 0 : i32
      %dma_wait3A_91 = arith.constant 0 : i32
      %dma_wait3A_92 = tpu.memref_slice %arg10[%dma_wait3A_90, %dma_wait3A_91] : memref<10240x128xf32, #tpu.memory_space<vmem_shared>> -> memref<10240x128xf32, #tpu.memory_space<vmem_shared>>
      tpu.wait_indirect_dma semaphore(%arg13 : memref<!tpu.dma_semaphore, #tpu.memory_space<semaphore_mem>>) src(%arg8 : memref<128x128xf32, #tpu.memory_space<vmem>>) dst(%dma_wait3A_92 : memref<10240x128xf32, #tpu.memory_space<vmem_shared>>)
      %add3A_93 = arith.constant 2 : i32
      %add3A_94 = arith.addi %add3A_86, %add3A_93 : i32
      %lt3A = arith.constant 40 : i32
      %lt3A_95 = arith.cmpi slt, %add3A_94, %lt3A : i32
      %convert_element_type3A = arith.extui %lt3A_95 : i1 to i32
      %cond3A = arith.constant 0 : i32
      %cond3A_96 = arith.cmpi ne, %convert_element_type3A, %cond3A : i32
      scf.if %cond3A_96 {
        %add3A_113 = arith.constant 2 : i32
        %add3A_114 = arith.addi %add3A_86, %add3A_113 : i32
        %dma_start3A_115 = arith.constant 0 : i32
        %dma_start3A_116 = tpu.memref_slice %arg6[%add3A_114, %dma_start3A_115] : memref<41x128xi32, #tpu.memory_space<vmem>> -> memref<1x128xi32, #tpu.memory_space<vmem>>
        %dma_start3A_117 = tpu.memref_squeeze %dma_start3A_116 : memref<1x128xi32, #tpu.memory_space<vmem>> -> memref<128xi32, #tpu.memory_space<vmem>>
        %dma_start3A_118 = arith.constant 0 : i32
        %dma_start3A_119 = arith.constant 0 : i32
        %dma_start3A_120 = tpu.memref_slice %arg2[%dma_start3A_118, %dma_start3A_119] : memref<10240x128xf32, #tpu.memory_space<hbm>> -> memref<10240x128xf32, #tpu.memory_space<hbm>>
        tpu.enqueue_indirect_dma source(%dma_start3A_120 : memref<10240x128xf32, #tpu.memory_space<hbm>>) target(%arg8 : memref<128x128xf32, #tpu.memory_space<vmem>>) offsets(%dma_start3A_117 : memref<128xi32, #tpu.memory_space<vmem>>) semaphore(%arg11 : memref<!tpu.dma_semaphore, #tpu.memory_space<semaphore_mem>>)
      } else {
      }
      %add3A_97 = arith.constant 1 : i32
      %add3A_98 = arith.addi %mul3A_56, %add3A_97 : i32
      %dma_wait3A_99 = arith.constant 0 : i32
      %dma_wait3A_100 = tpu.memref_slice %arg7[%add3A_98, %dma_wait3A_99] : memref<40x128xi32, #tpu.memory_space<vmem>> -> memref<1x128xi32, #tpu.memory_space<vmem>>
      %dma_wait3A_101 = tpu.memref_squeeze %dma_wait3A_100 : memref<1x128xi32, #tpu.memory_space<vmem>> -> memref<128xi32, #tpu.memory_space<vmem>>
      %dma_wait3A_102 = arith.constant 0 : i32
      %dma_wait3A_103 = arith.constant 0 : i32
      %dma_wait3A_104 = tpu.memref_slice %arg10[%dma_wait3A_102, %dma_wait3A_103] : memref<10240x128xf32, #tpu.memory_space<vmem_shared>> -> memref<10240x128xf32, #tpu.memory_space<vmem_shared>>
      tpu.wait_indirect_dma semaphore(%arg14 : memref<!tpu.dma_semaphore, #tpu.memory_space<semaphore_mem>>) src(%arg9 : memref<128x128xf32, #tpu.memory_space<vmem>>) dst(%dma_wait3A_104 : memref<10240x128xf32, #tpu.memory_space<vmem_shared>>)
      %add3A_105 = arith.constant 2 : i32
      %add3A_106 = arith.addi %add3A_98, %add3A_105 : i32
      %lt3A_107 = arith.constant 40 : i32
      %lt3A_108 = arith.cmpi slt, %add3A_106, %lt3A_107 : i32
      %convert_element_type3A_109 = arith.extui %lt3A_108 : i1 to i32
      %cond3A_110 = arith.constant 0 : i32
      %cond3A_111 = arith.cmpi ne, %convert_element_type3A_109, %cond3A_110 : i32
      scf.if %cond3A_111 {
        %add3A_113 = arith.constant 2 : i32
        %add3A_114 = arith.addi %add3A_98, %add3A_113 : i32
        %dma_start3A_115 = arith.constant 0 : i32
        %dma_start3A_116 = tpu.memref_slice %arg6[%add3A_114, %dma_start3A_115] : memref<41x128xi32, #tpu.memory_space<vmem>> -> memref<1x128xi32, #tpu.memory_space<vmem>>
        %dma_start3A_117 = tpu.memref_squeeze %dma_start3A_116 : memref<1x128xi32, #tpu.memory_space<vmem>> -> memref<128xi32, #tpu.memory_space<vmem>>
        %dma_start3A_118 = arith.constant 0 : i32
        %dma_start3A_119 = arith.constant 0 : i32
        %dma_start3A_120 = tpu.memref_slice %arg2[%dma_start3A_118, %dma_start3A_119] : memref<10240x128xf32, #tpu.memory_space<hbm>> -> memref<10240x128xf32, #tpu.memory_space<hbm>>
        tpu.enqueue_indirect_dma source(%dma_start3A_120 : memref<10240x128xf32, #tpu.memory_space<hbm>>) target(%arg9 : memref<128x128xf32, #tpu.memory_space<vmem>>) offsets(%dma_start3A_117 : memref<128xi32, #tpu.memory_space<vmem>>) semaphore(%arg12 : memref<!tpu.dma_semaphore, #tpu.memory_space<semaphore_mem>>)
      } else {
      }
      %scan3A_112 = arith.constant 0 : i32
      scf.yield %scan3A_112 : i32
    }
    %scan3A_49 = arith.constant 20 : i32
    %barrier3A_50 = arith.constant 0 : index
    tpu.barrier barrier_id(%barrier3A_50)
    %mul3A_51 = arith.constant 640 : i32
    %mul3A_52 = arith.muli %arg1, %mul3A_51 : i32
    "tpu.region"() ({
      %run_scoped3A = tpu.sem_alloc : memref<!tpu.dma_semaphore, #tpu.memory_space<semaphore_mem>>
      %dma_start3A_53 = arith.constant 0 : i32
      %dma_start3A_54 = tpu.memref_slice %arg5[%arg0, %mul3A_52, %dma_start3A_53] : memref<2x10240x128xf32, #tpu.memory_space<hbm>> -> memref<1x640x128xf32, #tpu.memory_space<hbm>>
      %dma_start3A_55 = tpu.memref_squeeze %dma_start3A_54 : memref<1x640x128xf32, #tpu.memory_space<hbm>> -> memref<640x128xf32, #tpu.memory_space<hbm>>
      %dma_start3A_56 = arith.constant 0 : i32
      %dma_start3A_57 = tpu.memref_slice %arg10[%mul3A_52, %dma_start3A_56] : memref<10240x128xf32, #tpu.memory_space<vmem_shared>> -> memref<640x128xf32, #tpu.memory_space<vmem_shared>>
      tpu.enqueue_dma source(%dma_start3A_57 : memref<640x128xf32, #tpu.memory_space<vmem_shared>>) target(%dma_start3A_55 : memref<640x128xf32, #tpu.memory_space<hbm>>) target_semaphore(%run_scoped3A : memref<!tpu.dma_semaphore, #tpu.memory_space<semaphore_mem>>)
      %dma_wait3A_58 = arith.constant 0 : i32
      %dma_wait3A_59 = tpu.memref_slice %arg5[%arg0, %mul3A_52, %dma_wait3A_58] : memref<2x10240x128xf32, #tpu.memory_space<hbm>> -> memref<1x640x128xf32, #tpu.memory_space<hbm>>
      %dma_wait3A_60 = tpu.memref_squeeze %dma_wait3A_59 : memref<1x640x128xf32, #tpu.memory_space<hbm>> -> memref<640x128xf32, #tpu.memory_space<hbm>>
      %dma_wait3A_61 = arith.constant 0 : i32
      %dma_wait3A_62 = tpu.memref_slice %arg10[%mul3A_52, %dma_wait3A_61] : memref<10240x128xf32, #tpu.memory_space<vmem_shared>> -> memref<640x128xf32, #tpu.memory_space<vmem_shared>>
      tpu.wait_dma2 semaphore(%run_scoped3A : memref<!tpu.dma_semaphore, #tpu.memory_space<semaphore_mem>>) src(%dma_wait3A_62 : memref<640x128xf32, #tpu.memory_space<vmem_shared>>) dst(%dma_wait3A_60 : memref<640x128xf32, #tpu.memory_space<hbm>>)
      tpu.yield
    }) : () -> ()
    return
  }
}

#map = affine_map<(d0, d1) -> (0, 0)>
#map1 = affine_map<(d0, d1) -> (0, 0, 0, 0)>
#map2 = affine_map<(d0, d1) -> (0, 0, 0)>
module attributes {stable_mosaic.version = 14 : i64} {
  func.func @sc_prop(%arg0: i32, %arg1: i32, %arg2: memref<10240x128xf32, #tpu.memory_space<hbm>>, %arg3: memref<2x16x41x128xi32, #tpu.memory_space<hbm>>, %arg4: memref<2x16x40x128xi32, #tpu.memory_space<hbm>>, %arg5: memref<2x10240x128xf32, #tpu.memory_space<hbm>>, %arg6: memref<41x128xi32, #tpu.memory_space<vmem>>, %arg7: memref<40x128xi32, #tpu.memory_space<vmem>>, %arg8: memref<128x128xf32, #tpu.memory_space<vmem>>, %arg9: memref<128x128xf32, #tpu.memory_space<vmem>>, %arg10: memref<10240x128xf32, #tpu.memory_space<vmem_shared>>, %arg11: memref<!tpu.dma_semaphore, #tpu.memory_space<semaphore_mem>>, %arg12: memref<!tpu.dma_semaphore, #tpu.memory_space<semaphore_mem>>, %arg13: memref<!tpu.dma_semaphore, #tpu.memory_space<semaphore_mem>>, %arg14: memref<!tpu.dma_semaphore, #tpu.memory_space<semaphore_mem>>) attributes {dimension_semantics = [#tpu.dimension_semantics<core_parallel>, #tpu.dimension_semantics<subcore_parallel>], iteration_bounds = array<i64: 2, 16>, scalar_prefetch = 0 : i64, scratch_operands = 9 : i64, tpu.core_type = #tpu.core_type<sc_vector_subcore>, window_params = [{transform_indices = #map}, {transform_indices = #map1}, {transform_indices = #map1}, {transform_indices = #map2}]} {
    "tpu.region"() ({
      %run_scoped3A = tpu.sem_alloc : memref<!tpu.dma_semaphore, #tpu.memory_space<semaphore_mem>>
      %dma_start3A_53 = arith.constant 0 : i32
      %dma_start3A_54 = arith.constant 0 : i32
      %dma_start3A_55 = tpu.memref_slice %arg3[%arg0, %arg1, %dma_start3A_53, %dma_start3A_54] : memref<2x16x41x128xi32, #tpu.memory_space<hbm>> -> memref<1x1x41x128xi32, #tpu.memory_space<hbm>>
      %dma_start3A_56 = tpu.memref_squeeze %dma_start3A_55 : memref<1x1x41x128xi32, #tpu.memory_space<hbm>> -> memref<41x128xi32, #tpu.memory_space<hbm>>
      %dma_start3A_57 = arith.constant 0 : i32
      %dma_start3A_58 = arith.constant 0 : i32
      %dma_start3A_59 = tpu.memref_slice %arg3[%arg0, %arg1, %dma_start3A_57, %dma_start3A_58] : memref<2x16x41x128xi32, #tpu.memory_space<hbm>> -> memref<1x1x41x128xi32, #tpu.memory_space<hbm>>
      %dma_start3A_60 = tpu.memref_squeeze %dma_start3A_59 : memref<1x1x41x128xi32, #tpu.memory_space<hbm>> -> memref<41x128xi32, #tpu.memory_space<hbm>>
      tpu.enqueue_dma source(%dma_start3A_60 : memref<41x128xi32, #tpu.memory_space<hbm>>) target(%arg6 : memref<41x128xi32, #tpu.memory_space<vmem>>) target_semaphore(%run_scoped3A : memref<!tpu.dma_semaphore, #tpu.memory_space<semaphore_mem>>)
      %dma_wait3A_61 = arith.constant 0 : i32
      %dma_wait3A_62 = arith.constant 0 : i32
      %dma_wait3A_63 = tpu.memref_slice %arg3[%arg0, %arg1, %dma_wait3A_61, %dma_wait3A_62] : memref<2x16x41x128xi32, #tpu.memory_space<hbm>> -> memref<1x1x41x128xi32, #tpu.memory_space<hbm>>
      %dma_wait3A_64 = tpu.memref_squeeze %dma_wait3A_63 : memref<1x1x41x128xi32, #tpu.memory_space<hbm>> -> memref<41x128xi32, #tpu.memory_space<hbm>>
      %dma_wait3A_65 = arith.constant 0 : i32
      %dma_wait3A_66 = arith.constant 0 : i32
      %dma_wait3A_67 = tpu.memref_slice %arg3[%arg0, %arg1, %dma_wait3A_65, %dma_wait3A_66] : memref<2x16x41x128xi32, #tpu.memory_space<hbm>> -> memref<1x1x41x128xi32, #tpu.memory_space<hbm>>
      %dma_wait3A_68 = tpu.memref_squeeze %dma_wait3A_67 : memref<1x1x41x128xi32, #tpu.memory_space<hbm>> -> memref<41x128xi32, #tpu.memory_space<hbm>>
      tpu.wait_dma2 semaphore(%run_scoped3A : memref<!tpu.dma_semaphore, #tpu.memory_space<semaphore_mem>>) src(%dma_wait3A_68 : memref<41x128xi32, #tpu.memory_space<hbm>>) dst(%arg6 : memref<41x128xi32, #tpu.memory_space<vmem>>)
      tpu.yield
    }) : () -> ()
    "tpu.region"() ({
      %run_scoped3A = tpu.sem_alloc : memref<!tpu.dma_semaphore, #tpu.memory_space<semaphore_mem>>
      %dma_start3A_53 = arith.constant 0 : i32
      %dma_start3A_54 = arith.constant 0 : i32
      %dma_start3A_55 = tpu.memref_slice %arg4[%arg0, %arg1, %dma_start3A_53, %dma_start3A_54] : memref<2x16x40x128xi32, #tpu.memory_space<hbm>> -> memref<1x1x40x128xi32, #tpu.memory_space<hbm>>
      %dma_start3A_56 = tpu.memref_squeeze %dma_start3A_55 : memref<1x1x40x128xi32, #tpu.memory_space<hbm>> -> memref<40x128xi32, #tpu.memory_space<hbm>>
      %dma_start3A_57 = arith.constant 0 : i32
      %dma_start3A_58 = arith.constant 0 : i32
      %dma_start3A_59 = tpu.memref_slice %arg4[%arg0, %arg1, %dma_start3A_57, %dma_start3A_58] : memref<2x16x40x128xi32, #tpu.memory_space<hbm>> -> memref<1x1x40x128xi32, #tpu.memory_space<hbm>>
      %dma_start3A_60 = tpu.memref_squeeze %dma_start3A_59 : memref<1x1x40x128xi32, #tpu.memory_space<hbm>> -> memref<40x128xi32, #tpu.memory_space<hbm>>
      tpu.enqueue_dma source(%dma_start3A_60 : memref<40x128xi32, #tpu.memory_space<hbm>>) target(%arg7 : memref<40x128xi32, #tpu.memory_space<vmem>>) target_semaphore(%run_scoped3A : memref<!tpu.dma_semaphore, #tpu.memory_space<semaphore_mem>>)
      %dma_wait3A_61 = arith.constant 0 : i32
      %dma_wait3A_62 = arith.constant 0 : i32
      %dma_wait3A_63 = tpu.memref_slice %arg4[%arg0, %arg1, %dma_wait3A_61, %dma_wait3A_62] : memref<2x16x40x128xi32, #tpu.memory_space<hbm>> -> memref<1x1x40x128xi32, #tpu.memory_space<hbm>>
      %dma_wait3A_64 = tpu.memref_squeeze %dma_wait3A_63 : memref<1x1x40x128xi32, #tpu.memory_space<hbm>> -> memref<40x128xi32, #tpu.memory_space<hbm>>
      %dma_wait3A_65 = arith.constant 0 : i32
      %dma_wait3A_66 = arith.constant 0 : i32
      %dma_wait3A_67 = tpu.memref_slice %arg4[%arg0, %arg1, %dma_wait3A_65, %dma_wait3A_66] : memref<2x16x40x128xi32, #tpu.memory_space<hbm>> -> memref<1x1x40x128xi32, #tpu.memory_space<hbm>>
      %dma_wait3A_68 = tpu.memref_squeeze %dma_wait3A_67 : memref<1x1x40x128xi32, #tpu.memory_space<hbm>> -> memref<40x128xi32, #tpu.memory_space<hbm>>
      tpu.wait_dma2 semaphore(%run_scoped3A : memref<!tpu.dma_semaphore, #tpu.memory_space<semaphore_mem>>) src(%dma_wait3A_68 : memref<40x128xi32, #tpu.memory_space<hbm>>) dst(%arg7 : memref<40x128xi32, #tpu.memory_space<vmem>>)
      tpu.yield
    }) : () -> ()
    %dma_start3A = arith.constant 40 : i32
    %dma_start3A_0 = arith.constant 0 : i32
    %dma_start3A_1 = tpu.memref_slice %arg6[%dma_start3A, %dma_start3A_0] : memref<41x128xi32, #tpu.memory_space<vmem>> -> memref<1x128xi32, #tpu.memory_space<vmem>>
    %dma_start3A_2 = tpu.memref_squeeze %dma_start3A_1 : memref<1x128xi32, #tpu.memory_space<vmem>> -> memref<128xi32, #tpu.memory_space<vmem>>
    %dma_start3A_3 = arith.constant 0 : i32
    %dma_start3A_4 = arith.constant 0 : i32
    %dma_start3A_5 = tpu.memref_slice %arg2[%dma_start3A_3, %dma_start3A_4] : memref<10240x128xf32, #tpu.memory_space<hbm>> -> memref<10240x128xf32, #tpu.memory_space<hbm>>
    tpu.enqueue_indirect_dma source(%dma_start3A_5 : memref<10240x128xf32, #tpu.memory_space<hbm>>) target(%arg8 : memref<128x128xf32, #tpu.memory_space<vmem>>) offsets(%dma_start3A_2 : memref<128xi32, #tpu.memory_space<vmem>>) semaphore(%arg11 : memref<!tpu.dma_semaphore, #tpu.memory_space<semaphore_mem>>)
    %dma_wait3A = arith.constant 40 : i32
    %dma_wait3A_6 = arith.constant 0 : i32
    %dma_wait3A_7 = tpu.memref_slice %arg6[%dma_wait3A, %dma_wait3A_6] : memref<41x128xi32, #tpu.memory_space<vmem>> -> memref<1x128xi32, #tpu.memory_space<vmem>>
    %dma_wait3A_8 = tpu.memref_squeeze %dma_wait3A_7 : memref<1x128xi32, #tpu.memory_space<vmem>> -> memref<128xi32, #tpu.memory_space<vmem>>
    %dma_wait3A_9 = arith.constant 0 : i32
    %dma_wait3A_10 = arith.constant 0 : i32
    %dma_wait3A_11 = tpu.memref_slice %arg2[%dma_wait3A_9, %dma_wait3A_10] : memref<10240x128xf32, #tpu.memory_space<hbm>> -> memref<10240x128xf32, #tpu.memory_space<hbm>>
    tpu.wait_indirect_dma semaphore(%arg11 : memref<!tpu.dma_semaphore, #tpu.memory_space<semaphore_mem>>) src(%dma_wait3A_11 : memref<10240x128xf32, #tpu.memory_space<hbm>>) dst(%arg8 : memref<128x128xf32, #tpu.memory_space<vmem>>)
    %mul3A = arith.constant 640 : i32
    %mul3A_12 = arith.muli %arg1, %mul3A : i32
    %add3A = arith.constant 0 : i32
    %add3A_13 = arith.addi %mul3A_12, %add3A : i32
    "tpu.region"() ({
      %run_scoped3A = tpu.sem_alloc : memref<!tpu.dma_semaphore, #tpu.memory_space<semaphore_mem>>
      %dma_start3A_53 = arith.constant 0 : i32
      %dma_start3A_54 = tpu.memref_slice %arg10[%add3A_13, %dma_start3A_53] : memref<10240x128xf32, #tpu.memory_space<vmem_shared>> -> memref<128x128xf32, #tpu.memory_space<vmem_shared>>
      %dma_start3A_55 = arith.constant 0 : i32
      %dma_start3A_56 = tpu.memref_slice %arg10[%add3A_13, %dma_start3A_55] : memref<10240x128xf32, #tpu.memory_space<vmem_shared>> -> memref<128x128xf32, #tpu.memory_space<vmem_shared>>
      tpu.enqueue_dma source(%arg8 : memref<128x128xf32, #tpu.memory_space<vmem>>) target(%dma_start3A_56 : memref<128x128xf32, #tpu.memory_space<vmem_shared>>) target_semaphore(%run_scoped3A : memref<!tpu.dma_semaphore, #tpu.memory_space<semaphore_mem>>)
      %dma_wait3A_57 = arith.constant 0 : i32
      %dma_wait3A_58 = tpu.memref_slice %arg10[%add3A_13, %dma_wait3A_57] : memref<10240x128xf32, #tpu.memory_space<vmem_shared>> -> memref<128x128xf32, #tpu.memory_space<vmem_shared>>
      %dma_wait3A_59 = arith.constant 0 : i32
      %dma_wait3A_60 = tpu.memref_slice %arg10[%add3A_13, %dma_wait3A_59] : memref<10240x128xf32, #tpu.memory_space<vmem_shared>> -> memref<128x128xf32, #tpu.memory_space<vmem_shared>>
      tpu.wait_dma2 semaphore(%run_scoped3A : memref<!tpu.dma_semaphore, #tpu.memory_space<semaphore_mem>>) src(%arg8 : memref<128x128xf32, #tpu.memory_space<vmem>>) dst(%dma_wait3A_60 : memref<128x128xf32, #tpu.memory_space<vmem_shared>>)
      tpu.yield
    }) : () -> ()
    %mul3A_14 = arith.constant 640 : i32
    %mul3A_15 = arith.muli %arg1, %mul3A_14 : i32
    %add3A_16 = arith.constant 128 : i32
    %add3A_17 = arith.addi %mul3A_15, %add3A_16 : i32
    "tpu.region"() ({
      %run_scoped3A = tpu.sem_alloc : memref<!tpu.dma_semaphore, #tpu.memory_space<semaphore_mem>>
      %dma_start3A_53 = arith.constant 0 : i32
      %dma_start3A_54 = tpu.memref_slice %arg10[%add3A_17, %dma_start3A_53] : memref<10240x128xf32, #tpu.memory_space<vmem_shared>> -> memref<128x128xf32, #tpu.memory_space<vmem_shared>>
      %dma_start3A_55 = arith.constant 0 : i32
      %dma_start3A_56 = tpu.memref_slice %arg10[%add3A_17, %dma_start3A_55] : memref<10240x128xf32, #tpu.memory_space<vmem_shared>> -> memref<128x128xf32, #tpu.memory_space<vmem_shared>>
      tpu.enqueue_dma source(%arg8 : memref<128x128xf32, #tpu.memory_space<vmem>>) target(%dma_start3A_56 : memref<128x128xf32, #tpu.memory_space<vmem_shared>>) target_semaphore(%run_scoped3A : memref<!tpu.dma_semaphore, #tpu.memory_space<semaphore_mem>>)
      %dma_wait3A_57 = arith.constant 0 : i32
      %dma_wait3A_58 = tpu.memref_slice %arg10[%add3A_17, %dma_wait3A_57] : memref<10240x128xf32, #tpu.memory_space<vmem_shared>> -> memref<128x128xf32, #tpu.memory_space<vmem_shared>>
      %dma_wait3A_59 = arith.constant 0 : i32
      %dma_wait3A_60 = tpu.memref_slice %arg10[%add3A_17, %dma_wait3A_59] : memref<10240x128xf32, #tpu.memory_space<vmem_shared>> -> memref<128x128xf32, #tpu.memory_space<vmem_shared>>
      tpu.wait_dma2 semaphore(%run_scoped3A : memref<!tpu.dma_semaphore, #tpu.memory_space<semaphore_mem>>) src(%arg8 : memref<128x128xf32, #tpu.memory_space<vmem>>) dst(%dma_wait3A_60 : memref<128x128xf32, #tpu.memory_space<vmem_shared>>)
      tpu.yield
    }) : () -> ()
    %mul3A_18 = arith.constant 640 : i32
    %mul3A_19 = arith.muli %arg1, %mul3A_18 : i32
    %add3A_20 = arith.constant 256 : i32
    %add3A_21 = arith.addi %mul3A_19, %add3A_20 : i32
    "tpu.region"() ({
      %run_scoped3A = tpu.sem_alloc : memref<!tpu.dma_semaphore, #tpu.memory_space<semaphore_mem>>
      %dma_start3A_53 = arith.constant 0 : i32
      %dma_start3A_54 = tpu.memref_slice %arg10[%add3A_21, %dma_start3A_53] : memref<10240x128xf32, #tpu.memory_space<vmem_shared>> -> memref<128x128xf32, #tpu.memory_space<vmem_shared>>
      %dma_start3A_55 = arith.constant 0 : i32
      %dma_start3A_56 = tpu.memref_slice %arg10[%add3A_21, %dma_start3A_55] : memref<10240x128xf32, #tpu.memory_space<vmem_shared>> -> memref<128x128xf32, #tpu.memory_space<vmem_shared>>
      tpu.enqueue_dma source(%arg8 : memref<128x128xf32, #tpu.memory_space<vmem>>) target(%dma_start3A_56 : memref<128x128xf32, #tpu.memory_space<vmem_shared>>) target_semaphore(%run_scoped3A : memref<!tpu.dma_semaphore, #tpu.memory_space<semaphore_mem>>)
      %dma_wait3A_57 = arith.constant 0 : i32
      %dma_wait3A_58 = tpu.memref_slice %arg10[%add3A_21, %dma_wait3A_57] : memref<10240x128xf32, #tpu.memory_space<vmem_shared>> -> memref<128x128xf32, #tpu.memory_space<vmem_shared>>
      %dma_wait3A_59 = arith.constant 0 : i32
      %dma_wait3A_60 = tpu.memref_slice %arg10[%add3A_21, %dma_wait3A_59] : memref<10240x128xf32, #tpu.memory_space<vmem_shared>> -> memref<128x128xf32, #tpu.memory_space<vmem_shared>>
      tpu.wait_dma2 semaphore(%run_scoped3A : memref<!tpu.dma_semaphore, #tpu.memory_space<semaphore_mem>>) src(%arg8 : memref<128x128xf32, #tpu.memory_space<vmem>>) dst(%dma_wait3A_60 : memref<128x128xf32, #tpu.memory_space<vmem_shared>>)
      tpu.yield
    }) : () -> ()
    %mul3A_22 = arith.constant 640 : i32
    %mul3A_23 = arith.muli %arg1, %mul3A_22 : i32
    %add3A_24 = arith.constant 384 : i32
    %add3A_25 = arith.addi %mul3A_23, %add3A_24 : i32
    "tpu.region"() ({
      %run_scoped3A = tpu.sem_alloc : memref<!tpu.dma_semaphore, #tpu.memory_space<semaphore_mem>>
      %dma_start3A_53 = arith.constant 0 : i32
      %dma_start3A_54 = tpu.memref_slice %arg10[%add3A_25, %dma_start3A_53] : memref<10240x128xf32, #tpu.memory_space<vmem_shared>> -> memref<128x128xf32, #tpu.memory_space<vmem_shared>>
      %dma_start3A_55 = arith.constant 0 : i32
      %dma_start3A_56 = tpu.memref_slice %arg10[%add3A_25, %dma_start3A_55] : memref<10240x128xf32, #tpu.memory_space<vmem_shared>> -> memref<128x128xf32, #tpu.memory_space<vmem_shared>>
      tpu.enqueue_dma source(%arg8 : memref<128x128xf32, #tpu.memory_space<vmem>>) target(%dma_start3A_56 : memref<128x128xf32, #tpu.memory_space<vmem_shared>>) target_semaphore(%run_scoped3A : memref<!tpu.dma_semaphore, #tpu.memory_space<semaphore_mem>>)
      %dma_wait3A_57 = arith.constant 0 : i32
      %dma_wait3A_58 = tpu.memref_slice %arg10[%add3A_25, %dma_wait3A_57] : memref<10240x128xf32, #tpu.memory_space<vmem_shared>> -> memref<128x128xf32, #tpu.memory_space<vmem_shared>>
      %dma_wait3A_59 = arith.constant 0 : i32
      %dma_wait3A_60 = tpu.memref_slice %arg10[%add3A_25, %dma_wait3A_59] : memref<10240x128xf32, #tpu.memory_space<vmem_shared>> -> memref<128x128xf32, #tpu.memory_space<vmem_shared>>
      tpu.wait_dma2 semaphore(%run_scoped3A : memref<!tpu.dma_semaphore, #tpu.memory_space<semaphore_mem>>) src(%arg8 : memref<128x128xf32, #tpu.memory_space<vmem>>) dst(%dma_wait3A_60 : memref<128x128xf32, #tpu.memory_space<vmem_shared>>)
      tpu.yield
    }) : () -> ()
    %mul3A_26 = arith.constant 640 : i32
    %mul3A_27 = arith.muli %arg1, %mul3A_26 : i32
    %add3A_28 = arith.constant 512 : i32
    %add3A_29 = arith.addi %mul3A_27, %add3A_28 : i32
    "tpu.region"() ({
      %run_scoped3A = tpu.sem_alloc : memref<!tpu.dma_semaphore, #tpu.memory_space<semaphore_mem>>
      %dma_start3A_53 = arith.constant 0 : i32
      %dma_start3A_54 = tpu.memref_slice %arg10[%add3A_29, %dma_start3A_53] : memref<10240x128xf32, #tpu.memory_space<vmem_shared>> -> memref<128x128xf32, #tpu.memory_space<vmem_shared>>
      %dma_start3A_55 = arith.constant 0 : i32
      %dma_start3A_56 = tpu.memref_slice %arg10[%add3A_29, %dma_start3A_55] : memref<10240x128xf32, #tpu.memory_space<vmem_shared>> -> memref<128x128xf32, #tpu.memory_space<vmem_shared>>
      tpu.enqueue_dma source(%arg8 : memref<128x128xf32, #tpu.memory_space<vmem>>) target(%dma_start3A_56 : memref<128x128xf32, #tpu.memory_space<vmem_shared>>) target_semaphore(%run_scoped3A : memref<!tpu.dma_semaphore, #tpu.memory_space<semaphore_mem>>)
      %dma_wait3A_57 = arith.constant 0 : i32
      %dma_wait3A_58 = tpu.memref_slice %arg10[%add3A_29, %dma_wait3A_57] : memref<10240x128xf32, #tpu.memory_space<vmem_shared>> -> memref<128x128xf32, #tpu.memory_space<vmem_shared>>
      %dma_wait3A_59 = arith.constant 0 : i32
      %dma_wait3A_60 = tpu.memref_slice %arg10[%add3A_29, %dma_wait3A_59] : memref<10240x128xf32, #tpu.memory_space<vmem_shared>> -> memref<128x128xf32, #tpu.memory_space<vmem_shared>>
      tpu.wait_dma2 semaphore(%run_scoped3A : memref<!tpu.dma_semaphore, #tpu.memory_space<semaphore_mem>>) src(%arg8 : memref<128x128xf32, #tpu.memory_space<vmem>>) dst(%dma_wait3A_60 : memref<128x128xf32, #tpu.memory_space<vmem_shared>>)
      tpu.yield
    }) : () -> ()
    %barrier3A = arith.constant 0 : index
    tpu.barrier barrier_id(%barrier3A)
    %dma_start3A_30 = arith.constant 0 : i32
    %dma_start3A_31 = arith.constant 0 : i32
    %dma_start3A_32 = tpu.memref_slice %arg6[%dma_start3A_30, %dma_start3A_31] : memref<41x128xi32, #tpu.memory_space<vmem>> -> memref<1x128xi32, #tpu.memory_space<vmem>>
    %dma_start3A_33 = tpu.memref_squeeze %dma_start3A_32 : memref<1x128xi32, #tpu.memory_space<vmem>> -> memref<128xi32, #tpu.memory_space<vmem>>
    %dma_start3A_34 = arith.constant 0 : i32
    %dma_start3A_35 = arith.constant 0 : i32
    %dma_start3A_36 = tpu.memref_slice %arg2[%dma_start3A_34, %dma_start3A_35] : memref<10240x128xf32, #tpu.memory_space<hbm>> -> memref<10240x128xf32, #tpu.memory_space<hbm>>
    tpu.enqueue_indirect_dma source(%dma_start3A_36 : memref<10240x128xf32, #tpu.memory_space<hbm>>) target(%arg8 : memref<128x128xf32, #tpu.memory_space<vmem>>) offsets(%dma_start3A_33 : memref<128xi32, #tpu.memory_space<vmem>>) semaphore(%arg11 : memref<!tpu.dma_semaphore, #tpu.memory_space<semaphore_mem>>)
    %dma_start3A_37 = arith.constant 1 : i32
    %dma_start3A_38 = arith.constant 0 : i32
    %dma_start3A_39 = tpu.memref_slice %arg6[%dma_start3A_37, %dma_start3A_38] : memref<41x128xi32, #tpu.memory_space<vmem>> -> memref<1x128xi32, #tpu.memory_space<vmem>>
    %dma_start3A_40 = tpu.memref_squeeze %dma_start3A_39 : memref<1x128xi32, #tpu.memory_space<vmem>> -> memref<128xi32, #tpu.memory_space<vmem>>
    %dma_start3A_41 = arith.constant 0 : i32
    %dma_start3A_42 = arith.constant 0 : i32
    %dma_start3A_43 = tpu.memref_slice %arg2[%dma_start3A_41, %dma_start3A_42] : memref<10240x128xf32, #tpu.memory_space<hbm>> -> memref<10240x128xf32, #tpu.memory_space<hbm>>
    tpu.enqueue_indirect_dma source(%dma_start3A_43 : memref<10240x128xf32, #tpu.memory_space<hbm>>) target(%arg9 : memref<128x128xf32, #tpu.memory_space<vmem>>) offsets(%dma_start3A_40 : memref<128xi32, #tpu.memory_space<vmem>>) semaphore(%arg12 : memref<!tpu.dma_semaphore, #tpu.memory_space<semaphore_mem>>)
    %scan3A = arith.constant 0 : i32
    %scan3A_44 = arith.constant 0 : i32
    %scan3A_45 = arith.constant 20 : i32
    %scan3A_46 = arith.addi %scan3A_44, %scan3A_45 : i32
    %scan3A_47 = arith.constant 1 : i32
    %scan3A_48 = scf.for %scan3A_53 = %scan3A_44 to %scan3A_46 step %scan3A_47 iter_args(%scan3A_54 = %scan3A) -> (i32)  : i32 {
      %mul3A_55 = arith.constant 2 : i32
      %mul3A_56 = arith.muli %scan3A_53, %mul3A_55 : i32
      %add3A_57 = arith.constant 0 : i32
      %add3A_58 = arith.addi %mul3A_56, %add3A_57 : i32
      %dma_wait3A_59 = arith.constant 0 : i32
      %dma_wait3A_60 = tpu.memref_slice %arg6[%add3A_58, %dma_wait3A_59] : memref<41x128xi32, #tpu.memory_space<vmem>> -> memref<1x128xi32, #tpu.memory_space<vmem>>
      %dma_wait3A_61 = tpu.memref_squeeze %dma_wait3A_60 : memref<1x128xi32, #tpu.memory_space<vmem>> -> memref<128xi32, #tpu.memory_space<vmem>>
      %dma_wait3A_62 = arith.constant 0 : i32
      %dma_wait3A_63 = arith.constant 0 : i32
      %dma_wait3A_64 = tpu.memref_slice %arg2[%dma_wait3A_62, %dma_wait3A_63] : memref<10240x128xf32, #tpu.memory_space<hbm>> -> memref<10240x128xf32, #tpu.memory_space<hbm>>
      tpu.wait_indirect_dma semaphore(%arg11 : memref<!tpu.dma_semaphore, #tpu.memory_space<semaphore_mem>>) src(%dma_wait3A_64 : memref<10240x128xf32, #tpu.memory_space<hbm>>) dst(%arg8 : memref<128x128xf32, #tpu.memory_space<vmem>>)
      %dma_start3A_65 = arith.constant 0 : i32
      %dma_start3A_66 = tpu.memref_slice %arg7[%add3A_58, %dma_start3A_65] : memref<40x128xi32, #tpu.memory_space<vmem>> -> memref<1x128xi32, #tpu.memory_space<vmem>>
      %dma_start3A_67 = tpu.memref_squeeze %dma_start3A_66 : memref<1x128xi32, #tpu.memory_space<vmem>> -> memref<128xi32, #tpu.memory_space<vmem>>
      %dma_start3A_68 = arith.constant 0 : i32
      %dma_start3A_69 = arith.constant 0 : i32
      %dma_start3A_70 = tpu.memref_slice %arg10[%dma_start3A_68, %dma_start3A_69] : memref<10240x128xf32, #tpu.memory_space<vmem_shared>> -> memref<10240x128xf32, #tpu.memory_space<vmem_shared>>
      tpu.enqueue_indirect_dma source(%arg8 : memref<128x128xf32, #tpu.memory_space<vmem>>) target(%dma_start3A_70 : memref<10240x128xf32, #tpu.memory_space<vmem_shared>>) offsets(%dma_start3A_67 : memref<128xi32, #tpu.memory_space<vmem>>) semaphore(%arg13 : memref<!tpu.dma_semaphore, #tpu.memory_space<semaphore_mem>>) {add = true}
      %add3A_71 = arith.constant 1 : i32
      %add3A_72 = arith.addi %mul3A_56, %add3A_71 : i32
      %dma_wait3A_73 = arith.constant 0 : i32
      %dma_wait3A_74 = tpu.memref_slice %arg6[%add3A_72, %dma_wait3A_73] : memref<41x128xi32, #tpu.memory_space<vmem>> -> memref<1x128xi32, #tpu.memory_space<vmem>>
      %dma_wait3A_75 = tpu.memref_squeeze %dma_wait3A_74 : memref<1x128xi32, #tpu.memory_space<vmem>> -> memref<128xi32, #tpu.memory_space<vmem>>
      %dma_wait3A_76 = arith.constant 0 : i32
      %dma_wait3A_77 = arith.constant 0 : i32
      %dma_wait3A_78 = tpu.memref_slice %arg2[%dma_wait3A_76, %dma_wait3A_77] : memref<10240x128xf32, #tpu.memory_space<hbm>> -> memref<10240x128xf32, #tpu.memory_space<hbm>>
      tpu.wait_indirect_dma semaphore(%arg12 : memref<!tpu.dma_semaphore, #tpu.memory_space<semaphore_mem>>) src(%dma_wait3A_78 : memref<10240x128xf32, #tpu.memory_space<hbm>>) dst(%arg9 : memref<128x128xf32, #tpu.memory_space<vmem>>)
      %dma_start3A_79 = arith.constant 0 : i32
      %dma_start3A_80 = tpu.memref_slice %arg7[%add3A_72, %dma_start3A_79] : memref<40x128xi32, #tpu.memory_space<vmem>> -> memref<1x128xi32, #tpu.memory_space<vmem>>
      %dma_start3A_81 = tpu.memref_squeeze %dma_start3A_80 : memref<1x128xi32, #tpu.memory_space<vmem>> -> memref<128xi32, #tpu.memory_space<vmem>>
      %dma_start3A_82 = arith.constant 0 : i32
      %dma_start3A_83 = arith.constant 0 : i32
      %dma_start3A_84 = tpu.memref_slice %arg10[%dma_start3A_82, %dma_start3A_83] : memref<10240x128xf32, #tpu.memory_space<vmem_shared>> -> memref<10240x128xf32, #tpu.memory_space<vmem_shared>>
      tpu.enqueue_indirect_dma source(%arg9 : memref<128x128xf32, #tpu.memory_space<vmem>>) target(%dma_start3A_84 : memref<10240x128xf32, #tpu.memory_space<vmem_shared>>) offsets(%dma_start3A_81 : memref<128xi32, #tpu.memory_space<vmem>>) semaphore(%arg14 : memref<!tpu.dma_semaphore, #tpu.memory_space<semaphore_mem>>) {add = true}
      %add3A_85 = arith.constant 0 : i32
      %add3A_86 = arith.addi %mul3A_56, %add3A_85 : i32
      %dma_wait3A_87 = arith.constant 0 : i32
      %dma_wait3A_88 = tpu.memref_slice %arg7[%add3A_86, %dma_wait3A_87] : memref<40x128xi32, #tpu.memory_space<vmem>> -> memref<1x128xi32, #tpu.memory_space<vmem>>
      %dma_wait3A_89 = tpu.memref_squeeze %dma_wait3A_88 : memref<1x128xi32, #tpu.memory_space<vmem>> -> memref<128xi32, #tpu.memory_space<vmem>>
      %dma_wait3A_90 = arith.constant 0 : i32
      %dma_wait3A_91 = arith.constant 0 : i32
      %dma_wait3A_92 = tpu.memref_slice %arg10[%dma_wait3A_90, %dma_wait3A_91] : memref<10240x128xf32, #tpu.memory_space<vmem_shared>> -> memref<10240x128xf32, #tpu.memory_space<vmem_shared>>
      tpu.wait_indirect_dma semaphore(%arg13 : memref<!tpu.dma_semaphore, #tpu.memory_space<semaphore_mem>>) src(%arg8 : memref<128x128xf32, #tpu.memory_space<vmem>>) dst(%dma_wait3A_92 : memref<10240x128xf32, #tpu.memory_space<vmem_shared>>)
      %add3A_93 = arith.constant 2 : i32
      %add3A_94 = arith.addi %add3A_86, %add3A_93 : i32
      %lt3A = arith.constant 40 : i32
      %lt3A_95 = arith.cmpi slt, %add3A_94, %lt3A : i32
      %convert_element_type3A = arith.extui %lt3A_95 : i1 to i32
      %cond3A = arith.constant 0 : i32
      %cond3A_96 = arith.cmpi ne, %convert_element_type3A, %cond3A : i32
      scf.if %cond3A_96 {
        %add3A_113 = arith.constant 2 : i32
        %add3A_114 = arith.addi %add3A_86, %add3A_113 : i32
        %dma_start3A_115 = arith.constant 0 : i32
        %dma_start3A_116 = tpu.memref_slice %arg6[%add3A_114, %dma_start3A_115] : memref<41x128xi32, #tpu.memory_space<vmem>> -> memref<1x128xi32, #tpu.memory_space<vmem>>
        %dma_start3A_117 = tpu.memref_squeeze %dma_start3A_116 : memref<1x128xi32, #tpu.memory_space<vmem>> -> memref<128xi32, #tpu.memory_space<vmem>>
        %dma_start3A_118 = arith.constant 0 : i32
        %dma_start3A_119 = arith.constant 0 : i32
        %dma_start3A_120 = tpu.memref_slice %arg2[%dma_start3A_118, %dma_start3A_119] : memref<10240x128xf32, #tpu.memory_space<hbm>> -> memref<10240x128xf32, #tpu.memory_space<hbm>>
        tpu.enqueue_indirect_dma source(%dma_start3A_120 : memref<10240x128xf32, #tpu.memory_space<hbm>>) target(%arg8 : memref<128x128xf32, #tpu.memory_space<vmem>>) offsets(%dma_start3A_117 : memref<128xi32, #tpu.memory_space<vmem>>) semaphore(%arg11 : memref<!tpu.dma_semaphore, #tpu.memory_space<semaphore_mem>>)
      } else {
      }
      %add3A_97 = arith.constant 1 : i32
      %add3A_98 = arith.addi %mul3A_56, %add3A_97 : i32
      %dma_wait3A_99 = arith.constant 0 : i32
      %dma_wait3A_100 = tpu.memref_slice %arg7[%add3A_98, %dma_wait3A_99] : memref<40x128xi32, #tpu.memory_space<vmem>> -> memref<1x128xi32, #tpu.memory_space<vmem>>
      %dma_wait3A_101 = tpu.memref_squeeze %dma_wait3A_100 : memref<1x128xi32, #tpu.memory_space<vmem>> -> memref<128xi32, #tpu.memory_space<vmem>>
      %dma_wait3A_102 = arith.constant 0 : i32
      %dma_wait3A_103 = arith.constant 0 : i32
      %dma_wait3A_104 = tpu.memref_slice %arg10[%dma_wait3A_102, %dma_wait3A_103] : memref<10240x128xf32, #tpu.memory_space<vmem_shared>> -> memref<10240x128xf32, #tpu.memory_space<vmem_shared>>
      tpu.wait_indirect_dma semaphore(%arg14 : memref<!tpu.dma_semaphore, #tpu.memory_space<semaphore_mem>>) src(%arg9 : memref<128x128xf32, #tpu.memory_space<vmem>>) dst(%dma_wait3A_104 : memref<10240x128xf32, #tpu.memory_space<vmem_shared>>)
      %add3A_105 = arith.constant 2 : i32
      %add3A_106 = arith.addi %add3A_98, %add3A_105 : i32
      %lt3A_107 = arith.constant 40 : i32
      %lt3A_108 = arith.cmpi slt, %add3A_106, %lt3A_107 : i32
      %convert_element_type3A_109 = arith.extui %lt3A_108 : i1 to i32
      %cond3A_110 = arith.constant 0 : i32
      %cond3A_111 = arith.cmpi ne, %convert_element_type3A_109, %cond3A_110 : i32
      scf.if %cond3A_111 {
        %add3A_113 = arith.constant 2 : i32
        %add3A_114 = arith.addi %add3A_98, %add3A_113 : i32
        %dma_start3A_115 = arith.constant 0 : i32
        %dma_start3A_116 = tpu.memref_slice %arg6[%add3A_114, %dma_start3A_115] : memref<41x128xi32, #tpu.memory_space<vmem>> -> memref<1x128xi32, #tpu.memory_space<vmem>>
        %dma_start3A_117 = tpu.memref_squeeze %dma_start3A_116 : memref<1x128xi32, #tpu.memory_space<vmem>> -> memref<128xi32, #tpu.memory_space<vmem>>
        %dma_start3A_118 = arith.constant 0 : i32
        %dma_start3A_119 = arith.constant 0 : i32
        %dma_start3A_120 = tpu.memref_slice %arg2[%dma_start3A_118, %dma_start3A_119] : memref<10240x128xf32, #tpu.memory_space<hbm>> -> memref<10240x128xf32, #tpu.memory_space<hbm>>
        tpu.enqueue_indirect_dma source(%dma_start3A_120 : memref<10240x128xf32, #tpu.memory_space<hbm>>) target(%arg9 : memref<128x128xf32, #tpu.memory_space<vmem>>) offsets(%dma_start3A_117 : memref<128xi32, #tpu.memory_space<vmem>>) semaphore(%arg12 : memref<!tpu.dma_semaphore, #tpu.memory_space<semaphore_mem>>)
      } else {
      }
      %scan3A_112 = arith.constant 0 : i32
      scf.yield %scan3A_112 : i32
    }
    %scan3A_49 = arith.constant 20 : i32
    %barrier3A_50 = arith.constant 0 : index
    tpu.barrier barrier_id(%barrier3A_50)
    %mul3A_51 = arith.constant 640 : i32
    %mul3A_52 = arith.muli %arg1, %mul3A_51 : i32
    "tpu.region"() ({
      %run_scoped3A = tpu.sem_alloc : memref<!tpu.dma_semaphore, #tpu.memory_space<semaphore_mem>>
      %dma_start3A_53 = arith.constant 0 : i32
      %dma_start3A_54 = tpu.memref_slice %arg5[%arg0, %mul3A_52, %dma_start3A_53] : memref<2x10240x128xf32, #tpu.memory_space<hbm>> -> memref<1x640x128xf32, #tpu.memory_space<hbm>>
      %dma_start3A_55 = tpu.memref_squeeze %dma_start3A_54 : memref<1x640x128xf32, #tpu.memory_space<hbm>> -> memref<640x128xf32, #tpu.memory_space<hbm>>
      %dma_start3A_56 = arith.constant 0 : i32
      %dma_start3A_57 = tpu.memref_slice %arg10[%mul3A_52, %dma_start3A_56] : memref<10240x128xf32, #tpu.memory_space<vmem_shared>> -> memref<640x128xf32, #tpu.memory_space<vmem_shared>>
      tpu.enqueue_dma source(%dma_start3A_57 : memref<640x128xf32, #tpu.memory_space<vmem_shared>>) target(%dma_start3A_55 : memref<640x128xf32, #tpu.memory_space<hbm>>) target_semaphore(%run_scoped3A : memref<!tpu.dma_semaphore, #tpu.memory_space<semaphore_mem>>)
      %dma_wait3A_58 = arith.constant 0 : i32
      %dma_wait3A_59 = tpu.memref_slice %arg5[%arg0, %mul3A_52, %dma_wait3A_58] : memref<2x10240x128xf32, #tpu.memory_space<hbm>> -> memref<1x640x128xf32, #tpu.memory_space<hbm>>
      %dma_wait3A_60 = tpu.memref_squeeze %dma_wait3A_59 : memref<1x640x128xf32, #tpu.memory_space<hbm>> -> memref<640x128xf32, #tpu.memory_space<hbm>>
      %dma_wait3A_61 = arith.constant 0 : i32
      %dma_wait3A_62 = tpu.memref_slice %arg10[%mul3A_52, %dma_wait3A_61] : memref<10240x128xf32, #tpu.memory_space<vmem_shared>> -> memref<640x128xf32, #tpu.memory_space<vmem_shared>>
      tpu.wait_dma2 semaphore(%run_scoped3A : memref<!tpu.dma_semaphore, #tpu.memory_space<semaphore_mem>>) src(%dma_wait3A_62 : memref<640x128xf32, #tpu.memory_space<vmem_shared>>) dst(%dma_wait3A_60 : memref<640x128xf32, #tpu.memory_space<hbm>>)
      tpu.yield
    }) : () -> ()
    return
  }
}

#map = affine_map<(d0, d1) -> (0, 0)>
#map1 = affine_map<(d0, d1) -> (0, 0, 0, 0)>
#map2 = affine_map<(d0, d1) -> (0, 0, 0)>
module attributes {stable_mosaic.version = 14 : i64} {
  func.func @sc_prop(%arg0: i32, %arg1: i32, %arg2: memref<10240x128xf32, #tpu.memory_space<hbm>>, %arg3: memref<2x16x41x128xi32, #tpu.memory_space<hbm>>, %arg4: memref<2x16x40x128xi32, #tpu.memory_space<hbm>>, %arg5: memref<2x10240x128xf32, #tpu.memory_space<hbm>>, %arg6: memref<41x128xi32, #tpu.memory_space<vmem>>, %arg7: memref<40x128xi32, #tpu.memory_space<vmem>>, %arg8: memref<128x128xf32, #tpu.memory_space<vmem>>, %arg9: memref<128x128xf32, #tpu.memory_space<vmem>>, %arg10: memref<10240x128xf32, #tpu.memory_space<vmem_shared>>, %arg11: memref<!tpu.dma_semaphore, #tpu.memory_space<semaphore_mem>>, %arg12: memref<!tpu.dma_semaphore, #tpu.memory_space<semaphore_mem>>, %arg13: memref<!tpu.dma_semaphore, #tpu.memory_space<semaphore_mem>>, %arg14: memref<!tpu.dma_semaphore, #tpu.memory_space<semaphore_mem>>) attributes {dimension_semantics = [#tpu.dimension_semantics<core_parallel>, #tpu.dimension_semantics<subcore_parallel>], iteration_bounds = array<i64: 2, 16>, scalar_prefetch = 0 : i64, scratch_operands = 9 : i64, tpu.core_type = #tpu.core_type<sc_vector_subcore>, window_params = [{transform_indices = #map}, {transform_indices = #map1}, {transform_indices = #map1}, {transform_indices = #map2}]} {
    "tpu.region"() ({
      %run_scoped3A = tpu.sem_alloc : memref<!tpu.dma_semaphore, #tpu.memory_space<semaphore_mem>>
      %dma_start3A_53 = arith.constant 0 : i32
      %dma_start3A_54 = arith.constant 0 : i32
      %dma_start3A_55 = tpu.memref_slice %arg3[%arg0, %arg1, %dma_start3A_53, %dma_start3A_54] : memref<2x16x41x128xi32, #tpu.memory_space<hbm>> -> memref<1x1x41x128xi32, #tpu.memory_space<hbm>>
      %dma_start3A_56 = tpu.memref_squeeze %dma_start3A_55 : memref<1x1x41x128xi32, #tpu.memory_space<hbm>> -> memref<41x128xi32, #tpu.memory_space<hbm>>
      %dma_start3A_57 = arith.constant 0 : i32
      %dma_start3A_58 = arith.constant 0 : i32
      %dma_start3A_59 = tpu.memref_slice %arg3[%arg0, %arg1, %dma_start3A_57, %dma_start3A_58] : memref<2x16x41x128xi32, #tpu.memory_space<hbm>> -> memref<1x1x41x128xi32, #tpu.memory_space<hbm>>
      %dma_start3A_60 = tpu.memref_squeeze %dma_start3A_59 : memref<1x1x41x128xi32, #tpu.memory_space<hbm>> -> memref<41x128xi32, #tpu.memory_space<hbm>>
      tpu.enqueue_dma source(%dma_start3A_60 : memref<41x128xi32, #tpu.memory_space<hbm>>) target(%arg6 : memref<41x128xi32, #tpu.memory_space<vmem>>) target_semaphore(%run_scoped3A : memref<!tpu.dma_semaphore, #tpu.memory_space<semaphore_mem>>)
      %dma_wait3A_61 = arith.constant 0 : i32
      %dma_wait3A_62 = arith.constant 0 : i32
      %dma_wait3A_63 = tpu.memref_slice %arg3[%arg0, %arg1, %dma_wait3A_61, %dma_wait3A_62] : memref<2x16x41x128xi32, #tpu.memory_space<hbm>> -> memref<1x1x41x128xi32, #tpu.memory_space<hbm>>
      %dma_wait3A_64 = tpu.memref_squeeze %dma_wait3A_63 : memref<1x1x41x128xi32, #tpu.memory_space<hbm>> -> memref<41x128xi32, #tpu.memory_space<hbm>>
      %dma_wait3A_65 = arith.constant 0 : i32
      %dma_wait3A_66 = arith.constant 0 : i32
      %dma_wait3A_67 = tpu.memref_slice %arg3[%arg0, %arg1, %dma_wait3A_65, %dma_wait3A_66] : memref<2x16x41x128xi32, #tpu.memory_space<hbm>> -> memref<1x1x41x128xi32, #tpu.memory_space<hbm>>
      %dma_wait3A_68 = tpu.memref_squeeze %dma_wait3A_67 : memref<1x1x41x128xi32, #tpu.memory_space<hbm>> -> memref<41x128xi32, #tpu.memory_space<hbm>>
      tpu.wait_dma2 semaphore(%run_scoped3A : memref<!tpu.dma_semaphore, #tpu.memory_space<semaphore_mem>>) src(%dma_wait3A_68 : memref<41x128xi32, #tpu.memory_space<hbm>>) dst(%arg6 : memref<41x128xi32, #tpu.memory_space<vmem>>)
      tpu.yield
    }) : () -> ()
    "tpu.region"() ({
      %run_scoped3A = tpu.sem_alloc : memref<!tpu.dma_semaphore, #tpu.memory_space<semaphore_mem>>
      %dma_start3A_53 = arith.constant 0 : i32
      %dma_start3A_54 = arith.constant 0 : i32
      %dma_start3A_55 = tpu.memref_slice %arg4[%arg0, %arg1, %dma_start3A_53, %dma_start3A_54] : memref<2x16x40x128xi32, #tpu.memory_space<hbm>> -> memref<1x1x40x128xi32, #tpu.memory_space<hbm>>
      %dma_start3A_56 = tpu.memref_squeeze %dma_start3A_55 : memref<1x1x40x128xi32, #tpu.memory_space<hbm>> -> memref<40x128xi32, #tpu.memory_space<hbm>>
      %dma_start3A_57 = arith.constant 0 : i32
      %dma_start3A_58 = arith.constant 0 : i32
      %dma_start3A_59 = tpu.memref_slice %arg4[%arg0, %arg1, %dma_start3A_57, %dma_start3A_58] : memref<2x16x40x128xi32, #tpu.memory_space<hbm>> -> memref<1x1x40x128xi32, #tpu.memory_space<hbm>>
      %dma_start3A_60 = tpu.memref_squeeze %dma_start3A_59 : memref<1x1x40x128xi32, #tpu.memory_space<hbm>> -> memref<40x128xi32, #tpu.memory_space<hbm>>
      tpu.enqueue_dma source(%dma_start3A_60 : memref<40x128xi32, #tpu.memory_space<hbm>>) target(%arg7 : memref<40x128xi32, #tpu.memory_space<vmem>>) target_semaphore(%run_scoped3A : memref<!tpu.dma_semaphore, #tpu.memory_space<semaphore_mem>>)
      %dma_wait3A_61 = arith.constant 0 : i32
      %dma_wait3A_62 = arith.constant 0 : i32
      %dma_wait3A_63 = tpu.memref_slice %arg4[%arg0, %arg1, %dma_wait3A_61, %dma_wait3A_62] : memref<2x16x40x128xi32, #tpu.memory_space<hbm>> -> memref<1x1x40x128xi32, #tpu.memory_space<hbm>>
      %dma_wait3A_64 = tpu.memref_squeeze %dma_wait3A_63 : memref<1x1x40x128xi32, #tpu.memory_space<hbm>> -> memref<40x128xi32, #tpu.memory_space<hbm>>
      %dma_wait3A_65 = arith.constant 0 : i32
      %dma_wait3A_66 = arith.constant 0 : i32
      %dma_wait3A_67 = tpu.memref_slice %arg4[%arg0, %arg1, %dma_wait3A_65, %dma_wait3A_66] : memref<2x16x40x128xi32, #tpu.memory_space<hbm>> -> memref<1x1x40x128xi32, #tpu.memory_space<hbm>>
      %dma_wait3A_68 = tpu.memref_squeeze %dma_wait3A_67 : memref<1x1x40x128xi32, #tpu.memory_space<hbm>> -> memref<40x128xi32, #tpu.memory_space<hbm>>
      tpu.wait_dma2 semaphore(%run_scoped3A : memref<!tpu.dma_semaphore, #tpu.memory_space<semaphore_mem>>) src(%dma_wait3A_68 : memref<40x128xi32, #tpu.memory_space<hbm>>) dst(%arg7 : memref<40x128xi32, #tpu.memory_space<vmem>>)
      tpu.yield
    }) : () -> ()
    %dma_start3A = arith.constant 40 : i32
    %dma_start3A_0 = arith.constant 0 : i32
    %dma_start3A_1 = tpu.memref_slice %arg6[%dma_start3A, %dma_start3A_0] : memref<41x128xi32, #tpu.memory_space<vmem>> -> memref<1x128xi32, #tpu.memory_space<vmem>>
    %dma_start3A_2 = tpu.memref_squeeze %dma_start3A_1 : memref<1x128xi32, #tpu.memory_space<vmem>> -> memref<128xi32, #tpu.memory_space<vmem>>
    %dma_start3A_3 = arith.constant 0 : i32
    %dma_start3A_4 = arith.constant 0 : i32
    %dma_start3A_5 = tpu.memref_slice %arg2[%dma_start3A_3, %dma_start3A_4] : memref<10240x128xf32, #tpu.memory_space<hbm>> -> memref<10240x128xf32, #tpu.memory_space<hbm>>
    tpu.enqueue_indirect_dma source(%dma_start3A_5 : memref<10240x128xf32, #tpu.memory_space<hbm>>) target(%arg8 : memref<128x128xf32, #tpu.memory_space<vmem>>) offsets(%dma_start3A_2 : memref<128xi32, #tpu.memory_space<vmem>>) semaphore(%arg11 : memref<!tpu.dma_semaphore, #tpu.memory_space<semaphore_mem>>)
    %dma_wait3A = arith.constant 40 : i32
    %dma_wait3A_6 = arith.constant 0 : i32
    %dma_wait3A_7 = tpu.memref_slice %arg6[%dma_wait3A, %dma_wait3A_6] : memref<41x128xi32, #tpu.memory_space<vmem>> -> memref<1x128xi32, #tpu.memory_space<vmem>>
    %dma_wait3A_8 = tpu.memref_squeeze %dma_wait3A_7 : memref<1x128xi32, #tpu.memory_space<vmem>> -> memref<128xi32, #tpu.memory_space<vmem>>
    %dma_wait3A_9 = arith.constant 0 : i32
    %dma_wait3A_10 = arith.constant 0 : i32
    %dma_wait3A_11 = tpu.memref_slice %arg2[%dma_wait3A_9, %dma_wait3A_10] : memref<10240x128xf32, #tpu.memory_space<hbm>> -> memref<10240x128xf32, #tpu.memory_space<hbm>>
    tpu.wait_indirect_dma semaphore(%arg11 : memref<!tpu.dma_semaphore, #tpu.memory_space<semaphore_mem>>) src(%dma_wait3A_11 : memref<10240x128xf32, #tpu.memory_space<hbm>>) dst(%arg8 : memref<128x128xf32, #tpu.memory_space<vmem>>)
    %mul3A = arith.constant 640 : i32
    %mul3A_12 = arith.muli %arg1, %mul3A : i32
    %add3A = arith.constant 0 : i32
    %add3A_13 = arith.addi %mul3A_12, %add3A : i32
    "tpu.region"() ({
      %run_scoped3A = tpu.sem_alloc : memref<!tpu.dma_semaphore, #tpu.memory_space<semaphore_mem>>
      %dma_start3A_53 = arith.constant 0 : i32
      %dma_start3A_54 = tpu.memref_slice %arg10[%add3A_13, %dma_start3A_53] : memref<10240x128xf32, #tpu.memory_space<vmem_shared>> -> memref<128x128xf32, #tpu.memory_space<vmem_shared>>
      %dma_start3A_55 = arith.constant 0 : i32
      %dma_start3A_56 = tpu.memref_slice %arg10[%add3A_13, %dma_start3A_55] : memref<10240x128xf32, #tpu.memory_space<vmem_shared>> -> memref<128x128xf32, #tpu.memory_space<vmem_shared>>
      tpu.enqueue_dma source(%arg8 : memref<128x128xf32, #tpu.memory_space<vmem>>) target(%dma_start3A_56 : memref<128x128xf32, #tpu.memory_space<vmem_shared>>) target_semaphore(%run_scoped3A : memref<!tpu.dma_semaphore, #tpu.memory_space<semaphore_mem>>)
      %dma_wait3A_57 = arith.constant 0 : i32
      %dma_wait3A_58 = tpu.memref_slice %arg10[%add3A_13, %dma_wait3A_57] : memref<10240x128xf32, #tpu.memory_space<vmem_shared>> -> memref<128x128xf32, #tpu.memory_space<vmem_shared>>
      %dma_wait3A_59 = arith.constant 0 : i32
      %dma_wait3A_60 = tpu.memref_slice %arg10[%add3A_13, %dma_wait3A_59] : memref<10240x128xf32, #tpu.memory_space<vmem_shared>> -> memref<128x128xf32, #tpu.memory_space<vmem_shared>>
      tpu.wait_dma2 semaphore(%run_scoped3A : memref<!tpu.dma_semaphore, #tpu.memory_space<semaphore_mem>>) src(%arg8 : memref<128x128xf32, #tpu.memory_space<vmem>>) dst(%dma_wait3A_60 : memref<128x128xf32, #tpu.memory_space<vmem_shared>>)
      tpu.yield
    }) : () -> ()
    %mul3A_14 = arith.constant 640 : i32
    %mul3A_15 = arith.muli %arg1, %mul3A_14 : i32
    %add3A_16 = arith.constant 128 : i32
    %add3A_17 = arith.addi %mul3A_15, %add3A_16 : i32
    "tpu.region"() ({
      %run_scoped3A = tpu.sem_alloc : memref<!tpu.dma_semaphore, #tpu.memory_space<semaphore_mem>>
      %dma_start3A_53 = arith.constant 0 : i32
      %dma_start3A_54 = tpu.memref_slice %arg10[%add3A_17, %dma_start3A_53] : memref<10240x128xf32, #tpu.memory_space<vmem_shared>> -> memref<128x128xf32, #tpu.memory_space<vmem_shared>>
      %dma_start3A_55 = arith.constant 0 : i32
      %dma_start3A_56 = tpu.memref_slice %arg10[%add3A_17, %dma_start3A_55] : memref<10240x128xf32, #tpu.memory_space<vmem_shared>> -> memref<128x128xf32, #tpu.memory_space<vmem_shared>>
      tpu.enqueue_dma source(%arg8 : memref<128x128xf32, #tpu.memory_space<vmem>>) target(%dma_start3A_56 : memref<128x128xf32, #tpu.memory_space<vmem_shared>>) target_semaphore(%run_scoped3A : memref<!tpu.dma_semaphore, #tpu.memory_space<semaphore_mem>>)
      %dma_wait3A_57 = arith.constant 0 : i32
      %dma_wait3A_58 = tpu.memref_slice %arg10[%add3A_17, %dma_wait3A_57] : memref<10240x128xf32, #tpu.memory_space<vmem_shared>> -> memref<128x128xf32, #tpu.memory_space<vmem_shared>>
      %dma_wait3A_59 = arith.constant 0 : i32
      %dma_wait3A_60 = tpu.memref_slice %arg10[%add3A_17, %dma_wait3A_59] : memref<10240x128xf32, #tpu.memory_space<vmem_shared>> -> memref<128x128xf32, #tpu.memory_space<vmem_shared>>
      tpu.wait_dma2 semaphore(%run_scoped3A : memref<!tpu.dma_semaphore, #tpu.memory_space<semaphore_mem>>) src(%arg8 : memref<128x128xf32, #tpu.memory_space<vmem>>) dst(%dma_wait3A_60 : memref<128x128xf32, #tpu.memory_space<vmem_shared>>)
      tpu.yield
    }) : () -> ()
    %mul3A_18 = arith.constant 640 : i32
    %mul3A_19 = arith.muli %arg1, %mul3A_18 : i32
    %add3A_20 = arith.constant 256 : i32
    %add3A_21 = arith.addi %mul3A_19, %add3A_20 : i32
    "tpu.region"() ({
      %run_scoped3A = tpu.sem_alloc : memref<!tpu.dma_semaphore, #tpu.memory_space<semaphore_mem>>
      %dma_start3A_53 = arith.constant 0 : i32
      %dma_start3A_54 = tpu.memref_slice %arg10[%add3A_21, %dma_start3A_53] : memref<10240x128xf32, #tpu.memory_space<vmem_shared>> -> memref<128x128xf32, #tpu.memory_space<vmem_shared>>
      %dma_start3A_55 = arith.constant 0 : i32
      %dma_start3A_56 = tpu.memref_slice %arg10[%add3A_21, %dma_start3A_55] : memref<10240x128xf32, #tpu.memory_space<vmem_shared>> -> memref<128x128xf32, #tpu.memory_space<vmem_shared>>
      tpu.enqueue_dma source(%arg8 : memref<128x128xf32, #tpu.memory_space<vmem>>) target(%dma_start3A_56 : memref<128x128xf32, #tpu.memory_space<vmem_shared>>) target_semaphore(%run_scoped3A : memref<!tpu.dma_semaphore, #tpu.memory_space<semaphore_mem>>)
      %dma_wait3A_57 = arith.constant 0 : i32
      %dma_wait3A_58 = tpu.memref_slice %arg10[%add3A_21, %dma_wait3A_57] : memref<10240x128xf32, #tpu.memory_space<vmem_shared>> -> memref<128x128xf32, #tpu.memory_space<vmem_shared>>
      %dma_wait3A_59 = arith.constant 0 : i32
      %dma_wait3A_60 = tpu.memref_slice %arg10[%add3A_21, %dma_wait3A_59] : memref<10240x128xf32, #tpu.memory_space<vmem_shared>> -> memref<128x128xf32, #tpu.memory_space<vmem_shared>>
      tpu.wait_dma2 semaphore(%run_scoped3A : memref<!tpu.dma_semaphore, #tpu.memory_space<semaphore_mem>>) src(%arg8 : memref<128x128xf32, #tpu.memory_space<vmem>>) dst(%dma_wait3A_60 : memref<128x128xf32, #tpu.memory_space<vmem_shared>>)
      tpu.yield
    }) : () -> ()
    %mul3A_22 = arith.constant 640 : i32
    %mul3A_23 = arith.muli %arg1, %mul3A_22 : i32
    %add3A_24 = arith.constant 384 : i32
    %add3A_25 = arith.addi %mul3A_23, %add3A_24 : i32
    "tpu.region"() ({
      %run_scoped3A = tpu.sem_alloc : memref<!tpu.dma_semaphore, #tpu.memory_space<semaphore_mem>>
      %dma_start3A_53 = arith.constant 0 : i32
      %dma_start3A_54 = tpu.memref_slice %arg10[%add3A_25, %dma_start3A_53] : memref<10240x128xf32, #tpu.memory_space<vmem_shared>> -> memref<128x128xf32, #tpu.memory_space<vmem_shared>>
      %dma_start3A_55 = arith.constant 0 : i32
      %dma_start3A_56 = tpu.memref_slice %arg10[%add3A_25, %dma_start3A_55] : memref<10240x128xf32, #tpu.memory_space<vmem_shared>> -> memref<128x128xf32, #tpu.memory_space<vmem_shared>>
      tpu.enqueue_dma source(%arg8 : memref<128x128xf32, #tpu.memory_space<vmem>>) target(%dma_start3A_56 : memref<128x128xf32, #tpu.memory_space<vmem_shared>>) target_semaphore(%run_scoped3A : memref<!tpu.dma_semaphore, #tpu.memory_space<semaphore_mem>>)
      %dma_wait3A_57 = arith.constant 0 : i32
      %dma_wait3A_58 = tpu.memref_slice %arg10[%add3A_25, %dma_wait3A_57] : memref<10240x128xf32, #tpu.memory_space<vmem_shared>> -> memref<128x128xf32, #tpu.memory_space<vmem_shared>>
      %dma_wait3A_59 = arith.constant 0 : i32
      %dma_wait3A_60 = tpu.memref_slice %arg10[%add3A_25, %dma_wait3A_59] : memref<10240x128xf32, #tpu.memory_space<vmem_shared>> -> memref<128x128xf32, #tpu.memory_space<vmem_shared>>
      tpu.wait_dma2 semaphore(%run_scoped3A : memref<!tpu.dma_semaphore, #tpu.memory_space<semaphore_mem>>) src(%arg8 : memref<128x128xf32, #tpu.memory_space<vmem>>) dst(%dma_wait3A_60 : memref<128x128xf32, #tpu.memory_space<vmem_shared>>)
      tpu.yield
    }) : () -> ()
    %mul3A_26 = arith.constant 640 : i32
    %mul3A_27 = arith.muli %arg1, %mul3A_26 : i32
    %add3A_28 = arith.constant 512 : i32
    %add3A_29 = arith.addi %mul3A_27, %add3A_28 : i32
    "tpu.region"() ({
      %run_scoped3A = tpu.sem_alloc : memref<!tpu.dma_semaphore, #tpu.memory_space<semaphore_mem>>
      %dma_start3A_53 = arith.constant 0 : i32
      %dma_start3A_54 = tpu.memref_slice %arg10[%add3A_29, %dma_start3A_53] : memref<10240x128xf32, #tpu.memory_space<vmem_shared>> -> memref<128x128xf32, #tpu.memory_space<vmem_shared>>
      %dma_start3A_55 = arith.constant 0 : i32
      %dma_start3A_56 = tpu.memref_slice %arg10[%add3A_29, %dma_start3A_55] : memref<10240x128xf32, #tpu.memory_space<vmem_shared>> -> memref<128x128xf32, #tpu.memory_space<vmem_shared>>
      tpu.enqueue_dma source(%arg8 : memref<128x128xf32, #tpu.memory_space<vmem>>) target(%dma_start3A_56 : memref<128x128xf32, #tpu.memory_space<vmem_shared>>) target_semaphore(%run_scoped3A : memref<!tpu.dma_semaphore, #tpu.memory_space<semaphore_mem>>)
      %dma_wait3A_57 = arith.constant 0 : i32
      %dma_wait3A_58 = tpu.memref_slice %arg10[%add3A_29, %dma_wait3A_57] : memref<10240x128xf32, #tpu.memory_space<vmem_shared>> -> memref<128x128xf32, #tpu.memory_space<vmem_shared>>
      %dma_wait3A_59 = arith.constant 0 : i32
      %dma_wait3A_60 = tpu.memref_slice %arg10[%add3A_29, %dma_wait3A_59] : memref<10240x128xf32, #tpu.memory_space<vmem_shared>> -> memref<128x128xf32, #tpu.memory_space<vmem_shared>>
      tpu.wait_dma2 semaphore(%run_scoped3A : memref<!tpu.dma_semaphore, #tpu.memory_space<semaphore_mem>>) src(%arg8 : memref<128x128xf32, #tpu.memory_space<vmem>>) dst(%dma_wait3A_60 : memref<128x128xf32, #tpu.memory_space<vmem_shared>>)
      tpu.yield
    }) : () -> ()
    %barrier3A = arith.constant 0 : index
    tpu.barrier barrier_id(%barrier3A)
    %dma_start3A_30 = arith.constant 0 : i32
    %dma_start3A_31 = arith.constant 0 : i32
    %dma_start3A_32 = tpu.memref_slice %arg6[%dma_start3A_30, %dma_start3A_31] : memref<41x128xi32, #tpu.memory_space<vmem>> -> memref<1x128xi32, #tpu.memory_space<vmem>>
    %dma_start3A_33 = tpu.memref_squeeze %dma_start3A_32 : memref<1x128xi32, #tpu.memory_space<vmem>> -> memref<128xi32, #tpu.memory_space<vmem>>
    %dma_start3A_34 = arith.constant 0 : i32
    %dma_start3A_35 = arith.constant 0 : i32
    %dma_start3A_36 = tpu.memref_slice %arg2[%dma_start3A_34, %dma_start3A_35] : memref<10240x128xf32, #tpu.memory_space<hbm>> -> memref<10240x128xf32, #tpu.memory_space<hbm>>
    tpu.enqueue_indirect_dma source(%dma_start3A_36 : memref<10240x128xf32, #tpu.memory_space<hbm>>) target(%arg8 : memref<128x128xf32, #tpu.memory_space<vmem>>) offsets(%dma_start3A_33 : memref<128xi32, #tpu.memory_space<vmem>>) semaphore(%arg11 : memref<!tpu.dma_semaphore, #tpu.memory_space<semaphore_mem>>)
    %dma_start3A_37 = arith.constant 1 : i32
    %dma_start3A_38 = arith.constant 0 : i32
    %dma_start3A_39 = tpu.memref_slice %arg6[%dma_start3A_37, %dma_start3A_38] : memref<41x128xi32, #tpu.memory_space<vmem>> -> memref<1x128xi32, #tpu.memory_space<vmem>>
    %dma_start3A_40 = tpu.memref_squeeze %dma_start3A_39 : memref<1x128xi32, #tpu.memory_space<vmem>> -> memref<128xi32, #tpu.memory_space<vmem>>
    %dma_start3A_41 = arith.constant 0 : i32
    %dma_start3A_42 = arith.constant 0 : i32
    %dma_start3A_43 = tpu.memref_slice %arg2[%dma_start3A_41, %dma_start3A_42] : memref<10240x128xf32, #tpu.memory_space<hbm>> -> memref<10240x128xf32, #tpu.memory_space<hbm>>
    tpu.enqueue_indirect_dma source(%dma_start3A_43 : memref<10240x128xf32, #tpu.memory_space<hbm>>) target(%arg9 : memref<128x128xf32, #tpu.memory_space<vmem>>) offsets(%dma_start3A_40 : memref<128xi32, #tpu.memory_space<vmem>>) semaphore(%arg12 : memref<!tpu.dma_semaphore, #tpu.memory_space<semaphore_mem>>)
    %scan3A = arith.constant 0 : i32
    %scan3A_44 = arith.constant 0 : i32
    %scan3A_45 = arith.constant 20 : i32
    %scan3A_46 = arith.addi %scan3A_44, %scan3A_45 : i32
    %scan3A_47 = arith.constant 1 : i32
    %scan3A_48 = scf.for %scan3A_53 = %scan3A_44 to %scan3A_46 step %scan3A_47 iter_args(%scan3A_54 = %scan3A) -> (i32)  : i32 {
      %mul3A_55 = arith.constant 2 : i32
      %mul3A_56 = arith.muli %scan3A_53, %mul3A_55 : i32
      %add3A_57 = arith.constant 0 : i32
      %add3A_58 = arith.addi %mul3A_56, %add3A_57 : i32
      %dma_wait3A_59 = arith.constant 0 : i32
      %dma_wait3A_60 = tpu.memref_slice %arg6[%add3A_58, %dma_wait3A_59] : memref<41x128xi32, #tpu.memory_space<vmem>> -> memref<1x128xi32, #tpu.memory_space<vmem>>
      %dma_wait3A_61 = tpu.memref_squeeze %dma_wait3A_60 : memref<1x128xi32, #tpu.memory_space<vmem>> -> memref<128xi32, #tpu.memory_space<vmem>>
      %dma_wait3A_62 = arith.constant 0 : i32
      %dma_wait3A_63 = arith.constant 0 : i32
      %dma_wait3A_64 = tpu.memref_slice %arg2[%dma_wait3A_62, %dma_wait3A_63] : memref<10240x128xf32, #tpu.memory_space<hbm>> -> memref<10240x128xf32, #tpu.memory_space<hbm>>
      tpu.wait_indirect_dma semaphore(%arg11 : memref<!tpu.dma_semaphore, #tpu.memory_space<semaphore_mem>>) src(%dma_wait3A_64 : memref<10240x128xf32, #tpu.memory_space<hbm>>) dst(%arg8 : memref<128x128xf32, #tpu.memory_space<vmem>>)
      %dma_start3A_65 = arith.constant 0 : i32
      %dma_start3A_66 = tpu.memref_slice %arg7[%add3A_58, %dma_start3A_65] : memref<40x128xi32, #tpu.memory_space<vmem>> -> memref<1x128xi32, #tpu.memory_space<vmem>>
      %dma_start3A_67 = tpu.memref_squeeze %dma_start3A_66 : memref<1x128xi32, #tpu.memory_space<vmem>> -> memref<128xi32, #tpu.memory_space<vmem>>
      %dma_start3A_68 = arith.constant 0 : i32
      %dma_start3A_69 = arith.constant 0 : i32
      %dma_start3A_70 = tpu.memref_slice %arg10[%dma_start3A_68, %dma_start3A_69] : memref<10240x128xf32, #tpu.memory_space<vmem_shared>> -> memref<10240x128xf32, #tpu.memory_space<vmem_shared>>
      tpu.enqueue_indirect_dma source(%arg8 : memref<128x128xf32, #tpu.memory_space<vmem>>) target(%dma_start3A_70 : memref<10240x128xf32, #tpu.memory_space<vmem_shared>>) offsets(%dma_start3A_67 : memref<128xi32, #tpu.memory_space<vmem>>) semaphore(%arg13 : memref<!tpu.dma_semaphore, #tpu.memory_space<semaphore_mem>>) {add = true}
      %add3A_71 = arith.constant 1 : i32
      %add3A_72 = arith.addi %mul3A_56, %add3A_71 : i32
      %dma_wait3A_73 = arith.constant 0 : i32
      %dma_wait3A_74 = tpu.memref_slice %arg6[%add3A_72, %dma_wait3A_73] : memref<41x128xi32, #tpu.memory_space<vmem>> -> memref<1x128xi32, #tpu.memory_space<vmem>>
      %dma_wait3A_75 = tpu.memref_squeeze %dma_wait3A_74 : memref<1x128xi32, #tpu.memory_space<vmem>> -> memref<128xi32, #tpu.memory_space<vmem>>
      %dma_wait3A_76 = arith.constant 0 : i32
      %dma_wait3A_77 = arith.constant 0 : i32
      %dma_wait3A_78 = tpu.memref_slice %arg2[%dma_wait3A_76, %dma_wait3A_77] : memref<10240x128xf32, #tpu.memory_space<hbm>> -> memref<10240x128xf32, #tpu.memory_space<hbm>>
      tpu.wait_indirect_dma semaphore(%arg12 : memref<!tpu.dma_semaphore, #tpu.memory_space<semaphore_mem>>) src(%dma_wait3A_78 : memref<10240x128xf32, #tpu.memory_space<hbm>>) dst(%arg9 : memref<128x128xf32, #tpu.memory_space<vmem>>)
      %dma_start3A_79 = arith.constant 0 : i32
      %dma_start3A_80 = tpu.memref_slice %arg7[%add3A_72, %dma_start3A_79] : memref<40x128xi32, #tpu.memory_space<vmem>> -> memref<1x128xi32, #tpu.memory_space<vmem>>
      %dma_start3A_81 = tpu.memref_squeeze %dma_start3A_80 : memref<1x128xi32, #tpu.memory_space<vmem>> -> memref<128xi32, #tpu.memory_space<vmem>>
      %dma_start3A_82 = arith.constant 0 : i32
      %dma_start3A_83 = arith.constant 0 : i32
      %dma_start3A_84 = tpu.memref_slice %arg10[%dma_start3A_82, %dma_start3A_83] : memref<10240x128xf32, #tpu.memory_space<vmem_shared>> -> memref<10240x128xf32, #tpu.memory_space<vmem_shared>>
      tpu.enqueue_indirect_dma source(%arg9 : memref<128x128xf32, #tpu.memory_space<vmem>>) target(%dma_start3A_84 : memref<10240x128xf32, #tpu.memory_space<vmem_shared>>) offsets(%dma_start3A_81 : memref<128xi32, #tpu.memory_space<vmem>>) semaphore(%arg14 : memref<!tpu.dma_semaphore, #tpu.memory_space<semaphore_mem>>) {add = true}
      %add3A_85 = arith.constant 0 : i32
      %add3A_86 = arith.addi %mul3A_56, %add3A_85 : i32
      %dma_wait3A_87 = arith.constant 0 : i32
      %dma_wait3A_88 = tpu.memref_slice %arg7[%add3A_86, %dma_wait3A_87] : memref<40x128xi32, #tpu.memory_space<vmem>> -> memref<1x128xi32, #tpu.memory_space<vmem>>
      %dma_wait3A_89 = tpu.memref_squeeze %dma_wait3A_88 : memref<1x128xi32, #tpu.memory_space<vmem>> -> memref<128xi32, #tpu.memory_space<vmem>>
      %dma_wait3A_90 = arith.constant 0 : i32
      %dma_wait3A_91 = arith.constant 0 : i32
      %dma_wait3A_92 = tpu.memref_slice %arg10[%dma_wait3A_90, %dma_wait3A_91] : memref<10240x128xf32, #tpu.memory_space<vmem_shared>> -> memref<10240x128xf32, #tpu.memory_space<vmem_shared>>
      tpu.wait_indirect_dma semaphore(%arg13 : memref<!tpu.dma_semaphore, #tpu.memory_space<semaphore_mem>>) src(%arg8 : memref<128x128xf32, #tpu.memory_space<vmem>>) dst(%dma_wait3A_92 : memref<10240x128xf32, #tpu.memory_space<vmem_shared>>)
      %add3A_93 = arith.constant 2 : i32
      %add3A_94 = arith.addi %add3A_86, %add3A_93 : i32
      %lt3A = arith.constant 40 : i32
      %lt3A_95 = arith.cmpi slt, %add3A_94, %lt3A : i32
      %convert_element_type3A = arith.extui %lt3A_95 : i1 to i32
      %cond3A = arith.constant 0 : i32
      %cond3A_96 = arith.cmpi ne, %convert_element_type3A, %cond3A : i32
      scf.if %cond3A_96 {
        %add3A_113 = arith.constant 2 : i32
        %add3A_114 = arith.addi %add3A_86, %add3A_113 : i32
        %dma_start3A_115 = arith.constant 0 : i32
        %dma_start3A_116 = tpu.memref_slice %arg6[%add3A_114, %dma_start3A_115] : memref<41x128xi32, #tpu.memory_space<vmem>> -> memref<1x128xi32, #tpu.memory_space<vmem>>
        %dma_start3A_117 = tpu.memref_squeeze %dma_start3A_116 : memref<1x128xi32, #tpu.memory_space<vmem>> -> memref<128xi32, #tpu.memory_space<vmem>>
        %dma_start3A_118 = arith.constant 0 : i32
        %dma_start3A_119 = arith.constant 0 : i32
        %dma_start3A_120 = tpu.memref_slice %arg2[%dma_start3A_118, %dma_start3A_119] : memref<10240x128xf32, #tpu.memory_space<hbm>> -> memref<10240x128xf32, #tpu.memory_space<hbm>>
        tpu.enqueue_indirect_dma source(%dma_start3A_120 : memref<10240x128xf32, #tpu.memory_space<hbm>>) target(%arg8 : memref<128x128xf32, #tpu.memory_space<vmem>>) offsets(%dma_start3A_117 : memref<128xi32, #tpu.memory_space<vmem>>) semaphore(%arg11 : memref<!tpu.dma_semaphore, #tpu.memory_space<semaphore_mem>>)
      } else {
      }
      %add3A_97 = arith.constant 1 : i32
      %add3A_98 = arith.addi %mul3A_56, %add3A_97 : i32
      %dma_wait3A_99 = arith.constant 0 : i32
      %dma_wait3A_100 = tpu.memref_slice %arg7[%add3A_98, %dma_wait3A_99] : memref<40x128xi32, #tpu.memory_space<vmem>> -> memref<1x128xi32, #tpu.memory_space<vmem>>
      %dma_wait3A_101 = tpu.memref_squeeze %dma_wait3A_100 : memref<1x128xi32, #tpu.memory_space<vmem>> -> memref<128xi32, #tpu.memory_space<vmem>>
      %dma_wait3A_102 = arith.constant 0 : i32
      %dma_wait3A_103 = arith.constant 0 : i32
      %dma_wait3A_104 = tpu.memref_slice %arg10[%dma_wait3A_102, %dma_wait3A_103] : memref<10240x128xf32, #tpu.memory_space<vmem_shared>> -> memref<10240x128xf32, #tpu.memory_space<vmem_shared>>
      tpu.wait_indirect_dma semaphore(%arg14 : memref<!tpu.dma_semaphore, #tpu.memory_space<semaphore_mem>>) src(%arg9 : memref<128x128xf32, #tpu.memory_space<vmem>>) dst(%dma_wait3A_104 : memref<10240x128xf32, #tpu.memory_space<vmem_shared>>)
      %add3A_105 = arith.constant 2 : i32
      %add3A_106 = arith.addi %add3A_98, %add3A_105 : i32
      %lt3A_107 = arith.constant 40 : i32
      %lt3A_108 = arith.cmpi slt, %add3A_106, %lt3A_107 : i32
      %convert_element_type3A_109 = arith.extui %lt3A_108 : i1 to i32
      %cond3A_110 = arith.constant 0 : i32
      %cond3A_111 = arith.cmpi ne, %convert_element_type3A_109, %cond3A_110 : i32
      scf.if %cond3A_111 {
        %add3A_113 = arith.constant 2 : i32
        %add3A_114 = arith.addi %add3A_98, %add3A_113 : i32
        %dma_start3A_115 = arith.constant 0 : i32
        %dma_start3A_116 = tpu.memref_slice %arg6[%add3A_114, %dma_start3A_115] : memref<41x128xi32, #tpu.memory_space<vmem>> -> memref<1x128xi32, #tpu.memory_space<vmem>>
        %dma_start3A_117 = tpu.memref_squeeze %dma_start3A_116 : memref<1x128xi32, #tpu.memory_space<vmem>> -> memref<128xi32, #tpu.memory_space<vmem>>
        %dma_start3A_118 = arith.constant 0 : i32
        %dma_start3A_119 = arith.constant 0 : i32
        %dma_start3A_120 = tpu.memref_slice %arg2[%dma_start3A_118, %dma_start3A_119] : memref<10240x128xf32, #tpu.memory_space<hbm>> -> memref<10240x128xf32, #tpu.memory_space<hbm>>
        tpu.enqueue_indirect_dma source(%dma_start3A_120 : memref<10240x128xf32, #tpu.memory_space<hbm>>) target(%arg9 : memref<128x128xf32, #tpu.memory_space<vmem>>) offsets(%dma_start3A_117 : memref<128xi32, #tpu.memory_space<vmem>>) semaphore(%arg12 : memref<!tpu.dma_semaphore, #tpu.memory_space<semaphore_mem>>)
      } else {
      }
      %scan3A_112 = arith.constant 0 : i32
      scf.yield %scan3A_112 : i32
    }
    %scan3A_49 = arith.constant 20 : i32
    %barrier3A_50 = arith.constant 0 : index
    tpu.barrier barrier_id(%barrier3A_50)
    %mul3A_51 = arith.constant 640 : i32
    %mul3A_52 = arith.muli %arg1, %mul3A_51 : i32
    "tpu.region"() ({
      %run_scoped3A = tpu.sem_alloc : memref<!tpu.dma_semaphore, #tpu.memory_space<semaphore_mem>>
      %dma_start3A_53 = arith.constant 0 : i32
      %dma_start3A_54 = tpu.memref_slice %arg5[%arg0, %mul3A_52, %dma_start3A_53] : memref<2x10240x128xf32, #tpu.memory_space<hbm>> -> memref<1x640x128xf32, #tpu.memory_space<hbm>>
      %dma_start3A_55 = tpu.memref_squeeze %dma_start3A_54 : memref<1x640x128xf32, #tpu.memory_space<hbm>> -> memref<640x128xf32, #tpu.memory_space<hbm>>
      %dma_start3A_56 = arith.constant 0 : i32
      %dma_start3A_57 = tpu.memref_slice %arg10[%mul3A_52, %dma_start3A_56] : memref<10240x128xf32, #tpu.memory_space<vmem_shared>> -> memref<640x128xf32, #tpu.memory_space<vmem_shared>>
      tpu.enqueue_dma source(%dma_start3A_57 : memref<640x128xf32, #tpu.memory_space<vmem_shared>>) target(%dma_start3A_55 : memref<640x128xf32, #tpu.memory_space<hbm>>) target_semaphore(%run_scoped3A : memref<!tpu.dma_semaphore, #tpu.memory_space<semaphore_mem>>)
      %dma_wait3A_58 = arith.constant 0 : i32
      %dma_wait3A_59 = tpu.memref_slice %arg5[%arg0, %mul3A_52, %dma_wait3A_58] : memref<2x10240x128xf32, #tpu.memory_space<hbm>> -> memref<1x640x128xf32, #tpu.memory_space<hbm>>
      %dma_wait3A_60 = tpu.memref_squeeze %dma_wait3A_59 : memref<1x640x128xf32, #tpu.memory_space<hbm>> -> memref<640x128xf32, #tpu.memory_space<hbm>>
      %dma_wait3A_61 = arith.constant 0 : i32
      %dma_wait3A_62 = tpu.memref_slice %arg10[%mul3A_52, %dma_wait3A_61] : memref<10240x128xf32, #tpu.memory_space<vmem_shared>> -> memref<640x128xf32, #tpu.memory_space<vmem_shared>>
      tpu.wait_dma2 semaphore(%run_scoped3A : memref<!tpu.dma_semaphore, #tpu.memory_space<semaphore_mem>>) src(%dma_wait3A_62 : memref<640x128xf32, #tpu.memory_space<vmem_shared>>) dst(%dma_wait3A_60 : memref<640x128xf32, #tpu.memory_space<hbm>>)
      tpu.yield
    }) : () -> ()
    return
  }
}

#map = affine_map<(d0, d1) -> (0, 0)>
#map1 = affine_map<(d0, d1) -> (0, 0, 0, 0)>
#map2 = affine_map<(d0, d1) -> (0, 0, 0)>
module attributes {stable_mosaic.version = 14 : i64} {
  func.func @sc_prop(%arg0: i32, %arg1: i32, %arg2: memref<10240x128xf32, #tpu.memory_space<hbm>>, %arg3: memref<2x16x41x128xi32, #tpu.memory_space<hbm>>, %arg4: memref<2x16x40x128xi32, #tpu.memory_space<hbm>>, %arg5: memref<2x10240x128xf32, #tpu.memory_space<hbm>>, %arg6: memref<41x128xi32, #tpu.memory_space<vmem>>, %arg7: memref<40x128xi32, #tpu.memory_space<vmem>>, %arg8: memref<128x128xf32, #tpu.memory_space<vmem>>, %arg9: memref<128x128xf32, #tpu.memory_space<vmem>>, %arg10: memref<10240x128xf32, #tpu.memory_space<vmem_shared>>, %arg11: memref<!tpu.dma_semaphore, #tpu.memory_space<semaphore_mem>>, %arg12: memref<!tpu.dma_semaphore, #tpu.memory_space<semaphore_mem>>, %arg13: memref<!tpu.dma_semaphore, #tpu.memory_space<semaphore_mem>>, %arg14: memref<!tpu.dma_semaphore, #tpu.memory_space<semaphore_mem>>) attributes {dimension_semantics = [#tpu.dimension_semantics<core_parallel>, #tpu.dimension_semantics<subcore_parallel>], iteration_bounds = array<i64: 2, 16>, scalar_prefetch = 0 : i64, scratch_operands = 9 : i64, tpu.core_type = #tpu.core_type<sc_vector_subcore>, window_params = [{transform_indices = #map}, {transform_indices = #map1}, {transform_indices = #map1}, {transform_indices = #map2}]} {
    "tpu.region"() ({
      %run_scoped3A = tpu.sem_alloc : memref<!tpu.dma_semaphore, #tpu.memory_space<semaphore_mem>>
      %dma_start3A_53 = arith.constant 0 : i32
      %dma_start3A_54 = arith.constant 0 : i32
      %dma_start3A_55 = tpu.memref_slice %arg3[%arg0, %arg1, %dma_start3A_53, %dma_start3A_54] : memref<2x16x41x128xi32, #tpu.memory_space<hbm>> -> memref<1x1x41x128xi32, #tpu.memory_space<hbm>>
      %dma_start3A_56 = tpu.memref_squeeze %dma_start3A_55 : memref<1x1x41x128xi32, #tpu.memory_space<hbm>> -> memref<41x128xi32, #tpu.memory_space<hbm>>
      %dma_start3A_57 = arith.constant 0 : i32
      %dma_start3A_58 = arith.constant 0 : i32
      %dma_start3A_59 = tpu.memref_slice %arg3[%arg0, %arg1, %dma_start3A_57, %dma_start3A_58] : memref<2x16x41x128xi32, #tpu.memory_space<hbm>> -> memref<1x1x41x128xi32, #tpu.memory_space<hbm>>
      %dma_start3A_60 = tpu.memref_squeeze %dma_start3A_59 : memref<1x1x41x128xi32, #tpu.memory_space<hbm>> -> memref<41x128xi32, #tpu.memory_space<hbm>>
      tpu.enqueue_dma source(%dma_start3A_60 : memref<41x128xi32, #tpu.memory_space<hbm>>) target(%arg6 : memref<41x128xi32, #tpu.memory_space<vmem>>) target_semaphore(%run_scoped3A : memref<!tpu.dma_semaphore, #tpu.memory_space<semaphore_mem>>)
      %dma_wait3A_61 = arith.constant 0 : i32
      %dma_wait3A_62 = arith.constant 0 : i32
      %dma_wait3A_63 = tpu.memref_slice %arg3[%arg0, %arg1, %dma_wait3A_61, %dma_wait3A_62] : memref<2x16x41x128xi32, #tpu.memory_space<hbm>> -> memref<1x1x41x128xi32, #tpu.memory_space<hbm>>
      %dma_wait3A_64 = tpu.memref_squeeze %dma_wait3A_63 : memref<1x1x41x128xi32, #tpu.memory_space<hbm>> -> memref<41x128xi32, #tpu.memory_space<hbm>>
      %dma_wait3A_65 = arith.constant 0 : i32
      %dma_wait3A_66 = arith.constant 0 : i32
      %dma_wait3A_67 = tpu.memref_slice %arg3[%arg0, %arg1, %dma_wait3A_65, %dma_wait3A_66] : memref<2x16x41x128xi32, #tpu.memory_space<hbm>> -> memref<1x1x41x128xi32, #tpu.memory_space<hbm>>
      %dma_wait3A_68 = tpu.memref_squeeze %dma_wait3A_67 : memref<1x1x41x128xi32, #tpu.memory_space<hbm>> -> memref<41x128xi32, #tpu.memory_space<hbm>>
      tpu.wait_dma2 semaphore(%run_scoped3A : memref<!tpu.dma_semaphore, #tpu.memory_space<semaphore_mem>>) src(%dma_wait3A_68 : memref<41x128xi32, #tpu.memory_space<hbm>>) dst(%arg6 : memref<41x128xi32, #tpu.memory_space<vmem>>)
      tpu.yield
    }) : () -> ()
    "tpu.region"() ({
      %run_scoped3A = tpu.sem_alloc : memref<!tpu.dma_semaphore, #tpu.memory_space<semaphore_mem>>
      %dma_start3A_53 = arith.constant 0 : i32
      %dma_start3A_54 = arith.constant 0 : i32
      %dma_start3A_55 = tpu.memref_slice %arg4[%arg0, %arg1, %dma_start3A_53, %dma_start3A_54] : memref<2x16x40x128xi32, #tpu.memory_space<hbm>> -> memref<1x1x40x128xi32, #tpu.memory_space<hbm>>
      %dma_start3A_56 = tpu.memref_squeeze %dma_start3A_55 : memref<1x1x40x128xi32, #tpu.memory_space<hbm>> -> memref<40x128xi32, #tpu.memory_space<hbm>>
      %dma_start3A_57 = arith.constant 0 : i32
      %dma_start3A_58 = arith.constant 0 : i32
      %dma_start3A_59 = tpu.memref_slice %arg4[%arg0, %arg1, %dma_start3A_57, %dma_start3A_58] : memref<2x16x40x128xi32, #tpu.memory_space<hbm>> -> memref<1x1x40x128xi32, #tpu.memory_space<hbm>>
      %dma_start3A_60 = tpu.memref_squeeze %dma_start3A_59 : memref<1x1x40x128xi32, #tpu.memory_space<hbm>> -> memref<40x128xi32, #tpu.memory_space<hbm>>
      tpu.enqueue_dma source(%dma_start3A_60 : memref<40x128xi32, #tpu.memory_space<hbm>>) target(%arg7 : memref<40x128xi32, #tpu.memory_space<vmem>>) target_semaphore(%run_scoped3A : memref<!tpu.dma_semaphore, #tpu.memory_space<semaphore_mem>>)
      %dma_wait3A_61 = arith.constant 0 : i32
      %dma_wait3A_62 = arith.constant 0 : i32
      %dma_wait3A_63 = tpu.memref_slice %arg4[%arg0, %arg1, %dma_wait3A_61, %dma_wait3A_62] : memref<2x16x40x128xi32, #tpu.memory_space<hbm>> -> memref<1x1x40x128xi32, #tpu.memory_space<hbm>>
      %dma_wait3A_64 = tpu.memref_squeeze %dma_wait3A_63 : memref<1x1x40x128xi32, #tpu.memory_space<hbm>> -> memref<40x128xi32, #tpu.memory_space<hbm>>
      %dma_wait3A_65 = arith.constant 0 : i32
      %dma_wait3A_66 = arith.constant 0 : i32
      %dma_wait3A_67 = tpu.memref_slice %arg4[%arg0, %arg1, %dma_wait3A_65, %dma_wait3A_66] : memref<2x16x40x128xi32, #tpu.memory_space<hbm>> -> memref<1x1x40x128xi32, #tpu.memory_space<hbm>>
      %dma_wait3A_68 = tpu.memref_squeeze %dma_wait3A_67 : memref<1x1x40x128xi32, #tpu.memory_space<hbm>> -> memref<40x128xi32, #tpu.memory_space<hbm>>
      tpu.wait_dma2 semaphore(%run_scoped3A : memref<!tpu.dma_semaphore, #tpu.memory_space<semaphore_mem>>) src(%dma_wait3A_68 : memref<40x128xi32, #tpu.memory_space<hbm>>) dst(%arg7 : memref<40x128xi32, #tpu.memory_space<vmem>>)
      tpu.yield
    }) : () -> ()
    %dma_start3A = arith.constant 40 : i32
    %dma_start3A_0 = arith.constant 0 : i32
    %dma_start3A_1 = tpu.memref_slice %arg6[%dma_start3A, %dma_start3A_0] : memref<41x128xi32, #tpu.memory_space<vmem>> -> memref<1x128xi32, #tpu.memory_space<vmem>>
    %dma_start3A_2 = tpu.memref_squeeze %dma_start3A_1 : memref<1x128xi32, #tpu.memory_space<vmem>> -> memref<128xi32, #tpu.memory_space<vmem>>
    %dma_start3A_3 = arith.constant 0 : i32
    %dma_start3A_4 = arith.constant 0 : i32
    %dma_start3A_5 = tpu.memref_slice %arg2[%dma_start3A_3, %dma_start3A_4] : memref<10240x128xf32, #tpu.memory_space<hbm>> -> memref<10240x128xf32, #tpu.memory_space<hbm>>
    tpu.enqueue_indirect_dma source(%dma_start3A_5 : memref<10240x128xf32, #tpu.memory_space<hbm>>) target(%arg8 : memref<128x128xf32, #tpu.memory_space<vmem>>) offsets(%dma_start3A_2 : memref<128xi32, #tpu.memory_space<vmem>>) semaphore(%arg11 : memref<!tpu.dma_semaphore, #tpu.memory_space<semaphore_mem>>)
    %dma_wait3A = arith.constant 40 : i32
    %dma_wait3A_6 = arith.constant 0 : i32
    %dma_wait3A_7 = tpu.memref_slice %arg6[%dma_wait3A, %dma_wait3A_6] : memref<41x128xi32, #tpu.memory_space<vmem>> -> memref<1x128xi32, #tpu.memory_space<vmem>>
    %dma_wait3A_8 = tpu.memref_squeeze %dma_wait3A_7 : memref<1x128xi32, #tpu.memory_space<vmem>> -> memref<128xi32, #tpu.memory_space<vmem>>
    %dma_wait3A_9 = arith.constant 0 : i32
    %dma_wait3A_10 = arith.constant 0 : i32
    %dma_wait3A_11 = tpu.memref_slice %arg2[%dma_wait3A_9, %dma_wait3A_10] : memref<10240x128xf32, #tpu.memory_space<hbm>> -> memref<10240x128xf32, #tpu.memory_space<hbm>>
    tpu.wait_indirect_dma semaphore(%arg11 : memref<!tpu.dma_semaphore, #tpu.memory_space<semaphore_mem>>) src(%dma_wait3A_11 : memref<10240x128xf32, #tpu.memory_space<hbm>>) dst(%arg8 : memref<128x128xf32, #tpu.memory_space<vmem>>)
    %mul3A = arith.constant 640 : i32
    %mul3A_12 = arith.muli %arg1, %mul3A : i32
    %add3A = arith.constant 0 : i32
    %add3A_13 = arith.addi %mul3A_12, %add3A : i32
    "tpu.region"() ({
      %run_scoped3A = tpu.sem_alloc : memref<!tpu.dma_semaphore, #tpu.memory_space<semaphore_mem>>
      %dma_start3A_53 = arith.constant 0 : i32
      %dma_start3A_54 = tpu.memref_slice %arg10[%add3A_13, %dma_start3A_53] : memref<10240x128xf32, #tpu.memory_space<vmem_shared>> -> memref<128x128xf32, #tpu.memory_space<vmem_shared>>
      %dma_start3A_55 = arith.constant 0 : i32
      %dma_start3A_56 = tpu.memref_slice %arg10[%add3A_13, %dma_start3A_55] : memref<10240x128xf32, #tpu.memory_space<vmem_shared>> -> memref<128x128xf32, #tpu.memory_space<vmem_shared>>
      tpu.enqueue_dma source(%arg8 : memref<128x128xf32, #tpu.memory_space<vmem>>) target(%dma_start3A_56 : memref<128x128xf32, #tpu.memory_space<vmem_shared>>) target_semaphore(%run_scoped3A : memref<!tpu.dma_semaphore, #tpu.memory_space<semaphore_mem>>)
      %dma_wait3A_57 = arith.constant 0 : i32
      %dma_wait3A_58 = tpu.memref_slice %arg10[%add3A_13, %dma_wait3A_57] : memref<10240x128xf32, #tpu.memory_space<vmem_shared>> -> memref<128x128xf32, #tpu.memory_space<vmem_shared>>
      %dma_wait3A_59 = arith.constant 0 : i32
      %dma_wait3A_60 = tpu.memref_slice %arg10[%add3A_13, %dma_wait3A_59] : memref<10240x128xf32, #tpu.memory_space<vmem_shared>> -> memref<128x128xf32, #tpu.memory_space<vmem_shared>>
      tpu.wait_dma2 semaphore(%run_scoped3A : memref<!tpu.dma_semaphore, #tpu.memory_space<semaphore_mem>>) src(%arg8 : memref<128x128xf32, #tpu.memory_space<vmem>>) dst(%dma_wait3A_60 : memref<128x128xf32, #tpu.memory_space<vmem_shared>>)
      tpu.yield
    }) : () -> ()
    %mul3A_14 = arith.constant 640 : i32
    %mul3A_15 = arith.muli %arg1, %mul3A_14 : i32
    %add3A_16 = arith.constant 128 : i32
    %add3A_17 = arith.addi %mul3A_15, %add3A_16 : i32
    "tpu.region"() ({
      %run_scoped3A = tpu.sem_alloc : memref<!tpu.dma_semaphore, #tpu.memory_space<semaphore_mem>>
      %dma_start3A_53 = arith.constant 0 : i32
      %dma_start3A_54 = tpu.memref_slice %arg10[%add3A_17, %dma_start3A_53] : memref<10240x128xf32, #tpu.memory_space<vmem_shared>> -> memref<128x128xf32, #tpu.memory_space<vmem_shared>>
      %dma_start3A_55 = arith.constant 0 : i32
      %dma_start3A_56 = tpu.memref_slice %arg10[%add3A_17, %dma_start3A_55] : memref<10240x128xf32, #tpu.memory_space<vmem_shared>> -> memref<128x128xf32, #tpu.memory_space<vmem_shared>>
      tpu.enqueue_dma source(%arg8 : memref<128x128xf32, #tpu.memory_space<vmem>>) target(%dma_start3A_56 : memref<128x128xf32, #tpu.memory_space<vmem_shared>>) target_semaphore(%run_scoped3A : memref<!tpu.dma_semaphore, #tpu.memory_space<semaphore_mem>>)
      %dma_wait3A_57 = arith.constant 0 : i32
      %dma_wait3A_58 = tpu.memref_slice %arg10[%add3A_17, %dma_wait3A_57] : memref<10240x128xf32, #tpu.memory_space<vmem_shared>> -> memref<128x128xf32, #tpu.memory_space<vmem_shared>>
      %dma_wait3A_59 = arith.constant 0 : i32
      %dma_wait3A_60 = tpu.memref_slice %arg10[%add3A_17, %dma_wait3A_59] : memref<10240x128xf32, #tpu.memory_space<vmem_shared>> -> memref<128x128xf32, #tpu.memory_space<vmem_shared>>
      tpu.wait_dma2 semaphore(%run_scoped3A : memref<!tpu.dma_semaphore, #tpu.memory_space<semaphore_mem>>) src(%arg8 : memref<128x128xf32, #tpu.memory_space<vmem>>) dst(%dma_wait3A_60 : memref<128x128xf32, #tpu.memory_space<vmem_shared>>)
      tpu.yield
    }) : () -> ()
    %mul3A_18 = arith.constant 640 : i32
    %mul3A_19 = arith.muli %arg1, %mul3A_18 : i32
    %add3A_20 = arith.constant 256 : i32
    %add3A_21 = arith.addi %mul3A_19, %add3A_20 : i32
    "tpu.region"() ({
      %run_scoped3A = tpu.sem_alloc : memref<!tpu.dma_semaphore, #tpu.memory_space<semaphore_mem>>
      %dma_start3A_53 = arith.constant 0 : i32
      %dma_start3A_54 = tpu.memref_slice %arg10[%add3A_21, %dma_start3A_53] : memref<10240x128xf32, #tpu.memory_space<vmem_shared>> -> memref<128x128xf32, #tpu.memory_space<vmem_shared>>
      %dma_start3A_55 = arith.constant 0 : i32
      %dma_start3A_56 = tpu.memref_slice %arg10[%add3A_21, %dma_start3A_55] : memref<10240x128xf32, #tpu.memory_space<vmem_shared>> -> memref<128x128xf32, #tpu.memory_space<vmem_shared>>
      tpu.enqueue_dma source(%arg8 : memref<128x128xf32, #tpu.memory_space<vmem>>) target(%dma_start3A_56 : memref<128x128xf32, #tpu.memory_space<vmem_shared>>) target_semaphore(%run_scoped3A : memref<!tpu.dma_semaphore, #tpu.memory_space<semaphore_mem>>)
      %dma_wait3A_57 = arith.constant 0 : i32
      %dma_wait3A_58 = tpu.memref_slice %arg10[%add3A_21, %dma_wait3A_57] : memref<10240x128xf32, #tpu.memory_space<vmem_shared>> -> memref<128x128xf32, #tpu.memory_space<vmem_shared>>
      %dma_wait3A_59 = arith.constant 0 : i32
      %dma_wait3A_60 = tpu.memref_slice %arg10[%add3A_21, %dma_wait3A_59] : memref<10240x128xf32, #tpu.memory_space<vmem_shared>> -> memref<128x128xf32, #tpu.memory_space<vmem_shared>>
      tpu.wait_dma2 semaphore(%run_scoped3A : memref<!tpu.dma_semaphore, #tpu.memory_space<semaphore_mem>>) src(%arg8 : memref<128x128xf32, #tpu.memory_space<vmem>>) dst(%dma_wait3A_60 : memref<128x128xf32, #tpu.memory_space<vmem_shared>>)
      tpu.yield
    }) : () -> ()
    %mul3A_22 = arith.constant 640 : i32
    %mul3A_23 = arith.muli %arg1, %mul3A_22 : i32
    %add3A_24 = arith.constant 384 : i32
    %add3A_25 = arith.addi %mul3A_23, %add3A_24 : i32
    "tpu.region"() ({
      %run_scoped3A = tpu.sem_alloc : memref<!tpu.dma_semaphore, #tpu.memory_space<semaphore_mem>>
      %dma_start3A_53 = arith.constant 0 : i32
      %dma_start3A_54 = tpu.memref_slice %arg10[%add3A_25, %dma_start3A_53] : memref<10240x128xf32, #tpu.memory_space<vmem_shared>> -> memref<128x128xf32, #tpu.memory_space<vmem_shared>>
      %dma_start3A_55 = arith.constant 0 : i32
      %dma_start3A_56 = tpu.memref_slice %arg10[%add3A_25, %dma_start3A_55] : memref<10240x128xf32, #tpu.memory_space<vmem_shared>> -> memref<128x128xf32, #tpu.memory_space<vmem_shared>>
      tpu.enqueue_dma source(%arg8 : memref<128x128xf32, #tpu.memory_space<vmem>>) target(%dma_start3A_56 : memref<128x128xf32, #tpu.memory_space<vmem_shared>>) target_semaphore(%run_scoped3A : memref<!tpu.dma_semaphore, #tpu.memory_space<semaphore_mem>>)
      %dma_wait3A_57 = arith.constant 0 : i32
      %dma_wait3A_58 = tpu.memref_slice %arg10[%add3A_25, %dma_wait3A_57] : memref<10240x128xf32, #tpu.memory_space<vmem_shared>> -> memref<128x128xf32, #tpu.memory_space<vmem_shared>>
      %dma_wait3A_59 = arith.constant 0 : i32
      %dma_wait3A_60 = tpu.memref_slice %arg10[%add3A_25, %dma_wait3A_59] : memref<10240x128xf32, #tpu.memory_space<vmem_shared>> -> memref<128x128xf32, #tpu.memory_space<vmem_shared>>
      tpu.wait_dma2 semaphore(%run_scoped3A : memref<!tpu.dma_semaphore, #tpu.memory_space<semaphore_mem>>) src(%arg8 : memref<128x128xf32, #tpu.memory_space<vmem>>) dst(%dma_wait3A_60 : memref<128x128xf32, #tpu.memory_space<vmem_shared>>)
      tpu.yield
    }) : () -> ()
    %mul3A_26 = arith.constant 640 : i32
    %mul3A_27 = arith.muli %arg1, %mul3A_26 : i32
    %add3A_28 = arith.constant 512 : i32
    %add3A_29 = arith.addi %mul3A_27, %add3A_28 : i32
    "tpu.region"() ({
      %run_scoped3A = tpu.sem_alloc : memref<!tpu.dma_semaphore, #tpu.memory_space<semaphore_mem>>
      %dma_start3A_53 = arith.constant 0 : i32
      %dma_start3A_54 = tpu.memref_slice %arg10[%add3A_29, %dma_start3A_53] : memref<10240x128xf32, #tpu.memory_space<vmem_shared>> -> memref<128x128xf32, #tpu.memory_space<vmem_shared>>
      %dma_start3A_55 = arith.constant 0 : i32
      %dma_start3A_56 = tpu.memref_slice %arg10[%add3A_29, %dma_start3A_55] : memref<10240x128xf32, #tpu.memory_space<vmem_shared>> -> memref<128x128xf32, #tpu.memory_space<vmem_shared>>
      tpu.enqueue_dma source(%arg8 : memref<128x128xf32, #tpu.memory_space<vmem>>) target(%dma_start3A_56 : memref<128x128xf32, #tpu.memory_space<vmem_shared>>) target_semaphore(%run_scoped3A : memref<!tpu.dma_semaphore, #tpu.memory_space<semaphore_mem>>)
      %dma_wait3A_57 = arith.constant 0 : i32
      %dma_wait3A_58 = tpu.memref_slice %arg10[%add3A_29, %dma_wait3A_57] : memref<10240x128xf32, #tpu.memory_space<vmem_shared>> -> memref<128x128xf32, #tpu.memory_space<vmem_shared>>
      %dma_wait3A_59 = arith.constant 0 : i32
      %dma_wait3A_60 = tpu.memref_slice %arg10[%add3A_29, %dma_wait3A_59] : memref<10240x128xf32, #tpu.memory_space<vmem_shared>> -> memref<128x128xf32, #tpu.memory_space<vmem_shared>>
      tpu.wait_dma2 semaphore(%run_scoped3A : memref<!tpu.dma_semaphore, #tpu.memory_space<semaphore_mem>>) src(%arg8 : memref<128x128xf32, #tpu.memory_space<vmem>>) dst(%dma_wait3A_60 : memref<128x128xf32, #tpu.memory_space<vmem_shared>>)
      tpu.yield
    }) : () -> ()
    %barrier3A = arith.constant 0 : index
    tpu.barrier barrier_id(%barrier3A)
    %dma_start3A_30 = arith.constant 0 : i32
    %dma_start3A_31 = arith.constant 0 : i32
    %dma_start3A_32 = tpu.memref_slice %arg6[%dma_start3A_30, %dma_start3A_31] : memref<41x128xi32, #tpu.memory_space<vmem>> -> memref<1x128xi32, #tpu.memory_space<vmem>>
    %dma_start3A_33 = tpu.memref_squeeze %dma_start3A_32 : memref<1x128xi32, #tpu.memory_space<vmem>> -> memref<128xi32, #tpu.memory_space<vmem>>
    %dma_start3A_34 = arith.constant 0 : i32
    %dma_start3A_35 = arith.constant 0 : i32
    %dma_start3A_36 = tpu.memref_slice %arg2[%dma_start3A_34, %dma_start3A_35] : memref<10240x128xf32, #tpu.memory_space<hbm>> -> memref<10240x128xf32, #tpu.memory_space<hbm>>
    tpu.enqueue_indirect_dma source(%dma_start3A_36 : memref<10240x128xf32, #tpu.memory_space<hbm>>) target(%arg8 : memref<128x128xf32, #tpu.memory_space<vmem>>) offsets(%dma_start3A_33 : memref<128xi32, #tpu.memory_space<vmem>>) semaphore(%arg11 : memref<!tpu.dma_semaphore, #tpu.memory_space<semaphore_mem>>)
    %dma_start3A_37 = arith.constant 1 : i32
    %dma_start3A_38 = arith.constant 0 : i32
    %dma_start3A_39 = tpu.memref_slice %arg6[%dma_start3A_37, %dma_start3A_38] : memref<41x128xi32, #tpu.memory_space<vmem>> -> memref<1x128xi32, #tpu.memory_space<vmem>>
    %dma_start3A_40 = tpu.memref_squeeze %dma_start3A_39 : memref<1x128xi32, #tpu.memory_space<vmem>> -> memref<128xi32, #tpu.memory_space<vmem>>
    %dma_start3A_41 = arith.constant 0 : i32
    %dma_start3A_42 = arith.constant 0 : i32
    %dma_start3A_43 = tpu.memref_slice %arg2[%dma_start3A_41, %dma_start3A_42] : memref<10240x128xf32, #tpu.memory_space<hbm>> -> memref<10240x128xf32, #tpu.memory_space<hbm>>
    tpu.enqueue_indirect_dma source(%dma_start3A_43 : memref<10240x128xf32, #tpu.memory_space<hbm>>) target(%arg9 : memref<128x128xf32, #tpu.memory_space<vmem>>) offsets(%dma_start3A_40 : memref<128xi32, #tpu.memory_space<vmem>>) semaphore(%arg12 : memref<!tpu.dma_semaphore, #tpu.memory_space<semaphore_mem>>)
    %scan3A = arith.constant 0 : i32
    %scan3A_44 = arith.constant 0 : i32
    %scan3A_45 = arith.constant 20 : i32
    %scan3A_46 = arith.addi %scan3A_44, %scan3A_45 : i32
    %scan3A_47 = arith.constant 1 : i32
    %scan3A_48 = scf.for %scan3A_53 = %scan3A_44 to %scan3A_46 step %scan3A_47 iter_args(%scan3A_54 = %scan3A) -> (i32)  : i32 {
      %mul3A_55 = arith.constant 2 : i32
      %mul3A_56 = arith.muli %scan3A_53, %mul3A_55 : i32
      %add3A_57 = arith.constant 0 : i32
      %add3A_58 = arith.addi %mul3A_56, %add3A_57 : i32
      %dma_wait3A_59 = arith.constant 0 : i32
      %dma_wait3A_60 = tpu.memref_slice %arg6[%add3A_58, %dma_wait3A_59] : memref<41x128xi32, #tpu.memory_space<vmem>> -> memref<1x128xi32, #tpu.memory_space<vmem>>
      %dma_wait3A_61 = tpu.memref_squeeze %dma_wait3A_60 : memref<1x128xi32, #tpu.memory_space<vmem>> -> memref<128xi32, #tpu.memory_space<vmem>>
      %dma_wait3A_62 = arith.constant 0 : i32
      %dma_wait3A_63 = arith.constant 0 : i32
      %dma_wait3A_64 = tpu.memref_slice %arg2[%dma_wait3A_62, %dma_wait3A_63] : memref<10240x128xf32, #tpu.memory_space<hbm>> -> memref<10240x128xf32, #tpu.memory_space<hbm>>
      tpu.wait_indirect_dma semaphore(%arg11 : memref<!tpu.dma_semaphore, #tpu.memory_space<semaphore_mem>>) src(%dma_wait3A_64 : memref<10240x128xf32, #tpu.memory_space<hbm>>) dst(%arg8 : memref<128x128xf32, #tpu.memory_space<vmem>>)
      %dma_start3A_65 = arith.constant 0 : i32
      %dma_start3A_66 = tpu.memref_slice %arg7[%add3A_58, %dma_start3A_65] : memref<40x128xi32, #tpu.memory_space<vmem>> -> memref<1x128xi32, #tpu.memory_space<vmem>>
      %dma_start3A_67 = tpu.memref_squeeze %dma_start3A_66 : memref<1x128xi32, #tpu.memory_space<vmem>> -> memref<128xi32, #tpu.memory_space<vmem>>
      %dma_start3A_68 = arith.constant 0 : i32
      %dma_start3A_69 = arith.constant 0 : i32
      %dma_start3A_70 = tpu.memref_slice %arg10[%dma_start3A_68, %dma_start3A_69] : memref<10240x128xf32, #tpu.memory_space<vmem_shared>> -> memref<10240x128xf32, #tpu.memory_space<vmem_shared>>
      tpu.enqueue_indirect_dma source(%arg8 : memref<128x128xf32, #tpu.memory_space<vmem>>) target(%dma_start3A_70 : memref<10240x128xf32, #tpu.memory_space<vmem_shared>>) offsets(%dma_start3A_67 : memref<128xi32, #tpu.memory_space<vmem>>) semaphore(%arg13 : memref<!tpu.dma_semaphore, #tpu.memory_space<semaphore_mem>>) {add = true}
      %add3A_71 = arith.constant 1 : i32
      %add3A_72 = arith.addi %mul3A_56, %add3A_71 : i32
      %dma_wait3A_73 = arith.constant 0 : i32
      %dma_wait3A_74 = tpu.memref_slice %arg6[%add3A_72, %dma_wait3A_73] : memref<41x128xi32, #tpu.memory_space<vmem>> -> memref<1x128xi32, #tpu.memory_space<vmem>>
      %dma_wait3A_75 = tpu.memref_squeeze %dma_wait3A_74 : memref<1x128xi32, #tpu.memory_space<vmem>> -> memref<128xi32, #tpu.memory_space<vmem>>
      %dma_wait3A_76 = arith.constant 0 : i32
      %dma_wait3A_77 = arith.constant 0 : i32
      %dma_wait3A_78 = tpu.memref_slice %arg2[%dma_wait3A_76, %dma_wait3A_77] : memref<10240x128xf32, #tpu.memory_space<hbm>> -> memref<10240x128xf32, #tpu.memory_space<hbm>>
      tpu.wait_indirect_dma semaphore(%arg12 : memref<!tpu.dma_semaphore, #tpu.memory_space<semaphore_mem>>) src(%dma_wait3A_78 : memref<10240x128xf32, #tpu.memory_space<hbm>>) dst(%arg9 : memref<128x128xf32, #tpu.memory_space<vmem>>)
      %dma_start3A_79 = arith.constant 0 : i32
      %dma_start3A_80 = tpu.memref_slice %arg7[%add3A_72, %dma_start3A_79] : memref<40x128xi32, #tpu.memory_space<vmem>> -> memref<1x128xi32, #tpu.memory_space<vmem>>
      %dma_start3A_81 = tpu.memref_squeeze %dma_start3A_80 : memref<1x128xi32, #tpu.memory_space<vmem>> -> memref<128xi32, #tpu.memory_space<vmem>>
      %dma_start3A_82 = arith.constant 0 : i32
      %dma_start3A_83 = arith.constant 0 : i32
      %dma_start3A_84 = tpu.memref_slice %arg10[%dma_start3A_82, %dma_start3A_83] : memref<10240x128xf32, #tpu.memory_space<vmem_shared>> -> memref<10240x128xf32, #tpu.memory_space<vmem_shared>>
      tpu.enqueue_indirect_dma source(%arg9 : memref<128x128xf32, #tpu.memory_space<vmem>>) target(%dma_start3A_84 : memref<10240x128xf32, #tpu.memory_space<vmem_shared>>) offsets(%dma_start3A_81 : memref<128xi32, #tpu.memory_space<vmem>>) semaphore(%arg14 : memref<!tpu.dma_semaphore, #tpu.memory_space<semaphore_mem>>) {add = true}
      %add3A_85 = arith.constant 0 : i32
      %add3A_86 = arith.addi %mul3A_56, %add3A_85 : i32
      %dma_wait3A_87 = arith.constant 0 : i32
      %dma_wait3A_88 = tpu.memref_slice %arg7[%add3A_86, %dma_wait3A_87] : memref<40x128xi32, #tpu.memory_space<vmem>> -> memref<1x128xi32, #tpu.memory_space<vmem>>
      %dma_wait3A_89 = tpu.memref_squeeze %dma_wait3A_88 : memref<1x128xi32, #tpu.memory_space<vmem>> -> memref<128xi32, #tpu.memory_space<vmem>>
      %dma_wait3A_90 = arith.constant 0 : i32
      %dma_wait3A_91 = arith.constant 0 : i32
      %dma_wait3A_92 = tpu.memref_slice %arg10[%dma_wait3A_90, %dma_wait3A_91] : memref<10240x128xf32, #tpu.memory_space<vmem_shared>> -> memref<10240x128xf32, #tpu.memory_space<vmem_shared>>
      tpu.wait_indirect_dma semaphore(%arg13 : memref<!tpu.dma_semaphore, #tpu.memory_space<semaphore_mem>>) src(%arg8 : memref<128x128xf32, #tpu.memory_space<vmem>>) dst(%dma_wait3A_92 : memref<10240x128xf32, #tpu.memory_space<vmem_shared>>)
      %add3A_93 = arith.constant 2 : i32
      %add3A_94 = arith.addi %add3A_86, %add3A_93 : i32
      %lt3A = arith.constant 40 : i32
      %lt3A_95 = arith.cmpi slt, %add3A_94, %lt3A : i32
      %convert_element_type3A = arith.extui %lt3A_95 : i1 to i32
      %cond3A = arith.constant 0 : i32
      %cond3A_96 = arith.cmpi ne, %convert_element_type3A, %cond3A : i32
      scf.if %cond3A_96 {
        %add3A_113 = arith.constant 2 : i32
        %add3A_114 = arith.addi %add3A_86, %add3A_113 : i32
        %dma_start3A_115 = arith.constant 0 : i32
        %dma_start3A_116 = tpu.memref_slice %arg6[%add3A_114, %dma_start3A_115] : memref<41x128xi32, #tpu.memory_space<vmem>> -> memref<1x128xi32, #tpu.memory_space<vmem>>
        %dma_start3A_117 = tpu.memref_squeeze %dma_start3A_116 : memref<1x128xi32, #tpu.memory_space<vmem>> -> memref<128xi32, #tpu.memory_space<vmem>>
        %dma_start3A_118 = arith.constant 0 : i32
        %dma_start3A_119 = arith.constant 0 : i32
        %dma_start3A_120 = tpu.memref_slice %arg2[%dma_start3A_118, %dma_start3A_119] : memref<10240x128xf32, #tpu.memory_space<hbm>> -> memref<10240x128xf32, #tpu.memory_space<hbm>>
        tpu.enqueue_indirect_dma source(%dma_start3A_120 : memref<10240x128xf32, #tpu.memory_space<hbm>>) target(%arg8 : memref<128x128xf32, #tpu.memory_space<vmem>>) offsets(%dma_start3A_117 : memref<128xi32, #tpu.memory_space<vmem>>) semaphore(%arg11 : memref<!tpu.dma_semaphore, #tpu.memory_space<semaphore_mem>>)
      } else {
      }
      %add3A_97 = arith.constant 1 : i32
      %add3A_98 = arith.addi %mul3A_56, %add3A_97 : i32
      %dma_wait3A_99 = arith.constant 0 : i32
      %dma_wait3A_100 = tpu.memref_slice %arg7[%add3A_98, %dma_wait3A_99] : memref<40x128xi32, #tpu.memory_space<vmem>> -> memref<1x128xi32, #tpu.memory_space<vmem>>
      %dma_wait3A_101 = tpu.memref_squeeze %dma_wait3A_100 : memref<1x128xi32, #tpu.memory_space<vmem>> -> memref<128xi32, #tpu.memory_space<vmem>>
      %dma_wait3A_102 = arith.constant 0 : i32
      %dma_wait3A_103 = arith.constant 0 : i32
      %dma_wait3A_104 = tpu.memref_slice %arg10[%dma_wait3A_102, %dma_wait3A_103] : memref<10240x128xf32, #tpu.memory_space<vmem_shared>> -> memref<10240x128xf32, #tpu.memory_space<vmem_shared>>
      tpu.wait_indirect_dma semaphore(%arg14 : memref<!tpu.dma_semaphore, #tpu.memory_space<semaphore_mem>>) src(%arg9 : memref<128x128xf32, #tpu.memory_space<vmem>>) dst(%dma_wait3A_104 : memref<10240x128xf32, #tpu.memory_space<vmem_shared>>)
      %add3A_105 = arith.constant 2 : i32
      %add3A_106 = arith.addi %add3A_98, %add3A_105 : i32
      %lt3A_107 = arith.constant 40 : i32
      %lt3A_108 = arith.cmpi slt, %add3A_106, %lt3A_107 : i32
      %convert_element_type3A_109 = arith.extui %lt3A_108 : i1 to i32
      %cond3A_110 = arith.constant 0 : i32
      %cond3A_111 = arith.cmpi ne, %convert_element_type3A_109, %cond3A_110 : i32
      scf.if %cond3A_111 {
        %add3A_113 = arith.constant 2 : i32
        %add3A_114 = arith.addi %add3A_98, %add3A_113 : i32
        %dma_start3A_115 = arith.constant 0 : i32
        %dma_start3A_116 = tpu.memref_slice %arg6[%add3A_114, %dma_start3A_115] : memref<41x128xi32, #tpu.memory_space<vmem>> -> memref<1x128xi32, #tpu.memory_space<vmem>>
        %dma_start3A_117 = tpu.memref_squeeze %dma_start3A_116 : memref<1x128xi32, #tpu.memory_space<vmem>> -> memref<128xi32, #tpu.memory_space<vmem>>
        %dma_start3A_118 = arith.constant 0 : i32
        %dma_start3A_119 = arith.constant 0 : i32
        %dma_start3A_120 = tpu.memref_slice %arg2[%dma_start3A_118, %dma_start3A_119] : memref<10240x128xf32, #tpu.memory_space<hbm>> -> memref<10240x128xf32, #tpu.memory_space<hbm>>
        tpu.enqueue_indirect_dma source(%dma_start3A_120 : memref<10240x128xf32, #tpu.memory_space<hbm>>) target(%arg9 : memref<128x128xf32, #tpu.memory_space<vmem>>) offsets(%dma_start3A_117 : memref<128xi32, #tpu.memory_space<vmem>>) semaphore(%arg12 : memref<!tpu.dma_semaphore, #tpu.memory_space<semaphore_mem>>)
      } else {
      }
      %scan3A_112 = arith.constant 0 : i32
      scf.yield %scan3A_112 : i32
    }
    %scan3A_49 = arith.constant 20 : i32
    %barrier3A_50 = arith.constant 0 : index
    tpu.barrier barrier_id(%barrier3A_50)
    %mul3A_51 = arith.constant 640 : i32
    %mul3A_52 = arith.muli %arg1, %mul3A_51 : i32
    "tpu.region"() ({
      %run_scoped3A = tpu.sem_alloc : memref<!tpu.dma_semaphore, #tpu.memory_space<semaphore_mem>>
      %dma_start3A_53 = arith.constant 0 : i32
      %dma_start3A_54 = tpu.memref_slice %arg5[%arg0, %mul3A_52, %dma_start3A_53] : memref<2x10240x128xf32, #tpu.memory_space<hbm>> -> memref<1x640x128xf32, #tpu.memory_space<hbm>>
      %dma_start3A_55 = tpu.memref_squeeze %dma_start3A_54 : memref<1x640x128xf32, #tpu.memory_space<hbm>> -> memref<640x128xf32, #tpu.memory_space<hbm>>
      %dma_start3A_56 = arith.constant 0 : i32
      %dma_start3A_57 = tpu.memref_slice %arg10[%mul3A_52, %dma_start3A_56] : memref<10240x128xf32, #tpu.memory_space<vmem_shared>> -> memref<640x128xf32, #tpu.memory_space<vmem_shared>>
      tpu.enqueue_dma source(%dma_start3A_57 : memref<640x128xf32, #tpu.memory_space<vmem_shared>>) target(%dma_start3A_55 : memref<640x128xf32, #tpu.memory_space<hbm>>) target_semaphore(%run_scoped3A : memref<!tpu.dma_semaphore, #tpu.memory_space<semaphore_mem>>)
      %dma_wait3A_58 = arith.constant 0 : i32
      %dma_wait3A_59 = tpu.memref_slice %arg5[%arg0, %mul3A_52, %dma_wait3A_58] : memref<2x10240x128xf32, #tpu.memory_space<hbm>> -> memref<1x640x128xf32, #tpu.memory_space<hbm>>
      %dma_wait3A_60 = tpu.memref_squeeze %dma_wait3A_59 : memref<1x640x128xf32, #tpu.memory_space<hbm>> -> memref<640x128xf32, #tpu.memory_space<hbm>>
      %dma_wait3A_61 = arith.constant 0 : i32
      %dma_wait3A_62 = tpu.memref_slice %arg10[%mul3A_52, %dma_wait3A_61] : memref<10240x128xf32, #tpu.memory_space<vmem_shared>> -> memref<640x128xf32, #tpu.memory_space<vmem_shared>>
      tpu.wait_dma2 semaphore(%run_scoped3A : memref<!tpu.dma_semaphore, #tpu.memory_space<semaphore_mem>>) src(%dma_wait3A_62 : memref<640x128xf32, #tpu.memory_space<vmem_shared>>) dst(%dma_wait3A_60 : memref<640x128xf32, #tpu.memory_space<hbm>>)
      tpu.yield
    }) : () -> ()
    return
  }
}

#map = affine_map<(d0, d1) -> (0, 0)>
#map1 = affine_map<(d0, d1) -> (0, 0, 0, 0)>
#map2 = affine_map<(d0, d1) -> (0, 0, 0)>
module attributes {stable_mosaic.version = 14 : i64} {
  func.func @sc_prop(%arg0: i32, %arg1: i32, %arg2: memref<10240x128xf32, #tpu.memory_space<hbm>>, %arg3: memref<2x16x41x128xi32, #tpu.memory_space<hbm>>, %arg4: memref<2x16x40x128xi32, #tpu.memory_space<hbm>>, %arg5: memref<2x10240x128xf32, #tpu.memory_space<hbm>>, %arg6: memref<41x128xi32, #tpu.memory_space<vmem>>, %arg7: memref<40x128xi32, #tpu.memory_space<vmem>>, %arg8: memref<128x128xf32, #tpu.memory_space<vmem>>, %arg9: memref<128x128xf32, #tpu.memory_space<vmem>>, %arg10: memref<10240x128xf32, #tpu.memory_space<vmem_shared>>, %arg11: memref<!tpu.dma_semaphore, #tpu.memory_space<semaphore_mem>>, %arg12: memref<!tpu.dma_semaphore, #tpu.memory_space<semaphore_mem>>, %arg13: memref<!tpu.dma_semaphore, #tpu.memory_space<semaphore_mem>>, %arg14: memref<!tpu.dma_semaphore, #tpu.memory_space<semaphore_mem>>) attributes {dimension_semantics = [#tpu.dimension_semantics<core_parallel>, #tpu.dimension_semantics<subcore_parallel>], iteration_bounds = array<i64: 2, 16>, scalar_prefetch = 0 : i64, scratch_operands = 9 : i64, tpu.core_type = #tpu.core_type<sc_vector_subcore>, window_params = [{transform_indices = #map}, {transform_indices = #map1}, {transform_indices = #map1}, {transform_indices = #map2}]} {
    "tpu.region"() ({
      %run_scoped3A = tpu.sem_alloc : memref<!tpu.dma_semaphore, #tpu.memory_space<semaphore_mem>>
      %dma_start3A_53 = arith.constant 0 : i32
      %dma_start3A_54 = arith.constant 0 : i32
      %dma_start3A_55 = tpu.memref_slice %arg3[%arg0, %arg1, %dma_start3A_53, %dma_start3A_54] : memref<2x16x41x128xi32, #tpu.memory_space<hbm>> -> memref<1x1x41x128xi32, #tpu.memory_space<hbm>>
      %dma_start3A_56 = tpu.memref_squeeze %dma_start3A_55 : memref<1x1x41x128xi32, #tpu.memory_space<hbm>> -> memref<41x128xi32, #tpu.memory_space<hbm>>
      %dma_start3A_57 = arith.constant 0 : i32
      %dma_start3A_58 = arith.constant 0 : i32
      %dma_start3A_59 = tpu.memref_slice %arg3[%arg0, %arg1, %dma_start3A_57, %dma_start3A_58] : memref<2x16x41x128xi32, #tpu.memory_space<hbm>> -> memref<1x1x41x128xi32, #tpu.memory_space<hbm>>
      %dma_start3A_60 = tpu.memref_squeeze %dma_start3A_59 : memref<1x1x41x128xi32, #tpu.memory_space<hbm>> -> memref<41x128xi32, #tpu.memory_space<hbm>>
      tpu.enqueue_dma source(%dma_start3A_60 : memref<41x128xi32, #tpu.memory_space<hbm>>) target(%arg6 : memref<41x128xi32, #tpu.memory_space<vmem>>) target_semaphore(%run_scoped3A : memref<!tpu.dma_semaphore, #tpu.memory_space<semaphore_mem>>)
      %dma_wait3A_61 = arith.constant 0 : i32
      %dma_wait3A_62 = arith.constant 0 : i32
      %dma_wait3A_63 = tpu.memref_slice %arg3[%arg0, %arg1, %dma_wait3A_61, %dma_wait3A_62] : memref<2x16x41x128xi32, #tpu.memory_space<hbm>> -> memref<1x1x41x128xi32, #tpu.memory_space<hbm>>
      %dma_wait3A_64 = tpu.memref_squeeze %dma_wait3A_63 : memref<1x1x41x128xi32, #tpu.memory_space<hbm>> -> memref<41x128xi32, #tpu.memory_space<hbm>>
      %dma_wait3A_65 = arith.constant 0 : i32
      %dma_wait3A_66 = arith.constant 0 : i32
      %dma_wait3A_67 = tpu.memref_slice %arg3[%arg0, %arg1, %dma_wait3A_65, %dma_wait3A_66] : memref<2x16x41x128xi32, #tpu.memory_space<hbm>> -> memref<1x1x41x128xi32, #tpu.memory_space<hbm>>
      %dma_wait3A_68 = tpu.memref_squeeze %dma_wait3A_67 : memref<1x1x41x128xi32, #tpu.memory_space<hbm>> -> memref<41x128xi32, #tpu.memory_space<hbm>>
      tpu.wait_dma2 semaphore(%run_scoped3A : memref<!tpu.dma_semaphore, #tpu.memory_space<semaphore_mem>>) src(%dma_wait3A_68 : memref<41x128xi32, #tpu.memory_space<hbm>>) dst(%arg6 : memref<41x128xi32, #tpu.memory_space<vmem>>)
      tpu.yield
    }) : () -> ()
    "tpu.region"() ({
      %run_scoped3A = tpu.sem_alloc : memref<!tpu.dma_semaphore, #tpu.memory_space<semaphore_mem>>
      %dma_start3A_53 = arith.constant 0 : i32
      %dma_start3A_54 = arith.constant 0 : i32
      %dma_start3A_55 = tpu.memref_slice %arg4[%arg0, %arg1, %dma_start3A_53, %dma_start3A_54] : memref<2x16x40x128xi32, #tpu.memory_space<hbm>> -> memref<1x1x40x128xi32, #tpu.memory_space<hbm>>
      %dma_start3A_56 = tpu.memref_squeeze %dma_start3A_55 : memref<1x1x40x128xi32, #tpu.memory_space<hbm>> -> memref<40x128xi32, #tpu.memory_space<hbm>>
      %dma_start3A_57 = arith.constant 0 : i32
      %dma_start3A_58 = arith.constant 0 : i32
      %dma_start3A_59 = tpu.memref_slice %arg4[%arg0, %arg1, %dma_start3A_57, %dma_start3A_58] : memref<2x16x40x128xi32, #tpu.memory_space<hbm>> -> memref<1x1x40x128xi32, #tpu.memory_space<hbm>>
      %dma_start3A_60 = tpu.memref_squeeze %dma_start3A_59 : memref<1x1x40x128xi32, #tpu.memory_space<hbm>> -> memref<40x128xi32, #tpu.memory_space<hbm>>
      tpu.enqueue_dma source(%dma_start3A_60 : memref<40x128xi32, #tpu.memory_space<hbm>>) target(%arg7 : memref<40x128xi32, #tpu.memory_space<vmem>>) target_semaphore(%run_scoped3A : memref<!tpu.dma_semaphore, #tpu.memory_space<semaphore_mem>>)
      %dma_wait3A_61 = arith.constant 0 : i32
      %dma_wait3A_62 = arith.constant 0 : i32
      %dma_wait3A_63 = tpu.memref_slice %arg4[%arg0, %arg1, %dma_wait3A_61, %dma_wait3A_62] : memref<2x16x40x128xi32, #tpu.memory_space<hbm>> -> memref<1x1x40x128xi32, #tpu.memory_space<hbm>>
      %dma_wait3A_64 = tpu.memref_squeeze %dma_wait3A_63 : memref<1x1x40x128xi32, #tpu.memory_space<hbm>> -> memref<40x128xi32, #tpu.memory_space<hbm>>
      %dma_wait3A_65 = arith.constant 0 : i32
      %dma_wait3A_66 = arith.constant 0 : i32
      %dma_wait3A_67 = tpu.memref_slice %arg4[%arg0, %arg1, %dma_wait3A_65, %dma_wait3A_66] : memref<2x16x40x128xi32, #tpu.memory_space<hbm>> -> memref<1x1x40x128xi32, #tpu.memory_space<hbm>>
      %dma_wait3A_68 = tpu.memref_squeeze %dma_wait3A_67 : memref<1x1x40x128xi32, #tpu.memory_space<hbm>> -> memref<40x128xi32, #tpu.memory_space<hbm>>
      tpu.wait_dma2 semaphore(%run_scoped3A : memref<!tpu.dma_semaphore, #tpu.memory_space<semaphore_mem>>) src(%dma_wait3A_68 : memref<40x128xi32, #tpu.memory_space<hbm>>) dst(%arg7 : memref<40x128xi32, #tpu.memory_space<vmem>>)
      tpu.yield
    }) : () -> ()
    %dma_start3A = arith.constant 40 : i32
    %dma_start3A_0 = arith.constant 0 : i32
    %dma_start3A_1 = tpu.memref_slice %arg6[%dma_start3A, %dma_start3A_0] : memref<41x128xi32, #tpu.memory_space<vmem>> -> memref<1x128xi32, #tpu.memory_space<vmem>>
    %dma_start3A_2 = tpu.memref_squeeze %dma_start3A_1 : memref<1x128xi32, #tpu.memory_space<vmem>> -> memref<128xi32, #tpu.memory_space<vmem>>
    %dma_start3A_3 = arith.constant 0 : i32
    %dma_start3A_4 = arith.constant 0 : i32
    %dma_start3A_5 = tpu.memref_slice %arg2[%dma_start3A_3, %dma_start3A_4] : memref<10240x128xf32, #tpu.memory_space<hbm>> -> memref<10240x128xf32, #tpu.memory_space<hbm>>
    tpu.enqueue_indirect_dma source(%dma_start3A_5 : memref<10240x128xf32, #tpu.memory_space<hbm>>) target(%arg8 : memref<128x128xf32, #tpu.memory_space<vmem>>) offsets(%dma_start3A_2 : memref<128xi32, #tpu.memory_space<vmem>>) semaphore(%arg11 : memref<!tpu.dma_semaphore, #tpu.memory_space<semaphore_mem>>)
    %dma_wait3A = arith.constant 40 : i32
    %dma_wait3A_6 = arith.constant 0 : i32
    %dma_wait3A_7 = tpu.memref_slice %arg6[%dma_wait3A, %dma_wait3A_6] : memref<41x128xi32, #tpu.memory_space<vmem>> -> memref<1x128xi32, #tpu.memory_space<vmem>>
    %dma_wait3A_8 = tpu.memref_squeeze %dma_wait3A_7 : memref<1x128xi32, #tpu.memory_space<vmem>> -> memref<128xi32, #tpu.memory_space<vmem>>
    %dma_wait3A_9 = arith.constant 0 : i32
    %dma_wait3A_10 = arith.constant 0 : i32
    %dma_wait3A_11 = tpu.memref_slice %arg2[%dma_wait3A_9, %dma_wait3A_10] : memref<10240x128xf32, #tpu.memory_space<hbm>> -> memref<10240x128xf32, #tpu.memory_space<hbm>>
    tpu.wait_indirect_dma semaphore(%arg11 : memref<!tpu.dma_semaphore, #tpu.memory_space<semaphore_mem>>) src(%dma_wait3A_11 : memref<10240x128xf32, #tpu.memory_space<hbm>>) dst(%arg8 : memref<128x128xf32, #tpu.memory_space<vmem>>)
    %mul3A = arith.constant 640 : i32
    %mul3A_12 = arith.muli %arg1, %mul3A : i32
    %add3A = arith.constant 0 : i32
    %add3A_13 = arith.addi %mul3A_12, %add3A : i32
    "tpu.region"() ({
      %run_scoped3A = tpu.sem_alloc : memref<!tpu.dma_semaphore, #tpu.memory_space<semaphore_mem>>
      %dma_start3A_53 = arith.constant 0 : i32
      %dma_start3A_54 = tpu.memref_slice %arg10[%add3A_13, %dma_start3A_53] : memref<10240x128xf32, #tpu.memory_space<vmem_shared>> -> memref<128x128xf32, #tpu.memory_space<vmem_shared>>
      %dma_start3A_55 = arith.constant 0 : i32
      %dma_start3A_56 = tpu.memref_slice %arg10[%add3A_13, %dma_start3A_55] : memref<10240x128xf32, #tpu.memory_space<vmem_shared>> -> memref<128x128xf32, #tpu.memory_space<vmem_shared>>
      tpu.enqueue_dma source(%arg8 : memref<128x128xf32, #tpu.memory_space<vmem>>) target(%dma_start3A_56 : memref<128x128xf32, #tpu.memory_space<vmem_shared>>) target_semaphore(%run_scoped3A : memref<!tpu.dma_semaphore, #tpu.memory_space<semaphore_mem>>)
      %dma_wait3A_57 = arith.constant 0 : i32
      %dma_wait3A_58 = tpu.memref_slice %arg10[%add3A_13, %dma_wait3A_57] : memref<10240x128xf32, #tpu.memory_space<vmem_shared>> -> memref<128x128xf32, #tpu.memory_space<vmem_shared>>
      %dma_wait3A_59 = arith.constant 0 : i32
      %dma_wait3A_60 = tpu.memref_slice %arg10[%add3A_13, %dma_wait3A_59] : memref<10240x128xf32, #tpu.memory_space<vmem_shared>> -> memref<128x128xf32, #tpu.memory_space<vmem_shared>>
      tpu.wait_dma2 semaphore(%run_scoped3A : memref<!tpu.dma_semaphore, #tpu.memory_space<semaphore_mem>>) src(%arg8 : memref<128x128xf32, #tpu.memory_space<vmem>>) dst(%dma_wait3A_60 : memref<128x128xf32, #tpu.memory_space<vmem_shared>>)
      tpu.yield
    }) : () -> ()
    %mul3A_14 = arith.constant 640 : i32
    %mul3A_15 = arith.muli %arg1, %mul3A_14 : i32
    %add3A_16 = arith.constant 128 : i32
    %add3A_17 = arith.addi %mul3A_15, %add3A_16 : i32
    "tpu.region"() ({
      %run_scoped3A = tpu.sem_alloc : memref<!tpu.dma_semaphore, #tpu.memory_space<semaphore_mem>>
      %dma_start3A_53 = arith.constant 0 : i32
      %dma_start3A_54 = tpu.memref_slice %arg10[%add3A_17, %dma_start3A_53] : memref<10240x128xf32, #tpu.memory_space<vmem_shared>> -> memref<128x128xf32, #tpu.memory_space<vmem_shared>>
      %dma_start3A_55 = arith.constant 0 : i32
      %dma_start3A_56 = tpu.memref_slice %arg10[%add3A_17, %dma_start3A_55] : memref<10240x128xf32, #tpu.memory_space<vmem_shared>> -> memref<128x128xf32, #tpu.memory_space<vmem_shared>>
      tpu.enqueue_dma source(%arg8 : memref<128x128xf32, #tpu.memory_space<vmem>>) target(%dma_start3A_56 : memref<128x128xf32, #tpu.memory_space<vmem_shared>>) target_semaphore(%run_scoped3A : memref<!tpu.dma_semaphore, #tpu.memory_space<semaphore_mem>>)
      %dma_wait3A_57 = arith.constant 0 : i32
      %dma_wait3A_58 = tpu.memref_slice %arg10[%add3A_17, %dma_wait3A_57] : memref<10240x128xf32, #tpu.memory_space<vmem_shared>> -> memref<128x128xf32, #tpu.memory_space<vmem_shared>>
      %dma_wait3A_59 = arith.constant 0 : i32
      %dma_wait3A_60 = tpu.memref_slice %arg10[%add3A_17, %dma_wait3A_59] : memref<10240x128xf32, #tpu.memory_space<vmem_shared>> -> memref<128x128xf32, #tpu.memory_space<vmem_shared>>
      tpu.wait_dma2 semaphore(%run_scoped3A : memref<!tpu.dma_semaphore, #tpu.memory_space<semaphore_mem>>) src(%arg8 : memref<128x128xf32, #tpu.memory_space<vmem>>) dst(%dma_wait3A_60 : memref<128x128xf32, #tpu.memory_space<vmem_shared>>)
      tpu.yield
    }) : () -> ()
    %mul3A_18 = arith.constant 640 : i32
    %mul3A_19 = arith.muli %arg1, %mul3A_18 : i32
    %add3A_20 = arith.constant 256 : i32
    %add3A_21 = arith.addi %mul3A_19, %add3A_20 : i32
    "tpu.region"() ({
      %run_scoped3A = tpu.sem_alloc : memref<!tpu.dma_semaphore, #tpu.memory_space<semaphore_mem>>
      %dma_start3A_53 = arith.constant 0 : i32
      %dma_start3A_54 = tpu.memref_slice %arg10[%add3A_21, %dma_start3A_53] : memref<10240x128xf32, #tpu.memory_space<vmem_shared>> -> memref<128x128xf32, #tpu.memory_space<vmem_shared>>
      %dma_start3A_55 = arith.constant 0 : i32
      %dma_start3A_56 = tpu.memref_slice %arg10[%add3A_21, %dma_start3A_55] : memref<10240x128xf32, #tpu.memory_space<vmem_shared>> -> memref<128x128xf32, #tpu.memory_space<vmem_shared>>
      tpu.enqueue_dma source(%arg8 : memref<128x128xf32, #tpu.memory_space<vmem>>) target(%dma_start3A_56 : memref<128x128xf32, #tpu.memory_space<vmem_shared>>) target_semaphore(%run_scoped3A : memref<!tpu.dma_semaphore, #tpu.memory_space<semaphore_mem>>)
      %dma_wait3A_57 = arith.constant 0 : i32
      %dma_wait3A_58 = tpu.memref_slice %arg10[%add3A_21, %dma_wait3A_57] : memref<10240x128xf32, #tpu.memory_space<vmem_shared>> -> memref<128x128xf32, #tpu.memory_space<vmem_shared>>
      %dma_wait3A_59 = arith.constant 0 : i32
      %dma_wait3A_60 = tpu.memref_slice %arg10[%add3A_21, %dma_wait3A_59] : memref<10240x128xf32, #tpu.memory_space<vmem_shared>> -> memref<128x128xf32, #tpu.memory_space<vmem_shared>>
      tpu.wait_dma2 semaphore(%run_scoped3A : memref<!tpu.dma_semaphore, #tpu.memory_space<semaphore_mem>>) src(%arg8 : memref<128x128xf32, #tpu.memory_space<vmem>>) dst(%dma_wait3A_60 : memref<128x128xf32, #tpu.memory_space<vmem_shared>>)
      tpu.yield
    }) : () -> ()
    %mul3A_22 = arith.constant 640 : i32
    %mul3A_23 = arith.muli %arg1, %mul3A_22 : i32
    %add3A_24 = arith.constant 384 : i32
    %add3A_25 = arith.addi %mul3A_23, %add3A_24 : i32
    "tpu.region"() ({
      %run_scoped3A = tpu.sem_alloc : memref<!tpu.dma_semaphore, #tpu.memory_space<semaphore_mem>>
      %dma_start3A_53 = arith.constant 0 : i32
      %dma_start3A_54 = tpu.memref_slice %arg10[%add3A_25, %dma_start3A_53] : memref<10240x128xf32, #tpu.memory_space<vmem_shared>> -> memref<128x128xf32, #tpu.memory_space<vmem_shared>>
      %dma_start3A_55 = arith.constant 0 : i32
      %dma_start3A_56 = tpu.memref_slice %arg10[%add3A_25, %dma_start3A_55] : memref<10240x128xf32, #tpu.memory_space<vmem_shared>> -> memref<128x128xf32, #tpu.memory_space<vmem_shared>>
      tpu.enqueue_dma source(%arg8 : memref<128x128xf32, #tpu.memory_space<vmem>>) target(%dma_start3A_56 : memref<128x128xf32, #tpu.memory_space<vmem_shared>>) target_semaphore(%run_scoped3A : memref<!tpu.dma_semaphore, #tpu.memory_space<semaphore_mem>>)
      %dma_wait3A_57 = arith.constant 0 : i32
      %dma_wait3A_58 = tpu.memref_slice %arg10[%add3A_25, %dma_wait3A_57] : memref<10240x128xf32, #tpu.memory_space<vmem_shared>> -> memref<128x128xf32, #tpu.memory_space<vmem_shared>>
      %dma_wait3A_59 = arith.constant 0 : i32
      %dma_wait3A_60 = tpu.memref_slice %arg10[%add3A_25, %dma_wait3A_59] : memref<10240x128xf32, #tpu.memory_space<vmem_shared>> -> memref<128x128xf32, #tpu.memory_space<vmem_shared>>
      tpu.wait_dma2 semaphore(%run_scoped3A : memref<!tpu.dma_semaphore, #tpu.memory_space<semaphore_mem>>) src(%arg8 : memref<128x128xf32, #tpu.memory_space<vmem>>) dst(%dma_wait3A_60 : memref<128x128xf32, #tpu.memory_space<vmem_shared>>)
      tpu.yield
    }) : () -> ()
    %mul3A_26 = arith.constant 640 : i32
    %mul3A_27 = arith.muli %arg1, %mul3A_26 : i32
    %add3A_28 = arith.constant 512 : i32
    %add3A_29 = arith.addi %mul3A_27, %add3A_28 : i32
    "tpu.region"() ({
      %run_scoped3A = tpu.sem_alloc : memref<!tpu.dma_semaphore, #tpu.memory_space<semaphore_mem>>
      %dma_start3A_53 = arith.constant 0 : i32
      %dma_start3A_54 = tpu.memref_slice %arg10[%add3A_29, %dma_start3A_53] : memref<10240x128xf32, #tpu.memory_space<vmem_shared>> -> memref<128x128xf32, #tpu.memory_space<vmem_shared>>
      %dma_start3A_55 = arith.constant 0 : i32
      %dma_start3A_56 = tpu.memref_slice %arg10[%add3A_29, %dma_start3A_55] : memref<10240x128xf32, #tpu.memory_space<vmem_shared>> -> memref<128x128xf32, #tpu.memory_space<vmem_shared>>
      tpu.enqueue_dma source(%arg8 : memref<128x128xf32, #tpu.memory_space<vmem>>) target(%dma_start3A_56 : memref<128x128xf32, #tpu.memory_space<vmem_shared>>) target_semaphore(%run_scoped3A : memref<!tpu.dma_semaphore, #tpu.memory_space<semaphore_mem>>)
      %dma_wait3A_57 = arith.constant 0 : i32
      %dma_wait3A_58 = tpu.memref_slice %arg10[%add3A_29, %dma_wait3A_57] : memref<10240x128xf32, #tpu.memory_space<vmem_shared>> -> memref<128x128xf32, #tpu.memory_space<vmem_shared>>
      %dma_wait3A_59 = arith.constant 0 : i32
      %dma_wait3A_60 = tpu.memref_slice %arg10[%add3A_29, %dma_wait3A_59] : memref<10240x128xf32, #tpu.memory_space<vmem_shared>> -> memref<128x128xf32, #tpu.memory_space<vmem_shared>>
      tpu.wait_dma2 semaphore(%run_scoped3A : memref<!tpu.dma_semaphore, #tpu.memory_space<semaphore_mem>>) src(%arg8 : memref<128x128xf32, #tpu.memory_space<vmem>>) dst(%dma_wait3A_60 : memref<128x128xf32, #tpu.memory_space<vmem_shared>>)
      tpu.yield
    }) : () -> ()
    %barrier3A = arith.constant 0 : index
    tpu.barrier barrier_id(%barrier3A)
    %dma_start3A_30 = arith.constant 0 : i32
    %dma_start3A_31 = arith.constant 0 : i32
    %dma_start3A_32 = tpu.memref_slice %arg6[%dma_start3A_30, %dma_start3A_31] : memref<41x128xi32, #tpu.memory_space<vmem>> -> memref<1x128xi32, #tpu.memory_space<vmem>>
    %dma_start3A_33 = tpu.memref_squeeze %dma_start3A_32 : memref<1x128xi32, #tpu.memory_space<vmem>> -> memref<128xi32, #tpu.memory_space<vmem>>
    %dma_start3A_34 = arith.constant 0 : i32
    %dma_start3A_35 = arith.constant 0 : i32
    %dma_start3A_36 = tpu.memref_slice %arg2[%dma_start3A_34, %dma_start3A_35] : memref<10240x128xf32, #tpu.memory_space<hbm>> -> memref<10240x128xf32, #tpu.memory_space<hbm>>
    tpu.enqueue_indirect_dma source(%dma_start3A_36 : memref<10240x128xf32, #tpu.memory_space<hbm>>) target(%arg8 : memref<128x128xf32, #tpu.memory_space<vmem>>) offsets(%dma_start3A_33 : memref<128xi32, #tpu.memory_space<vmem>>) semaphore(%arg11 : memref<!tpu.dma_semaphore, #tpu.memory_space<semaphore_mem>>)
    %dma_start3A_37 = arith.constant 1 : i32
    %dma_start3A_38 = arith.constant 0 : i32
    %dma_start3A_39 = tpu.memref_slice %arg6[%dma_start3A_37, %dma_start3A_38] : memref<41x128xi32, #tpu.memory_space<vmem>> -> memref<1x128xi32, #tpu.memory_space<vmem>>
    %dma_start3A_40 = tpu.memref_squeeze %dma_start3A_39 : memref<1x128xi32, #tpu.memory_space<vmem>> -> memref<128xi32, #tpu.memory_space<vmem>>
    %dma_start3A_41 = arith.constant 0 : i32
    %dma_start3A_42 = arith.constant 0 : i32
    %dma_start3A_43 = tpu.memref_slice %arg2[%dma_start3A_41, %dma_start3A_42] : memref<10240x128xf32, #tpu.memory_space<hbm>> -> memref<10240x128xf32, #tpu.memory_space<hbm>>
    tpu.enqueue_indirect_dma source(%dma_start3A_43 : memref<10240x128xf32, #tpu.memory_space<hbm>>) target(%arg9 : memref<128x128xf32, #tpu.memory_space<vmem>>) offsets(%dma_start3A_40 : memref<128xi32, #tpu.memory_space<vmem>>) semaphore(%arg12 : memref<!tpu.dma_semaphore, #tpu.memory_space<semaphore_mem>>)
    %scan3A = arith.constant 0 : i32
    %scan3A_44 = arith.constant 0 : i32
    %scan3A_45 = arith.constant 20 : i32
    %scan3A_46 = arith.addi %scan3A_44, %scan3A_45 : i32
    %scan3A_47 = arith.constant 1 : i32
    %scan3A_48 = scf.for %scan3A_53 = %scan3A_44 to %scan3A_46 step %scan3A_47 iter_args(%scan3A_54 = %scan3A) -> (i32)  : i32 {
      %mul3A_55 = arith.constant 2 : i32
      %mul3A_56 = arith.muli %scan3A_53, %mul3A_55 : i32
      %add3A_57 = arith.constant 0 : i32
      %add3A_58 = arith.addi %mul3A_56, %add3A_57 : i32
      %dma_wait3A_59 = arith.constant 0 : i32
      %dma_wait3A_60 = tpu.memref_slice %arg6[%add3A_58, %dma_wait3A_59] : memref<41x128xi32, #tpu.memory_space<vmem>> -> memref<1x128xi32, #tpu.memory_space<vmem>>
      %dma_wait3A_61 = tpu.memref_squeeze %dma_wait3A_60 : memref<1x128xi32, #tpu.memory_space<vmem>> -> memref<128xi32, #tpu.memory_space<vmem>>
      %dma_wait3A_62 = arith.constant 0 : i32
      %dma_wait3A_63 = arith.constant 0 : i32
      %dma_wait3A_64 = tpu.memref_slice %arg2[%dma_wait3A_62, %dma_wait3A_63] : memref<10240x128xf32, #tpu.memory_space<hbm>> -> memref<10240x128xf32, #tpu.memory_space<hbm>>
      tpu.wait_indirect_dma semaphore(%arg11 : memref<!tpu.dma_semaphore, #tpu.memory_space<semaphore_mem>>) src(%dma_wait3A_64 : memref<10240x128xf32, #tpu.memory_space<hbm>>) dst(%arg8 : memref<128x128xf32, #tpu.memory_space<vmem>>)
      %dma_start3A_65 = arith.constant 0 : i32
      %dma_start3A_66 = tpu.memref_slice %arg7[%add3A_58, %dma_start3A_65] : memref<40x128xi32, #tpu.memory_space<vmem>> -> memref<1x128xi32, #tpu.memory_space<vmem>>
      %dma_start3A_67 = tpu.memref_squeeze %dma_start3A_66 : memref<1x128xi32, #tpu.memory_space<vmem>> -> memref<128xi32, #tpu.memory_space<vmem>>
      %dma_start3A_68 = arith.constant 0 : i32
      %dma_start3A_69 = arith.constant 0 : i32
      %dma_start3A_70 = tpu.memref_slice %arg10[%dma_start3A_68, %dma_start3A_69] : memref<10240x128xf32, #tpu.memory_space<vmem_shared>> -> memref<10240x128xf32, #tpu.memory_space<vmem_shared>>
      tpu.enqueue_indirect_dma source(%arg8 : memref<128x128xf32, #tpu.memory_space<vmem>>) target(%dma_start3A_70 : memref<10240x128xf32, #tpu.memory_space<vmem_shared>>) offsets(%dma_start3A_67 : memref<128xi32, #tpu.memory_space<vmem>>) semaphore(%arg13 : memref<!tpu.dma_semaphore, #tpu.memory_space<semaphore_mem>>) {add = true}
      %add3A_71 = arith.constant 1 : i32
      %add3A_72 = arith.addi %mul3A_56, %add3A_71 : i32
      %dma_wait3A_73 = arith.constant 0 : i32
      %dma_wait3A_74 = tpu.memref_slice %arg6[%add3A_72, %dma_wait3A_73] : memref<41x128xi32, #tpu.memory_space<vmem>> -> memref<1x128xi32, #tpu.memory_space<vmem>>
      %dma_wait3A_75 = tpu.memref_squeeze %dma_wait3A_74 : memref<1x128xi32, #tpu.memory_space<vmem>> -> memref<128xi32, #tpu.memory_space<vmem>>
      %dma_wait3A_76 = arith.constant 0 : i32
      %dma_wait3A_77 = arith.constant 0 : i32
      %dma_wait3A_78 = tpu.memref_slice %arg2[%dma_wait3A_76, %dma_wait3A_77] : memref<10240x128xf32, #tpu.memory_space<hbm>> -> memref<10240x128xf32, #tpu.memory_space<hbm>>
      tpu.wait_indirect_dma semaphore(%arg12 : memref<!tpu.dma_semaphore, #tpu.memory_space<semaphore_mem>>) src(%dma_wait3A_78 : memref<10240x128xf32, #tpu.memory_space<hbm>>) dst(%arg9 : memref<128x128xf32, #tpu.memory_space<vmem>>)
      %dma_start3A_79 = arith.constant 0 : i32
      %dma_start3A_80 = tpu.memref_slice %arg7[%add3A_72, %dma_start3A_79] : memref<40x128xi32, #tpu.memory_space<vmem>> -> memref<1x128xi32, #tpu.memory_space<vmem>>
      %dma_start3A_81 = tpu.memref_squeeze %dma_start3A_80 : memref<1x128xi32, #tpu.memory_space<vmem>> -> memref<128xi32, #tpu.memory_space<vmem>>
      %dma_start3A_82 = arith.constant 0 : i32
      %dma_start3A_83 = arith.constant 0 : i32
      %dma_start3A_84 = tpu.memref_slice %arg10[%dma_start3A_82, %dma_start3A_83] : memref<10240x128xf32, #tpu.memory_space<vmem_shared>> -> memref<10240x128xf32, #tpu.memory_space<vmem_shared>>
      tpu.enqueue_indirect_dma source(%arg9 : memref<128x128xf32, #tpu.memory_space<vmem>>) target(%dma_start3A_84 : memref<10240x128xf32, #tpu.memory_space<vmem_shared>>) offsets(%dma_start3A_81 : memref<128xi32, #tpu.memory_space<vmem>>) semaphore(%arg14 : memref<!tpu.dma_semaphore, #tpu.memory_space<semaphore_mem>>) {add = true}
      %add3A_85 = arith.constant 0 : i32
      %add3A_86 = arith.addi %mul3A_56, %add3A_85 : i32
      %dma_wait3A_87 = arith.constant 0 : i32
      %dma_wait3A_88 = tpu.memref_slice %arg7[%add3A_86, %dma_wait3A_87] : memref<40x128xi32, #tpu.memory_space<vmem>> -> memref<1x128xi32, #tpu.memory_space<vmem>>
      %dma_wait3A_89 = tpu.memref_squeeze %dma_wait3A_88 : memref<1x128xi32, #tpu.memory_space<vmem>> -> memref<128xi32, #tpu.memory_space<vmem>>
      %dma_wait3A_90 = arith.constant 0 : i32
      %dma_wait3A_91 = arith.constant 0 : i32
      %dma_wait3A_92 = tpu.memref_slice %arg10[%dma_wait3A_90, %dma_wait3A_91] : memref<10240x128xf32, #tpu.memory_space<vmem_shared>> -> memref<10240x128xf32, #tpu.memory_space<vmem_shared>>
      tpu.wait_indirect_dma semaphore(%arg13 : memref<!tpu.dma_semaphore, #tpu.memory_space<semaphore_mem>>) src(%arg8 : memref<128x128xf32, #tpu.memory_space<vmem>>) dst(%dma_wait3A_92 : memref<10240x128xf32, #tpu.memory_space<vmem_shared>>)
      %add3A_93 = arith.constant 2 : i32
      %add3A_94 = arith.addi %add3A_86, %add3A_93 : i32
      %lt3A = arith.constant 40 : i32
      %lt3A_95 = arith.cmpi slt, %add3A_94, %lt3A : i32
      %convert_element_type3A = arith.extui %lt3A_95 : i1 to i32
      %cond3A = arith.constant 0 : i32
      %cond3A_96 = arith.cmpi ne, %convert_element_type3A, %cond3A : i32
      scf.if %cond3A_96 {
        %add3A_113 = arith.constant 2 : i32
        %add3A_114 = arith.addi %add3A_86, %add3A_113 : i32
        %dma_start3A_115 = arith.constant 0 : i32
        %dma_start3A_116 = tpu.memref_slice %arg6[%add3A_114, %dma_start3A_115] : memref<41x128xi32, #tpu.memory_space<vmem>> -> memref<1x128xi32, #tpu.memory_space<vmem>>
        %dma_start3A_117 = tpu.memref_squeeze %dma_start3A_116 : memref<1x128xi32, #tpu.memory_space<vmem>> -> memref<128xi32, #tpu.memory_space<vmem>>
        %dma_start3A_118 = arith.constant 0 : i32
        %dma_start3A_119 = arith.constant 0 : i32
        %dma_start3A_120 = tpu.memref_slice %arg2[%dma_start3A_118, %dma_start3A_119] : memref<10240x128xf32, #tpu.memory_space<hbm>> -> memref<10240x128xf32, #tpu.memory_space<hbm>>
        tpu.enqueue_indirect_dma source(%dma_start3A_120 : memref<10240x128xf32, #tpu.memory_space<hbm>>) target(%arg8 : memref<128x128xf32, #tpu.memory_space<vmem>>) offsets(%dma_start3A_117 : memref<128xi32, #tpu.memory_space<vmem>>) semaphore(%arg11 : memref<!tpu.dma_semaphore, #tpu.memory_space<semaphore_mem>>)
      } else {
      }
      %add3A_97 = arith.constant 1 : i32
      %add3A_98 = arith.addi %mul3A_56, %add3A_97 : i32
      %dma_wait3A_99 = arith.constant 0 : i32
      %dma_wait3A_100 = tpu.memref_slice %arg7[%add3A_98, %dma_wait3A_99] : memref<40x128xi32, #tpu.memory_space<vmem>> -> memref<1x128xi32, #tpu.memory_space<vmem>>
      %dma_wait3A_101 = tpu.memref_squeeze %dma_wait3A_100 : memref<1x128xi32, #tpu.memory_space<vmem>> -> memref<128xi32, #tpu.memory_space<vmem>>
      %dma_wait3A_102 = arith.constant 0 : i32
      %dma_wait3A_103 = arith.constant 0 : i32
      %dma_wait3A_104 = tpu.memref_slice %arg10[%dma_wait3A_102, %dma_wait3A_103] : memref<10240x128xf32, #tpu.memory_space<vmem_shared>> -> memref<10240x128xf32, #tpu.memory_space<vmem_shared>>
      tpu.wait_indirect_dma semaphore(%arg14 : memref<!tpu.dma_semaphore, #tpu.memory_space<semaphore_mem>>) src(%arg9 : memref<128x128xf32, #tpu.memory_space<vmem>>) dst(%dma_wait3A_104 : memref<10240x128xf32, #tpu.memory_space<vmem_shared>>)
      %add3A_105 = arith.constant 2 : i32
      %add3A_106 = arith.addi %add3A_98, %add3A_105 : i32
      %lt3A_107 = arith.constant 40 : i32
      %lt3A_108 = arith.cmpi slt, %add3A_106, %lt3A_107 : i32
      %convert_element_type3A_109 = arith.extui %lt3A_108 : i1 to i32
      %cond3A_110 = arith.constant 0 : i32
      %cond3A_111 = arith.cmpi ne, %convert_element_type3A_109, %cond3A_110 : i32
      scf.if %cond3A_111 {
        %add3A_113 = arith.constant 2 : i32
        %add3A_114 = arith.addi %add3A_98, %add3A_113 : i32
        %dma_start3A_115 = arith.constant 0 : i32
        %dma_start3A_116 = tpu.memref_slice %arg6[%add3A_114, %dma_start3A_115] : memref<41x128xi32, #tpu.memory_space<vmem>> -> memref<1x128xi32, #tpu.memory_space<vmem>>
        %dma_start3A_117 = tpu.memref_squeeze %dma_start3A_116 : memref<1x128xi32, #tpu.memory_space<vmem>> -> memref<128xi32, #tpu.memory_space<vmem>>
        %dma_start3A_118 = arith.constant 0 : i32
        %dma_start3A_119 = arith.constant 0 : i32
        %dma_start3A_120 = tpu.memref_slice %arg2[%dma_start3A_118, %dma_start3A_119] : memref<10240x128xf32, #tpu.memory_space<hbm>> -> memref<10240x128xf32, #tpu.memory_space<hbm>>
        tpu.enqueue_indirect_dma source(%dma_start3A_120 : memref<10240x128xf32, #tpu.memory_space<hbm>>) target(%arg9 : memref<128x128xf32, #tpu.memory_space<vmem>>) offsets(%dma_start3A_117 : memref<128xi32, #tpu.memory_space<vmem>>) semaphore(%arg12 : memref<!tpu.dma_semaphore, #tpu.memory_space<semaphore_mem>>)
      } else {
      }
      %scan3A_112 = arith.constant 0 : i32
      scf.yield %scan3A_112 : i32
    }
    %scan3A_49 = arith.constant 20 : i32
    %barrier3A_50 = arith.constant 0 : index
    tpu.barrier barrier_id(%barrier3A_50)
    %mul3A_51 = arith.constant 640 : i32
    %mul3A_52 = arith.muli %arg1, %mul3A_51 : i32
    "tpu.region"() ({
      %run_scoped3A = tpu.sem_alloc : memref<!tpu.dma_semaphore, #tpu.memory_space<semaphore_mem>>
      %dma_start3A_53 = arith.constant 0 : i32
      %dma_start3A_54 = tpu.memref_slice %arg5[%arg0, %mul3A_52, %dma_start3A_53] : memref<2x10240x128xf32, #tpu.memory_space<hbm>> -> memref<1x640x128xf32, #tpu.memory_space<hbm>>
      %dma_start3A_55 = tpu.memref_squeeze %dma_start3A_54 : memref<1x640x128xf32, #tpu.memory_space<hbm>> -> memref<640x128xf32, #tpu.memory_space<hbm>>
      %dma_start3A_56 = arith.constant 0 : i32
      %dma_start3A_57 = tpu.memref_slice %arg10[%mul3A_52, %dma_start3A_56] : memref<10240x128xf32, #tpu.memory_space<vmem_shared>> -> memref<640x128xf32, #tpu.memory_space<vmem_shared>>
      tpu.enqueue_dma source(%dma_start3A_57 : memref<640x128xf32, #tpu.memory_space<vmem_shared>>) target(%dma_start3A_55 : memref<640x128xf32, #tpu.memory_space<hbm>>) target_semaphore(%run_scoped3A : memref<!tpu.dma_semaphore, #tpu.memory_space<semaphore_mem>>)
      %dma_wait3A_58 = arith.constant 0 : i32
      %dma_wait3A_59 = tpu.memref_slice %arg5[%arg0, %mul3A_52, %dma_wait3A_58] : memref<2x10240x128xf32, #tpu.memory_space<hbm>> -> memref<1x640x128xf32, #tpu.memory_space<hbm>>
      %dma_wait3A_60 = tpu.memref_squeeze %dma_wait3A_59 : memref<1x640x128xf32, #tpu.memory_space<hbm>> -> memref<640x128xf32, #tpu.memory_space<hbm>>
      %dma_wait3A_61 = arith.constant 0 : i32
      %dma_wait3A_62 = tpu.memref_slice %arg10[%mul3A_52, %dma_wait3A_61] : memref<10240x128xf32, #tpu.memory_space<vmem_shared>> -> memref<640x128xf32, #tpu.memory_space<vmem_shared>>
      tpu.wait_dma2 semaphore(%run_scoped3A : memref<!tpu.dma_semaphore, #tpu.memory_space<semaphore_mem>>) src(%dma_wait3A_62 : memref<640x128xf32, #tpu.memory_space<vmem_shared>>) dst(%dma_wait3A_60 : memref<640x128xf32, #tpu.memory_space<hbm>>)
      tpu.yield
    }) : () -> ()
    return
  }
}

module attributes {stable_mosaic.version = 14 : i64} {
  func.func @_dis_body(%arg0: memref<10240x1xf32, #tpu.memory_space<vmem>>, %arg1: memref<10240x1xf32, #tpu.memory_space<vmem>>) attributes {dimension_semantics = [], scalar_prefetch = 0 : i64, scratch_operands = 0 : i64, tpu.core_type = #tpu.core_type<tc>} {
    %get3A = arith.constant 0 : index
    %get3A_0 = arith.constant 0 : index
    %get3A_1 = vector.load %arg0[%get3A, %get3A_0] : memref<10240x1xf32, #tpu.memory_space<vmem>>, vector<10240x1xf32>
    %iota3A = tpu.iota {dimensions = array<i32: 0>} : vector<10240x1xi32>
    %gt3A = arith.constant 0.000000e+00 : f32
    %gt3A_2 = vector.broadcast %gt3A : f32 to vector<10240x1xf32>
    %gt3A_3 = arith.cmpf ogt, %get3A_1, %gt3A_2 : vector<10240x1xf32>
    %lt3A = arith.constant 10000 : i32
    %lt3A_4 = vector.broadcast %lt3A : i32 to vector<10240x1xi32>
    %lt3A_5 = arith.cmpi slt, %iota3A, %lt3A_4 : vector<10240x1xi32>
    %and3A = arith.andi %gt3A_3, %lt3A_5 : vector<10240x1xi1>
    %max3A = arith.constant 9.99999996E-13 : f32
    %max3A_6 = vector.broadcast %max3A : f32 to vector<10240x1xf32>
    %max3A_7 = arith.maximumf %get3A_1, %max3A_6 : vector<10240x1xf32>
    %rsqrt3A = math.rsqrt %max3A_7 : vector<10240x1xf32>
    %jit3A = arith.constant 0.000000e+00 : f32
    %broadcast_in_dim3A = vector.broadcast %jit3A : f32 to vector<10240x1xf32>
    %select_n3A = arith.select %and3A, %rsqrt3A, %broadcast_in_dim3A : vector<10240x1xi1>, vector<10240x1xf32>
    %swap3A = arith.constant 0 : index
    %swap3A_8 = arith.constant 0 : index
    %swap3A_9 = vector.load %arg1[%swap3A, %swap3A_8] : memref<10240x1xf32, #tpu.memory_space<vmem>>, vector<10240x1xf32>
    tpu.vector_store %arg1[%swap3A, %swap3A_8], %select_n3A {strides = array<i32>} : memref<10240x1xf32, #tpu.memory_space<vmem>>, vector<10240x1xf32>,
    return
  }
}

module attributes {stable_mosaic.version = 14 : i64} {
  func.func @body(%arg0: i32, %arg1: memref<1280x128xf32, #tpu.memory_space<vmem>>, %arg2: memref<1280x1xf32, #tpu.memory_space<vmem>>, %arg3: memref<1280x128xf32, #tpu.memory_space<vmem>>, %arg4: memref<1280x128xf32, #tpu.memory_space<vmem>>) attributes {dimension_semantics = [#tpu.dimension_semantics<arbitrary>], iteration_bounds = array<i64: 8>, scalar_prefetch = 0 : i64, scratch_operands = 0 : i64, tpu.core_type = #tpu.core_type<tc>, window_params = [{transform_indices = @transform_0, window_bounds = array<i64: 1280, 128>}, {transform_indices = @transform_1, window_bounds = array<i64: 1280, 1>}, {transform_indices = @transform_2, window_bounds = array<i64: 1280, 128>}, {transform_indices = @transform_3, window_bounds = array<i64: 1280, 128>}]} {
    %get3A = arith.constant 0 : index
    %get3A_0 = arith.constant 0 : index
    %get3A_1 = vector.load %arg1[%get3A, %get3A_0] : memref<1280x128xf32, #tpu.memory_space<vmem>>, vector<1280x128xf32>
    %get3A_2 = arith.constant 0 : index
    %get3A_3 = arith.constant 0 : index
    %get3A_4 = vector.load %arg2[%get3A_2, %get3A_3] : memref<1280x1xf32, #tpu.memory_space<vmem>>, vector<1280x1xf32>
    %swap3A = arith.constant 0 : index
    %swap3A_5 = arith.constant 0 : index
    %swap3A_6 = vector.load %arg3[%swap3A, %swap3A_5] : memref<1280x128xf32, #tpu.memory_space<vmem>>, vector<1280x128xf32>
    tpu.vector_store %arg3[%swap3A, %swap3A_5], %get3A_1 {strides = array<i32>} : memref<1280x128xf32, #tpu.memory_space<vmem>>, vector<1280x128xf32>,
    %mul3A = vector.broadcast %get3A_4 : vector<1280x1xf32> to vector<1280x128xf32>
    %mul3A_7 = arith.mulf %mul3A, %get3A_1 : vector<1280x128xf32>
    %swap3A_8 = arith.constant 0 : index
    %swap3A_9 = arith.constant 0 : index
    %swap3A_10 = vector.load %arg4[%swap3A_8, %swap3A_9] : memref<1280x128xf32, #tpu.memory_space<vmem>>, vector<1280x128xf32>
    tpu.vector_store %arg4[%swap3A_8, %swap3A_9], %mul3A_7 {strides = array<i32>} : memref<1280x128xf32, #tpu.memory_space<vmem>>, vector<1280x128xf32>,
    return
  }
  func.func @transform_0(%arg0: i32) -> (i32, i32) {
    %c0_i32 = arith.constant 0 : i32
    %c0_i32_0 = arith.constant 0 : i32
    return %arg0, %c0_i32 : i32, i32
  }
  func.func @transform_1(%arg0: i32) -> (i32, i32) {
    %c0_i32 = arith.constant 0 : i32
    %c0_i32_0 = arith.constant 0 : i32
    return %arg0, %c0_i32 : i32, i32
  }
  func.func @transform_2(%arg0: i32) -> (i32, i32) {
    %c0_i32 = arith.constant 0 : i32
    %c0_i32_0 = arith.constant 0 : i32
    return %arg0, %c0_i32 : i32, i32
  }
  func.func @transform_3(%arg0: i32) -> (i32, i32) {
    %c0_i32 = arith.constant 0 : i32
    %c0_i32_0 = arith.constant 0 : i32
    return %arg0, %c0_i32 : i32, i32
  }
}

module attributes {stable_mosaic.version = 14 : i64} {
  func.func @body(%arg0: i32, %arg1: memref<1280x128xf32, #tpu.memory_space<vmem>>, %arg2: memref<128x128xf32, #tpu.memory_space<vmem>>, %arg3: memref<1x128xf32, #tpu.memory_space<vmem>>, %arg4: memref<1280x128xf32, #tpu.memory_space<vmem>>) attributes {dimension_semantics = [#tpu.dimension_semantics<arbitrary>], iteration_bounds = array<i64: 8>, scalar_prefetch = 0 : i64, scratch_operands = 0 : i64, tpu.core_type = #tpu.core_type<tc>, window_params = [{transform_indices = @transform_0, window_bounds = array<i64: 1280, 128>}, {pipeline_mode = #tpu.pipeline_mode<synchronous>, transform_indices = @transform_1, window_bounds = array<i64: 128, 128>}, {pipeline_mode = #tpu.pipeline_mode<synchronous>, transform_indices = @transform_2, window_bounds = array<i64: 1, 128>}, {transform_indices = @transform_3, window_bounds = array<i64: 1280, 128>}]} {
    %get3A = arith.constant 0 : index
    %get3A_0 = arith.constant 0 : index
    %get3A_1 = vector.load %arg1[%get3A, %get3A_0] : memref<1280x128xf32, #tpu.memory_space<vmem>>, vector<1280x128xf32>
    %get3A_2 = arith.constant 0 : index
    %get3A_3 = arith.constant 0 : index
    %get3A_4 = vector.load %arg2[%get3A_2, %get3A_3] : memref<128x128xf32, #tpu.memory_space<vmem>>, vector<128x128xf32>
    %dot_general3A = arith.constant dense<0.000000e+00> : vector<1280x128xf32>
    %dot_general3A_5 = tpu.matmul %get3A_1, %get3A_4, %dot_general3A {dimension_numbers = #tpu.dot_dimension_numbers<[1], [0], [0], [1], [0, 0, 1, 1], [], []>, transpose_lhs_hint = false} : vector<1280x128xf32>, vector<128x128xf32>, vector<1280x128xf32> -> vector<1280x128xf32>
    %get3A_6 = arith.constant 0 : index
    %get3A_7 = arith.constant 0 : index
    %get3A_8 = vector.load %arg3[%get3A_6, %get3A_7] : memref<1x128xf32, #tpu.memory_space<vmem>>, vector<1x128xf32>
    %add3A = vector.broadcast %get3A_8 : vector<1x128xf32> to vector<1280x128xf32>
    %add3A_9 = arith.addf %dot_general3A_5, %add3A : vector<1280x128xf32>
    %swap3A = arith.constant 0 : index
    %swap3A_10 = arith.constant 0 : index
    %swap3A_11 = vector.load %arg4[%swap3A, %swap3A_10] : memref<1280x128xf32, #tpu.memory_space<vmem>>, vector<1280x128xf32>
    tpu.vector_store %arg4[%swap3A, %swap3A_10], %add3A_9 {strides = array<i32>} : memref<1280x128xf32, #tpu.memory_space<vmem>>, vector<1280x128xf32>,
    return
  }
  func.func @transform_0(%arg0: i32) -> (i32, i32) {
    %c0_i32 = arith.constant 0 : i32
    %c0_i32_0 = arith.constant 0 : i32
    return %arg0, %c0_i32 : i32, i32
  }
  func.func @transform_1(%arg0: i32) -> (i32, i32) {
    %c0_i32 = arith.constant 0 : i32
    %c0_i32_0 = arith.constant 0 : i32
    %c0_i32_1 = arith.constant 0 : i32
    return %c0_i32, %c0_i32_0 : i32, i32
  }
  func.func @transform_2(%arg0: i32) -> (i32, i32) {
    %c0_i32 = arith.constant 0 : i32
    %c0_i32_0 = arith.constant 0 : i32
    %c0_i32_1 = arith.constant 0 : i32
    return %c0_i32, %c0_i32_0 : i32, i32
  }
  func.func @transform_3(%arg0: i32) -> (i32, i32) {
    %c0_i32 = arith.constant 0 : i32
    %c0_i32_0 = arith.constant 0 : i32
    return %arg0, %c0_i32 : i32, i32
  }
}

module attributes {stable_mosaic.version = 14 : i64} {
  func.func @body(%arg0: i32, %arg1: memref<2x1280x128xf32, #tpu.memory_space<vmem>>, %arg2: memref<1280x128xf32, #tpu.memory_space<vmem>>, %arg3: memref<1280x128xf32, #tpu.memory_space<vmem>>, %arg4: memref<128x128xf32, #tpu.memory_space<vmem>>, %arg5: memref<1280x1xf32, #tpu.memory_space<vmem>>, %arg6: memref<1280x128xf32, #tpu.memory_space<vmem>>, %arg7: memref<1280x128xf32, #tpu.memory_space<vmem>>, %arg8: memref<1280x128xf32, #tpu.memory_space<vmem>>) attributes {dimension_semantics = [#tpu.dimension_semantics<arbitrary>], iteration_bounds = array<i64: 8>, scalar_prefetch = 0 : i64, scratch_operands = 0 : i64, tpu.core_type = #tpu.core_type<tc>, window_params = [{transform_indices = @transform_0, window_bounds = array<i64: 2, 1280, 128>}, {transform_indices = @transform_1, window_bounds = array<i64: 1280, 128>}, {transform_indices = @transform_2, window_bounds = array<i64: 1280, 128>}, {pipeline_mode = #tpu.pipeline_mode<synchronous>, transform_indices = @transform_3, window_bounds = array<i64: 128, 128>}, {transform_indices = @transform_4, window_bounds = array<i64: 1280, 1>}, {transform_indices = @transform_5, window_bounds = array<i64: 1280, 128>}, {transform_indices = @transform_6, window_bounds = array<i64: 1280, 128>}, {transform_indices = @transform_7, window_bounds = array<i64: 1280, 128>}]} {
    %get3A = arith.constant 0 : index
    %get3A_0 = arith.constant 0 : index
    %get3A_1 = vector.load %arg5[%get3A, %get3A_0] : memref<1280x1xf32, #tpu.memory_space<vmem>>, vector<1280x1xf32>
    %mul3A = arith.constant -1.000000e+00 : f32
    %mul3A_2 = vector.broadcast %mul3A : f32 to vector<1280x1xf32>
    %mul3A_3 = arith.mulf %mul3A_2, %get3A_1 : vector<1280x1xf32>
    %get3A_4 = arith.constant 0 : index
    %get3A_5 = arith.constant 0 : index
    %get3A_6 = arith.constant 0 : index
    %get3A_7 = vector.load %arg1[%get3A_4, %get3A_5, %get3A_6] : memref<2x1280x128xf32, #tpu.memory_space<vmem>>, vector<1x1280x128xf32>
    %get3A_8 = vector.shape_cast %get3A_7 : vector<1x1280x128xf32> to vector<1280x128xf32>
    %get3A_9 = arith.constant 1 : index
    %get3A_10 = arith.constant 0 : index
    %get3A_11 = arith.constant 0 : index
    %get3A_12 = vector.load %arg1[%get3A_9, %get3A_10, %get3A_11] : memref<2x1280x128xf32, #tpu.memory_space<vmem>>, vector<1x1280x128xf32>
    %get3A_13 = vector.shape_cast %get3A_12 : vector<1x1280x128xf32> to vector<1280x128xf32>
    %add3A = arith.addf %get3A_8, %get3A_13 : vector<1280x128xf32>
    %mul3A_14 = vector.broadcast %mul3A_3 : vector<1280x1xf32> to vector<1280x128xf32>
    %mul3A_15 = arith.mulf %mul3A_14, %add3A : vector<1280x128xf32>
    %get3A_16 = arith.constant 0 : index
    %get3A_17 = arith.constant 0 : index
    %get3A_18 = vector.load %arg2[%get3A_16, %get3A_17] : memref<1280x128xf32, #tpu.memory_space<vmem>>, vector<1280x128xf32>
    %sub3A = arith.subf %mul3A_15, %get3A_18 : vector<1280x128xf32>
    %swap3A = arith.constant 0 : index
    %swap3A_19 = arith.constant 0 : index
    %swap3A_20 = vector.load %arg6[%swap3A, %swap3A_19] : memref<1280x128xf32, #tpu.memory_space<vmem>>, vector<1280x128xf32>
    tpu.vector_store %arg6[%swap3A, %swap3A_19], %sub3A {strides = array<i32>} : memref<1280x128xf32, #tpu.memory_space<vmem>>, vector<1280x128xf32>,
    %mul3A_21 = vector.broadcast %get3A_1 : vector<1280x1xf32> to vector<1280x128xf32>
    %mul3A_22 = arith.mulf %mul3A_21, %sub3A : vector<1280x128xf32>
    %swap3A_23 = arith.constant 0 : index
    %swap3A_24 = arith.constant 0 : index
    %swap3A_25 = vector.load %arg7[%swap3A_23, %swap3A_24] : memref<1280x128xf32, #tpu.memory_space<vmem>>, vector<1280x128xf32>
    tpu.vector_store %arg7[%swap3A_23, %swap3A_24], %mul3A_22 {strides = array<i32>} : memref<1280x128xf32, #tpu.memory_space<vmem>>, vector<1280x128xf32>,
    %get3A_26 = arith.constant 0 : index
    %get3A_27 = arith.constant 0 : index
    %get3A_28 = vector.load %arg3[%get3A_26, %get3A_27] : memref<1280x128xf32, #tpu.memory_space<vmem>>, vector<1280x128xf32>
    %get3A_29 = arith.constant 0 : index
    %get3A_30 = arith.constant 0 : index
    %get3A_31 = vector.load %arg4[%get3A_29, %get3A_30] : memref<128x128xf32, #tpu.memory_space<vmem>>, vector<128x128xf32>
    %dot_general3A = arith.constant dense<0.000000e+00> : vector<1280x128xf32>
    %dot_general3A_32 = tpu.matmul %sub3A, %get3A_31, %dot_general3A {dimension_numbers = #tpu.dot_dimension_numbers<[1], [0], [0], [1], [0, 0, 1, 1], [], []>, transpose_lhs_hint = false} : vector<1280x128xf32>, vector<128x128xf32>, vector<1280x128xf32> -> vector<1280x128xf32>
    %add3A_33 = arith.addf %get3A_28, %dot_general3A_32 : vector<1280x128xf32>
    %swap3A_34 = arith.constant 0 : index
    %swap3A_35 = arith.constant 0 : index
    %swap3A_36 = vector.load %arg8[%swap3A_34, %swap3A_35] : memref<1280x128xf32, #tpu.memory_space<vmem>>, vector<1280x128xf32>
    tpu.vector_store %arg8[%swap3A_34, %swap3A_35], %add3A_33 {strides = array<i32>} : memref<1280x128xf32, #tpu.memory_space<vmem>>, vector<1280x128xf32>,
    return
  }
  func.func @transform_0(%arg0: i32) -> (i32, i32, i32) {
    %c0_i32 = arith.constant 0 : i32
    %c0_i32_0 = arith.constant 0 : i32
    %c0_i32_1 = arith.constant 0 : i32
    return %c0_i32, %arg0, %c0_i32_0 : i32, i32, i32
  }
  func.func @transform_1(%arg0: i32) -> (i32, i32) {
    %c0_i32 = arith.constant 0 : i32
    %c0_i32_0 = arith.constant 0 : i32
    return %arg0, %c0_i32 : i32, i32
  }
  func.func @transform_2(%arg0: i32) -> (i32, i32) {
    %c0_i32 = arith.constant 0 : i32
    %c0_i32_0 = arith.constant 0 : i32
    return %arg0, %c0_i32 : i32, i32
  }
  func.func @transform_3(%arg0: i32) -> (i32, i32) {
    %c0_i32 = arith.constant 0 : i32
    %c0_i32_0 = arith.constant 0 : i32
    %c0_i32_1 = arith.constant 0 : i32
    return %c0_i32, %c0_i32_0 : i32, i32
  }
  func.func @transform_4(%arg0: i32) -> (i32, i32) {
    %c0_i32 = arith.constant 0 : i32
    %c0_i32_0 = arith.constant 0 : i32
    return %arg0, %c0_i32 : i32, i32
  }
  func.func @transform_5(%arg0: i32) -> (i32, i32) {
    %c0_i32 = arith.constant 0 : i32
    %c0_i32_0 = arith.constant 0 : i32
    return %arg0, %c0_i32 : i32, i32
  }
  func.func @transform_6(%arg0: i32) -> (i32, i32) {
    %c0_i32 = arith.constant 0 : i32
    %c0_i32_0 = arith.constant 0 : i32
    return %arg0, %c0_i32 : i32, i32
  }
  func.func @transform_7(%arg0: i32) -> (i32, i32) {
    %c0_i32 = arith.constant 0 : i32
    %c0_i32_0 = arith.constant 0 : i32
    return %arg0, %c0_i32 : i32, i32
  }
}

module attributes {stable_mosaic.version = 14 : i64} {
  func.func @body(%arg0: i32, %arg1: memref<2x1280x128xf32, #tpu.memory_space<vmem>>, %arg2: memref<1280x128xf32, #tpu.memory_space<vmem>>, %arg3: memref<1280x128xf32, #tpu.memory_space<vmem>>, %arg4: memref<128x128xf32, #tpu.memory_space<vmem>>, %arg5: memref<1280x1xf32, #tpu.memory_space<vmem>>, %arg6: memref<1280x128xf32, #tpu.memory_space<vmem>>, %arg7: memref<1280x128xf32, #tpu.memory_space<vmem>>, %arg8: memref<1280x128xf32, #tpu.memory_space<vmem>>) attributes {dimension_semantics = [#tpu.dimension_semantics<arbitrary>], iteration_bounds = array<i64: 8>, scalar_prefetch = 0 : i64, scratch_operands = 0 : i64, tpu.core_type = #tpu.core_type<tc>, window_params = [{transform_indices = @transform_0, window_bounds = array<i64: 2, 1280, 128>}, {transform_indices = @transform_1, window_bounds = array<i64: 1280, 128>}, {transform_indices = @transform_2, window_bounds = array<i64: 1280, 128>}, {pipeline_mode = #tpu.pipeline_mode<synchronous>, transform_indices = @transform_3, window_bounds = array<i64: 128, 128>}, {transform_indices = @transform_4, window_bounds = array<i64: 1280, 1>}, {transform_indices = @transform_5, window_bounds = array<i64: 1280, 128>}, {transform_indices = @transform_6, window_bounds = array<i64: 1280, 128>}, {transform_indices = @transform_7, window_bounds = array<i64: 1280, 128>}]} {
    %get3A = arith.constant 0 : index
    %get3A_0 = arith.constant 0 : index
    %get3A_1 = vector.load %arg5[%get3A, %get3A_0] : memref<1280x1xf32, #tpu.memory_space<vmem>>, vector<1280x1xf32>
    %mul3A = arith.constant -2.000000e+00 : f32
    %mul3A_2 = vector.broadcast %mul3A : f32 to vector<1280x1xf32>
    %mul3A_3 = arith.mulf %mul3A_2, %get3A_1 : vector<1280x1xf32>
    %get3A_4 = arith.constant 0 : index
    %get3A_5 = arith.constant 0 : index
    %get3A_6 = arith.constant 0 : index
    %get3A_7 = vector.load %arg1[%get3A_4, %get3A_5, %get3A_6] : memref<2x1280x128xf32, #tpu.memory_space<vmem>>, vector<1x1280x128xf32>
    %get3A_8 = vector.shape_cast %get3A_7 : vector<1x1280x128xf32> to vector<1280x128xf32>
    %get3A_9 = arith.constant 1 : index
    %get3A_10 = arith.constant 0 : index
    %get3A_11 = arith.constant 0 : index
    %get3A_12 = vector.load %arg1[%get3A_9, %get3A_10, %get3A_11] : memref<2x1280x128xf32, #tpu.memory_space<vmem>>, vector<1x1280x128xf32>
    %get3A_13 = vector.shape_cast %get3A_12 : vector<1x1280x128xf32> to vector<1280x128xf32>
    %add3A = arith.addf %get3A_8, %get3A_13 : vector<1280x128xf32>
    %mul3A_14 = vector.broadcast %mul3A_3 : vector<1280x1xf32> to vector<1280x128xf32>
    %mul3A_15 = arith.mulf %mul3A_14, %add3A : vector<1280x128xf32>
    %get3A_16 = arith.constant 0 : index
    %get3A_17 = arith.constant 0 : index
    %get3A_18 = vector.load %arg2[%get3A_16, %get3A_17] : memref<1280x128xf32, #tpu.memory_space<vmem>>, vector<1280x128xf32>
    %sub3A = arith.subf %mul3A_15, %get3A_18 : vector<1280x128xf32>
    %swap3A = arith.constant 0 : index
    %swap3A_19 = arith.constant 0 : index
    %swap3A_20 = vector.load %arg6[%swap3A, %swap3A_19] : memref<1280x128xf32, #tpu.memory_space<vmem>>, vector<1280x128xf32>
    tpu.vector_store %arg6[%swap3A, %swap3A_19], %sub3A {strides = array<i32>} : memref<1280x128xf32, #tpu.memory_space<vmem>>, vector<1280x128xf32>,
    %mul3A_21 = vector.broadcast %get3A_1 : vector<1280x1xf32> to vector<1280x128xf32>
    %mul3A_22 = arith.mulf %mul3A_21, %sub3A : vector<1280x128xf32>
    %swap3A_23 = arith.constant 0 : index
    %swap3A_24 = arith.constant 0 : index
    %swap3A_25 = vector.load %arg7[%swap3A_23, %swap3A_24] : memref<1280x128xf32, #tpu.memory_space<vmem>>, vector<1280x128xf32>
    tpu.vector_store %arg7[%swap3A_23, %swap3A_24], %mul3A_22 {strides = array<i32>} : memref<1280x128xf32, #tpu.memory_space<vmem>>, vector<1280x128xf32>,
    %get3A_26 = arith.constant 0 : index
    %get3A_27 = arith.constant 0 : index
    %get3A_28 = vector.load %arg3[%get3A_26, %get3A_27] : memref<1280x128xf32, #tpu.memory_space<vmem>>, vector<1280x128xf32>
    %get3A_29 = arith.constant 0 : index
    %get3A_30 = arith.constant 0 : index
    %get3A_31 = vector.load %arg4[%get3A_29, %get3A_30] : memref<128x128xf32, #tpu.memory_space<vmem>>, vector<128x128xf32>
    %dot_general3A = arith.constant dense<0.000000e+00> : vector<1280x128xf32>
    %dot_general3A_32 = tpu.matmul %sub3A, %get3A_31, %dot_general3A {dimension_numbers = #tpu.dot_dimension_numbers<[1], [0], [0], [1], [0, 0, 1, 1], [], []>, transpose_lhs_hint = false} : vector<1280x128xf32>, vector<128x128xf32>, vector<1280x128xf32> -> vector<1280x128xf32>
    %add3A_33 = arith.addf %get3A_28, %dot_general3A_32 : vector<1280x128xf32>
    %swap3A_34 = arith.constant 0 : index
    %swap3A_35 = arith.constant 0 : index
    %swap3A_36 = vector.load %arg8[%swap3A_34, %swap3A_35] : memref<1280x128xf32, #tpu.memory_space<vmem>>, vector<1280x128xf32>
    tpu.vector_store %arg8[%swap3A_34, %swap3A_35], %add3A_33 {strides = array<i32>} : memref<1280x128xf32, #tpu.memory_space<vmem>>, vector<1280x128xf32>,
    return
  }
  func.func @transform_0(%arg0: i32) -> (i32, i32, i32) {
    %c0_i32 = arith.constant 0 : i32
    %c0_i32_0 = arith.constant 0 : i32
    %c0_i32_1 = arith.constant 0 : i32
    return %c0_i32, %arg0, %c0_i32_0 : i32, i32, i32
  }
  func.func @transform_1(%arg0: i32) -> (i32, i32) {
    %c0_i32 = arith.constant 0 : i32
    %c0_i32_0 = arith.constant 0 : i32
    return %arg0, %c0_i32 : i32, i32
  }
  func.func @transform_2(%arg0: i32) -> (i32, i32) {
    %c0_i32 = arith.constant 0 : i32
    %c0_i32_0 = arith.constant 0 : i32
    return %arg0, %c0_i32 : i32, i32
  }
  func.func @transform_3(%arg0: i32) -> (i32, i32) {
    %c0_i32 = arith.constant 0 : i32
    %c0_i32_0 = arith.constant 0 : i32
    %c0_i32_1 = arith.constant 0 : i32
    return %c0_i32, %c0_i32_0 : i32, i32
  }
  func.func @transform_4(%arg0: i32) -> (i32, i32) {
    %c0_i32 = arith.constant 0 : i32
    %c0_i32_0 = arith.constant 0 : i32
    return %arg0, %c0_i32 : i32, i32
  }
  func.func @transform_5(%arg0: i32) -> (i32, i32) {
    %c0_i32 = arith.constant 0 : i32
    %c0_i32_0 = arith.constant 0 : i32
    return %arg0, %c0_i32 : i32, i32
  }
  func.func @transform_6(%arg0: i32) -> (i32, i32) {
    %c0_i32 = arith.constant 0 : i32
    %c0_i32_0 = arith.constant 0 : i32
    return %arg0, %c0_i32 : i32, i32
  }
  func.func @transform_7(%arg0: i32) -> (i32, i32) {
    %c0_i32 = arith.constant 0 : i32
    %c0_i32_0 = arith.constant 0 : i32
    return %arg0, %c0_i32 : i32, i32
  }
}

module attributes {stable_mosaic.version = 14 : i64} {
  func.func @body(%arg0: i32, %arg1: memref<1280x128xf32, #tpu.memory_space<vmem>>, %arg2: memref<1280x1xf32, #tpu.memory_space<vmem>>, %arg3: memref<1280x128xf32, #tpu.memory_space<vmem>>, %arg4: memref<1280x128xf32, #tpu.memory_space<vmem>>) attributes {dimension_semantics = [#tpu.dimension_semantics<arbitrary>], iteration_bounds = array<i64: 8>, scalar_prefetch = 0 : i64, scratch_operands = 0 : i64, tpu.core_type = #tpu.core_type<tc>, window_params = [{transform_indices = @transform_0, window_bounds = array<i64: 1280, 128>}, {transform_indices = @transform_1, window_bounds = array<i64: 1280, 1>}, {transform_indices = @transform_2, window_bounds = array<i64: 1280, 128>}, {transform_indices = @transform_3, window_bounds = array<i64: 1280, 128>}]} {
    %get3A = arith.constant 0 : index
    %get3A_0 = arith.constant 0 : index
    %get3A_1 = vector.load %arg1[%get3A, %get3A_0] : memref<1280x128xf32, #tpu.memory_space<vmem>>, vector<1280x128xf32>
    %logistic3A = arith.negf %get3A_1 : vector<1280x128xf32>
    %logistic3A_2 = math.exp %logistic3A : vector<1280x128xf32>
    %logistic3A_3 = arith.constant 1.000000e+00 : f32
    %logistic3A_4 = vector.broadcast %logistic3A_3 : f32 to vector<1280x128xf32>
    %logistic3A_5 = arith.addf %logistic3A_4, %logistic3A_2 : vector<1280x128xf32>
    %logistic3A_6 = arith.divf %logistic3A_4, %logistic3A_5 : vector<1280x128xf32>
    %mul3A = arith.mulf %get3A_1, %logistic3A_6 : vector<1280x128xf32>
    %get3A_7 = arith.constant 0 : index
    %get3A_8 = arith.constant 0 : index
    %get3A_9 = vector.load %arg2[%get3A_7, %get3A_8] : memref<1280x1xf32, #tpu.memory_space<vmem>>, vector<1280x1xf32>
    %swap3A = arith.constant 0 : index
    %swap3A_10 = arith.constant 0 : index
    %swap3A_11 = vector.load %arg3[%swap3A, %swap3A_10] : memref<1280x128xf32, #tpu.memory_space<vmem>>, vector<1280x128xf32>
    tpu.vector_store %arg3[%swap3A, %swap3A_10], %mul3A {strides = array<i32>} : memref<1280x128xf32, #tpu.memory_space<vmem>>, vector<1280x128xf32>,
    %mul3A_12 = vector.broadcast %get3A_9 : vector<1280x1xf32> to vector<1280x128xf32>
    %mul3A_13 = arith.mulf %mul3A_12, %mul3A : vector<1280x128xf32>
    %swap3A_14 = arith.constant 0 : index
    %swap3A_15 = arith.constant 0 : index
    %swap3A_16 = vector.load %arg4[%swap3A_14, %swap3A_15] : memref<1280x128xf32, #tpu.memory_space<vmem>>, vector<1280x128xf32>
    tpu.vector_store %arg4[%swap3A_14, %swap3A_15], %mul3A_13 {strides = array<i32>} : memref<1280x128xf32, #tpu.memory_space<vmem>>, vector<1280x128xf32>,
    return
  }
  func.func @transform_0(%arg0: i32) -> (i32, i32) {
    %c0_i32 = arith.constant 0 : i32
    %c0_i32_0 = arith.constant 0 : i32
    return %arg0, %c0_i32 : i32, i32
  }
  func.func @transform_1(%arg0: i32) -> (i32, i32) {
    %c0_i32 = arith.constant 0 : i32
    %c0_i32_0 = arith.constant 0 : i32
    return %arg0, %c0_i32 : i32, i32
  }
  func.func @transform_2(%arg0: i32) -> (i32, i32) {
    %c0_i32 = arith.constant 0 : i32
    %c0_i32_0 = arith.constant 0 : i32
    return %arg0, %c0_i32 : i32, i32
  }
  func.func @transform_3(%arg0: i32) -> (i32, i32) {
    %c0_i32 = arith.constant 0 : i32
    %c0_i32_0 = arith.constant 0 : i32
    return %arg0, %c0_i32 : i32, i32
  }
}

module attributes {stable_mosaic.version = 14 : i64} {
  func.func @body(%arg0: i32, %arg1: memref<1280x128xf32, #tpu.memory_space<vmem>>, %arg2: memref<128x64xf32, #tpu.memory_space<vmem>>, %arg3: memref<1x64xf32, #tpu.memory_space<vmem>>, %arg4: memref<1280x64xf32, #tpu.memory_space<vmem>>) attributes {dimension_semantics = [#tpu.dimension_semantics<arbitrary>], iteration_bounds = array<i64: 8>, scalar_prefetch = 0 : i64, scratch_operands = 0 : i64, tpu.core_type = #tpu.core_type<tc>, window_params = [{transform_indices = @transform_0, window_bounds = array<i64: 1280, 128>}, {pipeline_mode = #tpu.pipeline_mode<synchronous>, transform_indices = @transform_1, window_bounds = array<i64: 128, 64>}, {pipeline_mode = #tpu.pipeline_mode<synchronous>, transform_indices = @transform_2, window_bounds = array<i64: 1, 64>}, {transform_indices = @transform_3, window_bounds = array<i64: 1280, 64>}]} {
    %get3A = arith.constant 0 : index
    %get3A_0 = arith.constant 0 : index
    %get3A_1 = vector.load %arg1[%get3A, %get3A_0] : memref<1280x128xf32, #tpu.memory_space<vmem>>, vector<1280x128xf32>
    %get3A_2 = arith.constant 0 : index
    %get3A_3 = arith.constant 0 : index
    %get3A_4 = vector.load %arg2[%get3A_2, %get3A_3] : memref<128x64xf32, #tpu.memory_space<vmem>>, vector<128x64xf32>
    %dot_general3A = arith.constant dense<0.000000e+00> : vector<1280x64xf32>
    %dot_general3A_5 = tpu.matmul %get3A_1, %get3A_4, %dot_general3A {dimension_numbers = #tpu.dot_dimension_numbers<[1], [0], [0], [1], [0, 0, 1, 1], [], []>, transpose_lhs_hint = false} : vector<1280x128xf32>, vector<128x64xf32>, vector<1280x64xf32> -> vector<1280x64xf32>
    %get3A_6 = arith.constant 0 : index
    %get3A_7 = arith.constant 0 : index
    %get3A_8 = vector.load %arg3[%get3A_6, %get3A_7] : memref<1x64xf32, #tpu.memory_space<vmem>>, vector<1x64xf32>
    %add3A = vector.broadcast %get3A_8 : vector<1x64xf32> to vector<1280x64xf32>
    %add3A_9 = arith.addf %dot_general3A_5, %add3A : vector<1280x64xf32>
    %swap3A = arith.constant 0 : index
    %swap3A_10 = arith.constant 0 : index
    %swap3A_11 = vector.load %arg4[%swap3A, %swap3A_10] : memref<1280x64xf32, #tpu.memory_space<vmem>>, vector<1280x64xf32>
    tpu.vector_store %arg4[%swap3A, %swap3A_10], %add3A_9 {strides = array<i32>} : memref<1280x64xf32, #tpu.memory_space<vmem>>, vector<1280x64xf32>,
    return
  }
  func.func @transform_0(%arg0: i32) -> (i32, i32) {
    %c0_i32 = arith.constant 0 : i32
    %c0_i32_0 = arith.constant 0 : i32
    return %arg0, %c0_i32 : i32, i32
  }
  func.func @transform_1(%arg0: i32) -> (i32, i32) {
    %c0_i32 = arith.constant 0 : i32
    %c0_i32_0 = arith.constant 0 : i32
    %c0_i32_1 = arith.constant 0 : i32
    return %c0_i32, %c0_i32_0 : i32, i32
  }
  func.func @transform_2(%arg0: i32) -> (i32, i32) {
    %c0_i32 = arith.constant 0 : i32
    %c0_i32_0 = arith.constant 0 : i32
    %c0_i32_1 = arith.constant 0 : i32
    return %c0_i32, %c0_i32_0 : i32, i32
  }
  func.func @transform_3(%arg0: i32) -> (i32, i32) {
    %c0_i32 = arith.constant 0 : i32
    %c0_i32_0 = arith.constant 0 : i32
    return %arg0, %c0_i32 : i32, i32
  }
}

module attributes {stable_mosaic.version = 14 : i64} {
  func.func @body(%arg0: i32, %arg1: memref<2x1280x128xf32, #tpu.memory_space<vmem>>, %arg2: memref<1280x128xf32, #tpu.memory_space<vmem>>, %arg3: memref<1280x64xf32, #tpu.memory_space<vmem>>, %arg4: memref<128x64xf32, #tpu.memory_space<vmem>>, %arg5: memref<1280x1xf32, #tpu.memory_space<vmem>>, %arg6: memref<1280x128xf32, #tpu.memory_space<vmem>>, %arg7: memref<1280x128xf32, #tpu.memory_space<vmem>>, %arg8: memref<1280x64xf32, #tpu.memory_space<vmem>>) attributes {dimension_semantics = [#tpu.dimension_semantics<arbitrary>], iteration_bounds = array<i64: 8>, scalar_prefetch = 0 : i64, scratch_operands = 0 : i64, tpu.core_type = #tpu.core_type<tc>, window_params = [{transform_indices = @transform_0, window_bounds = array<i64: 2, 1280, 128>}, {transform_indices = @transform_1, window_bounds = array<i64: 1280, 128>}, {transform_indices = @transform_2, window_bounds = array<i64: 1280, 64>}, {pipeline_mode = #tpu.pipeline_mode<synchronous>, transform_indices = @transform_3, window_bounds = array<i64: 128, 64>}, {transform_indices = @transform_4, window_bounds = array<i64: 1280, 1>}, {transform_indices = @transform_5, window_bounds = array<i64: 1280, 128>}, {transform_indices = @transform_6, window_bounds = array<i64: 1280, 128>}, {transform_indices = @transform_7, window_bounds = array<i64: 1280, 64>}]} {
    %get3A = arith.constant 0 : index
    %get3A_0 = arith.constant 0 : index
    %get3A_1 = vector.load %arg5[%get3A, %get3A_0] : memref<1280x1xf32, #tpu.memory_space<vmem>>, vector<1280x1xf32>
    %mul3A = arith.constant -1.000000e+00 : f32
    %mul3A_2 = vector.broadcast %mul3A : f32 to vector<1280x1xf32>
    %mul3A_3 = arith.mulf %mul3A_2, %get3A_1 : vector<1280x1xf32>
    %get3A_4 = arith.constant 0 : index
    %get3A_5 = arith.constant 0 : index
    %get3A_6 = arith.constant 0 : index
    %get3A_7 = vector.load %arg1[%get3A_4, %get3A_5, %get3A_6] : memref<2x1280x128xf32, #tpu.memory_space<vmem>>, vector<1x1280x128xf32>
    %get3A_8 = vector.shape_cast %get3A_7 : vector<1x1280x128xf32> to vector<1280x128xf32>
    %get3A_9 = arith.constant 1 : index
    %get3A_10 = arith.constant 0 : index
    %get3A_11 = arith.constant 0 : index
    %get3A_12 = vector.load %arg1[%get3A_9, %get3A_10, %get3A_11] : memref<2x1280x128xf32, #tpu.memory_space<vmem>>, vector<1x1280x128xf32>
    %get3A_13 = vector.shape_cast %get3A_12 : vector<1x1280x128xf32> to vector<1280x128xf32>
    %add3A = arith.addf %get3A_8, %get3A_13 : vector<1280x128xf32>
    %mul3A_14 = vector.broadcast %mul3A_3 : vector<1280x1xf32> to vector<1280x128xf32>
    %mul3A_15 = arith.mulf %mul3A_14, %add3A : vector<1280x128xf32>
    %get3A_16 = arith.constant 0 : index
    %get3A_17 = arith.constant 0 : index
    %get3A_18 = vector.load %arg2[%get3A_16, %get3A_17] : memref<1280x128xf32, #tpu.memory_space<vmem>>, vector<1280x128xf32>
    %sub3A = arith.subf %mul3A_15, %get3A_18 : vector<1280x128xf32>
    %swap3A = arith.constant 0 : index
    %swap3A_19 = arith.constant 0 : index
    %swap3A_20 = vector.load %arg6[%swap3A, %swap3A_19] : memref<1280x128xf32, #tpu.memory_space<vmem>>, vector<1280x128xf32>
    tpu.vector_store %arg6[%swap3A, %swap3A_19], %sub3A {strides = array<i32>} : memref<1280x128xf32, #tpu.memory_space<vmem>>, vector<1280x128xf32>,
    %mul3A_21 = vector.broadcast %get3A_1 : vector<1280x1xf32> to vector<1280x128xf32>
    %mul3A_22 = arith.mulf %mul3A_21, %sub3A : vector<1280x128xf32>
    %swap3A_23 = arith.constant 0 : index
    %swap3A_24 = arith.constant 0 : index
    %swap3A_25 = vector.load %arg7[%swap3A_23, %swap3A_24] : memref<1280x128xf32, #tpu.memory_space<vmem>>, vector<1280x128xf32>
    tpu.vector_store %arg7[%swap3A_23, %swap3A_24], %mul3A_22 {strides = array<i32>} : memref<1280x128xf32, #tpu.memory_space<vmem>>, vector<1280x128xf32>,
    %get3A_26 = arith.constant 0 : index
    %get3A_27 = arith.constant 0 : index
    %get3A_28 = vector.load %arg3[%get3A_26, %get3A_27] : memref<1280x64xf32, #tpu.memory_space<vmem>>, vector<1280x64xf32>
    %get3A_29 = arith.constant 0 : index
    %get3A_30 = arith.constant 0 : index
    %get3A_31 = vector.load %arg4[%get3A_29, %get3A_30] : memref<128x64xf32, #tpu.memory_space<vmem>>, vector<128x64xf32>
    %dot_general3A = arith.constant dense<0.000000e+00> : vector<1280x64xf32>
    %dot_general3A_32 = tpu.matmul %sub3A, %get3A_31, %dot_general3A {dimension_numbers = #tpu.dot_dimension_numbers<[1], [0], [0], [1], [0, 0, 1, 1], [], []>, transpose_lhs_hint = false} : vector<1280x128xf32>, vector<128x64xf32>, vector<1280x64xf32> -> vector<1280x64xf32>
    %add3A_33 = arith.addf %get3A_28, %dot_general3A_32 : vector<1280x64xf32>
    %swap3A_34 = arith.constant 0 : index
    %swap3A_35 = arith.constant 0 : index
    %swap3A_36 = vector.load %arg8[%swap3A_34, %swap3A_35] : memref<1280x64xf32, #tpu.memory_space<vmem>>, vector<1280x64xf32>
    tpu.vector_store %arg8[%swap3A_34, %swap3A_35], %add3A_33 {strides = array<i32>} : memref<1280x64xf32, #tpu.memory_space<vmem>>, vector<1280x64xf32>,
    return
  }
  func.func @transform_0(%arg0: i32) -> (i32, i32, i32) {
    %c0_i32 = arith.constant 0 : i32
    %c0_i32_0 = arith.constant 0 : i32
    %c0_i32_1 = arith.constant 0 : i32
    return %c0_i32, %arg0, %c0_i32_0 : i32, i32, i32
  }
  func.func @transform_1(%arg0: i32) -> (i32, i32) {
    %c0_i32 = arith.constant 0 : i32
    %c0_i32_0 = arith.constant 0 : i32
    return %arg0, %c0_i32 : i32, i32
  }
  func.func @transform_2(%arg0: i32) -> (i32, i32) {
    %c0_i32 = arith.constant 0 : i32
    %c0_i32_0 = arith.constant 0 : i32
    return %arg0, %c0_i32 : i32, i32
  }
  func.func @transform_3(%arg0: i32) -> (i32, i32) {
    %c0_i32 = arith.constant 0 : i32
    %c0_i32_0 = arith.constant 0 : i32
    %c0_i32_1 = arith.constant 0 : i32
    return %c0_i32, %c0_i32_0 : i32, i32
  }
  func.func @transform_4(%arg0: i32) -> (i32, i32) {
    %c0_i32 = arith.constant 0 : i32
    %c0_i32_0 = arith.constant 0 : i32
    return %arg0, %c0_i32 : i32, i32
  }
  func.func @transform_5(%arg0: i32) -> (i32, i32) {
    %c0_i32 = arith.constant 0 : i32
    %c0_i32_0 = arith.constant 0 : i32
    return %arg0, %c0_i32 : i32, i32
  }
  func.func @transform_6(%arg0: i32) -> (i32, i32) {
    %c0_i32 = arith.constant 0 : i32
    %c0_i32_0 = arith.constant 0 : i32
    return %arg0, %c0_i32 : i32, i32
  }
  func.func @transform_7(%arg0: i32) -> (i32, i32) {
    %c0_i32 = arith.constant 0 : i32
    %c0_i32_0 = arith.constant 0 : i32
    return %arg0, %c0_i32 : i32, i32
  }
}

module attributes {stable_mosaic.version = 14 : i64} {
  func.func @body(%arg0: i32, %arg1: memref<2x1280x128xf32, #tpu.memory_space<vmem>>, %arg2: memref<1280x128xf32, #tpu.memory_space<vmem>>, %arg3: memref<1280x64xf32, #tpu.memory_space<vmem>>, %arg4: memref<128x64xf32, #tpu.memory_space<vmem>>, %arg5: memref<1280x1xf32, #tpu.memory_space<vmem>>, %arg6: memref<1280x128xf32, #tpu.memory_space<vmem>>, %arg7: memref<1280x128xf32, #tpu.memory_space<vmem>>, %arg8: memref<1280x64xf32, #tpu.memory_space<vmem>>) attributes {dimension_semantics = [#tpu.dimension_semantics<arbitrary>], iteration_bounds = array<i64: 8>, scalar_prefetch = 0 : i64, scratch_operands = 0 : i64, tpu.core_type = #tpu.core_type<tc>, window_params = [{transform_indices = @transform_0, window_bounds = array<i64: 2, 1280, 128>}, {transform_indices = @transform_1, window_bounds = array<i64: 1280, 128>}, {transform_indices = @transform_2, window_bounds = array<i64: 1280, 64>}, {pipeline_mode = #tpu.pipeline_mode<synchronous>, transform_indices = @transform_3, window_bounds = array<i64: 128, 64>}, {transform_indices = @transform_4, window_bounds = array<i64: 1280, 1>}, {transform_indices = @transform_5, window_bounds = array<i64: 1280, 128>}, {transform_indices = @transform_6, window_bounds = array<i64: 1280, 128>}, {transform_indices = @transform_7, window_bounds = array<i64: 1280, 64>}]} {
    %get3A = arith.constant 0 : index
    %get3A_0 = arith.constant 0 : index
    %get3A_1 = vector.load %arg5[%get3A, %get3A_0] : memref<1280x1xf32, #tpu.memory_space<vmem>>, vector<1280x1xf32>
    %mul3A = arith.constant -2.000000e+00 : f32
    %mul3A_2 = vector.broadcast %mul3A : f32 to vector<1280x1xf32>
    %mul3A_3 = arith.mulf %mul3A_2, %get3A_1 : vector<1280x1xf32>
    %get3A_4 = arith.constant 0 : index
    %get3A_5 = arith.constant 0 : index
    %get3A_6 = arith.constant 0 : index
    %get3A_7 = vector.load %arg1[%get3A_4, %get3A_5, %get3A_6] : memref<2x1280x128xf32, #tpu.memory_space<vmem>>, vector<1x1280x128xf32>
    %get3A_8 = vector.shape_cast %get3A_7 : vector<1x1280x128xf32> to vector<1280x128xf32>
    %get3A_9 = arith.constant 1 : index
    %get3A_10 = arith.constant 0 : index
    %get3A_11 = arith.constant 0 : index
    %get3A_12 = vector.load %arg1[%get3A_9, %get3A_10, %get3A_11] : memref<2x1280x128xf32, #tpu.memory_space<vmem>>, vector<1x1280x128xf32>
    %get3A_13 = vector.shape_cast %get3A_12 : vector<1x1280x128xf32> to vector<1280x128xf32>
    %add3A = arith.addf %get3A_8, %get3A_13 : vector<1280x128xf32>
    %mul3A_14 = vector.broadcast %mul3A_3 : vector<1280x1xf32> to vector<1280x128xf32>
    %mul3A_15 = arith.mulf %mul3A_14, %add3A : vector<1280x128xf32>
    %get3A_16 = arith.constant 0 : index
    %get3A_17 = arith.constant 0 : index
    %get3A_18 = vector.load %arg2[%get3A_16, %get3A_17] : memref<1280x128xf32, #tpu.memory_space<vmem>>, vector<1280x128xf32>
    %sub3A = arith.subf %mul3A_15, %get3A_18 : vector<1280x128xf32>
    %swap3A = arith.constant 0 : index
    %swap3A_19 = arith.constant 0 : index
    %swap3A_20 = vector.load %arg6[%swap3A, %swap3A_19] : memref<1280x128xf32, #tpu.memory_space<vmem>>, vector<1280x128xf32>
    tpu.vector_store %arg6[%swap3A, %swap3A_19], %sub3A {strides = array<i32>} : memref<1280x128xf32, #tpu.memory_space<vmem>>, vector<1280x128xf32>,
    %mul3A_21 = vector.broadcast %get3A_1 : vector<1280x1xf32> to vector<1280x128xf32>
    %mul3A_22 = arith.mulf %mul3A_21, %sub3A : vector<1280x128xf32>
    %swap3A_23 = arith.constant 0 : index
    %swap3A_24 = arith.constant 0 : index
    %swap3A_25 = vector.load %arg7[%swap3A_23, %swap3A_24] : memref<1280x128xf32, #tpu.memory_space<vmem>>, vector<1280x128xf32>
    tpu.vector_store %arg7[%swap3A_23, %swap3A_24], %mul3A_22 {strides = array<i32>} : memref<1280x128xf32, #tpu.memory_space<vmem>>, vector<1280x128xf32>,
    %get3A_26 = arith.constant 0 : index
    %get3A_27 = arith.constant 0 : index
    %get3A_28 = vector.load %arg3[%get3A_26, %get3A_27] : memref<1280x64xf32, #tpu.memory_space<vmem>>, vector<1280x64xf32>
    %get3A_29 = arith.constant 0 : index
    %get3A_30 = arith.constant 0 : index
    %get3A_31 = vector.load %arg4[%get3A_29, %get3A_30] : memref<128x64xf32, #tpu.memory_space<vmem>>, vector<128x64xf32>
    %dot_general3A = arith.constant dense<0.000000e+00> : vector<1280x64xf32>
    %dot_general3A_32 = tpu.matmul %sub3A, %get3A_31, %dot_general3A {dimension_numbers = #tpu.dot_dimension_numbers<[1], [0], [0], [1], [0, 0, 1, 1], [], []>, transpose_lhs_hint = false} : vector<1280x128xf32>, vector<128x64xf32>, vector<1280x64xf32> -> vector<1280x64xf32>
    %add3A_33 = arith.addf %get3A_28, %dot_general3A_32 : vector<1280x64xf32>
    %swap3A_34 = arith.constant 0 : index
    %swap3A_35 = arith.constant 0 : index
    %swap3A_36 = vector.load %arg8[%swap3A_34, %swap3A_35] : memref<1280x64xf32, #tpu.memory_space<vmem>>, vector<1280x64xf32>
    tpu.vector_store %arg8[%swap3A_34, %swap3A_35], %add3A_33 {strides = array<i32>} : memref<1280x64xf32, #tpu.memory_space<vmem>>, vector<1280x64xf32>,
    return
  }
  func.func @transform_0(%arg0: i32) -> (i32, i32, i32) {
    %c0_i32 = arith.constant 0 : i32
    %c0_i32_0 = arith.constant 0 : i32
    %c0_i32_1 = arith.constant 0 : i32
    return %c0_i32, %arg0, %c0_i32_0 : i32, i32, i32
  }
  func.func @transform_1(%arg0: i32) -> (i32, i32) {
    %c0_i32 = arith.constant 0 : i32
    %c0_i32_0 = arith.constant 0 : i32
    return %arg0, %c0_i32 : i32, i32
  }
  func.func @transform_2(%arg0: i32) -> (i32, i32) {
    %c0_i32 = arith.constant 0 : i32
    %c0_i32_0 = arith.constant 0 : i32
    return %arg0, %c0_i32 : i32, i32
  }
  func.func @transform_3(%arg0: i32) -> (i32, i32) {
    %c0_i32 = arith.constant 0 : i32
    %c0_i32_0 = arith.constant 0 : i32
    %c0_i32_1 = arith.constant 0 : i32
    return %c0_i32, %c0_i32_0 : i32, i32
  }
  func.func @transform_4(%arg0: i32) -> (i32, i32) {
    %c0_i32 = arith.constant 0 : i32
    %c0_i32_0 = arith.constant 0 : i32
    return %arg0, %c0_i32 : i32, i32
  }
  func.func @transform_5(%arg0: i32) -> (i32, i32) {
    %c0_i32 = arith.constant 0 : i32
    %c0_i32_0 = arith.constant 0 : i32
    return %arg0, %c0_i32 : i32, i32
  }
  func.func @transform_6(%arg0: i32) -> (i32, i32) {
    %c0_i32 = arith.constant 0 : i32
    %c0_i32_0 = arith.constant 0 : i32
    return %arg0, %c0_i32 : i32, i32
  }
  func.func @transform_7(%arg0: i32) -> (i32, i32) {
    %c0_i32 = arith.constant 0 : i32
    %c0_i32_0 = arith.constant 0 : i32
    return %arg0, %c0_i32 : i32, i32
  }
}

module attributes {stable_mosaic.version = 14 : i64} {
  func.func @body(%arg0: i32, %arg1: memref<1280x64xf32, #tpu.memory_space<vmem>>, %arg2: memref<1280x1xf32, #tpu.memory_space<vmem>>, %arg3: memref<1280x128xf32, #tpu.memory_space<vmem>>, %arg4: memref<1280x128xf32, #tpu.memory_space<vmem>>) attributes {dimension_semantics = [#tpu.dimension_semantics<arbitrary>], iteration_bounds = array<i64: 8>, scalar_prefetch = 0 : i64, scratch_operands = 0 : i64, tpu.core_type = #tpu.core_type<tc>, window_params = [{transform_indices = @transform_0, window_bounds = array<i64: 1280, 64>}, {transform_indices = @transform_1, window_bounds = array<i64: 1280, 1>}, {transform_indices = @transform_2, window_bounds = array<i64: 1280, 128>}, {transform_indices = @transform_3, window_bounds = array<i64: 1280, 128>}]} {
    %get3A = arith.constant 0 : index
    %get3A_0 = arith.constant 0 : index
    %get3A_1 = vector.load %arg1[%get3A, %get3A_0] : memref<1280x64xf32, #tpu.memory_space<vmem>>, vector<1280x64xf32>
    %logistic3A = arith.negf %get3A_1 : vector<1280x64xf32>
    %logistic3A_2 = math.exp %logistic3A : vector<1280x64xf32>
    %logistic3A_3 = arith.constant 1.000000e+00 : f32
    %logistic3A_4 = vector.broadcast %logistic3A_3 : f32 to vector<1280x64xf32>
    %logistic3A_5 = arith.addf %logistic3A_4, %logistic3A_2 : vector<1280x64xf32>
    %logistic3A_6 = arith.divf %logistic3A_4, %logistic3A_5 : vector<1280x64xf32>
    %mul3A = arith.mulf %get3A_1, %logistic3A_6 : vector<1280x64xf32>
    %broadcast_in_dim3A = arith.constant 0.000000e+00 : f32
    %broadcast_in_dim3A_7 = vector.broadcast %broadcast_in_dim3A : f32 to vector<1280x64xf32>
    %concatenate3A = tpu.concatenate %mul3A, %broadcast_in_dim3A_7 in 1 : vector<1280x64xf32>, vector<1280x64xf32> -> vector<1280x128xf32>
    %get3A_8 = arith.constant 0 : index
    %get3A_9 = arith.constant 0 : index
    %get3A_10 = vector.load %arg2[%get3A_8, %get3A_9] : memref<1280x1xf32, #tpu.memory_space<vmem>>, vector<1280x1xf32>
    %swap3A = arith.constant 0 : index
    %swap3A_11 = arith.constant 0 : index
    %swap3A_12 = vector.load %arg3[%swap3A, %swap3A_11] : memref<1280x128xf32, #tpu.memory_space<vmem>>, vector<1280x128xf32>
    tpu.vector_store %arg3[%swap3A, %swap3A_11], %concatenate3A {strides = array<i32>} : memref<1280x128xf32, #tpu.memory_space<vmem>>, vector<1280x128xf32>,
    %mul3A_13 = vector.broadcast %get3A_10 : vector<1280x1xf32> to vector<1280x128xf32>
    %mul3A_14 = arith.mulf %mul3A_13, %concatenate3A : vector<1280x128xf32>
    %swap3A_15 = arith.constant 0 : index
    %swap3A_16 = arith.constant 0 : index
    %swap3A_17 = vector.load %arg4[%swap3A_15, %swap3A_16] : memref<1280x128xf32, #tpu.memory_space<vmem>>, vector<1280x128xf32>
    tpu.vector_store %arg4[%swap3A_15, %swap3A_16], %mul3A_14 {strides = array<i32>} : memref<1280x128xf32, #tpu.memory_space<vmem>>, vector<1280x128xf32>,
    return
  }
  func.func @transform_0(%arg0: i32) -> (i32, i32) {
    %c0_i32 = arith.constant 0 : i32
    %c0_i32_0 = arith.constant 0 : i32
    return %arg0, %c0_i32 : i32, i32
  }
  func.func @transform_1(%arg0: i32) -> (i32, i32) {
    %c0_i32 = arith.constant 0 : i32
    %c0_i32_0 = arith.constant 0 : i32
    return %arg0, %c0_i32 : i32, i32
  }
  func.func @transform_2(%arg0: i32) -> (i32, i32) {
    %c0_i32 = arith.constant 0 : i32
    %c0_i32_0 = arith.constant 0 : i32
    return %arg0, %c0_i32 : i32, i32
  }
  func.func @transform_3(%arg0: i32) -> (i32, i32) {
    %c0_i32 = arith.constant 0 : i32
    %c0_i32_0 = arith.constant 0 : i32
    return %arg0, %c0_i32 : i32, i32
  }
}

module attributes {stable_mosaic.version = 14 : i64} {
  func.func @body(%arg0: i32, %arg1: memref<1280x128xf32, #tpu.memory_space<vmem>>, %arg2: memref<128x32xf32, #tpu.memory_space<vmem>>, %arg3: memref<1x32xf32, #tpu.memory_space<vmem>>, %arg4: memref<1280x32xf32, #tpu.memory_space<vmem>>) attributes {dimension_semantics = [#tpu.dimension_semantics<arbitrary>], iteration_bounds = array<i64: 8>, scalar_prefetch = 0 : i64, scratch_operands = 0 : i64, tpu.core_type = #tpu.core_type<tc>, window_params = [{transform_indices = @transform_0, window_bounds = array<i64: 1280, 128>}, {pipeline_mode = #tpu.pipeline_mode<synchronous>, transform_indices = @transform_1, window_bounds = array<i64: 128, 32>}, {pipeline_mode = #tpu.pipeline_mode<synchronous>, transform_indices = @transform_2, window_bounds = array<i64: 1, 32>}, {transform_indices = @transform_3, window_bounds = array<i64: 1280, 32>}]} {
    %get3A = arith.constant 0 : index
    %get3A_0 = arith.constant 0 : index
    %get3A_1 = vector.load %arg1[%get3A, %get3A_0] : memref<1280x128xf32, #tpu.memory_space<vmem>>, vector<1280x128xf32>
    %get3A_2 = arith.constant 0 : index
    %get3A_3 = arith.constant 0 : index
    %get3A_4 = vector.load %arg2[%get3A_2, %get3A_3] : memref<128x32xf32, #tpu.memory_space<vmem>>, vector<128x32xf32>
    %dot_general3A = arith.constant dense<0.000000e+00> : vector<1280x32xf32>
    %dot_general3A_5 = tpu.matmul %get3A_1, %get3A_4, %dot_general3A {dimension_numbers = #tpu.dot_dimension_numbers<[1], [0], [0], [1], [0, 0, 1, 1], [], []>, transpose_lhs_hint = false} : vector<1280x128xf32>, vector<128x32xf32>, vector<1280x32xf32> -> vector<1280x32xf32>
    %get3A_6 = arith.constant 0 : index
    %get3A_7 = arith.constant 0 : index
    %get3A_8 = vector.load %arg3[%get3A_6, %get3A_7] : memref<1x32xf32, #tpu.memory_space<vmem>>, vector<1x32xf32>
    %add3A = vector.broadcast %get3A_8 : vector<1x32xf32> to vector<1280x32xf32>
    %add3A_9 = arith.addf %dot_general3A_5, %add3A : vector<1280x32xf32>
    %swap3A = arith.constant 0 : index
    %swap3A_10 = arith.constant 0 : index
    %swap3A_11 = vector.load %arg4[%swap3A, %swap3A_10] : memref<1280x32xf32, #tpu.memory_space<vmem>>, vector<1280x32xf32>
    tpu.vector_store %arg4[%swap3A, %swap3A_10], %add3A_9 {strides = array<i32>} : memref<1280x32xf32, #tpu.memory_space<vmem>>, vector<1280x32xf32>,
    return
  }
  func.func @transform_0(%arg0: i32) -> (i32, i32) {
    %c0_i32 = arith.constant 0 : i32
    %c0_i32_0 = arith.constant 0 : i32
    return %arg0, %c0_i32 : i32, i32
  }
  func.func @transform_1(%arg0: i32) -> (i32, i32) {
    %c0_i32 = arith.constant 0 : i32
    %c0_i32_0 = arith.constant 0 : i32
    %c0_i32_1 = arith.constant 0 : i32
    return %c0_i32, %c0_i32_0 : i32, i32
  }
  func.func @transform_2(%arg0: i32) -> (i32, i32) {
    %c0_i32 = arith.constant 0 : i32
    %c0_i32_0 = arith.constant 0 : i32
    %c0_i32_1 = arith.constant 0 : i32
    return %c0_i32, %c0_i32_0 : i32, i32
  }
  func.func @transform_3(%arg0: i32) -> (i32, i32) {
    %c0_i32 = arith.constant 0 : i32
    %c0_i32_0 = arith.constant 0 : i32
    return %arg0, %c0_i32 : i32, i32
  }
}

module attributes {stable_mosaic.version = 14 : i64} {
  func.func @body(%arg0: i32, %arg1: memref<2x1280x128xf32, #tpu.memory_space<vmem>>, %arg2: memref<1280x128xf32, #tpu.memory_space<vmem>>, %arg3: memref<1280x32xf32, #tpu.memory_space<vmem>>, %arg4: memref<128x32xf32, #tpu.memory_space<vmem>>, %arg5: memref<1280x1xf32, #tpu.memory_space<vmem>>, %arg6: memref<1280x128xf32, #tpu.memory_space<vmem>>, %arg7: memref<1280x128xf32, #tpu.memory_space<vmem>>, %arg8: memref<1280x32xf32, #tpu.memory_space<vmem>>) attributes {dimension_semantics = [#tpu.dimension_semantics<arbitrary>], iteration_bounds = array<i64: 8>, scalar_prefetch = 0 : i64, scratch_operands = 0 : i64, tpu.core_type = #tpu.core_type<tc>, window_params = [{transform_indices = @transform_0, window_bounds = array<i64: 2, 1280, 128>}, {transform_indices = @transform_1, window_bounds = array<i64: 1280, 128>}, {transform_indices = @transform_2, window_bounds = array<i64: 1280, 32>}, {pipeline_mode = #tpu.pipeline_mode<synchronous>, transform_indices = @transform_3, window_bounds = array<i64: 128, 32>}, {transform_indices = @transform_4, window_bounds = array<i64: 1280, 1>}, {transform_indices = @transform_5, window_bounds = array<i64: 1280, 128>}, {transform_indices = @transform_6, window_bounds = array<i64: 1280, 128>}, {transform_indices = @transform_7, window_bounds = array<i64: 1280, 32>}]} {
    %get3A = arith.constant 0 : index
    %get3A_0 = arith.constant 0 : index
    %get3A_1 = vector.load %arg5[%get3A, %get3A_0] : memref<1280x1xf32, #tpu.memory_space<vmem>>, vector<1280x1xf32>
    %mul3A = arith.constant -1.000000e+00 : f32
    %mul3A_2 = vector.broadcast %mul3A : f32 to vector<1280x1xf32>
    %mul3A_3 = arith.mulf %mul3A_2, %get3A_1 : vector<1280x1xf32>
    %get3A_4 = arith.constant 0 : index
    %get3A_5 = arith.constant 0 : index
    %get3A_6 = arith.constant 0 : index
    %get3A_7 = vector.load %arg1[%get3A_4, %get3A_5, %get3A_6] : memref<2x1280x128xf32, #tpu.memory_space<vmem>>, vector<1x1280x128xf32>
    %get3A_8 = vector.shape_cast %get3A_7 : vector<1x1280x128xf32> to vector<1280x128xf32>
    %get3A_9 = arith.constant 1 : index
    %get3A_10 = arith.constant 0 : index
    %get3A_11 = arith.constant 0 : index
    %get3A_12 = vector.load %arg1[%get3A_9, %get3A_10, %get3A_11] : memref<2x1280x128xf32, #tpu.memory_space<vmem>>, vector<1x1280x128xf32>
    %get3A_13 = vector.shape_cast %get3A_12 : vector<1x1280x128xf32> to vector<1280x128xf32>
    %add3A = arith.addf %get3A_8, %get3A_13 : vector<1280x128xf32>
    %mul3A_14 = vector.broadcast %mul3A_3 : vector<1280x1xf32> to vector<1280x128xf32>
    %mul3A_15 = arith.mulf %mul3A_14, %add3A : vector<1280x128xf32>
    %get3A_16 = arith.constant 0 : index
    %get3A_17 = arith.constant 0 : index
    %get3A_18 = vector.load %arg2[%get3A_16, %get3A_17] : memref<1280x128xf32, #tpu.memory_space<vmem>>, vector<1280x128xf32>
    %sub3A = arith.subf %mul3A_15, %get3A_18 : vector<1280x128xf32>
    %swap3A = arith.constant 0 : index
    %swap3A_19 = arith.constant 0 : index
    %swap3A_20 = vector.load %arg6[%swap3A, %swap3A_19] : memref<1280x128xf32, #tpu.memory_space<vmem>>, vector<1280x128xf32>
    tpu.vector_store %arg6[%swap3A, %swap3A_19], %sub3A {strides = array<i32>} : memref<1280x128xf32, #tpu.memory_space<vmem>>, vector<1280x128xf32>,
    %mul3A_21 = vector.broadcast %get3A_1 : vector<1280x1xf32> to vector<1280x128xf32>
    %mul3A_22 = arith.mulf %mul3A_21, %sub3A : vector<1280x128xf32>
    %swap3A_23 = arith.constant 0 : index
    %swap3A_24 = arith.constant 0 : index
    %swap3A_25 = vector.load %arg7[%swap3A_23, %swap3A_24] : memref<1280x128xf32, #tpu.memory_space<vmem>>, vector<1280x128xf32>
    tpu.vector_store %arg7[%swap3A_23, %swap3A_24], %mul3A_22 {strides = array<i32>} : memref<1280x128xf32, #tpu.memory_space<vmem>>, vector<1280x128xf32>,
    %get3A_26 = arith.constant 0 : index
    %get3A_27 = arith.constant 0 : index
    %get3A_28 = vector.load %arg3[%get3A_26, %get3A_27] : memref<1280x32xf32, #tpu.memory_space<vmem>>, vector<1280x32xf32>
    %get3A_29 = arith.constant 0 : index
    %get3A_30 = arith.constant 0 : index
    %get3A_31 = vector.load %arg4[%get3A_29, %get3A_30] : memref<128x32xf32, #tpu.memory_space<vmem>>, vector<128x32xf32>
    %dot_general3A = arith.constant dense<0.000000e+00> : vector<1280x32xf32>
    %dot_general3A_32 = tpu.matmul %sub3A, %get3A_31, %dot_general3A {dimension_numbers = #tpu.dot_dimension_numbers<[1], [0], [0], [1], [0, 0, 1, 1], [], []>, transpose_lhs_hint = false} : vector<1280x128xf32>, vector<128x32xf32>, vector<1280x32xf32> -> vector<1280x32xf32>
    %add3A_33 = arith.addf %get3A_28, %dot_general3A_32 : vector<1280x32xf32>
    %swap3A_34 = arith.constant 0 : index
    %swap3A_35 = arith.constant 0 : index
    %swap3A_36 = vector.load %arg8[%swap3A_34, %swap3A_35] : memref<1280x32xf32, #tpu.memory_space<vmem>>, vector<1280x32xf32>
    tpu.vector_store %arg8[%swap3A_34, %swap3A_35], %add3A_33 {strides = array<i32>} : memref<1280x32xf32, #tpu.memory_space<vmem>>, vector<1280x32xf32>,
    return
  }
  func.func @transform_0(%arg0: i32) -> (i32, i32, i32) {
    %c0_i32 = arith.constant 0 : i32
    %c0_i32_0 = arith.constant 0 : i32
    %c0_i32_1 = arith.constant 0 : i32
    return %c0_i32, %arg0, %c0_i32_0 : i32, i32, i32
  }
  func.func @transform_1(%arg0: i32) -> (i32, i32) {
    %c0_i32 = arith.constant 0 : i32
    %c0_i32_0 = arith.constant 0 : i32
    return %arg0, %c0_i32 : i32, i32
  }
  func.func @transform_2(%arg0: i32) -> (i32, i32) {
    %c0_i32 = arith.constant 0 : i32
    %c0_i32_0 = arith.constant 0 : i32
    return %arg0, %c0_i32 : i32, i32
  }
  func.func @transform_3(%arg0: i32) -> (i32, i32) {
    %c0_i32 = arith.constant 0 : i32
    %c0_i32_0 = arith.constant 0 : i32
    %c0_i32_1 = arith.constant 0 : i32
    return %c0_i32, %c0_i32_0 : i32, i32
  }
  func.func @transform_4(%arg0: i32) -> (i32, i32) {
    %c0_i32 = arith.constant 0 : i32
    %c0_i32_0 = arith.constant 0 : i32
    return %arg0, %c0_i32 : i32, i32
  }
  func.func @transform_5(%arg0: i32) -> (i32, i32) {
    %c0_i32 = arith.constant 0 : i32
    %c0_i32_0 = arith.constant 0 : i32
    return %arg0, %c0_i32 : i32, i32
  }
  func.func @transform_6(%arg0: i32) -> (i32, i32) {
    %c0_i32 = arith.constant 0 : i32
    %c0_i32_0 = arith.constant 0 : i32
    return %arg0, %c0_i32 : i32, i32
  }
  func.func @transform_7(%arg0: i32) -> (i32, i32) {
    %c0_i32 = arith.constant 0 : i32
    %c0_i32_0 = arith.constant 0 : i32
    return %arg0, %c0_i32 : i32, i32
  }
}

module attributes {stable_mosaic.version = 14 : i64} {
  func.func @body(%arg0: i32, %arg1: memref<2x1280x128xf32, #tpu.memory_space<vmem>>, %arg2: memref<1280x128xf32, #tpu.memory_space<vmem>>, %arg3: memref<1280x32xf32, #tpu.memory_space<vmem>>, %arg4: memref<128x32xf32, #tpu.memory_space<vmem>>, %arg5: memref<1280x1xf32, #tpu.memory_space<vmem>>, %arg6: memref<1280x128xf32, #tpu.memory_space<vmem>>, %arg7: memref<1280x128xf32, #tpu.memory_space<vmem>>, %arg8: memref<1280x32xf32, #tpu.memory_space<vmem>>) attributes {dimension_semantics = [#tpu.dimension_semantics<arbitrary>], iteration_bounds = array<i64: 8>, scalar_prefetch = 0 : i64, scratch_operands = 0 : i64, tpu.core_type = #tpu.core_type<tc>, window_params = [{transform_indices = @transform_0, window_bounds = array<i64: 2, 1280, 128>}, {transform_indices = @transform_1, window_bounds = array<i64: 1280, 128>}, {transform_indices = @transform_2, window_bounds = array<i64: 1280, 32>}, {pipeline_mode = #tpu.pipeline_mode<synchronous>, transform_indices = @transform_3, window_bounds = array<i64: 128, 32>}, {transform_indices = @transform_4, window_bounds = array<i64: 1280, 1>}, {transform_indices = @transform_5, window_bounds = array<i64: 1280, 128>}, {transform_indices = @transform_6, window_bounds = array<i64: 1280, 128>}, {transform_indices = @transform_7, window_bounds = array<i64: 1280, 32>}]} {
    %get3A = arith.constant 0 : index
    %get3A_0 = arith.constant 0 : index
    %get3A_1 = vector.load %arg5[%get3A, %get3A_0] : memref<1280x1xf32, #tpu.memory_space<vmem>>, vector<1280x1xf32>
    %mul3A = arith.constant -2.000000e+00 : f32
    %mul3A_2 = vector.broadcast %mul3A : f32 to vector<1280x1xf32>
    %mul3A_3 = arith.mulf %mul3A_2, %get3A_1 : vector<1280x1xf32>
    %get3A_4 = arith.constant 0 : index
    %get3A_5 = arith.constant 0 : index
    %get3A_6 = arith.constant 0 : index
    %get3A_7 = vector.load %arg1[%get3A_4, %get3A_5, %get3A_6] : memref<2x1280x128xf32, #tpu.memory_space<vmem>>, vector<1x1280x128xf32>
    %get3A_8 = vector.shape_cast %get3A_7 : vector<1x1280x128xf32> to vector<1280x128xf32>
    %get3A_9 = arith.constant 1 : index
    %get3A_10 = arith.constant 0 : index
    %get3A_11 = arith.constant 0 : index
    %get3A_12 = vector.load %arg1[%get3A_9, %get3A_10, %get3A_11] : memref<2x1280x128xf32, #tpu.memory_space<vmem>>, vector<1x1280x128xf32>
    %get3A_13 = vector.shape_cast %get3A_12 : vector<1x1280x128xf32> to vector<1280x128xf32>
    %add3A = arith.addf %get3A_8, %get3A_13 : vector<1280x128xf32>
    %mul3A_14 = vector.broadcast %mul3A_3 : vector<1280x1xf32> to vector<1280x128xf32>
    %mul3A_15 = arith.mulf %mul3A_14, %add3A : vector<1280x128xf32>
    %get3A_16 = arith.constant 0 : index
    %get3A_17 = arith.constant 0 : index
    %get3A_18 = vector.load %arg2[%get3A_16, %get3A_17] : memref<1280x128xf32, #tpu.memory_space<vmem>>, vector<1280x128xf32>
    %sub3A = arith.subf %mul3A_15, %get3A_18 : vector<1280x128xf32>
    %swap3A = arith.constant 0 : index
    %swap3A_19 = arith.constant 0 : index
    %swap3A_20 = vector.load %arg6[%swap3A, %swap3A_19] : memref<1280x128xf32, #tpu.memory_space<vmem>>, vector<1280x128xf32>
    tpu.vector_store %arg6[%swap3A, %swap3A_19], %sub3A {strides = array<i32>} : memref<1280x128xf32, #tpu.memory_space<vmem>>, vector<1280x128xf32>,
    %mul3A_21 = vector.broadcast %get3A_1 : vector<1280x1xf32> to vector<1280x128xf32>
    %mul3A_22 = arith.mulf %mul3A_21, %sub3A : vector<1280x128xf32>
    %swap3A_23 = arith.constant 0 : index
    %swap3A_24 = arith.constant 0 : index
    %swap3A_25 = vector.load %arg7[%swap3A_23, %swap3A_24] : memref<1280x128xf32, #tpu.memory_space<vmem>>, vector<1280x128xf32>
    tpu.vector_store %arg7[%swap3A_23, %swap3A_24], %mul3A_22 {strides = array<i32>} : memref<1280x128xf32, #tpu.memory_space<vmem>>, vector<1280x128xf32>,
    %get3A_26 = arith.constant 0 : index
    %get3A_27 = arith.constant 0 : index
    %get3A_28 = vector.load %arg3[%get3A_26, %get3A_27] : memref<1280x32xf32, #tpu.memory_space<vmem>>, vector<1280x32xf32>
    %get3A_29 = arith.constant 0 : index
    %get3A_30 = arith.constant 0 : index
    %get3A_31 = vector.load %arg4[%get3A_29, %get3A_30] : memref<128x32xf32, #tpu.memory_space<vmem>>, vector<128x32xf32>
    %dot_general3A = arith.constant dense<0.000000e+00> : vector<1280x32xf32>
    %dot_general3A_32 = tpu.matmul %sub3A, %get3A_31, %dot_general3A {dimension_numbers = #tpu.dot_dimension_numbers<[1], [0], [0], [1], [0, 0, 1, 1], [], []>, transpose_lhs_hint = false} : vector<1280x128xf32>, vector<128x32xf32>, vector<1280x32xf32> -> vector<1280x32xf32>
    %add3A_33 = arith.addf %get3A_28, %dot_general3A_32 : vector<1280x32xf32>
    %swap3A_34 = arith.constant 0 : index
    %swap3A_35 = arith.constant 0 : index
    %swap3A_36 = vector.load %arg8[%swap3A_34, %swap3A_35] : memref<1280x32xf32, #tpu.memory_space<vmem>>, vector<1280x32xf32>
    tpu.vector_store %arg8[%swap3A_34, %swap3A_35], %add3A_33 {strides = array<i32>} : memref<1280x32xf32, #tpu.memory_space<vmem>>, vector<1280x32xf32>,
    return
  }
  func.func @transform_0(%arg0: i32) -> (i32, i32, i32) {
    %c0_i32 = arith.constant 0 : i32
    %c0_i32_0 = arith.constant 0 : i32
    %c0_i32_1 = arith.constant 0 : i32
    return %c0_i32, %arg0, %c0_i32_0 : i32, i32, i32
  }
  func.func @transform_1(%arg0: i32) -> (i32, i32) {
    %c0_i32 = arith.constant 0 : i32
    %c0_i32_0 = arith.constant 0 : i32
    return %arg0, %c0_i32 : i32, i32
  }
  func.func @transform_2(%arg0: i32) -> (i32, i32) {
    %c0_i32 = arith.constant 0 : i32
    %c0_i32_0 = arith.constant 0 : i32
    return %arg0, %c0_i32 : i32, i32
  }
  func.func @transform_3(%arg0: i32) -> (i32, i32) {
    %c0_i32 = arith.constant 0 : i32
    %c0_i32_0 = arith.constant 0 : i32
    %c0_i32_1 = arith.constant 0 : i32
    return %c0_i32, %c0_i32_0 : i32, i32
  }
  func.func @transform_4(%arg0: i32) -> (i32, i32) {
    %c0_i32 = arith.constant 0 : i32
    %c0_i32_0 = arith.constant 0 : i32
    return %arg0, %c0_i32 : i32, i32
  }
  func.func @transform_5(%arg0: i32) -> (i32, i32) {
    %c0_i32 = arith.constant 0 : i32
    %c0_i32_0 = arith.constant 0 : i32
    return %arg0, %c0_i32 : i32, i32
  }
  func.func @transform_6(%arg0: i32) -> (i32, i32) {
    %c0_i32 = arith.constant 0 : i32
    %c0_i32_0 = arith.constant 0 : i32
    return %arg0, %c0_i32 : i32, i32
  }
  func.func @transform_7(%arg0: i32) -> (i32, i32) {
    %c0_i32 = arith.constant 0 : i32
    %c0_i32_0 = arith.constant 0 : i32
    return %arg0, %c0_i32 : i32, i32
  }
}

module attributes {stable_mosaic.version = 14 : i64} {
  func.func @body(%arg0: i32, %arg1: memref<1280x32xf32, #tpu.memory_space<vmem>>, %arg2: memref<32x128xf32, #tpu.memory_space<vmem>>, %arg3: memref<1x128xf32, #tpu.memory_space<vmem>>, %arg4: memref<1280x128xf32, #tpu.memory_space<vmem>>) attributes {dimension_semantics = [#tpu.dimension_semantics<arbitrary>], iteration_bounds = array<i64: 8>, scalar_prefetch = 0 : i64, scratch_operands = 0 : i64, tpu.core_type = #tpu.core_type<tc>, window_params = [{transform_indices = @transform_0, window_bounds = array<i64: 1280, 32>}, {pipeline_mode = #tpu.pipeline_mode<synchronous>, transform_indices = @transform_1, window_bounds = array<i64: 32, 128>}, {pipeline_mode = #tpu.pipeline_mode<synchronous>, transform_indices = @transform_2, window_bounds = array<i64: 1, 128>}, {transform_indices = @transform_3, window_bounds = array<i64: 1280, 128>}]} {
    %get3A = arith.constant 0 : index
    %get3A_0 = arith.constant 0 : index
    %get3A_1 = vector.load %arg1[%get3A, %get3A_0] : memref<1280x32xf32, #tpu.memory_space<vmem>>, vector<1280x32xf32>
    %logistic3A = arith.negf %get3A_1 : vector<1280x32xf32>
    %logistic3A_2 = math.exp %logistic3A : vector<1280x32xf32>
    %logistic3A_3 = arith.constant 1.000000e+00 : f32
    %logistic3A_4 = vector.broadcast %logistic3A_3 : f32 to vector<1280x32xf32>
    %logistic3A_5 = arith.addf %logistic3A_4, %logistic3A_2 : vector<1280x32xf32>
    %logistic3A_6 = arith.divf %logistic3A_4, %logistic3A_5 : vector<1280x32xf32>
    %mul3A = arith.mulf %get3A_1, %logistic3A_6 : vector<1280x32xf32>
    %get3A_7 = arith.constant 0 : index
    %get3A_8 = arith.constant 0 : index
    %get3A_9 = vector.load %arg2[%get3A_7, %get3A_8] : memref<32x128xf32, #tpu.memory_space<vmem>>, vector<32x128xf32>
    %dot_general3A = arith.constant dense<0.000000e+00> : vector<1280x128xf32>
    %dot_general3A_10 = tpu.matmul %mul3A, %get3A_9, %dot_general3A {dimension_numbers = #tpu.dot_dimension_numbers<[1], [0], [0], [1], [0, 0, 1, 1], [], []>, transpose_lhs_hint = false} : vector<1280x32xf32>, vector<32x128xf32>, vector<1280x128xf32> -> vector<1280x128xf32>
    %get3A_11 = arith.constant 0 : index
    %get3A_12 = arith.constant 0 : index
    %get3A_13 = vector.load %arg3[%get3A_11, %get3A_12] : memref<1x128xf32, #tpu.memory_space<vmem>>, vector<1x128xf32>
    %add3A = vector.broadcast %get3A_13 : vector<1x128xf32> to vector<1280x128xf32>
    %add3A_14 = arith.addf %dot_general3A_10, %add3A : vector<1280x128xf32>
    %swap3A = arith.constant 0 : index
    %swap3A_15 = arith.constant 0 : index
    %swap3A_16 = vector.load %arg4[%swap3A, %swap3A_15] : memref<1280x128xf32, #tpu.memory_space<vmem>>, vector<1280x128xf32>
    tpu.vector_store %arg4[%swap3A, %swap3A_15], %add3A_14 {strides = array<i32>} : memref<1280x128xf32, #tpu.memory_space<vmem>>, vector<1280x128xf32>,
    return
  }
  func.func @transform_0(%arg0: i32) -> (i32, i32) {
    %c0_i32 = arith.constant 0 : i32
    %c0_i32_0 = arith.constant 0 : i32
    return %arg0, %c0_i32 : i32, i32
  }
  func.func @transform_1(%arg0: i32) -> (i32, i32) {
    %c0_i32 = arith.constant 0 : i32
    %c0_i32_0 = arith.constant 0 : i32
    %c0_i32_1 = arith.constant 0 : i32
    return %c0_i32, %c0_i32_0 : i32, i32
  }
  func.func @transform_2(%arg0: i32) -> (i32, i32) {
    %c0_i32 = arith.constant 0 : i32
    %c0_i32_0 = arith.constant 0 : i32
    %c0_i32_1 = arith.constant 0 : i32
    return %c0_i32, %c0_i32_0 : i32, i32
  }
  func.func @transform_3(%arg0: i32) -> (i32, i32) {
    %c0_i32 = arith.constant 0 : i32
    %c0_i32_0 = arith.constant 0 : i32
    return %arg0, %c0_i32 : i32, i32
  }
}

</mosaic_0001>

<sc_bundles>
// kernel: closed_call.47.cloned.1.call-start
scs
__scs_entry_jumppad:
0x0: {  	(pc) =	sbr.rel $0x88, $3  }
0x1: {  	(tag) =	ssettag $0x0;
	lr =	simm.s32 $0x1  }
0x2: {  	[smem:$0x3F98] =	sst lr;
	_ =	strace $0xD0000000  }
0x3: {  	_ = 	snop  }
0x4: {  	_ = 	snop  }
0x5: {  	_ = 	snop  }
0x6: {  	_ = 	snop  }
0x7: {  	_ = 	snop  }
__scs_overlays_trampoline_lowered:
0x8: {  	[smem:$0x3FA7] =	sst s0  }
0x9: {  	[smem:$0x3FA8] =	sst s1  }
0xa: {  	[smem:$0x3FA9] =	sst s2  }
0xb: {  	[smem:$0x3FAA] =	sst s3  }
0xc: {  	[smem:$0x3FAB] =	sst s4  }
0xd: {  	[smem:$0x3FAC] =	sst s5  }
0xe: {  	[smem:$0x3FAD] =	sst s6  }
0xf: {  	[smem:$0x3FAE] =	sst s7  }
0x10: {  	[smem:$0x3FAF] =	sst s8  }
0x11: {  	[smem:$0x3FB0] =	sst s9;
	s0 =	simm.s32 @!p0 $0x0  }
0x12: {  	s1 =	sld [smem:$0x3F96];
	s0 =	simm.s32 @p0 $0x1  }
0x13: {  	[smem:$0x3FB1] =	sst s0;
	s0 =	simm.s32 @!p1 $0x0  }
0x14: {  	s2 =	sld [smem:$0x3F95];
	s0 =	simm.s32 @p1 $0x1  }
0x15: {  	[smem:$0x3FB2] =	sst s0;
	s0 =	simm.s32 @!p2 $0x0  }
0x16: {  	s3 =	sld [smem:$0x3FDB];
	s0 =	simm.s32 @p2 $0x1  }
0x17: {  	s4 =	simm.s32 $0x1BF5;
	[smem:$0x3FB4] =	sst s0  }
0x18: {  	s0 =	sld [smem:$0x3F97];
	_ =	swait.ge [sflag:s4], $0x0  }
0x19: {  	s7 =	sld [smem:$0x3F98]  }
0x1a: {  	s8 =	sadd.s32 $0xFFFFE003, lr  }
0x1b: {  	s9 =	sadd.s32 $0xFFFFFEF7, lr;
	s5 =	simm.s32 $0xFFFFFFFF;
	p2 =	slt.u32 s8, $0xFFFFF086  }
0x1c: {  	p1 =	slt.u32 s9, $0xF7A;
	s5 =	simm.s32 @!p2 $0x0  }
0x1d: {  	s5 =	simm.s32 @p1 $0x1;
	p0 =	seq.s32 s7, s2  }
0x1e: {  	s7 =	smul.u32 @!p0 $0xF7A, s2;
	p2 =	seq.s32 @!p0 s5, $0x0  }
0x1f: {  	s9 =	smul.u32 $0xF7A, s1;
	s8 =	simm.s32 @!p0 $0x1BF5;
	p2 =	por !p2, p0  }
0x20: {  	[sflag:s8] =	ssyncset.s32 @!p0 $0xFFFFF086;
	s6 =	sadd.s32 @!p0 s3, s7;
	s7 =	simm.s32 @!p0 $0x108  }
0x21: {  	s3 =	sadd.s32 s3, s9;
	s6 =	sadd.s32 @!p0 $0x88, s6;
	s7 =	simm.s32 @p2 $0x1082  }
0x22: {  	[simem:s7], [sflag:s8] =	dma.local @!p0 [hbm:s6], $0xF7A  }
0x23: {  	s9 =	sor.u32 $0xD0000000, s2;
	s6 =	simm.s32 $0x108;
	_ =	swait.ge @!p0 [sflag:s8], $0x0  }
0x24: {  	s3 =	sadd.s32 $0x88, s3;
	s6 =	simm.s32 @!p1 $0x1082;
	[sflag:s4] =	ssyncset.s32 $0xFFFFF086  }
0x25: {  	[simem:s6], [sflag:s4] =	dma.local [hbm:s3], $0xF7A  }
0x26: {  	[smem:$0x3F98] =	sst s1;
	(tag) =	ssettag s2;
	_ =	strace s9  }
0x27: {  	s1 =	sld [smem:$0x3FA8]  }
0x28: {  	s2 =	sld [smem:$0x3FA9]  }
0x29: {  	s4 =	sld [smem:$0x3FAB]  }
0x2a: {  	p0 =	seq.s32 s5, $0x0;
	s5 =	sld [smem:$0x3FAC]  }
0x2b: {  	s6 =	sld [smem:$0x3FAD]  }
0x2c: {  	s7 =	sld [smem:$0x3FAE]  }
0x2d: {  	s3 =	simm.s32 $0x108;
	s8 =	sld [smem:$0x3FAF]  }
0x2e: {  	s3 =	simm.s32 @!p0 $0x1082;
	s9 =	sld [smem:$0x3FB0]  }
0x2f: {  	lr =	sadd.s32 s0, s3;
	s0 =	sld [smem:$0x3FA7]  }
0x30: {  	s3 =	sld [smem:$0x3FAA]  }
0x31: {  	[smem:$0x3FB3] =	sst s10  }
0x32: {  	s10 =	sld [smem:$0x3FB1];
	_ =	sdelay $0x3  }
0x33: {  	p0 =	seq.s32 s10, $0x1;
	s10 =	sld [smem:$0x3FB3];
	_ =	sdelay $0x3  }
0x34: {  	[smem:$0x3FB3] =	sst s10  }
0x35: {  	s10 =	sld [smem:$0x3FB2];
	_ =	sdelay $0x3  }
0x36: {  	p1 =	seq.s32 s10, $0x1;
	s10 =	sld [smem:$0x3FB3];
	_ =	sdelay $0x3  }
0x37: {  	[smem:$0x3FB3] =	sst s10  }
0x38: {  	s10 =	sld [smem:$0x3FB4]  }
0x39: {  	_ = 	snop;
	(pc) =	sbr.ind lr, $3  }
0x3a: {  	_ = 	snop  }
0x3b: {  	_ = 	snop  }
0x3c: {  	p2 =	seq.s32 s10, $0x1;
	s10 =	sld [smem:$0x3FB3]  }
0x3d: {  	_ =	shalt  }
0x3e: {  	_ =	shalt  }
0x3f: {  	_ =	shalt  }
0x40: {  	_ =	shalt  }
0x41: {  	_ =	shalt  }
0x42: {  	_ =	shalt  }
0x43: {  	_ =	shalt  }
0x44: {  	_ =	shalt  }
0x45: {  	_ =	shalt  }
0x46: {  	_ =	shalt  }
0x47: {  	_ =	shalt  }
0x48: {  	_ =	shalt  }
0x49: {  	_ =	shalt  }
0x4a: {  	_ =	shalt  }
0x4b: {  	_ =	shalt  }
0x4c: {  	_ =	shalt  }
0x4d: {  	_ =	shalt  }
0x4e: {  	_ =	shalt  }
0x4f: {  	_ =	shalt  }
0x50: {  	_ =	shalt  }
0x51: {  	_ =	shalt  }
0x52: {  	_ =	shalt  }
0x53: {  	_ =	shalt  }
0x54: {  	_ =	shalt  }
0x55: {  	_ =	shalt  }
0x56: {  	_ =	shalt  }
0x57: {  	_ =	shalt  }
0x58: {  	_ =	shalt  }
0x59: {  	_ =	shalt  }
0x5a: {  	_ =	shalt  }
0x5b: {  	_ =	shalt  }
0x5c: {  	_ =	shalt  }
0x5d: {  	_ =	shalt  }
0x5e: {  	_ =	shalt  }
0x5f: {  	_ =	shalt  }
0x60: {  	_ =	shalt  }
0x61: {  	_ =	shalt  }
0x62: {  	_ =	shalt  }
0x63: {  	_ =	shalt  }
0x64: {  	_ =	shalt  }
0x65: {  	_ =	shalt  }
0x66: {  	_ =	shalt  }
0x67: {  	_ =	shalt  }
0x68: {  	_ =	shalt  }
0x69: {  	_ =	shalt  }
0x6a: {  	_ =	shalt  }
0x6b: {  	_ =	shalt  }
0x6c: {  	_ =	shalt  }
0x6d: {  	_ =	shalt  }
0x6e: {  	_ =	shalt  }
0x6f: {  	_ =	shalt  }
0x70: {  	_ =	shalt  }
0x71: {  	_ =	shalt  }
0x72: {  	_ =	shalt  }
0x73: {  	_ =	shalt  }
0x74: {  	_ =	shalt  }
0x75: {  	_ =	shalt  }
0x76: {  	_ =	shalt  }
0x77: {  	_ =	shalt  }
0x78: {  	_ =	shalt  }
0x79: {  	_ =	shalt  }
0x7a: {  	_ =	shalt  }
0x7b: {  	_ =	shalt  }
0x7c: {  	_ =	shalt  }
0x7d: {  	_ =	shalt  }
0x7e: {  	_ =	shalt  }
0x7f: {  	_ =	shalt  }
0x80: {  	_ =	shalt  }
0x81: {  	_ =	shalt  }
0x82: {  	_ =	shalt  }
0x83: {  	_ =	shalt  }
0x84: {  	_ =	shalt  }
0x85: {  	_ =	shalt  }
0x86: {  	_ =	shalt  }
0x87: {  	_ =	shalt  }
.Lfunc_end0:
.L_simem_size_0:
called_computation_lowered:
.L_overlay_start_0:
0x88: {  	s2 =	sld [smem:$0x3FD9]  }
0x89: {  	s3 =	sld [smem:$0x3FFE];
	_ =	sdelay $0x1  }
0x8a: {  	s1 =	srdreg.scid  }
0x8b: {  	s0 =	sand.u32 $0x1, s1  }
0x8c: {  	s16 =	sshll.u32 s0, $0xA;
	s2 =	sadd.s32 s3, s2  }
0x8d: {  	s2 =	sadd.s32 s2, s16  }
0x8e: {  	[smem:$0x3FBF] =	sst s2  }
0x8f: {  	_ = 	snop  }
0x90: {  	(tm) =	ssettm $0x1  }
0x91: {  	s17 =	sld [smem:$0x3FFB];
	_ =	sdelay $0x3  }
0x92: {  	_ =	strace s17  }
0x93: {  	s2 =	sld [smem:$0x3FFC];
	_ =	sdelay $0x3  }
0x94: {  	_ =	strace s2  }
0x95: {  	s2 =	sld [smem:$0x3FFD];
	_ =	sdelay $0x3  }
0x96: {  	_ =	strace s2  }
0x97: {  	_ =	strace $0x8FFFFFFF  }
0x98: {  	s18 =	sld [smem:$0x3FDB];
	_ =	sdelay $0x1  }
0x99: {  	s19 =	simm.s32 $_scs_section_size  }
0x9a: {  	s4 =	simm.s32 $_size__tile_overlayer_lowered;
	s5 =	simm.s32 $_tile_overlayer_lowered  }
0x9b: {  	s22 =	simm.s32 $0x1BFF;
	s21 =	sshll.u32 s5, $0x1;
	s2 =	sadd.s32 s19, s18  }
0x9c: {  	s6 =	simm.s32 $0x0;
	s20 =	sshll.u32 s4, $0x1;
	s4 =	sadd.s32 s21, s2  }
0x9d: {  	[timem:s6], [sflag:s22] =	dma.local [hbm:s4], s20  }
0x9e: {  	_ =	swait.ge [sflag:s22], s20  }
0x9f: {  	s3 =	ssub.s32 $0x0, s20;
	[sflag:s22] =	ssyncset.done $0x0  }
0xa0: {  	[sflag:s22] =	ssyncadd.s32 s3;
	_ =	sdelay $0x1  }
0xa1: {  	s23 =	simm.s32 $0x1B8B  }
0xa2: {  	_ =	swait.ge [sflag:s23], $0x1  }
0xa3: {  	[sflag:s23] =	ssyncset.done $0x0  }
0xa4: {  	s25 =	simm.s32 $0x1B8E;
	s24 =	sld [smem:$0x3FFE];
	[sflag:s23] =	ssyncadd.s32 $0xFFFFFFFF  }
0xa5: {  	s26 =	simm.s32 $execute0_lowered;
	[smem:$0x3FD2] =	sst s25  }
0xa6: {  	s4 =	sshll.u32 s26, $0x1;
	_ =	strace $0x80000052;
	[dreg:$0x1] =	wrdreg $0xFFFFFFFF  }
0xa7: {  	s28 =	simm.s32 $_size_execute0_lowered;
	s2 =	sadd.s32 s2, s4;
	[dreg:$0x0] =	wrdreg $0x0  }
0xa8: {  	s4 =	sshll.u32 s28, $0x1;
	[dreg:$0x2] =	wrdreg s2  }
0xa9: {  	[dreg:$0x3] =	wrdreg s4  }
0xaa: {  	[dreg:$0x4] =	wrdreg $0xC0  }
0xab: {  	_ =	task [dreg:s6], $0x5FFFF  }
0xac: {  	[dreg:$0x1] =	wrdreg $0xFFFFFFFF  }
0xad: {  	[dreg:$0x0] =	wrdreg $0x60  }
0xae: {  	[dreg:$0x2] =	wrdreg s24  }
0xaf: {  	[dreg:$0x3] =	wrdreg $0xAC000  }
0xb0: {  	[dreg:$0x4] =	wrdreg $0x9  }
0xb1: {  	_ =	task.clear_ibuf [dreg:s6], $0x5FFFF;
	_ =	strace $0x90000052  }
0xb2: {  	s29 =	simm.s32 $0x9;
	_ =	strace $0x80000054  }
0xb3: {  	_ =	swait.ge [sflag:s29], $0x1  }
0xb4: {  	[sflag:s29] =	ssyncadd.s32 $0xFFFFFFFF  }
0xb5: {  	_ =	strace $0x90000054  }
0xb6: {  	_ =	sfence  }
0xb7: {  	s30 =	sld [smem:$0x0];
	_ =	sdelay $0x2  }
0xb8: {  	s31 =	sshll.u32 s1, $0xD;
	s1 =	sshrl.u32 s1, $0x2  }
0xb9: {  	s3 =	sand.u32 $0x4000, s31;
	s1 =	sadd.s32 s1, s30  }
0xba: {  	s0 =	sor.u32 s3, s0;
	s1 =	sshll.u32 s1, $0x11  }
0xbb: {  	s0 =	sor.u32 s1, s0  }
0xbc: {  	s0 =	sadd.s32 $0x8F2B, s0  }
0xbd: {  	[sflag:s0] =	ssyncadd.remote.s32 $0x1  }
0xbe: {  	_ =	sfence.sel $0xFFFF  }
0xbf: {  	[dreg:$0x0] =	wrdreg $0xFFFFFFFF;
	(pc) =	sbr.abs _section_cstart, $3  }
0xc0: {  	[dreg:$0x1] =	wrdreg $0xFFFFFFFF  }
0xc1: {  	_ =	task.clear_ibuf [dreg:s6], $0x2FFFF;
	_ =	strace $0x9FFFFFFF  }
0xc2: {  	(tm) =	ssettm $0x7FFFFFFF  }
0xc3: {  	_ =	shalt  }
tec
execute0_lowered:
.L_overlay_start_1:
0x0: {  	(tag) =	ssettag $0x1  }
0x1: {  	s5 =	rddreg [dreg:$0x0]  }
0x2: {  	s0 =	srdreg.scid;
	s2 =	rddreg [dreg:$0x1]  }
0x3: {  	s1 =	stileid.u32;
	s3 =	simm.s32 $0x0;
	s14 =	simm.s32 $0x5  }
0x4: {  	s15 =	simm.s32 $0x1800;
	s16 =	simm.s32 $0x80;
	s17 =	simm.s32 $0x1400  }
0x5: {  	s18 =	simm.s32 $0x2C00;
	s19 =	simm.s32 $0x1;
	s8 =	smul.u32 $0x1800, s1  }
0x6: {  	s20 =	simm.s32 $0x6C00;
	s21 =	simm.s32 $0x2;
	s10 =	smul.u32 $0x1400, s1  }
0x7: {  	s22 =	simm.s32 $0x3;
	s23 =	simm.s32 $0x4;
	s30 =	smul.u32 $0x14000, s1  }
0x8: {  	s24 =	simm.s32 $0x2B00;
	s6 =	sand.u32 $0x1, s0;
	s11 =	smul.u32 $0x50000, s1  }
0x9: {  	s29 =	simm.s32 $0x0;
	[smem:$0x7FF] =	sst s3;
	s7 =	smul.u32 $0x18000, s6  }
0xa: {  	s4 =	sadd.s32 $0x8FA00, s5;
	s25 =	sshll.u32 s1, $0x6;
	s9 =	smul.u32 $0x14000, s6  }
0xb: {  	_ =	strace $0x80000053;
	s26 =	smul.u32 $0x140000, s6;
	s6 =	ssub.s32 $0x2, s6  }
0xc: {  	s25 =	sor.u32 $0x1C05, s25;
	s31 =	sshrl.u32 s6, $0x1;
	s11 =	sshrl.u32 s11, $0x2  }
0xd: {  	s7 =	sadd.s32 s8, s7;
	s9 =	sadd.s32 s10, s9;
	s8 =	sadd.s32 s30, s26  }
0xe: {  	s13 =	ssub.s32 s6, s31;
	s26 =	simm.s32 $0x2B80;
	s7 =	sshrl.u32 s7, $0x3  }
0xf: {  	s9 =	sshrl.u32 s9, $0x3;
	s8 =	sshrl.u32 s8, $0x3;
	s13 =	smax.u32 s13, $0x1  }
0x10: {  	s7 =	sadd.s32 s7, s5;
	s9 =	sadd.s32 s9, s5;
	s12 =	sadd.s32 s8, s5  }
0x11: {  	s5 =	sadd.s32 s11, s2;
	s6 =	sadd.s32 $0x89A00, s7;
	s7 =	sadd.s32 $0x7A00, s9  }
0x12: {  	s8 =	sadd.s32 $0x4000, s5;
	s9 =	sadd.s32 $0x8000, s5;
	s10 =	sadd.s32 $0xC000, s5  }
0x13: {  	s11 =	sadd.s32 $0x10000, s5;
	s12 =	sadd.s32 $0x156A00, s12;
	s28 =	sshrl.u32 s5, $0x3  }
.LBB2_1:
0x14: {  	[tilespmem:s3], [sflag:$0x5] =	stream.linear.gather [hbm4b:s6+s3], $0x1480, $0x38;
	[tilespmem:$0x1EC00] =	vst v63  }
0x15: {  	_ =	swait.ge [sflag:s14], $0x1480  }
0x16: {  	[sflag:s14] =	ssyncset.done $0x0  }
0x17: {  	[sflag:s14] =	ssyncadd.s32 $0xFFFFEB80  }
0x18: {  	[tilespmem:s15], [sflag:$0x5] =	stream.linear.gather [hbm4b:s7+s3], $0x1400, $0x38;
	[tilespmem:$0x1EC00] =	vst v63  }
0x19: {  	_ =	swait.ge [sflag:s14], $0x1400  }
0x1a: {  	[sflag:s14] =	ssyncset.done $0x0  }
0x1b: {  	[sflag:s14] =	ssyncadd.s32 $0xFFFFEC00  }
0x1c: {  	[tilespmem:s18], [sflag:$0x1] =	stream.indirect.gather [hbm4b:s4+s16], $0x80, s17, s16, $0xb8;
	[tilespmem:$0x1EC00] =	vst v63  }
0x1d: {  	_ =	swait.ge [sflag:s19], $0x4000  }
0x1e: {  	[sflag:s19] =	ssyncset.done $0x0  }
0x1f: {  	[sflag:s19] =	ssyncadd.s32 $0xFFFFC000  }
0x20: {  	[spmem:s5] =	stream.linear.scatter [tilespmem:s18], [sflag:$0x5], $0x4000, $0x38;
	[tilespmem:$0x1EC00] =	vst v63  }
0x21: {  	_ =	swait.ge [sflag:s14], $0x4000  }
0x22: {  	[sflag:s14] =	ssyncset.done $0x0  }
0x23: {  	[sflag:s14] =	ssyncadd.s32 $0xFFFFC000  }
0x24: {  	[spmem:s8] =	stream.linear.scatter [tilespmem:s18], [sflag:$0x5], $0x4000, $0x38;
	[tilespmem:$0x1EC00] =	vst v63  }
0x25: {  	_ =	swait.ge [sflag:s14], $0x4000  }
0x26: {  	[sflag:s14] =	ssyncset.done $0x0  }
0x27: {  	[sflag:s14] =	ssyncadd.s32 $0xFFFFC000  }
0x28: {  	[spmem:s9] =	stream.linear.scatter [tilespmem:s18], [sflag:$0x5], $0x4000, $0x38;
	[tilespmem:$0x1EC00] =	vst v63  }
0x29: {  	_ =	swait.ge [sflag:s14], $0x4000  }
0x2a: {  	[sflag:s14] =	ssyncset.done $0x0  }
0x2b: {  	[sflag:s14] =	ssyncadd.s32 $0xFFFFC000  }
0x2c: {  	[spmem:s10] =	stream.linear.scatter [tilespmem:s18], [sflag:$0x5], $0x4000, $0x38;
	[tilespmem:$0x1EC00] =	vst v63  }
0x2d: {  	_ =	swait.ge [sflag:s14], $0x4000  }
0x2e: {  	[sflag:s14] =	ssyncset.done $0x0  }
0x2f: {  	[sflag:s14] =	ssyncadd.s32 $0xFFFFC000  }
0x30: {  	[spmem:s11] =	stream.linear.scatter [tilespmem:s18], [sflag:$0x5], $0x4000, $0x38;
	[tilespmem:$0x1EC00] =	vst v63  }
0x31: {  	_ =	swait.ge [sflag:s14], $0x4000  }
0x32: {  	[sflag:s14] =	ssyncset.done $0x0  }
0x33: {  	[sflag:s14] =	ssyncadd.s32 $0xFFFFC000  }
0x34: {  	[bflag:$0x0] =	sbarrier.arrive $0xFFFF  }
0x35: {  	[tilespmem:s18], [sflag:$0x1] =	stream.indirect.gather [hbm4b:s4+s16], $0x80, s3, s16, $0xb8;
	[tilespmem:$0x1EC00] =	vst v63  }
0x36: {  	_ = 	snop  }
0x37: {  	[tilespmem:s20], [sflag:$0x2] =	stream.indirect.gather [hbm4b:s4+s16], $0x80, s16, s16, $0xb8;
	[tilespmem:$0x1EC00] =	vst v63  }
0x38: {  	_ =	swait.ge [sflag:s19], $0x4000  }
0x39: {  	[sflag:s19] =	ssyncset.done $0x0  }
0x3a: {  	s30 =	simm.s32 $0x1800;
	[sflag:s19] =	ssyncadd.s32 $0xFFFFC000  }
0x3b: {  	[spmem:s2] =	stream.indirect.scatter.add.f32 [tilespmem:s18], [sflag:$0x3], $0x80, s30, s16, $0xb8;
	[tilespmem:$0x1EC00] =	vst v63  }
0x3c: {  	_ =	swait.ge [sflag:s21], $0x4000  }
0x3d: {  	[sflag:s21] =	ssyncset.done $0x0  }
0x3e: {  	s30 =	simm.s32 $0x1880;
	[sflag:s21] =	ssyncadd.s32 $0xFFFFC000  }
0x3f: {  	[spmem:s2] =	stream.indirect.scatter.add.f32 [tilespmem:s20], [sflag:$0x4], $0x80, s30, s16, $0xb8;
	[tilespmem:$0x1EC00] =	vst v63  }
0x40: {  	_ =	swait.ge [sflag:s22], $0x4000  }
0x41: {  	[sflag:s22] =	ssyncset.done $0x0  }
0x42: {  	s30 =	simm.s32 $0x100;
	[sflag:s22] =	ssyncadd.s32 $0xFFFFC000  }
0x43: {  	[tilespmem:s18], [sflag:$0x1] =	stream.indirect.gather [hbm4b:s4+s16], $0x80, s30, s16, $0xb8;
	[tilespmem:$0x1EC00] =	vst v63  }
0x44: {  	_ =	swait.ge [sflag:s23], $0x4000  }
0x45: {  	[sflag:s23] =	ssyncset.done $0x0  }
0x46: {  	s31 =	simm.s32 $0x180;
	s30 =	simm.s32 $0x400;
	[sflag:s23] =	ssyncadd.s32 $0xFFFFC000  }
.LBB2_2:
0x47: {  	[tilespmem:s20], [sflag:$0x2] =	stream.indirect.gather [hbm4b:s4+s16], $0x80, s31, s16, $0xb8;
	[tilespmem:$0x1EC00] =	vst v63  }
0x48: {  	s31 =	smov.u32 s30  }
0x49: {  	p0 =	sne.s32 s30, $0x4800;
	s30 =	sadd.s32 $0x400, s30;
	_ =	swait.ge [sflag:s19], $0x4000  }
0x4a: {  	s31 =	sshra.s32 s31, $0x2;
	[sflag:s19] =	ssyncset.done $0x0  }
0x4b: {  	s0 =	sadd.s32 $0x1800, s31;
	[sflag:s19] =	ssyncadd.s32 $0xFFFFC000  }
0x4c: {  	[spmem:s2] =	stream.indirect.scatter.add.f32 [tilespmem:s18], [sflag:$0x3], $0x80, s0, s16, $0xb8;
	[tilespmem:$0x1EC00] =	vst v63  }
0x4d: {  	_ =	swait.ge [sflag:s21], $0x4000  }
0x4e: {  	[sflag:s21] =	ssyncset.done $0x0  }
0x4f: {  	s0 =	sadd.s32 $0x1880, s31;
	[sflag:s21] =	ssyncadd.s32 $0xFFFFC000  }
0x50: {  	[spmem:s2] =	stream.indirect.scatter.add.f32 [tilespmem:s20], [sflag:$0x4], $0x80, s0, s16, $0xb8;
	[tilespmem:$0x1EC00] =	vst v63  }
0x51: {  	_ =	swait.ge [sflag:s22], $0x4000  }
0x52: {  	[sflag:s22] =	ssyncset.done $0x0  }
.Ltmp0:
0x53: {  	s0 =	sadd.s32 $0x100, s31;
	[sflag:s22] =	ssyncadd.s32 $0xFFFFC000;
	(pc) =	sbr.rel @p0 .LBB2_2-.Ltmp0, $4  }
0x54: {  	[tilespmem:s18], [sflag:$0x1] =	stream.indirect.gather [hbm4b:s4+s16], $0x80, s0, s16, $0xb8;
	[tilespmem:$0x1EC00] =	vst v63  }
0x55: {  	_ =	swait.ge [sflag:s23], $0x4000  }
0x56: {  	[sflag:s23] =	ssyncset.done $0x0  }
0x57: {  	s31 =	sadd.s32 $0x180, s31;
	[sflag:s23] =	ssyncadd.s32 $0xFFFFC000  }
0x58: {  	[tilespmem:s20], [sflag:$0x2] =	stream.indirect.gather [hbm4b:s4+s16], $0x80, s31, s16, $0xb8;
	[tilespmem:$0x1EC00] =	vst v63  }
0x59: {  	_ =	swait.ge [sflag:s19], $0x4000  }
0x5a: {  	[sflag:s19] =	ssyncset.done $0x0  }
0x5b: {  	[sflag:s19] =	ssyncadd.s32 $0xFFFFC000  }
0x5c: {  	[spmem:s2] =	stream.indirect.scatter.add.f32 [tilespmem:s18], [sflag:$0x3], $0x80, s24, s16, $0xb8;
	[tilespmem:$0x1EC00] =	vst v63  }
0x5d: {  	_ =	swait.ge [sflag:s21], $0x4000  }
0x5e: {  	[sflag:s21] =	ssyncset.done $0x0  }
0x5f: {  	[sflag:s21] =	ssyncadd.s32 $0xFFFFC000  }
0x60: {  	[spmem:s2] =	stream.indirect.scatter.add.f32 [tilespmem:s20], [sflag:$0x4], $0x80, s26, s16, $0xb8;
	[tilespmem:$0x1EC00] =	vst v63  }
0x61: {  	_ =	swait.ge [sflag:s22], $0x4000  }
0x62: {  	[sflag:s22] =	ssyncset.done $0x0  }
0x63: {  	[sflag:s22] =	ssyncadd.s32 $0xFFFFC000  }
0x64: {  	_ =	swait.ge [sflag:s23], $0x4000  }
0x65: {  	s29 =	sadd.s32 $0x1, s29;
	[sflag:s23] =	ssyncset.done $0x0  }
0x66: {  	p0 =	sne.s32 s29, s13;
	[sflag:s23] =	ssyncadd.s32 $0xFFFFC000  }
.Ltmp1:
0x67: {  	[bflag:$0x0] =	sbarrier.arrive $0xFFFF;
	(pc) =	sbr.rel @p0 .LBB2_1-.Ltmp1, $4  }
0x68: {  	[hbm:s12], [sflag:s25] =	dma.local [spmem:s28], $0x2800  }
0x69: {  	_ =	swait.ge [sflag:s14], $0x2800  }
0x6a: {  	[sflag:s14] =	ssyncset.done $0x0  }
0x6b: {  	[sflag:s14] =	ssyncadd.s32 $0xFFFFD800  }
0x6c: {  	_ =	sfence.sel $0x180000  }
0x6d: {  	[bflag:$0x0] =	sbarrier.arrive $0xFFFF  }
0x6e: {  	_ =	strace $0x90000053  }
0x6f: {  	[bflag:$0x2] =	sbarrier.arrive $0xFFFF  }
0x70: {  	p0 =	sne.s32 s1, $0x0;
	s0 =	rddreg [dreg:$0x2]  }
0x71: {  	s0 =	sadd.s32 @!p0 $0x100000, s0  }
0x72: {  	[sflag:s0] =	ssyncadd.tile.s32 @!p0 $0x1;
	_ =	shalt  }
.Lfunc_end2:
_tile_overlayer_lowered:
.L_overlay_start_2:
0x73: {  	(tag) =	ssettag $0x2  }
0x74: {  	s0 =	rddreg [dreg:$0x0];
	s2 =	stileid.u32  }
0x75: {  	s1 =	rddreg [dreg:$0x1];
	p0 =	sne.s32 s2, $0x0  }
0x76: {  	s3 =	rddreg [dreg:$0x2];
	[bflag:$0x3] =	sbarrier.arrive $0xFFFF;
	s2 =	simm.s32 @!p0 $0x1C05  }
0x77: {  	[timem:s3], [sflag:s2] =	dma.local @!p0 [hbm:s0], s1  }
0x78: {  	s0 =	simm.s32 @!p0 $0x5  }
0x79: {  	_ =	swait.ge @!p0 [sflag:s0], s1  }
0x7a: {  	s1 =	ssub.s32 @!p0 $0x0, s1;
	[sflag:s0] =	ssyncset.done @!p0 $0x0  }
0x7b: {  	[sflag:s0] =	ssyncadd.s32 @!p0 s1  }
0x7c: {  	[bflag:$0x3] =	sbarrier.arrive $0xFFFF  }
0x7d: {  	_ =	shalt  }

// kernel: closed_call.50.cloned.1.call-start
scs
__scs_entry_jumppad:
0x0: {  	(pc) =	sbr.rel $0x88, $3  }
0x1: {  	(tag) =	ssettag $0x0;
	lr =	simm.s32 $0x1  }
0x2: {  	[smem:$0x3F98] =	sst lr;
	_ =	strace $0xD0000000  }
0x3: {  	_ = 	snop  }
0x4: {  	_ = 	snop  }
0x5: {  	_ = 	snop  }
0x6: {  	_ = 	snop  }
0x7: {  	_ = 	snop  }
__scs_overlays_trampoline_lowered:
0x8: {  	[smem:$0x3FA7] =	sst s0  }
0x9: {  	[smem:$0x3FA8] =	sst s1  }
0xa: {  	[smem:$0x3FA9] =	sst s2  }
0xb: {  	[smem:$0x3FAA] =	sst s3  }
0xc: {  	[smem:$0x3FAB] =	sst s4  }
0xd: {  	[smem:$0x3FAC] =	sst s5  }
0xe: {  	[smem:$0x3FAD] =	sst s6  }
0xf: {  	[smem:$0x3FAE] =	sst s7  }
0x10: {  	[smem:$0x3FAF] =	sst s8  }
0x11: {  	[smem:$0x3FB0] =	sst s9;
	s0 =	simm.s32 @!p0 $0x0  }
0x12: {  	s1 =	sld [smem:$0x3F96];
	s0 =	simm.s32 @p0 $0x1  }
0x13: {  	[smem:$0x3FB1] =	sst s0;
	s0 =	simm.s32 @!p1 $0x0  }
0x14: {  	s2 =	sld [smem:$0x3F95];
	s0 =	simm.s32 @p1 $0x1  }
0x15: {  	[smem:$0x3FB2] =	sst s0;
	s0 =	simm.s32 @!p2 $0x0  }
0x16: {  	s3 =	sld [smem:$0x3FDB];
	s0 =	simm.s32 @p2 $0x1  }
0x17: {  	s4 =	simm.s32 $0x1BF5;
	[smem:$0x3FB4] =	sst s0  }
0x18: {  	s0 =	sld [smem:$0x3F97];
	_ =	swait.ge [sflag:s4], $0x0  }
0x19: {  	s7 =	sld [smem:$0x3F98]  }
0x1a: {  	s8 =	sadd.s32 $0xFFFFE003, lr  }
0x1b: {  	s9 =	sadd.s32 $0xFFFFFEF7, lr;
	s5 =	simm.s32 $0xFFFFFFFF;
	p2 =	slt.u32 s8, $0xFFFFF086  }
0x1c: {  	p1 =	slt.u32 s9, $0xF7A;
	s5 =	simm.s32 @!p2 $0x0  }
0x1d: {  	s5 =	simm.s32 @p1 $0x1;
	p0 =	seq.s32 s7, s2  }
0x1e: {  	s7 =	smul.u32 @!p0 $0xF7A, s2;
	p2 =	seq.s32 @!p0 s5, $0x0  }
0x1f: {  	s9 =	smul.u32 $0xF7A, s1;
	s8 =	simm.s32 @!p0 $0x1BF5;
	p2 =	por !p2, p0  }
0x20: {  	[sflag:s8] =	ssyncset.s32 @!p0 $0xFFFFF086;
	s6 =	sadd.s32 @!p0 s3, s7;
	s7 =	simm.s32 @!p0 $0x108  }
0x21: {  	s3 =	sadd.s32 s3, s9;
	s6 =	sadd.s32 @!p0 $0x88, s6;
	s7 =	simm.s32 @p2 $0x1082  }
0x22: {  	[simem:s7], [sflag:s8] =	dma.local @!p0 [hbm:s6], $0xF7A  }
0x23: {  	s9 =	sor.u32 $0xD0000000, s2;
	s6 =	simm.s32 $0x108;
	_ =	swait.ge @!p0 [sflag:s8], $0x0  }
0x24: {  	s3 =	sadd.s32 $0x88, s3;
	s6 =	simm.s32 @!p1 $0x1082;
	[sflag:s4] =	ssyncset.s32 $0xFFFFF086  }
0x25: {  	[simem:s6], [sflag:s4] =	dma.local [hbm:s3], $0xF7A  }
0x26: {  	[smem:$0x3F98] =	sst s1;
	(tag) =	ssettag s2;
	_ =	strace s9  }
0x27: {  	s1 =	sld [smem:$0x3FA8]  }
0x28: {  	s2 =	sld [smem:$0x3FA9]  }
0x29: {  	s4 =	sld [smem:$0x3FAB]  }
0x2a: {  	p0 =	seq.s32 s5, $0x0;
	s5 =	sld [smem:$0x3FAC]  }
0x2b: {  	s6 =	sld [smem:$0x3FAD]  }
0x2c: {  	s7 =	sld [smem:$0x3FAE]  }
0x2d: {  	s3 =	simm.s32 $0x108;
	s8 =	sld [smem:$0x3FAF]  }
0x2e: {  	s3 =	simm.s32 @!p0 $0x1082;
	s9 =	sld [smem:$0x3FB0]  }
0x2f: {  	lr =	sadd.s32 s0, s3;
	s0 =	sld [smem:$0x3FA7]  }
0x30: {  	s3 =	sld [smem:$0x3FAA]  }
0x31: {  	[smem:$0x3FB3] =	sst s10  }
0x32: {  	s10 =	sld [smem:$0x3FB1];
	_ =	sdelay $0x3  }
0x33: {  	p0 =	seq.s32 s10, $0x1;
	s10 =	sld [smem:$0x3FB3];
	_ =	sdelay $0x3  }
0x34: {  	[smem:$0x3FB3] =	sst s10  }
0x35: {  	s10 =	sld [smem:$0x3FB2];
	_ =	sdelay $0x3  }
0x36: {  	p1 =	seq.s32 s10, $0x1;
	s10 =	sld [smem:$0x3FB3];
	_ =	sdelay $0x3  }
0x37: {  	[smem:$0x3FB3] =	sst s10  }
0x38: {  	s10 =	sld [smem:$0x3FB4]  }
0x39: {  	_ = 	snop;
	(pc) =	sbr.ind lr, $3  }
0x3a: {  	_ = 	snop  }
0x3b: {  	_ = 	snop  }
0x3c: {  	p2 =	seq.s32 s10, $0x1;
	s10 =	sld [smem:$0x3FB3]  }
0x3d: {  	_ =	shalt  }
0x3e: {  	_ =	shalt  }
0x3f: {  	_ =	shalt  }
0x40: {  	_ =	shalt  }
0x41: {  	_ =	shalt  }
0x42: {  	_ =	shalt  }
0x43: {  	_ =	shalt  }
0x44: {  	_ =	shalt  }
0x45: {  	_ =	shalt  }
0x46: {  	_ =	shalt  }
0x47: {  	_ =	shalt  }
0x48: {  	_ =	shalt  }
0x49: {  	_ =	shalt  }
0x4a: {  	_ =	shalt  }
0x4b: {  	_ =	shalt  }
0x4c: {  	_ =	shalt  }
0x4d: {  	_ =	shalt  }
0x4e: {  	_ =	shalt  }
0x4f: {  	_ =	shalt  }
0x50: {  	_ =	shalt  }
0x51: {  	_ =	shalt  }
0x52: {  	_ =	shalt  }
0x53: {  	_ =	shalt  }
0x54: {  	_ =	shalt  }
0x55: {  	_ =	shalt  }
0x56: {  	_ =	shalt  }
0x57: {  	_ =	shalt  }
0x58: {  	_ =	shalt  }
0x59: {  	_ =	shalt  }
0x5a: {  	_ =	shalt  }
0x5b: {  	_ =	shalt  }
0x5c: {  	_ =	shalt  }
0x5d: {  	_ =	shalt  }
0x5e: {  	_ =	shalt  }
0x5f: {  	_ =	shalt  }
0x60: {  	_ =	shalt  }
0x61: {  	_ =	shalt  }
0x62: {  	_ =	shalt  }
0x63: {  	_ =	shalt  }
0x64: {  	_ =	shalt  }
0x65: {  	_ =	shalt  }
0x66: {  	_ =	shalt  }
0x67: {  	_ =	shalt  }
0x68: {  	_ =	shalt  }
0x69: {  	_ =	shalt  }
0x6a: {  	_ =	shalt  }
0x6b: {  	_ =	shalt  }
0x6c: {  	_ =	shalt  }
0x6d: {  	_ =	shalt  }
0x6e: {  	_ =	shalt  }
0x6f: {  	_ =	shalt  }
0x70: {  	_ =	shalt  }
0x71: {  	_ =	shalt  }
0x72: {  	_ =	shalt  }
0x73: {  	_ =	shalt  }
0x74: {  	_ =	shalt  }
0x75: {  	_ =	shalt  }
0x76: {  	_ =	shalt  }
0x77: {  	_ =	shalt  }
0x78: {  	_ =	shalt  }
0x79: {  	_ =	shalt  }
0x7a: {  	_ =	shalt  }
0x7b: {  	_ =	shalt  }
0x7c: {  	_ =	shalt  }
0x7d: {  	_ =	shalt  }
0x7e: {  	_ =	shalt  }
0x7f: {  	_ =	shalt  }
0x80: {  	_ =	shalt  }
0x81: {  	_ =	shalt  }
0x82: {  	_ =	shalt  }
0x83: {  	_ =	shalt  }
0x84: {  	_ =	shalt  }
0x85: {  	_ =	shalt  }
0x86: {  	_ =	shalt  }
0x87: {  	_ =	shalt  }
.Lfunc_end0:
.L_simem_size_0:
called_computation.1_lowered:
.L_overlay_start_0:
0x88: {  	s2 =	sld [smem:$0x3FD9]  }
0x89: {  	s3 =	sld [smem:$0x3FFE];
	_ =	sdelay $0x1  }
0x8a: {  	s1 =	srdreg.scid  }
0x8b: {  	s0 =	sand.u32 $0x1, s1  }
0x8c: {  	s16 =	sshll.u32 s0, $0xA;
	s2 =	sadd.s32 s3, s2  }
0x8d: {  	s2 =	sadd.s32 s2, s16  }
0x8e: {  	[smem:$0x3FBF] =	sst s2  }
0x8f: {  	_ = 	snop  }
0x90: {  	(tm) =	ssettm $0x1  }
0x91: {  	s17 =	sld [smem:$0x3FFB];
	_ =	sdelay $0x3  }
0x92: {  	_ =	strace s17  }
0x93: {  	s2 =	sld [smem:$0x3FFC];
	_ =	sdelay $0x3  }
0x94: {  	_ =	strace s2  }
0x95: {  	s2 =	sld [smem:$0x3FFD];
	_ =	sdelay $0x3  }
0x96: {  	_ =	strace s2  }
0x97: {  	_ =	strace $0x8FFFFFFF  }
0x98: {  	s18 =	sld [smem:$0x3FDB];
	_ =	sdelay $0x1  }
0x99: {  	s19 =	simm.s32 $_scs_section_size  }
0x9a: {  	s4 =	simm.s32 $_size__tile_overlayer_lowered;
	s5 =	simm.s32 $_tile_overlayer_lowered  }
0x9b: {  	s22 =	simm.s32 $0x1BFF;
	s21 =	sshll.u32 s5, $0x1;
	s2 =	sadd.s32 s19, s18  }
0x9c: {  	s6 =	simm.s32 $0x0;
	s20 =	sshll.u32 s4, $0x1;
	s4 =	sadd.s32 s21, s2  }
0x9d: {  	[timem:s6], [sflag:s22] =	dma.local [hbm:s4], s20  }
0x9e: {  	_ =	swait.ge [sflag:s22], s20  }
0x9f: {  	s3 =	ssub.s32 $0x0, s20;
	[sflag:s22] =	ssyncset.done $0x0  }
0xa0: {  	[sflag:s22] =	ssyncadd.s32 s3;
	_ =	sdelay $0x1  }
0xa1: {  	s23 =	simm.s32 $0x1B8B  }
0xa2: {  	_ =	swait.ge [sflag:s23], $0x1  }
0xa3: {  	[sflag:s23] =	ssyncset.done $0x0  }
0xa4: {  	s25 =	simm.s32 $0x1B8E;
	s24 =	sld [smem:$0x3FFE];
	[sflag:s23] =	ssyncadd.s32 $0xFFFFFFFF  }
0xa5: {  	s26 =	simm.s32 $execute0_lowered;
	[smem:$0x3FD2] =	sst s25  }
0xa6: {  	s4 =	sshll.u32 s26, $0x1;
	_ =	strace $0x80000055;
	[dreg:$0x1] =	wrdreg $0xFFFFFFFF  }
0xa7: {  	s28 =	simm.s32 $_size_execute0_lowered;
	s2 =	sadd.s32 s2, s4;
	[dreg:$0x0] =	wrdreg $0x0  }
0xa8: {  	s4 =	sshll.u32 s28, $0x1;
	[dreg:$0x2] =	wrdreg s2  }
0xa9: {  	[dreg:$0x3] =	wrdreg s4  }
0xaa: {  	[dreg:$0x4] =	wrdreg $0xC0  }
0xab: {  	_ =	task [dreg:s6], $0x5FFFF  }
0xac: {  	[dreg:$0x1] =	wrdreg $0xFFFFFFFF  }
0xad: {  	[dreg:$0x0] =	wrdreg $0x60  }
0xae: {  	[dreg:$0x2] =	wrdreg s24  }
0xaf: {  	[dreg:$0x3] =	wrdreg $0xAC000  }
0xb0: {  	[dreg:$0x4] =	wrdreg $0x9  }
0xb1: {  	_ =	task.clear_ibuf [dreg:s6], $0x5FFFF;
	_ =	strace $0x90000055  }
0xb2: {  	s29 =	simm.s32 $0x9;
	_ =	strace $0x80000057  }
0xb3: {  	_ =	swait.ge [sflag:s29], $0x1  }
0xb4: {  	[sflag:s29] =	ssyncadd.s32 $0xFFFFFFFF  }
0xb5: {  	_ =	strace $0x90000057  }
0xb6: {  	_ =	sfence  }
0xb7: {  	s30 =	sld [smem:$0x0];
	_ =	sdelay $0x2  }
0xb8: {  	s31 =	sshll.u32 s1, $0xD;
	s1 =	sshrl.u32 s1, $0x2  }
0xb9: {  	s3 =	sand.u32 $0x4000, s31;
	s1 =	sadd.s32 s1, s30  }
0xba: {  	s0 =	sor.u32 s3, s0;
	s1 =	sshll.u32 s1, $0x11  }
0xbb: {  	s0 =	sor.u32 s1, s0  }
0xbc: {  	s0 =	sadd.s32 $0x8F2B, s0  }
0xbd: {  	[sflag:s0] =	ssyncadd.remote.s32 $0x1  }
0xbe: {  	_ =	sfence.sel $0xFFFF  }
0xbf: {  	[dreg:$0x0] =	wrdreg $0xFFFFFFFF;
	(pc) =	sbr.abs _section_cstart, $3  }
0xc0: {  	[dreg:$0x1] =	wrdreg $0xFFFFFFFF  }
0xc1: {  	_ =	task.clear_ibuf [dreg:s6], $0x2FFFF;
	_ =	strace $0x9FFFFFFF  }
0xc2: {  	(tm) =	ssettm $0x7FFFFFFF  }
0xc3: {  	_ =	shalt  }
tec
execute0_lowered:
.L_overlay_start_1:
0x0: {  	(tag) =	ssettag $0x1  }
0x1: {  	s5 =	rddreg [dreg:$0x0]  }
0x2: {  	s0 =	srdreg.scid;
	s2 =	rddreg [dreg:$0x1]  }
0x3: {  	s1 =	stileid.u32;
	s3 =	simm.s32 $0x0;
	s14 =	simm.s32 $0x5  }
0x4: {  	s15 =	simm.s32 $0x1800;
	s16 =	simm.s32 $0x80;
	s17 =	simm.s32 $0x1400  }
0x5: {  	s18 =	simm.s32 $0x2C00;
	s19 =	simm.s32 $0x1;
	s8 =	smul.u32 $0x1800, s1  }
0x6: {  	s20 =	simm.s32 $0x6C00;
	s21 =	simm.s32 $0x2;
	s10 =	smul.u32 $0x1400, s1  }
0x7: {  	s22 =	simm.s32 $0x3;
	s23 =	simm.s32 $0x4;
	s30 =	smul.u32 $0x14000, s1  }
0x8: {  	s24 =	simm.s32 $0x2B00;
	s6 =	sand.u32 $0x1, s0;
	s11 =	smul.u32 $0x50000, s1  }
0x9: {  	s29 =	simm.s32 $0x0;
	[smem:$0x7FF] =	sst s3;
	s7 =	smul.u32 $0x18000, s6  }
0xa: {  	s4 =	sadd.s32 $0x8FA00, s5;
	s25 =	sshll.u32 s1, $0x6;
	s9 =	smul.u32 $0x14000, s6  }
0xb: {  	_ =	strace $0x80000056;
	s26 =	smul.u32 $0x140000, s6;
	s6 =	ssub.s32 $0x2, s6  }
0xc: {  	s25 =	sor.u32 $0x1C05, s25;
	s31 =	sshrl.u32 s6, $0x1;
	s11 =	sshrl.u32 s11, $0x2  }
0xd: {  	s7 =	sadd.s32 s8, s7;
	s9 =	sadd.s32 s10, s9;
	s8 =	sadd.s32 s30, s26  }
0xe: {  	s13 =	ssub.s32 s6, s31;
	s26 =	simm.s32 $0x2B80;
	s7 =	sshrl.u32 s7, $0x3  }
0xf: {  	s9 =	sshrl.u32 s9, $0x3;
	s8 =	sshrl.u32 s8, $0x3;
	s13 =	smax.u32 s13, $0x1  }
0x10: {  	s7 =	sadd.s32 s7, s5;
	s9 =	sadd.s32 s9, s5;
	s12 =	sadd.s32 s8, s5  }
0x11: {  	s5 =	sadd.s32 s11, s2;
	s6 =	sadd.s32 $0x89A00, s7;
	s7 =	sadd.s32 $0x7A00, s9  }
0x12: {  	s8 =	sadd.s32 $0x4000, s5;
	s9 =	sadd.s32 $0x8000, s5;
	s10 =	sadd.s32 $0xC000, s5  }
0x13: {  	s11 =	sadd.s32 $0x10000, s5;
	s12 =	sadd.s32 $0xB7A00, s12;
	s28 =	sshrl.u32 s5, $0x3  }
.LBB2_1:
0x14: {  	[tilespmem:s3], [sflag:$0x5] =	stream.linear.gather [hbm4b:s6+s3], $0x1480, $0x38;
	[tilespmem:$0x1EC00] =	vst v63  }
0x15: {  	_ =	swait.ge [sflag:s14], $0x1480  }
0x16: {  	[sflag:s14] =	ssyncset.done $0x0  }
0x17: {  	[sflag:s14] =	ssyncadd.s32 $0xFFFFEB80  }
0x18: {  	[tilespmem:s15], [sflag:$0x5] =	stream.linear.gather [hbm4b:s7+s3], $0x1400, $0x38;
	[tilespmem:$0x1EC00] =	vst v63  }
0x19: {  	_ =	swait.ge [sflag:s14], $0x1400  }
0x1a: {  	[sflag:s14] =	ssyncset.done $0x0  }
0x1b: {  	[sflag:s14] =	ssyncadd.s32 $0xFFFFEC00  }
0x1c: {  	[tilespmem:s18], [sflag:$0x1] =	stream.indirect.gather [hbm4b:s4+s16], $0x80, s17, s16, $0xb8;
	[tilespmem:$0x1EC00] =	vst v63  }
0x1d: {  	_ =	swait.ge [sflag:s19], $0x4000  }
0x1e: {  	[sflag:s19] =	ssyncset.done $0x0  }
0x1f: {  	[sflag:s19] =	ssyncadd.s32 $0xFFFFC000  }
0x20: {  	[spmem:s5] =	stream.linear.scatter [tilespmem:s18], [sflag:$0x5], $0x4000, $0x38;
	[tilespmem:$0x1EC00] =	vst v63  }
0x21: {  	_ =	swait.ge [sflag:s14], $0x4000  }
0x22: {  	[sflag:s14] =	ssyncset.done $0x0  }
0x23: {  	[sflag:s14] =	ssyncadd.s32 $0xFFFFC000  }
0x24: {  	[spmem:s8] =	stream.linear.scatter [tilespmem:s18], [sflag:$0x5], $0x4000, $0x38;
	[tilespmem:$0x1EC00] =	vst v63  }
0x25: {  	_ =	swait.ge [sflag:s14], $0x4000  }
0x26: {  	[sflag:s14] =	ssyncset.done $0x0  }
0x27: {  	[sflag:s14] =	ssyncadd.s32 $0xFFFFC000  }
0x28: {  	[spmem:s9] =	stream.linear.scatter [tilespmem:s18], [sflag:$0x5], $0x4000, $0x38;
	[tilespmem:$0x1EC00] =	vst v63  }
0x29: {  	_ =	swait.ge [sflag:s14], $0x4000  }
0x2a: {  	[sflag:s14] =	ssyncset.done $0x0  }
0x2b: {  	[sflag:s14] =	ssyncadd.s32 $0xFFFFC000  }
0x2c: {  	[spmem:s10] =	stream.linear.scatter [tilespmem:s18], [sflag:$0x5], $0x4000, $0x38;
	[tilespmem:$0x1EC00] =	vst v63  }
0x2d: {  	_ =	swait.ge [sflag:s14], $0x4000  }
0x2e: {  	[sflag:s14] =	ssyncset.done $0x0  }
0x2f: {  	[sflag:s14] =	ssyncadd.s32 $0xFFFFC000  }
0x30: {  	[spmem:s11] =	stream.linear.scatter [tilespmem:s18], [sflag:$0x5], $0x4000, $0x38;
	[tilespmem:$0x1EC00] =	vst v63  }
0x31: {  	_ =	swait.ge [sflag:s14], $0x4000  }
0x32: {  	[sflag:s14] =	ssyncset.done $0x0  }
0x33: {  	[sflag:s14] =	ssyncadd.s32 $0xFFFFC000  }
0x34: {  	[bflag:$0x0] =	sbarrier.arrive $0xFFFF  }
0x35: {  	[tilespmem:s18], [sflag:$0x1] =	stream.indirect.gather [hbm4b:s4+s16], $0x80, s3, s16, $0xb8;
	[tilespmem:$0x1EC00] =	vst v63  }
0x36: {  	_ = 	snop  }
0x37: {  	[tilespmem:s20], [sflag:$0x2] =	stream.indirect.gather [hbm4b:s4+s16], $0x80, s16, s16, $0xb8;
	[tilespmem:$0x1EC00] =	vst v63  }
0x38: {  	_ =	swait.ge [sflag:s19], $0x4000  }
0x39: {  	[sflag:s19] =	ssyncset.done $0x0  }
0x3a: {  	s30 =	simm.s32 $0x1800;
	[sflag:s19] =	ssyncadd.s32 $0xFFFFC000  }
0x3b: {  	[spmem:s2] =	stream.indirect.scatter.add.f32 [tilespmem:s18], [sflag:$0x3], $0x80, s30, s16, $0xb8;
	[tilespmem:$0x1EC00] =	vst v63  }
0x3c: {  	_ =	swait.ge [sflag:s21], $0x4000  }
0x3d: {  	[sflag:s21] =	ssyncset.done $0x0  }
0x3e: {  	s30 =	simm.s32 $0x1880;
	[sflag:s21] =	ssyncadd.s32 $0xFFFFC000  }
0x3f: {  	[spmem:s2] =	stream.indirect.scatter.add.f32 [tilespmem:s20], [sflag:$0x4], $0x80, s30, s16, $0xb8;
	[tilespmem:$0x1EC00] =	vst v63  }
0x40: {  	_ =	swait.ge [sflag:s22], $0x4000  }
0x41: {  	[sflag:s22] =	ssyncset.done $0x0  }
0x42: {  	s30 =	simm.s32 $0x100;
	[sflag:s22] =	ssyncadd.s32 $0xFFFFC000  }
0x43: {  	[tilespmem:s18], [sflag:$0x1] =	stream.indirect.gather [hbm4b:s4+s16], $0x80, s30, s16, $0xb8;
	[tilespmem:$0x1EC00] =	vst v63  }
0x44: {  	_ =	swait.ge [sflag:s23], $0x4000  }
0x45: {  	[sflag:s23] =	ssyncset.done $0x0  }
0x46: {  	s31 =	simm.s32 $0x180;
	s30 =	simm.s32 $0x400;
	[sflag:s23] =	ssyncadd.s32 $0xFFFFC000  }
.LBB2_2:
0x47: {  	[tilespmem:s20], [sflag:$0x2] =	stream.indirect.gather [hbm4b:s4+s16], $0x80, s31, s16, $0xb8;
	[tilespmem:$0x1EC00] =	vst v63  }
0x48: {  	s31 =	smov.u32 s30  }
0x49: {  	p0 =	sne.s32 s30, $0x4800;
	s30 =	sadd.s32 $0x400, s30;
	_ =	swait.ge [sflag:s19], $0x4000  }
0x4a: {  	s31 =	sshra.s32 s31, $0x2;
	[sflag:s19] =	ssyncset.done $0x0  }
0x4b: {  	s0 =	sadd.s32 $0x1800, s31;
	[sflag:s19] =	ssyncadd.s32 $0xFFFFC000  }
0x4c: {  	[spmem:s2] =	stream.indirect.scatter.add.f32 [tilespmem:s18], [sflag:$0x3], $0x80, s0, s16, $0xb8;
	[tilespmem:$0x1EC00] =	vst v63  }
0x4d: {  	_ =	swait.ge [sflag:s21], $0x4000  }
0x4e: {  	[sflag:s21] =	ssyncset.done $0x0  }
0x4f: {  	s0 =	sadd.s32 $0x1880, s31;
	[sflag:s21] =	ssyncadd.s32 $0xFFFFC000  }
0x50: {  	[spmem:s2] =	stream.indirect.scatter.add.f32 [tilespmem:s20], [sflag:$0x4], $0x80, s0, s16, $0xb8;
	[tilespmem:$0x1EC00] =	vst v63  }
0x51: {  	_ =	swait.ge [sflag:s22], $0x4000  }
0x52: {  	[sflag:s22] =	ssyncset.done $0x0  }
.Ltmp0:
0x53: {  	s0 =	sadd.s32 $0x100, s31;
	[sflag:s22] =	ssyncadd.s32 $0xFFFFC000;
	(pc) =	sbr.rel @p0 .LBB2_2-.Ltmp0, $4  }
0x54: {  	[tilespmem:s18], [sflag:$0x1] =	stream.indirect.gather [hbm4b:s4+s16], $0x80, s0, s16, $0xb8;
	[tilespmem:$0x1EC00] =	vst v63  }
0x55: {  	_ =	swait.ge [sflag:s23], $0x4000  }
0x56: {  	[sflag:s23] =	ssyncset.done $0x0  }
0x57: {  	s31 =	sadd.s32 $0x180, s31;
	[sflag:s23] =	ssyncadd.s32 $0xFFFFC000  }
0x58: {  	[tilespmem:s20], [sflag:$0x2] =	stream.indirect.gather [hbm4b:s4+s16], $0x80, s31, s16, $0xb8;
	[tilespmem:$0x1EC00] =	vst v63  }
0x59: {  	_ =	swait.ge [sflag:s19], $0x4000  }
0x5a: {  	[sflag:s19] =	ssyncset.done $0x0  }
0x5b: {  	[sflag:s19] =	ssyncadd.s32 $0xFFFFC000  }
0x5c: {  	[spmem:s2] =	stream.indirect.scatter.add.f32 [tilespmem:s18], [sflag:$0x3], $0x80, s24, s16, $0xb8;
	[tilespmem:$0x1EC00] =	vst v63  }
0x5d: {  	_ =	swait.ge [sflag:s21], $0x4000  }
0x5e: {  	[sflag:s21] =	ssyncset.done $0x0  }
0x5f: {  	[sflag:s21] =	ssyncadd.s32 $0xFFFFC000  }
0x60: {  	[spmem:s2] =	stream.indirect.scatter.add.f32 [tilespmem:s20], [sflag:$0x4], $0x80, s26, s16, $0xb8;
	[tilespmem:$0x1EC00] =	vst v63  }
0x61: {  	_ =	swait.ge [sflag:s22], $0x4000  }
0x62: {  	[sflag:s22] =	ssyncset.done $0x0  }
0x63: {  	[sflag:s22] =	ssyncadd.s32 $0xFFFFC000  }
0x64: {  	_ =	swait.ge [sflag:s23], $0x4000  }
0x65: {  	s29 =	sadd.s32 $0x1, s29;
	[sflag:s23] =	ssyncset.done $0x0  }
0x66: {  	p0 =	sne.s32 s29, s13;
	[sflag:s23] =	ssyncadd.s32 $0xFFFFC000  }
.Ltmp1:
0x67: {  	[bflag:$0x0] =	sbarrier.arrive $0xFFFF;
	(pc) =	sbr.rel @p0 .LBB2_1-.Ltmp1, $4  }
0x68: {  	[hbm:s12], [sflag:s25] =	dma.local [spmem:s28], $0x2800  }
0x69: {  	_ =	swait.ge [sflag:s14], $0x2800  }
0x6a: {  	[sflag:s14] =	ssyncset.done $0x0  }
0x6b: {  	[sflag:s14] =	ssyncadd.s32 $0xFFFFD800  }
0x6c: {  	_ =	sfence.sel $0x180000  }
0x6d: {  	[bflag:$0x0] =	sbarrier.arrive $0xFFFF  }
0x6e: {  	_ =	strace $0x90000056  }
0x6f: {  	[bflag:$0x2] =	sbarrier.arrive $0xFFFF  }
0x70: {  	p0 =	sne.s32 s1, $0x0;
	s0 =	rddreg [dreg:$0x2]  }
0x71: {  	s0 =	sadd.s32 @!p0 $0x100000, s0  }
0x72: {  	[sflag:s0] =	ssyncadd.tile.s32 @!p0 $0x1;
	_ =	shalt  }
.Lfunc_end2:
_tile_overlayer_lowered:
.L_overlay_start_2:
0x73: {  	(tag) =	ssettag $0x2  }
0x74: {  	s0 =	rddreg [dreg:$0x0];
	s2 =	stileid.u32  }
0x75: {  	s1 =	rddreg [dreg:$0x1];
	p0 =	sne.s32 s2, $0x0  }
0x76: {  	s3 =	rddreg [dreg:$0x2];
	[bflag:$0x3] =	sbarrier.arrive $0xFFFF;
	s2 =	simm.s32 @!p0 $0x1C05  }
0x77: {  	[timem:s3], [sflag:s2] =	dma.local @!p0 [hbm:s0], s1  }
0x78: {  	s0 =	simm.s32 @!p0 $0x5  }
0x79: {  	_ =	swait.ge @!p0 [sflag:s0], s1  }
0x7a: {  	s1 =	ssub.s32 @!p0 $0x0, s1;
	[sflag:s0] =	ssyncset.done @!p0 $0x0  }
0x7b: {  	[sflag:s0] =	ssyncadd.s32 @!p0 s1  }
0x7c: {  	[bflag:$0x3] =	sbarrier.arrive $0xFFFF  }
0x7d: {  	_ =	shalt  }

// kernel: closed_call.53.cloned.1.call-start
scs
__scs_entry_jumppad:
0x0: {  	(pc) =	sbr.rel $0x88, $3  }
0x1: {  	(tag) =	ssettag $0x0;
	lr =	simm.s32 $0x1  }
0x2: {  	[smem:$0x3F98] =	sst lr;
	_ =	strace $0xD0000000  }
0x3: {  	_ = 	snop  }
0x4: {  	_ = 	snop  }
0x5: {  	_ = 	snop  }
0x6: {  	_ = 	snop  }
0x7: {  	_ = 	snop  }
__scs_overlays_trampoline_lowered:
0x8: {  	[smem:$0x3FA7] =	sst s0  }
0x9: {  	[smem:$0x3FA8] =	sst s1  }
0xa: {  	[smem:$0x3FA9] =	sst s2  }
0xb: {  	[smem:$0x3FAA] =	sst s3  }
0xc: {  	[smem:$0x3FAB] =	sst s4  }
0xd: {  	[smem:$0x3FAC] =	sst s5  }
0xe: {  	[smem:$0x3FAD] =	sst s6  }
0xf: {  	[smem:$0x3FAE] =	sst s7  }
0x10: {  	[smem:$0x3FAF] =	sst s8  }
0x11: {  	[smem:$0x3FB0] =	sst s9;
	s0 =	simm.s32 @!p0 $0x0  }
0x12: {  	s1 =	sld [smem:$0x3F96];
	s0 =	simm.s32 @p0 $0x1  }
0x13: {  	[smem:$0x3FB1] =	sst s0;
	s0 =	simm.s32 @!p1 $0x0  }
0x14: {  	s2 =	sld [smem:$0x3F95];
	s0 =	simm.s32 @p1 $0x1  }
0x15: {  	[smem:$0x3FB2] =	sst s0;
	s0 =	simm.s32 @!p2 $0x0  }
0x16: {  	s3 =	sld [smem:$0x3FDB];
	s0 =	simm.s32 @p2 $0x1  }
0x17: {  	s4 =	simm.s32 $0x1BF5;
	[smem:$0x3FB4] =	sst s0  }
0x18: {  	s0 =	sld [smem:$0x3F97];
	_ =	swait.ge [sflag:s4], $0x0  }
0x19: {  	s7 =	sld [smem:$0x3F98]  }
0x1a: {  	s8 =	sadd.s32 $0xFFFFE003, lr  }
0x1b: {  	s9 =	sadd.s32 $0xFFFFFEF7, lr;
	s5 =	simm.s32 $0xFFFFFFFF;
	p2 =	slt.u32 s8, $0xFFFFF086  }
0x1c: {  	p1 =	slt.u32 s9, $0xF7A;
	s5 =	simm.s32 @!p2 $0x0  }
0x1d: {  	s5 =	simm.s32 @p1 $0x1;
	p0 =	seq.s32 s7, s2  }
0x1e: {  	s7 =	smul.u32 @!p0 $0xF7A, s2;
	p2 =	seq.s32 @!p0 s5, $0x0  }
0x1f: {  	s9 =	smul.u32 $0xF7A, s1;
	s8 =	simm.s32 @!p0 $0x1BF5;
	p2 =	por !p2, p0  }
0x20: {  	[sflag:s8] =	ssyncset.s32 @!p0 $0xFFFFF086;
	s6 =	sadd.s32 @!p0 s3, s7;
	s7 =	simm.s32 @!p0 $0x108  }
0x21: {  	s3 =	sadd.s32 s3, s9;
	s6 =	sadd.s32 @!p0 $0x88, s6;
	s7 =	simm.s32 @p2 $0x1082  }
0x22: {  	[simem:s7], [sflag:s8] =	dma.local @!p0 [hbm:s6], $0xF7A  }
0x23: {  	s9 =	sor.u32 $0xD0000000, s2;
	s6 =	simm.s32 $0x108;
	_ =	swait.ge @!p0 [sflag:s8], $0x0  }
0x24: {  	s3 =	sadd.s32 $0x88, s3;
	s6 =	simm.s32 @!p1 $0x1082;
	[sflag:s4] =	ssyncset.s32 $0xFFFFF086  }
0x25: {  	[simem:s6], [sflag:s4] =	dma.local [hbm:s3], $0xF7A  }
0x26: {  	[smem:$0x3F98] =	sst s1;
	(tag) =	ssettag s2;
	_ =	strace s9  }
0x27: {  	s1 =	sld [smem:$0x3FA8]  }
0x28: {  	s2 =	sld [smem:$0x3FA9]  }
0x29: {  	s4 =	sld [smem:$0x3FAB]  }
0x2a: {  	p0 =	seq.s32 s5, $0x0;
	s5 =	sld [smem:$0x3FAC]  }
0x2b: {  	s6 =	sld [smem:$0x3FAD]  }
0x2c: {  	s7 =	sld [smem:$0x3FAE]  }
0x2d: {  	s3 =	simm.s32 $0x108;
	s8 =	sld [smem:$0x3FAF]  }
0x2e: {  	s3 =	simm.s32 @!p0 $0x1082;
	s9 =	sld [smem:$0x3FB0]  }
0x2f: {  	lr =	sadd.s32 s0, s3;
	s0 =	sld [smem:$0x3FA7]  }
0x30: {  	s3 =	sld [smem:$0x3FAA]  }
0x31: {  	[smem:$0x3FB3] =	sst s10  }
0x32: {  	s10 =	sld [smem:$0x3FB1];
	_ =	sdelay $0x3  }
0x33: {  	p0 =	seq.s32 s10, $0x1;
	s10 =	sld [smem:$0x3FB3];
	_ =	sdelay $0x3  }
0x34: {  	[smem:$0x3FB3] =	sst s10  }
0x35: {  	s10 =	sld [smem:$0x3FB2];
	_ =	sdelay $0x3  }
0x36: {  	p1 =	seq.s32 s10, $0x1;
	s10 =	sld [smem:$0x3FB3];
	_ =	sdelay $0x3  }
0x37: {  	[smem:$0x3FB3] =	sst s10  }
0x38: {  	s10 =	sld [smem:$0x3FB4]  }
0x39: {  	_ = 	snop;
	(pc) =	sbr.ind lr, $3  }
0x3a: {  	_ = 	snop  }
0x3b: {  	_ = 	snop  }
0x3c: {  	p2 =	seq.s32 s10, $0x1;
	s10 =	sld [smem:$0x3FB3]  }
0x3d: {  	_ =	shalt  }
0x3e: {  	_ =	shalt  }
0x3f: {  	_ =	shalt  }
0x40: {  	_ =	shalt  }
0x41: {  	_ =	shalt  }
0x42: {  	_ =	shalt  }
0x43: {  	_ =	shalt  }
0x44: {  	_ =	shalt  }
0x45: {  	_ =	shalt  }
0x46: {  	_ =	shalt  }
0x47: {  	_ =	shalt  }
0x48: {  	_ =	shalt  }
0x49: {  	_ =	shalt  }
0x4a: {  	_ =	shalt  }
0x4b: {  	_ =	shalt  }
0x4c: {  	_ =	shalt  }
0x4d: {  	_ =	shalt  }
0x4e: {  	_ =	shalt  }
0x4f: {  	_ =	shalt  }
0x50: {  	_ =	shalt  }
0x51: {  	_ =	shalt  }
0x52: {  	_ =	shalt  }
0x53: {  	_ =	shalt  }
0x54: {  	_ =	shalt  }
0x55: {  	_ =	shalt  }
0x56: {  	_ =	shalt  }
0x57: {  	_ =	shalt  }
0x58: {  	_ =	shalt  }
0x59: {  	_ =	shalt  }
0x5a: {  	_ =	shalt  }
0x5b: {  	_ =	shalt  }
0x5c: {  	_ =	shalt  }
0x5d: {  	_ =	shalt  }
0x5e: {  	_ =	shalt  }
0x5f: {  	_ =	shalt  }
0x60: {  	_ =	shalt  }
0x61: {  	_ =	shalt  }
0x62: {  	_ =	shalt  }
0x63: {  	_ =	shalt  }
0x64: {  	_ =	shalt  }
0x65: {  	_ =	shalt  }
0x66: {  	_ =	shalt  }
0x67: {  	_ =	shalt  }
0x68: {  	_ =	shalt  }
0x69: {  	_ =	shalt  }
0x6a: {  	_ =	shalt  }
0x6b: {  	_ =	shalt  }
0x6c: {  	_ =	shalt  }
0x6d: {  	_ =	shalt  }
0x6e: {  	_ =	shalt  }
0x6f: {  	_ =	shalt  }
0x70: {  	_ =	shalt  }
0x71: {  	_ =	shalt  }
0x72: {  	_ =	shalt  }
0x73: {  	_ =	shalt  }
0x74: {  	_ =	shalt  }
0x75: {  	_ =	shalt  }
0x76: {  	_ =	shalt  }
0x77: {  	_ =	shalt  }
0x78: {  	_ =	shalt  }
0x79: {  	_ =	shalt  }
0x7a: {  	_ =	shalt  }
0x7b: {  	_ =	shalt  }
0x7c: {  	_ =	shalt  }
0x7d: {  	_ =	shalt  }
0x7e: {  	_ =	shalt  }
0x7f: {  	_ =	shalt  }
0x80: {  	_ =	shalt  }
0x81: {  	_ =	shalt  }
0x82: {  	_ =	shalt  }
0x83: {  	_ =	shalt  }
0x84: {  	_ =	shalt  }
0x85: {  	_ =	shalt  }
0x86: {  	_ =	shalt  }
0x87: {  	_ =	shalt  }
.Lfunc_end0:
.L_simem_size_0:
called_computation.2_lowered:
.L_overlay_start_0:
0x88: {  	s2 =	sld [smem:$0x3FD9]  }
0x89: {  	s3 =	sld [smem:$0x3FFE];
	_ =	sdelay $0x1  }
0x8a: {  	s1 =	srdreg.scid  }
0x8b: {  	s0 =	sand.u32 $0x1, s1  }
0x8c: {  	s16 =	sshll.u32 s0, $0xA;
	s2 =	sadd.s32 s3, s2  }
0x8d: {  	s2 =	sadd.s32 s2, s16  }
0x8e: {  	[smem:$0x3FBF] =	sst s2  }
0x8f: {  	_ = 	snop  }
0x90: {  	(tm) =	ssettm $0x1  }
0x91: {  	s17 =	sld [smem:$0x3FFB];
	_ =	sdelay $0x3  }
0x92: {  	_ =	strace s17  }
0x93: {  	s2 =	sld [smem:$0x3FFC];
	_ =	sdelay $0x3  }
0x94: {  	_ =	strace s2  }
0x95: {  	s2 =	sld [smem:$0x3FFD];
	_ =	sdelay $0x3  }
0x96: {  	_ =	strace s2  }
0x97: {  	_ =	strace $0x8FFFFFFF  }
0x98: {  	s18 =	sld [smem:$0x3FDB];
	_ =	sdelay $0x1  }
0x99: {  	s19 =	simm.s32 $_scs_section_size  }
0x9a: {  	s4 =	simm.s32 $_size__tile_overlayer_lowered;
	s5 =	simm.s32 $_tile_overlayer_lowered  }
0x9b: {  	s22 =	simm.s32 $0x1BFF;
	s21 =	sshll.u32 s5, $0x1;
	s2 =	sadd.s32 s19, s18  }
0x9c: {  	s6 =	simm.s32 $0x0;
	s20 =	sshll.u32 s4, $0x1;
	s4 =	sadd.s32 s21, s2  }
0x9d: {  	[timem:s6], [sflag:s22] =	dma.local [hbm:s4], s20  }
0x9e: {  	_ =	swait.ge [sflag:s22], s20  }
0x9f: {  	s3 =	ssub.s32 $0x0, s20;
	[sflag:s22] =	ssyncset.done $0x0  }
0xa0: {  	[sflag:s22] =	ssyncadd.s32 s3;
	_ =	sdelay $0x1  }
0xa1: {  	s23 =	simm.s32 $0x1B8B  }
0xa2: {  	_ =	swait.ge [sflag:s23], $0x1  }
0xa3: {  	[sflag:s23] =	ssyncset.done $0x0  }
0xa4: {  	s25 =	simm.s32 $0x1B8E;
	s24 =	sld [smem:$0x3FFE];
	[sflag:s23] =	ssyncadd.s32 $0xFFFFFFFF  }
0xa5: {  	s26 =	simm.s32 $execute0_lowered;
	[smem:$0x3FD2] =	sst s25  }
0xa6: {  	s4 =	sshll.u32 s26, $0x1;
	_ =	strace $0x80000058;
	[dreg:$0x1] =	wrdreg $0xFFFFFFFF  }
0xa7: {  	s28 =	simm.s32 $_size_execute0_lowered;
	s2 =	sadd.s32 s2, s4;
	[dreg:$0x0] =	wrdreg $0x0  }
0xa8: {  	s4 =	sshll.u32 s28, $0x1;
	[dreg:$0x2] =	wrdreg s2  }
0xa9: {  	[dreg:$0x3] =	wrdreg s4  }
0xaa: {  	[dreg:$0x4] =	wrdreg $0xC0  }
0xab: {  	_ =	task [dreg:s6], $0x5FFFF  }
0xac: {  	[dreg:$0x1] =	wrdreg $0xFFFFFFFF  }
0xad: {  	[dreg:$0x0] =	wrdreg $0x60  }
0xae: {  	[dreg:$0x2] =	wrdreg s24  }
0xaf: {  	[dreg:$0x3] =	wrdreg $0xAC000  }
0xb0: {  	[dreg:$0x4] =	wrdreg $0x9  }
0xb1: {  	_ =	task.clear_ibuf [dreg:s6], $0x5FFFF;
	_ =	strace $0x90000058  }
0xb2: {  	s29 =	simm.s32 $0x9;
	_ =	strace $0x8000005A  }
0xb3: {  	_ =	swait.ge [sflag:s29], $0x1  }
0xb4: {  	[sflag:s29] =	ssyncadd.s32 $0xFFFFFFFF  }
0xb5: {  	_ =	strace $0x9000005A  }
0xb6: {  	_ =	sfence  }
0xb7: {  	s30 =	sld [smem:$0x0];
	_ =	sdelay $0x2  }
0xb8: {  	s31 =	sshll.u32 s1, $0xD;
	s1 =	sshrl.u32 s1, $0x2  }
0xb9: {  	s3 =	sand.u32 $0x4000, s31;
	s1 =	sadd.s32 s1, s30  }
0xba: {  	s0 =	sor.u32 s3, s0;
	s1 =	sshll.u32 s1, $0x11  }
0xbb: {  	s0 =	sor.u32 s1, s0  }
0xbc: {  	s0 =	sadd.s32 $0x8F2B, s0  }
0xbd: {  	[sflag:s0] =	ssyncadd.remote.s32 $0x1  }
0xbe: {  	_ =	sfence.sel $0xFFFF  }
0xbf: {  	[dreg:$0x0] =	wrdreg $0xFFFFFFFF;
	(pc) =	sbr.abs _section_cstart, $3  }
0xc0: {  	[dreg:$0x1] =	wrdreg $0xFFFFFFFF  }
0xc1: {  	_ =	task.clear_ibuf [dreg:s6], $0x2FFFF;
	_ =	strace $0x9FFFFFFF  }
0xc2: {  	(tm) =	ssettm $0x7FFFFFFF  }
0xc3: {  	_ =	shalt  }
tec
execute0_lowered:
.L_overlay_start_1:
0x0: {  	(tag) =	ssettag $0x1  }
0x1: {  	s5 =	rddreg [dreg:$0x0]  }
0x2: {  	s0 =	srdreg.scid;
	s2 =	rddreg [dreg:$0x1]  }
0x3: {  	s1 =	stileid.u32;
	s3 =	simm.s32 $0x0;
	s14 =	simm.s32 $0x5  }
0x4: {  	s15 =	simm.s32 $0x1800;
	s16 =	simm.s32 $0x80;
	s17 =	simm.s32 $0x1400  }
0x5: {  	s18 =	simm.s32 $0x2C00;
	s19 =	simm.s32 $0x1;
	s8 =	smul.u32 $0x1800, s1  }
0x6: {  	s20 =	simm.s32 $0x6C00;
	s21 =	simm.s32 $0x2;
	s10 =	smul.u32 $0x1400, s1  }
0x7: {  	s22 =	simm.s32 $0x3;
	s23 =	simm.s32 $0x4;
	s30 =	smul.u32 $0x14000, s1  }
0x8: {  	s24 =	simm.s32 $0x2B00;
	s6 =	sand.u32 $0x1, s0;
	s11 =	smul.u32 $0x50000, s1  }
0x9: {  	s29 =	simm.s32 $0x0;
	[smem:$0x7FF] =	sst s3;
	s7 =	smul.u32 $0x18000, s6  }
0xa: {  	s4 =	sadd.s32 $0x34A00, s5;
	s25 =	sshll.u32 s1, $0x6;
	s9 =	smul.u32 $0x14000, s6  }
0xb: {  	_ =	strace $0x80000059;
	s26 =	smul.u32 $0x140000, s6;
	s6 =	ssub.s32 $0x2, s6  }
0xc: {  	s25 =	sor.u32 $0x1C05, s25;
	s31 =	sshrl.u32 s6, $0x1;
	s11 =	sshrl.u32 s11, $0x2  }
0xd: {  	s7 =	sadd.s32 s8, s7;
	s9 =	sadd.s32 s10, s9;
	s8 =	sadd.s32 s30, s26  }
0xe: {  	s13 =	ssub.s32 s6, s31;
	s26 =	simm.s32 $0x2B80;
	s7 =	sshrl.u32 s7, $0x3  }
0xf: {  	s9 =	sshrl.u32 s9, $0x3;
	s8 =	sshrl.u32 s8, $0x3;
	s13 =	smax.u32 s13, $0x1  }
0x10: {  	s7 =	sadd.s32 s7, s5;
	s9 =	sadd.s32 s9, s5;
	s12 =	sadd.s32 s8, s5  }
0x11: {  	s5 =	sadd.s32 s11, s2;
	s6 =	sadd.s32 $0x89A00, s7;
	s7 =	sadd.s32 $0x7A00, s9  }
0x12: {  	s8 =	sadd.s32 $0x4000, s5;
	s9 =	sadd.s32 $0x8000, s5;
	s10 =	sadd.s32 $0xC000, s5  }
0x13: {  	s11 =	sadd.s32 $0x10000, s5;
	s12 =	sadd.s32 $0x8FA00, s12;
	s28 =	sshrl.u32 s5, $0x3  }
.LBB2_1:
0x14: {  	[tilespmem:s3], [sflag:$0x5] =	stream.linear.gather [hbm4b:s6+s3], $0x1480, $0x38;
	[tilespmem:$0x1EC00] =	vst v63  }
0x15: {  	_ =	swait.ge [sflag:s14], $0x1480  }
0x16: {  	[sflag:s14] =	ssyncset.done $0x0  }
0x17: {  	[sflag:s14] =	ssyncadd.s32 $0xFFFFEB80  }
0x18: {  	[tilespmem:s15], [sflag:$0x5] =	stream.linear.gather [hbm4b:s7+s3], $0x1400, $0x38;
	[tilespmem:$0x1EC00] =	vst v63  }
0x19: {  	_ =	swait.ge [sflag:s14], $0x1400  }
0x1a: {  	[sflag:s14] =	ssyncset.done $0x0  }
0x1b: {  	[sflag:s14] =	ssyncadd.s32 $0xFFFFEC00  }
0x1c: {  	[tilespmem:s18], [sflag:$0x1] =	stream.indirect.gather [hbm4b:s4+s16], $0x80, s17, s16, $0xb8;
	[tilespmem:$0x1EC00] =	vst v63  }
0x1d: {  	_ =	swait.ge [sflag:s19], $0x4000  }
0x1e: {  	[sflag:s19] =	ssyncset.done $0x0  }
0x1f: {  	[sflag:s19] =	ssyncadd.s32 $0xFFFFC000  }
0x20: {  	[spmem:s5] =	stream.linear.scatter [tilespmem:s18], [sflag:$0x5], $0x4000, $0x38;
	[tilespmem:$0x1EC00] =	vst v63  }
0x21: {  	_ =	swait.ge [sflag:s14], $0x4000  }
0x22: {  	[sflag:s14] =	ssyncset.done $0x0  }
0x23: {  	[sflag:s14] =	ssyncadd.s32 $0xFFFFC000  }
0x24: {  	[spmem:s8] =	stream.linear.scatter [tilespmem:s18], [sflag:$0x5], $0x4000, $0x38;
	[tilespmem:$0x1EC00] =	vst v63  }
0x25: {  	_ =	swait.ge [sflag:s14], $0x4000  }
0x26: {  	[sflag:s14] =	ssyncset.done $0x0  }
0x27: {  	[sflag:s14] =	ssyncadd.s32 $0xFFFFC000  }
0x28: {  	[spmem:s9] =	stream.linear.scatter [tilespmem:s18], [sflag:$0x5], $0x4000, $0x38;
	[tilespmem:$0x1EC00] =	vst v63  }
0x29: {  	_ =	swait.ge [sflag:s14], $0x4000  }
0x2a: {  	[sflag:s14] =	ssyncset.done $0x0  }
0x2b: {  	[sflag:s14] =	ssyncadd.s32 $0xFFFFC000  }
0x2c: {  	[spmem:s10] =	stream.linear.scatter [tilespmem:s18], [sflag:$0x5], $0x4000, $0x38;
	[tilespmem:$0x1EC00] =	vst v63  }
0x2d: {  	_ =	swait.ge [sflag:s14], $0x4000  }
0x2e: {  	[sflag:s14] =	ssyncset.done $0x0  }
0x2f: {  	[sflag:s14] =	ssyncadd.s32 $0xFFFFC000  }
0x30: {  	[spmem:s11] =	stream.linear.scatter [tilespmem:s18], [sflag:$0x5], $0x4000, $0x38;
	[tilespmem:$0x1EC00] =	vst v63  }
0x31: {  	_ =	swait.ge [sflag:s14], $0x4000  }
0x32: {  	[sflag:s14] =	ssyncset.done $0x0  }
0x33: {  	[sflag:s14] =	ssyncadd.s32 $0xFFFFC000  }
0x34: {  	[bflag:$0x0] =	sbarrier.arrive $0xFFFF  }
0x35: {  	[tilespmem:s18], [sflag:$0x1] =	stream.indirect.gather [hbm4b:s4+s16], $0x80, s3, s16, $0xb8;
	[tilespmem:$0x1EC00] =	vst v63  }
0x36: {  	_ = 	snop  }
0x37: {  	[tilespmem:s20], [sflag:$0x2] =	stream.indirect.gather [hbm4b:s4+s16], $0x80, s16, s16, $0xb8;
	[tilespmem:$0x1EC00] =	vst v63  }
0x38: {  	_ =	swait.ge [sflag:s19], $0x4000  }
0x39: {  	[sflag:s19] =	ssyncset.done $0x0  }
0x3a: {  	s30 =	simm.s32 $0x1800;
	[sflag:s19] =	ssyncadd.s32 $0xFFFFC000  }
0x3b: {  	[spmem:s2] =	stream.indirect.scatter.add.f32 [tilespmem:s18], [sflag:$0x3], $0x80, s30, s16, $0xb8;
	[tilespmem:$0x1EC00] =	vst v63  }
0x3c: {  	_ =	swait.ge [sflag:s21], $0x4000  }
0x3d: {  	[sflag:s21] =	ssyncset.done $0x0  }
0x3e: {  	s30 =	simm.s32 $0x1880;
	[sflag:s21] =	ssyncadd.s32 $0xFFFFC000  }
0x3f: {  	[spmem:s2] =	stream.indirect.scatter.add.f32 [tilespmem:s20], [sflag:$0x4], $0x80, s30, s16, $0xb8;
	[tilespmem:$0x1EC00] =	vst v63  }
0x40: {  	_ =	swait.ge [sflag:s22], $0x4000  }
0x41: {  	[sflag:s22] =	ssyncset.done $0x0  }
0x42: {  	s30 =	simm.s32 $0x100;
	[sflag:s22] =	ssyncadd.s32 $0xFFFFC000  }
0x43: {  	[tilespmem:s18], [sflag:$0x1] =	stream.indirect.gather [hbm4b:s4+s16], $0x80, s30, s16, $0xb8;
	[tilespmem:$0x1EC00] =	vst v63  }
0x44: {  	_ =	swait.ge [sflag:s23], $0x4000  }
0x45: {  	[sflag:s23] =	ssyncset.done $0x0  }
0x46: {  	s31 =	simm.s32 $0x180;
	s30 =	simm.s32 $0x400;
	[sflag:s23] =	ssyncadd.s32 $0xFFFFC000  }
.LBB2_2:
0x47: {  	[tilespmem:s20], [sflag:$0x2] =	stream.indirect.gather [hbm4b:s4+s16], $0x80, s31, s16, $0xb8;
	[tilespmem:$0x1EC00] =	vst v63  }
0x48: {  	s31 =	smov.u32 s30  }
0x49: {  	p0 =	sne.s32 s30, $0x4800;
	s30 =	sadd.s32 $0x400, s30;
	_ =	swait.ge [sflag:s19], $0x4000  }
0x4a: {  	s31 =	sshra.s32 s31, $0x2;
	[sflag:s19] =	ssyncset.done $0x0  }
0x4b: {  	s0 =	sadd.s32 $0x1800, s31;
	[sflag:s19] =	ssyncadd.s32 $0xFFFFC000  }
0x4c: {  	[spmem:s2] =	stream.indirect.scatter.add.f32 [tilespmem:s18], [sflag:$0x3], $0x80, s0, s16, $0xb8;
	[tilespmem:$0x1EC00] =	vst v63  }
0x4d: {  	_ =	swait.ge [sflag:s21], $0x4000  }
0x4e: {  	[sflag:s21] =	ssyncset.done $0x0  }
0x4f: {  	s0 =	sadd.s32 $0x1880, s31;
	[sflag:s21] =	ssyncadd.s32 $0xFFFFC000  }
0x50: {  	[spmem:s2] =	stream.indirect.scatter.add.f32 [tilespmem:s20], [sflag:$0x4], $0x80, s0, s16, $0xb8;
	[tilespmem:$0x1EC00] =	vst v63  }
0x51: {  	_ =	swait.ge [sflag:s22], $0x4000  }
0x52: {  	[sflag:s22] =	ssyncset.done $0x0  }
.Ltmp0:
0x53: {  	s0 =	sadd.s32 $0x100, s31;
	[sflag:s22] =	ssyncadd.s32 $0xFFFFC000;
	(pc) =	sbr.rel @p0 .LBB2_2-.Ltmp0, $4  }
0x54: {  	[tilespmem:s18], [sflag:$0x1] =	stream.indirect.gather [hbm4b:s4+s16], $0x80, s0, s16, $0xb8;
	[tilespmem:$0x1EC00] =	vst v63  }
0x55: {  	_ =	swait.ge [sflag:s23], $0x4000  }
0x56: {  	[sflag:s23] =	ssyncset.done $0x0  }
0x57: {  	s31 =	sadd.s32 $0x180, s31;
	[sflag:s23] =	ssyncadd.s32 $0xFFFFC000  }
0x58: {  	[tilespmem:s20], [sflag:$0x2] =	stream.indirect.gather [hbm4b:s4+s16], $0x80, s31, s16, $0xb8;
	[tilespmem:$0x1EC00] =	vst v63  }
0x59: {  	_ =	swait.ge [sflag:s19], $0x4000  }
0x5a: {  	[sflag:s19] =	ssyncset.done $0x0  }
0x5b: {  	[sflag:s19] =	ssyncadd.s32 $0xFFFFC000  }
0x5c: {  	[spmem:s2] =	stream.indirect.scatter.add.f32 [tilespmem:s18], [sflag:$0x3], $0x80, s24, s16, $0xb8;
	[tilespmem:$0x1EC00] =	vst v63  }
0x5d: {  	_ =	swait.ge [sflag:s21], $0x4000  }
0x5e: {  	[sflag:s21] =	ssyncset.done $0x0  }
0x5f: {  	[sflag:s21] =	ssyncadd.s32 $0xFFFFC000  }
0x60: {  	[spmem:s2] =	stream.indirect.scatter.add.f32 [tilespmem:s20], [sflag:$0x4], $0x80, s26, s16, $0xb8;
	[tilespmem:$0x1EC00] =	vst v63  }
0x61: {  	_ =	swait.ge [sflag:s22], $0x4000  }
0x62: {  	[sflag:s22] =	ssyncset.done $0x0  }
0x63: {  	[sflag:s22] =	ssyncadd.s32 $0xFFFFC000  }
0x64: {  	_ =	swait.ge [sflag:s23], $0x4000  }
0x65: {  	s29 =	sadd.s32 $0x1, s29;
	[sflag:s23] =	ssyncset.done $0x0  }
0x66: {  	p0 =	sne.s32 s29, s13;
	[sflag:s23] =	ssyncadd.s32 $0xFFFFC000  }
.Ltmp1:
0x67: {  	[bflag:$0x0] =	sbarrier.arrive $0xFFFF;
	(pc) =	sbr.rel @p0 .LBB2_1-.Ltmp1, $4  }
0x68: {  	[hbm:s12], [sflag:s25] =	dma.local [spmem:s28], $0x2800  }
0x69: {  	_ =	swait.ge [sflag:s14], $0x2800  }
0x6a: {  	[sflag:s14] =	ssyncset.done $0x0  }
0x6b: {  	[sflag:s14] =	ssyncadd.s32 $0xFFFFD800  }
0x6c: {  	_ =	sfence.sel $0x180000  }
0x6d: {  	[bflag:$0x0] =	sbarrier.arrive $0xFFFF  }
0x6e: {  	_ =	strace $0x90000059  }
0x6f: {  	[bflag:$0x2] =	sbarrier.arrive $0xFFFF  }
0x70: {  	p0 =	sne.s32 s1, $0x0;
	s0 =	rddreg [dreg:$0x2]  }
0x71: {  	s0 =	sadd.s32 @!p0 $0x100000, s0  }
0x72: {  	[sflag:s0] =	ssyncadd.tile.s32 @!p0 $0x1;
	_ =	shalt  }
.Lfunc_end2:
_tile_overlayer_lowered:
.L_overlay_start_2:
0x73: {  	(tag) =	ssettag $0x2  }
0x74: {  	s0 =	rddreg [dreg:$0x0];
	s2 =	stileid.u32  }
0x75: {  	s1 =	rddreg [dreg:$0x1];
	p0 =	sne.s32 s2, $0x0  }
0x76: {  	s3 =	rddreg [dreg:$0x2];
	[bflag:$0x3] =	sbarrier.arrive $0xFFFF;
	s2 =	simm.s32 @!p0 $0x1C05  }
0x77: {  	[timem:s3], [sflag:s2] =	dma.local @!p0 [hbm:s0], s1  }
0x78: {  	s0 =	simm.s32 @!p0 $0x5  }
0x79: {  	_ =	swait.ge @!p0 [sflag:s0], s1  }
0x7a: {  	s1 =	ssub.s32 @!p0 $0x0, s1;
	[sflag:s0] =	ssyncset.done @!p0 $0x0  }
0x7b: {  	[sflag:s0] =	ssyncadd.s32 @!p0 s1  }
0x7c: {  	[bflag:$0x3] =	sbarrier.arrive $0xFFFF  }
0x7d: {  	_ =	shalt  }

// kernel: kernel.17.cloned.1.call-start
scs
__scs_entry_jumppad:
0x0: {  	(pc) =	sbr.rel $0x88, $3  }
0x1: {  	(tag) =	ssettag $0x0;
	lr =	simm.s32 $0x1  }
0x2: {  	[smem:$0x3F98] =	sst lr;
	_ =	strace $0xD0000000  }
0x3: {  	_ = 	snop  }
0x4: {  	_ = 	snop  }
0x5: {  	_ = 	snop  }
0x6: {  	_ = 	snop  }
0x7: {  	_ = 	snop  }
__scs_overlays_trampoline_lowered:
0x8: {  	[smem:$0x3FA7] =	sst s0  }
0x9: {  	[smem:$0x3FA8] =	sst s1  }
0xa: {  	[smem:$0x3FA9] =	sst s2  }
0xb: {  	[smem:$0x3FAA] =	sst s3  }
0xc: {  	[smem:$0x3FAB] =	sst s4  }
0xd: {  	[smem:$0x3FAC] =	sst s5  }
0xe: {  	[smem:$0x3FAD] =	sst s6  }
0xf: {  	[smem:$0x3FAE] =	sst s7  }
0x10: {  	[smem:$0x3FAF] =	sst s8  }
0x11: {  	[smem:$0x3FB0] =	sst s9;
	s0 =	simm.s32 @!p0 $0x0  }
0x12: {  	s1 =	sld [smem:$0x3F96];
	s0 =	simm.s32 @p0 $0x1  }
0x13: {  	[smem:$0x3FB1] =	sst s0;
	s0 =	simm.s32 @!p1 $0x0  }
0x14: {  	s2 =	sld [smem:$0x3F95];
	s0 =	simm.s32 @p1 $0x1  }
0x15: {  	[smem:$0x3FB2] =	sst s0;
	s0 =	simm.s32 @!p2 $0x0  }
0x16: {  	s3 =	sld [smem:$0x3FDB];
	s0 =	simm.s32 @p2 $0x1  }
0x17: {  	s4 =	simm.s32 $0x1BF5;
	[smem:$0x3FB4] =	sst s0  }
0x18: {  	s0 =	sld [smem:$0x3F97];
	_ =	swait.ge [sflag:s4], $0x0  }
0x19: {  	s7 =	sld [smem:$0x3F98]  }
0x1a: {  	s8 =	sadd.s32 $0xFFFFE003, lr  }
0x1b: {  	s9 =	sadd.s32 $0xFFFFFEF7, lr;
	s5 =	simm.s32 $0xFFFFFFFF;
	p2 =	slt.u32 s8, $0xFFFFF086  }
0x1c: {  	p1 =	slt.u32 s9, $0xF7A;
	s5 =	simm.s32 @!p2 $0x0  }
0x1d: {  	s5 =	simm.s32 @p1 $0x1;
	p0 =	seq.s32 s7, s2  }
0x1e: {  	s7 =	smul.u32 @!p0 $0xF7A, s2;
	p2 =	seq.s32 @!p0 s5, $0x0  }
0x1f: {  	s9 =	smul.u32 $0xF7A, s1;
	s8 =	simm.s32 @!p0 $0x1BF5;
	p2 =	por !p2, p0  }
0x20: {  	[sflag:s8] =	ssyncset.s32 @!p0 $0xFFFFF086;
	s6 =	sadd.s32 @!p0 s3, s7;
	s7 =	simm.s32 @!p0 $0x108  }
0x21: {  	s3 =	sadd.s32 s3, s9;
	s6 =	sadd.s32 @!p0 $0x88, s6;
	s7 =	simm.s32 @p2 $0x1082  }
0x22: {  	[simem:s7], [sflag:s8] =	dma.local @!p0 [hbm:s6], $0xF7A  }
0x23: {  	s9 =	sor.u32 $0xD0000000, s2;
	s6 =	simm.s32 $0x108;
	_ =	swait.ge @!p0 [sflag:s8], $0x0  }
0x24: {  	s3 =	sadd.s32 $0x88, s3;
	s6 =	simm.s32 @!p1 $0x1082;
	[sflag:s4] =	ssyncset.s32 $0xFFFFF086  }
0x25: {  	[simem:s6], [sflag:s4] =	dma.local [hbm:s3], $0xF7A  }
0x26: {  	[smem:$0x3F98] =	sst s1;
	(tag) =	ssettag s2;
	_ =	strace s9  }
0x27: {  	s1 =	sld [smem:$0x3FA8]  }
0x28: {  	s2 =	sld [smem:$0x3FA9]  }
0x29: {  	s4 =	sld [smem:$0x3FAB]  }
0x2a: {  	p0 =	seq.s32 s5, $0x0;
	s5 =	sld [smem:$0x3FAC]  }
0x2b: {  	s6 =	sld [smem:$0x3FAD]  }
0x2c: {  	s7 =	sld [smem:$0x3FAE]  }
0x2d: {  	s3 =	simm.s32 $0x108;
	s8 =	sld [smem:$0x3FAF]  }
0x2e: {  	s3 =	simm.s32 @!p0 $0x1082;
	s9 =	sld [smem:$0x3FB0]  }
0x2f: {  	lr =	sadd.s32 s0, s3;
	s0 =	sld [smem:$0x3FA7]  }
0x30: {  	s3 =	sld [smem:$0x3FAA]  }
0x31: {  	[smem:$0x3FB3] =	sst s10  }
0x32: {  	s10 =	sld [smem:$0x3FB1];
	_ =	sdelay $0x3  }
0x33: {  	p0 =	seq.s32 s10, $0x1;
	s10 =	sld [smem:$0x3FB3];
	_ =	sdelay $0x3  }
0x34: {  	[smem:$0x3FB3] =	sst s10  }
0x35: {  	s10 =	sld [smem:$0x3FB2];
	_ =	sdelay $0x3  }
0x36: {  	p1 =	seq.s32 s10, $0x1;
	s10 =	sld [smem:$0x3FB3];
	_ =	sdelay $0x3  }
0x37: {  	[smem:$0x3FB3] =	sst s10  }
0x38: {  	s10 =	sld [smem:$0x3FB4]  }
0x39: {  	_ = 	snop;
	(pc) =	sbr.ind lr, $3  }
0x3a: {  	_ = 	snop  }
0x3b: {  	_ = 	snop  }
0x3c: {  	p2 =	seq.s32 s10, $0x1;
	s10 =	sld [smem:$0x3FB3]  }
0x3d: {  	_ =	shalt  }
0x3e: {  	_ =	shalt  }
0x3f: {  	_ =	shalt  }
0x40: {  	_ =	shalt  }
0x41: {  	_ =	shalt  }
0x42: {  	_ =	shalt  }
0x43: {  	_ =	shalt  }
0x44: {  	_ =	shalt  }
0x45: {  	_ =	shalt  }
0x46: {  	_ =	shalt  }
0x47: {  	_ =	shalt  }
0x48: {  	_ =	shalt  }
0x49: {  	_ =	shalt  }
0x4a: {  	_ =	shalt  }
0x4b: {  	_ =	shalt  }
0x4c: {  	_ =	shalt  }
0x4d: {  	_ =	shalt  }
0x4e: {  	_ =	shalt  }
0x4f: {  	_ =	shalt  }
0x50: {  	_ =	shalt  }
0x51: {  	_ =	shalt  }
0x52: {  	_ =	shalt  }
0x53: {  	_ =	shalt  }
0x54: {  	_ =	shalt  }
0x55: {  	_ =	shalt  }
0x56: {  	_ =	shalt  }
0x57: {  	_ =	shalt  }
0x58: {  	_ =	shalt  }
0x59: {  	_ =	shalt  }
0x5a: {  	_ =	shalt  }
0x5b: {  	_ =	shalt  }
0x5c: {  	_ =	shalt  }
0x5d: {  	_ =	shalt  }
0x5e: {  	_ =	shalt  }
0x5f: {  	_ =	shalt  }
0x60: {  	_ =	shalt  }
0x61: {  	_ =	shalt  }
0x62: {  	_ =	shalt  }
0x63: {  	_ =	shalt  }
0x64: {  	_ =	shalt  }
0x65: {  	_ =	shalt  }
0x66: {  	_ =	shalt  }
0x67: {  	_ =	shalt  }
0x68: {  	_ =	shalt  }
0x69: {  	_ =	shalt  }
0x6a: {  	_ =	shalt  }
0x6b: {  	_ =	shalt  }
0x6c: {  	_ =	shalt  }
0x6d: {  	_ =	shalt  }
0x6e: {  	_ =	shalt  }
0x6f: {  	_ =	shalt  }
0x70: {  	_ =	shalt  }
0x71: {  	_ =	shalt  }
0x72: {  	_ =	shalt  }
0x73: {  	_ =	shalt  }
0x74: {  	_ =	shalt  }
0x75: {  	_ =	shalt  }
0x76: {  	_ =	shalt  }
0x77: {  	_ =	shalt  }
0x78: {  	_ =	shalt  }
0x79: {  	_ =	shalt  }
0x7a: {  	_ =	shalt  }
0x7b: {  	_ =	shalt  }
0x7c: {  	_ =	shalt  }
0x7d: {  	_ =	shalt  }
0x7e: {  	_ =	shalt  }
0x7f: {  	_ =	shalt  }
0x80: {  	_ =	shalt  }
0x81: {  	_ =	shalt  }
0x82: {  	_ =	shalt  }
0x83: {  	_ =	shalt  }
0x84: {  	_ =	shalt  }
0x85: {  	_ =	shalt  }
0x86: {  	_ =	shalt  }
0x87: {  	_ =	shalt  }
.Lfunc_end0:
.L_simem_size_0:
called_computation.3_lowered:
.L_overlay_start_0:
0x88: {  	s2 =	sld [smem:$0x3FD9]  }
0x89: {  	s3 =	sld [smem:$0x3FFE];
	_ =	sdelay $0x1  }
0x8a: {  	s1 =	srdreg.scid  }
0x8b: {  	s0 =	sand.u32 $0x1, s1  }
0x8c: {  	s17 =	sshll.u32 s0, $0xA;
	s2 =	sadd.s32 s3, s2  }
0x8d: {  	s2 =	sadd.s32 s2, s17  }
0x8e: {  	[smem:$0x3FBF] =	sst s2  }
0x8f: {  	_ = 	snop  }
0x90: {  	s2 =	sld [smem:$0x3FD0];
	(tm) =	ssettm $0x1  }
0x91: {  	s18 =	sld [smem:$0x3FFB];
	_ =	sdelay $0x3  }
0x92: {  	_ =	strace s18  }
0x93: {  	s3 =	sld [smem:$0x3FFC];
	_ =	sdelay $0x3  }
0x94: {  	_ =	strace s3  }
0x95: {  	s3 =	sld [smem:$0x3FFD];
	_ =	sdelay $0x3  }
0x96: {  	_ =	strace s3  }
0x97: {  	_ =	strace $0x8FFFFFFF  }
0x98: {  	s19 =	sld [smem:$0x3FDB];
	_ =	sdelay $0x1  }
0x99: {  	s4 =	simm.s32 $_scs_section_size  }
0x9a: {  	s5 =	simm.s32 $_size__tile_overlayer_lowered;
	s6 =	simm.s32 $_tile_overlayer_lowered  }
0x9b: {  	s22 =	simm.s32 $0x1BFF;
	s21 =	sshll.u32 s6, $0x1;
	s3 =	sadd.s32 s4, s19  }
0x9c: {  	s7 =	simm.s32 $0x0;
	s20 =	sshll.u32 s5, $0x1;
	s5 =	sadd.s32 s21, s3  }
0x9d: {  	[timem:s7], [sflag:s22] =	dma.local [hbm:s5], s20  }
0x9e: {  	_ =	swait.ge [sflag:s22], s20  }
0x9f: {  	s4 =	ssub.s32 $0x0, s20;
	[sflag:s22] =	ssyncset.done $0x0  }
0xa0: {  	[sflag:s22] =	ssyncadd.s32 s4;
	_ =	sdelay $0x1  }
0xa1: {  	s23 =	simm.s32 $0x1B8B  }
0xa2: {  	_ =	swait.ge [sflag:s23], $0x1  }
0xa3: {  	[sflag:s23] =	ssyncset.done $0x0  }
0xa4: {  	s25 =	simm.s32 $0x1B8E;
	s24 =	sld [smem:$0x3FFE];
	[sflag:s23] =	ssyncadd.s32 $0xFFFFFFFF  }
0xa5: {  	s26 =	simm.s32 $execute0_lowered;
	[smem:$0x3FD2] =	sst s25  }
0xa6: {  	s5 =	sshll.u32 s26, $0x1;
	_ =	strace $0x80000046;
	[dreg:$0x1] =	wrdreg $0xFFFFFFFF  }
0xa7: {  	s28 =	simm.s32 $_size_execute0_lowered;
	s3 =	sadd.s32 s3, s5;
	[dreg:$0x0] =	wrdreg $0x0  }
0xa8: {  	s5 =	sshll.u32 s28, $0x1;
	[dreg:$0x2] =	wrdreg s3  }
0xa9: {  	[dreg:$0x3] =	wrdreg s5  }
0xaa: {  	[dreg:$0x4] =	wrdreg $0xC0  }
0xab: {  	_ =	task [dreg:s7], $0x5FFFF  }
0xac: {  	[dreg:$0x1] =	wrdreg $0xFFFFFFFF  }
0xad: {  	[dreg:$0x0] =	wrdreg $0x60  }
0xae: {  	[dreg:$0x2] =	wrdreg s24  }
0xaf: {  	[dreg:$0x3] =	wrdreg s2  }
0xb0: {  	[dreg:$0x4] =	wrdreg $0xAC000  }
0xb1: {  	[dreg:$0x5] =	wrdreg $0x9  }
0xb2: {  	_ =	task.clear_ibuf [dreg:s7], $0x6FFFF;
	_ =	strace $0x90000046  }
0xb3: {  	s29 =	simm.s32 $0x9;
	_ =	strace $0x80000048  }
0xb4: {  	_ =	swait.ge [sflag:s29], $0x1  }
0xb5: {  	[sflag:s29] =	ssyncadd.s32 $0xFFFFFFFF  }
0xb6: {  	_ =	strace $0x90000048  }
0xb7: {  	_ =	sfence  }
0xb8: {  	s30 =	sld [smem:$0x0];
	_ =	sdelay $0x2  }
0xb9: {  	s31 =	sshll.u32 s1, $0xD;
	s1 =	sshrl.u32 s1, $0x2  }
0xba: {  	s3 =	sand.u32 $0x4000, s31;
	s1 =	sadd.s32 s1, s30  }
0xbb: {  	s0 =	sor.u32 s3, s0;
	s1 =	sshll.u32 s1, $0x11  }
0xbc: {  	s0 =	sor.u32 s1, s0  }
0xbd: {  	s0 =	sadd.s32 $0x8F2B, s0  }
0xbe: {  	[sflag:s0] =	ssyncadd.remote.s32 $0x1  }
0xbf: {  	_ =	sfence.sel $0xFFFF  }
0xc0: {  	[dreg:$0x0] =	wrdreg $0xFFFFFFFF;
	(pc) =	sbr.abs _section_cstart, $3  }
0xc1: {  	[dreg:$0x1] =	wrdreg $0xFFFFFFFF  }
0xc2: {  	_ =	task.clear_ibuf [dreg:s7], $0x2FFFF;
	_ =	strace $0x9FFFFFFF  }
0xc3: {  	(tm) =	ssettm $0x7FFFFFFF  }
tec
execute0_lowered:
.L_overlay_start_1:
0x0: {  	(tag) =	ssettag $0x1  }
0x1: {  	s5 =	rddreg [dreg:$0x0]  }
0x2: {  	s0 =	srdreg.scid;
	s6 =	rddreg [dreg:$0x1]  }
0x3: {  	s2 =	rddreg [dreg:$0x2];
	s3 =	simm.s32 $0x0;
	s7 =	sand.u32 $0x1, s0  }
0x4: {  	s15 =	simm.s32 $0x1800;
	s0 =	stileid.u32;
	s8 =	smul.u32 $0x14000, s7  }
0x5: {  	s16 =	simm.s32 $0x80;
	s17 =	simm.s32 $0x1400;
	s9 =	smul.u32 $0x1400, s0  }
0x6: {  	s18 =	simm.s32 $0x2C00;
	s19 =	simm.s32 $0x1;
	s10 =	smul.u32 $0x140000, s7  }
0x7: {  	s20 =	simm.s32 $0x6C00;
	s21 =	simm.s32 $0x2;
	s11 =	smul.u32 $0x14000, s0  }
0x8: {  	s29 =	simm.s32 $0x0;
	[smem:$0x7FF] =	sst s3;
	s12 =	smul.u32 $0x18000, s7  }
0x9: {  	s4 =	sadd.s32 $0x11A00, s5;
	s23 =	smul.u32 $0x1800, s0;
	s25 =	ssub.s32 $0x2, s7  }
0xa: {  	_ =	strace $0x80000047;
	s24 =	smul.u32 $0x50000, s0;
	s7 =	sshrl.u32 s25, $0x1  }
0xb: {  	s8 =	sadd.s32 s9, s8;
	s22 =	sadd.s32 s11, s10;
	s26 =	sadd.s32 s23, s12  }
0xc: {  	s30 =	sshrl.u32 s24, $0x2;
	s14 =	ssub.s32 s25, s7;
	s25 =	sshll.u32 s0, $0x6  }
0xd: {  	s23 =	simm.s32 $0x4;
	s24 =	simm.s32 $0x2B00;
	s8 =	sshrl.u32 s8, $0x3  }
0xe: {  	s9 =	sshrl.u32 s22, $0x3;
	s31 =	sshrl.u32 s26, $0x3;
	s22 =	simm.s32 $0x3  }
0xf: {  	s25 =	sor.u32 $0x1C05, s25;
	s26 =	simm.s32 $0x2B80;
	s8 =	sadd.s32 s8, s5  }
0x10: {  	s13 =	sadd.s32 s9, s5;
	s5 =	sadd.s32 s30, s2;
	s6 =	sadd.s32 s6, s31  }
0x11: {  	s7 =	sadd.s32 $0xCA00, s8;
	s8 =	sadd.s32 $0x4000, s5;
	s9 =	sadd.s32 $0x8000, s5  }
0x12: {  	s10 =	sadd.s32 $0xC000, s5;
	s11 =	sadd.s32 $0x10000, s5;
	s12 =	sadd.s32 $0x39A00, s13  }
0x13: {  	s13 =	smax.u32 s14, $0x1;
	s14 =	simm.s32 $0x5;
	s28 =	sshrl.u32 s5, $0x3  }
.LBB2_1:
0x14: {  	[tilespmem:s3], [sflag:$0x5] =	stream.linear.gather [hbm4b:s6+s3], $0x1480, $0x38;
	[tilespmem:$0x1EC00] =	vst v63  }
0x15: {  	_ =	swait.ge [sflag:s14], $0x1480  }
0x16: {  	[sflag:s14] =	ssyncset.done $0x0  }
0x17: {  	[sflag:s14] =	ssyncadd.s32 $0xFFFFEB80  }
0x18: {  	[tilespmem:s15], [sflag:$0x5] =	stream.linear.gather [hbm4b:s7+s3], $0x1400, $0x38;
	[tilespmem:$0x1EC00] =	vst v63  }
0x19: {  	_ =	swait.ge [sflag:s14], $0x1400  }
0x1a: {  	[sflag:s14] =	ssyncset.done $0x0  }
0x1b: {  	[sflag:s14] =	ssyncadd.s32 $0xFFFFEC00  }
0x1c: {  	[tilespmem:s18], [sflag:$0x1] =	stream.indirect.gather [hbm4b:s4+s16], $0x80, s17, s16, $0xb8;
	[tilespmem:$0x1EC00] =	vst v63  }
0x1d: {  	_ =	swait.ge [sflag:s19], $0x4000  }
0x1e: {  	[sflag:s19] =	ssyncset.done $0x0  }
0x1f: {  	[sflag:s19] =	ssyncadd.s32 $0xFFFFC000  }
0x20: {  	[spmem:s5] =	stream.linear.scatter [tilespmem:s18], [sflag:$0x5], $0x4000, $0x38;
	[tilespmem:$0x1EC00] =	vst v63  }
0x21: {  	_ =	swait.ge [sflag:s14], $0x4000  }
0x22: {  	[sflag:s14] =	ssyncset.done $0x0  }
0x23: {  	[sflag:s14] =	ssyncadd.s32 $0xFFFFC000  }
0x24: {  	[spmem:s8] =	stream.linear.scatter [tilespmem:s18], [sflag:$0x5], $0x4000, $0x38;
	[tilespmem:$0x1EC00] =	vst v63  }
0x25: {  	_ =	swait.ge [sflag:s14], $0x4000  }
0x26: {  	[sflag:s14] =	ssyncset.done $0x0  }
0x27: {  	[sflag:s14] =	ssyncadd.s32 $0xFFFFC000  }
0x28: {  	[spmem:s9] =	stream.linear.scatter [tilespmem:s18], [sflag:$0x5], $0x4000, $0x38;
	[tilespmem:$0x1EC00] =	vst v63  }
0x29: {  	_ =	swait.ge [sflag:s14], $0x4000  }
0x2a: {  	[sflag:s14] =	ssyncset.done $0x0  }
0x2b: {  	[sflag:s14] =	ssyncadd.s32 $0xFFFFC000  }
0x2c: {  	[spmem:s10] =	stream.linear.scatter [tilespmem:s18], [sflag:$0x5], $0x4000, $0x38;
	[tilespmem:$0x1EC00] =	vst v63  }
0x2d: {  	_ =	swait.ge [sflag:s14], $0x4000  }
0x2e: {  	[sflag:s14] =	ssyncset.done $0x0  }
0x2f: {  	[sflag:s14] =	ssyncadd.s32 $0xFFFFC000  }
0x30: {  	[spmem:s11] =	stream.linear.scatter [tilespmem:s18], [sflag:$0x5], $0x4000, $0x38;
	[tilespmem:$0x1EC00] =	vst v63  }
0x31: {  	_ =	swait.ge [sflag:s14], $0x4000  }
0x32: {  	[sflag:s14] =	ssyncset.done $0x0  }
0x33: {  	[sflag:s14] =	ssyncadd.s32 $0xFFFFC000  }
0x34: {  	[bflag:$0x0] =	sbarrier.arrive $0xFFFF  }
0x35: {  	[tilespmem:s18], [sflag:$0x1] =	stream.indirect.gather [hbm4b:s4+s16], $0x80, s3, s16, $0xb8;
	[tilespmem:$0x1EC00] =	vst v63  }
0x36: {  	_ = 	snop  }
0x37: {  	[tilespmem:s20], [sflag:$0x2] =	stream.indirect.gather [hbm4b:s4+s16], $0x80, s16, s16, $0xb8;
	[tilespmem:$0x1EC00] =	vst v63  }
0x38: {  	_ =	swait.ge [sflag:s19], $0x4000  }
0x39: {  	[sflag:s19] =	ssyncset.done $0x0  }
0x3a: {  	s30 =	simm.s32 $0x1800;
	[sflag:s19] =	ssyncadd.s32 $0xFFFFC000  }
0x3b: {  	[spmem:s2] =	stream.indirect.scatter.add.f32 [tilespmem:s18], [sflag:$0x3], $0x80, s30, s16, $0xb8;
	[tilespmem:$0x1EC00] =	vst v63  }
0x3c: {  	_ =	swait.ge [sflag:s21], $0x4000  }
0x3d: {  	[sflag:s21] =	ssyncset.done $0x0  }
0x3e: {  	s30 =	simm.s32 $0x1880;
	[sflag:s21] =	ssyncadd.s32 $0xFFFFC000  }
0x3f: {  	[spmem:s2] =	stream.indirect.scatter.add.f32 [tilespmem:s20], [sflag:$0x4], $0x80, s30, s16, $0xb8;
	[tilespmem:$0x1EC00] =	vst v63  }
0x40: {  	_ =	swait.ge [sflag:s22], $0x4000  }
0x41: {  	[sflag:s22] =	ssyncset.done $0x0  }
0x42: {  	s30 =	simm.s32 $0x100;
	[sflag:s22] =	ssyncadd.s32 $0xFFFFC000  }
0x43: {  	[tilespmem:s18], [sflag:$0x1] =	stream.indirect.gather [hbm4b:s4+s16], $0x80, s30, s16, $0xb8;
	[tilespmem:$0x1EC00] =	vst v63  }
0x44: {  	_ =	swait.ge [sflag:s23], $0x4000  }
0x45: {  	[sflag:s23] =	ssyncset.done $0x0  }
0x46: {  	s31 =	simm.s32 $0x180;
	s30 =	simm.s32 $0x400;
	[sflag:s23] =	ssyncadd.s32 $0xFFFFC000  }
.LBB2_2:
0x47: {  	[tilespmem:s20], [sflag:$0x2] =	stream.indirect.gather [hbm4b:s4+s16], $0x80, s31, s16, $0xb8;
	[tilespmem:$0x1EC00] =	vst v63  }
0x48: {  	s31 =	smov.u32 s30  }
0x49: {  	p0 =	sne.s32 s30, $0x4800;
	s30 =	sadd.s32 $0x400, s30;
	_ =	swait.ge [sflag:s19], $0x4000  }
0x4a: {  	s31 =	sshra.s32 s31, $0x2;
	[sflag:s19] =	ssyncset.done $0x0  }
0x4b: {  	s1 =	sadd.s32 $0x1800, s31;
	[sflag:s19] =	ssyncadd.s32 $0xFFFFC000  }
0x4c: {  	[spmem:s2] =	stream.indirect.scatter.add.f32 [tilespmem:s18], [sflag:$0x3], $0x80, s1, s16, $0xb8;
	[tilespmem:$0x1EC00] =	vst v63  }
0x4d: {  	_ =	swait.ge [sflag:s21], $0x4000  }
0x4e: {  	[sflag:s21] =	ssyncset.done $0x0  }
0x4f: {  	s1 =	sadd.s32 $0x1880, s31;
	[sflag:s21] =	ssyncadd.s32 $0xFFFFC000  }
0x50: {  	[spmem:s2] =	stream.indirect.scatter.add.f32 [tilespmem:s20], [sflag:$0x4], $0x80, s1, s16, $0xb8;
	[tilespmem:$0x1EC00] =	vst v63  }
0x51: {  	_ =	swait.ge [sflag:s22], $0x4000  }
0x52: {  	[sflag:s22] =	ssyncset.done $0x0  }
.Ltmp0:
0x53: {  	s1 =	sadd.s32 $0x100, s31;
	[sflag:s22] =	ssyncadd.s32 $0xFFFFC000;
	(pc) =	sbr.rel @p0 .LBB2_2-.Ltmp0, $4  }
0x54: {  	[tilespmem:s18], [sflag:$0x1] =	stream.indirect.gather [hbm4b:s4+s16], $0x80, s1, s16, $0xb8;
	[tilespmem:$0x1EC00] =	vst v63  }
0x55: {  	_ =	swait.ge [sflag:s23], $0x4000  }
0x56: {  	[sflag:s23] =	ssyncset.done $0x0  }
0x57: {  	s31 =	sadd.s32 $0x180, s31;
	[sflag:s23] =	ssyncadd.s32 $0xFFFFC000  }
0x58: {  	[tilespmem:s20], [sflag:$0x2] =	stream.indirect.gather [hbm4b:s4+s16], $0x80, s31, s16, $0xb8;
	[tilespmem:$0x1EC00] =	vst v63  }
0x59: {  	_ =	swait.ge [sflag:s19], $0x4000  }
0x5a: {  	[sflag:s19] =	ssyncset.done $0x0  }
0x5b: {  	[sflag:s19] =	ssyncadd.s32 $0xFFFFC000  }
0x5c: {  	[spmem:s2] =	stream.indirect.scatter.add.f32 [tilespmem:s18], [sflag:$0x3], $0x80, s24, s16, $0xb8;
	[tilespmem:$0x1EC00] =	vst v63  }
0x5d: {  	_ =	swait.ge [sflag:s21], $0x4000  }
0x5e: {  	[sflag:s21] =	ssyncset.done $0x0  }
0x5f: {  	[sflag:s21] =	ssyncadd.s32 $0xFFFFC000  }
0x60: {  	[spmem:s2] =	stream.indirect.scatter.add.f32 [tilespmem:s20], [sflag:$0x4], $0x80, s26, s16, $0xb8;
	[tilespmem:$0x1EC00] =	vst v63  }
0x61: {  	_ =	swait.ge [sflag:s22], $0x4000  }
0x62: {  	[sflag:s22] =	ssyncset.done $0x0  }
0x63: {  	[sflag:s22] =	ssyncadd.s32 $0xFFFFC000  }
0x64: {  	_ =	swait.ge [sflag:s23], $0x4000  }
0x65: {  	s29 =	sadd.s32 $0x1, s29;
	[sflag:s23] =	ssyncset.done $0x0  }
0x66: {  	p0 =	sne.s32 s29, s13;
	[sflag:s23] =	ssyncadd.s32 $0xFFFFC000  }
.Ltmp1:
0x67: {  	[bflag:$0x0] =	sbarrier.arrive $0xFFFF;
	(pc) =	sbr.rel @p0 .LBB2_1-.Ltmp1, $4  }
0x68: {  	[hbm:s12], [sflag:s25] =	dma.local [spmem:s28], $0x2800  }
0x69: {  	_ =	swait.ge [sflag:s14], $0x2800  }
0x6a: {  	[sflag:s14] =	ssyncset.done $0x0  }
0x6b: {  	[sflag:s14] =	ssyncadd.s32 $0xFFFFD800  }
0x6c: {  	_ =	sfence.sel $0x180000  }
0x6d: {  	[bflag:$0x0] =	sbarrier.arrive $0xFFFF  }
0x6e: {  	_ =	strace $0x90000047  }
0x6f: {  	[bflag:$0x2] =	sbarrier.arrive $0xFFFF  }
0x70: {  	p0 =	sne.s32 s0, $0x0;
	s0 =	rddreg [dreg:$0x3]  }
0x71: {  	s0 =	sadd.s32 @!p0 $0x100000, s0  }
0x72: {  	[sflag:s0] =	ssyncadd.tile.s32 @!p0 $0x1;
	_ =	shalt  }
.Lfunc_end2:
_tile_overlayer_lowered:
.L_overlay_start_2:
0x73: {  	(tag) =	ssettag $0x2  }
0x74: {  	s0 =	rddreg [dreg:$0x0];
	s2 =	stileid.u32  }
0x75: {  	s1 =	rddreg [dreg:$0x1];
	p0 =	sne.s32 s2, $0x0  }
0x76: {  	s3 =	rddreg [dreg:$0x2];
	[bflag:$0x3] =	sbarrier.arrive $0xFFFF;
	s2 =	simm.s32 @!p0 $0x1C05  }
0x77: {  	[timem:s3], [sflag:s2] =	dma.local @!p0 [hbm:s0], s1  }
0x78: {  	s0 =	simm.s32 @!p0 $0x5  }
0x79: {  	_ =	swait.ge @!p0 [sflag:s0], s1  }
0x7a: {  	s1 =	ssub.s32 @!p0 $0x0, s1;
	[sflag:s0] =	ssyncset.done @!p0 $0x0  }
0x7b: {  	[sflag:s0] =	ssyncadd.s32 @!p0 s1  }
0x7c: {  	[bflag:$0x3] =	sbarrier.arrive $0xFFFF  }
0x7d: {  	_ =	shalt  }

// kernel: kernel.20.cloned.1.call-start
scs
__scs_entry_jumppad:
0x0: {  	(pc) =	sbr.rel $0x88, $3  }
0x1: {  	(tag) =	ssettag $0x0;
	lr =	simm.s32 $0x1  }
0x2: {  	[smem:$0x3F98] =	sst lr;
	_ =	strace $0xD0000000  }
0x3: {  	_ = 	snop  }
0x4: {  	_ = 	snop  }
0x5: {  	_ = 	snop  }
0x6: {  	_ = 	snop  }
0x7: {  	_ = 	snop  }
__scs_overlays_trampoline_lowered:
0x8: {  	[smem:$0x3FA7] =	sst s0  }
0x9: {  	[smem:$0x3FA8] =	sst s1  }
0xa: {  	[smem:$0x3FA9] =	sst s2  }
0xb: {  	[smem:$0x3FAA] =	sst s3  }
0xc: {  	[smem:$0x3FAB] =	sst s4  }
0xd: {  	[smem:$0x3FAC] =	sst s5  }
0xe: {  	[smem:$0x3FAD] =	sst s6  }
0xf: {  	[smem:$0x3FAE] =	sst s7  }
0x10: {  	[smem:$0x3FAF] =	sst s8  }
0x11: {  	[smem:$0x3FB0] =	sst s9;
	s0 =	simm.s32 @!p0 $0x0  }
0x12: {  	s1 =	sld [smem:$0x3F96];
	s0 =	simm.s32 @p0 $0x1  }
0x13: {  	[smem:$0x3FB1] =	sst s0;
	s0 =	simm.s32 @!p1 $0x0  }
0x14: {  	s2 =	sld [smem:$0x3F95];
	s0 =	simm.s32 @p1 $0x1  }
0x15: {  	[smem:$0x3FB2] =	sst s0;
	s0 =	simm.s32 @!p2 $0x0  }
0x16: {  	s3 =	sld [smem:$0x3FDB];
	s0 =	simm.s32 @p2 $0x1  }
0x17: {  	s4 =	simm.s32 $0x1BF5;
	[smem:$0x3FB4] =	sst s0  }
0x18: {  	s0 =	sld [smem:$0x3F97];
	_ =	swait.ge [sflag:s4], $0x0  }
0x19: {  	s7 =	sld [smem:$0x3F98]  }
0x1a: {  	s8 =	sadd.s32 $0xFFFFE003, lr  }
0x1b: {  	s9 =	sadd.s32 $0xFFFFFEF7, lr;
	s5 =	simm.s32 $0xFFFFFFFF;
	p2 =	slt.u32 s8, $0xFFFFF086  }
0x1c: {  	p1 =	slt.u32 s9, $0xF7A;
	s5 =	simm.s32 @!p2 $0x0  }
0x1d: {  	s5 =	simm.s32 @p1 $0x1;
	p0 =	seq.s32 s7, s2  }
0x1e: {  	s7 =	smul.u32 @!p0 $0xF7A, s2;
	p2 =	seq.s32 @!p0 s5, $0x0  }
0x1f: {  	s9 =	smul.u32 $0xF7A, s1;
	s8 =	simm.s32 @!p0 $0x1BF5;
	p2 =	por !p2, p0  }
0x20: {  	[sflag:s8] =	ssyncset.s32 @!p0 $0xFFFFF086;
	s6 =	sadd.s32 @!p0 s3, s7;
	s7 =	simm.s32 @!p0 $0x108  }
0x21: {  	s3 =	sadd.s32 s3, s9;
	s6 =	sadd.s32 @!p0 $0x88, s6;
	s7 =	simm.s32 @p2 $0x1082  }
0x22: {  	[simem:s7], [sflag:s8] =	dma.local @!p0 [hbm:s6], $0xF7A  }
0x23: {  	s9 =	sor.u32 $0xD0000000, s2;
	s6 =	simm.s32 $0x108;
	_ =	swait.ge @!p0 [sflag:s8], $0x0  }
0x24: {  	s3 =	sadd.s32 $0x88, s3;
	s6 =	simm.s32 @!p1 $0x1082;
	[sflag:s4] =	ssyncset.s32 $0xFFFFF086  }
0x25: {  	[simem:s6], [sflag:s4] =	dma.local [hbm:s3], $0xF7A  }
0x26: {  	[smem:$0x3F98] =	sst s1;
	(tag) =	ssettag s2;
	_ =	strace s9  }
0x27: {  	s1 =	sld [smem:$0x3FA8]  }
0x28: {  	s2 =	sld [smem:$0x3FA9]  }
0x29: {  	s4 =	sld [smem:$0x3FAB]  }
0x2a: {  	p0 =	seq.s32 s5, $0x0;
	s5 =	sld [smem:$0x3FAC]  }
0x2b: {  	s6 =	sld [smem:$0x3FAD]  }
0x2c: {  	s7 =	sld [smem:$0x3FAE]  }
0x2d: {  	s3 =	simm.s32 $0x108;
	s8 =	sld [smem:$0x3FAF]  }
0x2e: {  	s3 =	simm.s32 @!p0 $0x1082;
	s9 =	sld [smem:$0x3FB0]  }
0x2f: {  	lr =	sadd.s32 s0, s3;
	s0 =	sld [smem:$0x3FA7]  }
0x30: {  	s3 =	sld [smem:$0x3FAA]  }
0x31: {  	[smem:$0x3FB3] =	sst s10  }
0x32: {  	s10 =	sld [smem:$0x3FB1];
	_ =	sdelay $0x3  }
0x33: {  	p0 =	seq.s32 s10, $0x1;
	s10 =	sld [smem:$0x3FB3];
	_ =	sdelay $0x3  }
0x34: {  	[smem:$0x3FB3] =	sst s10  }
0x35: {  	s10 =	sld [smem:$0x3FB2];
	_ =	sdelay $0x3  }
0x36: {  	p1 =	seq.s32 s10, $0x1;
	s10 =	sld [smem:$0x3FB3];
	_ =	sdelay $0x3  }
0x37: {  	[smem:$0x3FB3] =	sst s10  }
0x38: {  	s10 =	sld [smem:$0x3FB4]  }
0x39: {  	_ = 	snop;
	(pc) =	sbr.ind lr, $3  }
0x3a: {  	_ = 	snop  }
0x3b: {  	_ = 	snop  }
0x3c: {  	p2 =	seq.s32 s10, $0x1;
	s10 =	sld [smem:$0x3FB3]  }
0x3d: {  	_ =	shalt  }
0x3e: {  	_ =	shalt  }
0x3f: {  	_ =	shalt  }
0x40: {  	_ =	shalt  }
0x41: {  	_ =	shalt  }
0x42: {  	_ =	shalt  }
0x43: {  	_ =	shalt  }
0x44: {  	_ =	shalt  }
0x45: {  	_ =	shalt  }
0x46: {  	_ =	shalt  }
0x47: {  	_ =	shalt  }
0x48: {  	_ =	shalt  }
0x49: {  	_ =	shalt  }
0x4a: {  	_ =	shalt  }
0x4b: {  	_ =	shalt  }
0x4c: {  	_ =	shalt  }
0x4d: {  	_ =	shalt  }
0x4e: {  	_ =	shalt  }
0x4f: {  	_ =	shalt  }
0x50: {  	_ =	shalt  }
0x51: {  	_ =	shalt  }
0x52: {  	_ =	shalt  }
0x53: {  	_ =	shalt  }
0x54: {  	_ =	shalt  }
0x55: {  	_ =	shalt  }
0x56: {  	_ =	shalt  }
0x57: {  	_ =	shalt  }
0x58: {  	_ =	shalt  }
0x59: {  	_ =	shalt  }
0x5a: {  	_ =	shalt  }
0x5b: {  	_ =	shalt  }
0x5c: {  	_ =	shalt  }
0x5d: {  	_ =	shalt  }
0x5e: {  	_ =	shalt  }
0x5f: {  	_ =	shalt  }
0x60: {  	_ =	shalt  }
0x61: {  	_ =	shalt  }
0x62: {  	_ =	shalt  }
0x63: {  	_ =	shalt  }
0x64: {  	_ =	shalt  }
0x65: {  	_ =	shalt  }
0x66: {  	_ =	shalt  }
0x67: {  	_ =	shalt  }
0x68: {  	_ =	shalt  }
0x69: {  	_ =	shalt  }
0x6a: {  	_ =	shalt  }
0x6b: {  	_ =	shalt  }
0x6c: {  	_ =	shalt  }
0x6d: {  	_ =	shalt  }
0x6e: {  	_ =	shalt  }
0x6f: {  	_ =	shalt  }
0x70: {  	_ =	shalt  }
0x71: {  	_ =	shalt  }
0x72: {  	_ =	shalt  }
0x73: {  	_ =	shalt  }
0x74: {  	_ =	shalt  }
0x75: {  	_ =	shalt  }
0x76: {  	_ =	shalt  }
0x77: {  	_ =	shalt  }
0x78: {  	_ =	shalt  }
0x79: {  	_ =	shalt  }
0x7a: {  	_ =	shalt  }
0x7b: {  	_ =	shalt  }
0x7c: {  	_ =	shalt  }
0x7d: {  	_ =	shalt  }
0x7e: {  	_ =	shalt  }
0x7f: {  	_ =	shalt  }
0x80: {  	_ =	shalt  }
0x81: {  	_ =	shalt  }
0x82: {  	_ =	shalt  }
0x83: {  	_ =	shalt  }
0x84: {  	_ =	shalt  }
0x85: {  	_ =	shalt  }
0x86: {  	_ =	shalt  }
0x87: {  	_ =	shalt  }
.Lfunc_end0:
.L_simem_size_0:
called_computation.4_lowered:
.L_overlay_start_0:
0x88: {  	s2 =	sld [smem:$0x3FD9]  }
0x89: {  	s3 =	sld [smem:$0x3FFE];
	_ =	sdelay $0x1  }
0x8a: {  	s1 =	srdreg.scid  }
0x8b: {  	s0 =	sand.u32 $0x1, s1  }
0x8c: {  	s16 =	sshll.u32 s0, $0xA;
	s2 =	sadd.s32 s3, s2  }
0x8d: {  	s2 =	sadd.s32 s2, s16  }
0x8e: {  	[smem:$0x3FBF] =	sst s2  }
0x8f: {  	_ = 	snop  }
0x90: {  	(tm) =	ssettm $0x1  }
0x91: {  	s17 =	sld [smem:$0x3FFB];
	_ =	sdelay $0x3  }
0x92: {  	_ =	strace s17  }
0x93: {  	s2 =	sld [smem:$0x3FFC];
	_ =	sdelay $0x3  }
0x94: {  	_ =	strace s2  }
0x95: {  	s2 =	sld [smem:$0x3FFD];
	_ =	sdelay $0x3  }
0x96: {  	_ =	strace s2  }
0x97: {  	_ =	strace $0x8FFFFFFF  }
0x98: {  	s18 =	sld [smem:$0x3FDB];
	_ =	sdelay $0x1  }
0x99: {  	s19 =	simm.s32 $_scs_section_size  }
0x9a: {  	s4 =	simm.s32 $_size__tile_overlayer_lowered;
	s5 =	simm.s32 $_tile_overlayer_lowered  }
0x9b: {  	s22 =	simm.s32 $0x1BFF;
	s21 =	sshll.u32 s5, $0x1;
	s2 =	sadd.s32 s19, s18  }
0x9c: {  	s6 =	simm.s32 $0x0;
	s20 =	sshll.u32 s4, $0x1;
	s4 =	sadd.s32 s21, s2  }
0x9d: {  	[timem:s6], [sflag:s22] =	dma.local [hbm:s4], s20  }
0x9e: {  	_ =	swait.ge [sflag:s22], s20  }
0x9f: {  	s3 =	ssub.s32 $0x0, s20;
	[sflag:s22] =	ssyncset.done $0x0  }
0xa0: {  	[sflag:s22] =	ssyncadd.s32 s3;
	_ =	sdelay $0x1  }
0xa1: {  	s23 =	simm.s32 $0x1B8B  }
0xa2: {  	_ =	swait.ge [sflag:s23], $0x1  }
0xa3: {  	[sflag:s23] =	ssyncset.done $0x0  }
0xa4: {  	s25 =	simm.s32 $0x1B8E;
	s24 =	sld [smem:$0x3FFE];
	[sflag:s23] =	ssyncadd.s32 $0xFFFFFFFF  }
0xa5: {  	s26 =	simm.s32 $execute0_lowered;
	[smem:$0x3FD2] =	sst s25  }
0xa6: {  	s4 =	sshll.u32 s26, $0x1;
	_ =	strace $0x80000049;
	[dreg:$0x1] =	wrdreg $0xFFFFFFFF  }
0xa7: {  	s28 =	simm.s32 $_size_execute0_lowered;
	s2 =	sadd.s32 s2, s4;
	[dreg:$0x0] =	wrdreg $0x0  }
0xa8: {  	s4 =	sshll.u32 s28, $0x1;
	[dreg:$0x2] =	wrdreg s2  }
0xa9: {  	[dreg:$0x3] =	wrdreg s4  }
0xaa: {  	[dreg:$0x4] =	wrdreg $0xC0  }
0xab: {  	_ =	task [dreg:s6], $0x5FFFF  }
0xac: {  	[dreg:$0x1] =	wrdreg $0xFFFFFFFF  }
0xad: {  	[dreg:$0x0] =	wrdreg $0x60  }
0xae: {  	[dreg:$0x2] =	wrdreg s24  }
0xaf: {  	[dreg:$0x3] =	wrdreg $0xAC000  }
0xb0: {  	[dreg:$0x4] =	wrdreg $0x9  }
0xb1: {  	_ =	task.clear_ibuf [dreg:s6], $0x5FFFF;
	_ =	strace $0x90000049  }
0xb2: {  	s29 =	simm.s32 $0x9;
	_ =	strace $0x8000004B  }
0xb3: {  	_ =	swait.ge [sflag:s29], $0x1  }
0xb4: {  	[sflag:s29] =	ssyncadd.s32 $0xFFFFFFFF  }
0xb5: {  	_ =	strace $0x9000004B  }
0xb6: {  	_ =	sfence  }
0xb7: {  	s30 =	sld [smem:$0x0];
	_ =	sdelay $0x2  }
0xb8: {  	s31 =	sshll.u32 s1, $0xD;
	s1 =	sshrl.u32 s1, $0x2  }
0xb9: {  	s3 =	sand.u32 $0x4000, s31;
	s1 =	sadd.s32 s1, s30  }
0xba: {  	s0 =	sor.u32 s3, s0;
	s1 =	sshll.u32 s1, $0x11  }
0xbb: {  	s0 =	sor.u32 s1, s0  }
0xbc: {  	s0 =	sadd.s32 $0x8F2B, s0  }
0xbd: {  	[sflag:s0] =	ssyncadd.remote.s32 $0x1  }
0xbe: {  	_ =	sfence.sel $0xFFFF  }
0xbf: {  	[dreg:$0x0] =	wrdreg $0xFFFFFFFF;
	(pc) =	sbr.abs _section_cstart, $3  }
0xc0: {  	[dreg:$0x1] =	wrdreg $0xFFFFFFFF  }
0xc1: {  	_ =	task.clear_ibuf [dreg:s6], $0x2FFFF;
	_ =	strace $0x9FFFFFFF  }
0xc2: {  	(tm) =	ssettm $0x7FFFFFFF  }
0xc3: {  	_ =	shalt  }
tec
execute0_lowered:
.L_overlay_start_1:
0x0: {  	(tag) =	ssettag $0x1  }
0x1: {  	s5 =	rddreg [dreg:$0x0]  }
0x2: {  	s0 =	srdreg.scid;
	s2 =	rddreg [dreg:$0x1]  }
0x3: {  	s1 =	stileid.u32;
	s3 =	simm.s32 $0x0;
	s14 =	simm.s32 $0x5  }
0x4: {  	s15 =	simm.s32 $0x1800;
	s16 =	simm.s32 $0x80;
	s17 =	simm.s32 $0x1400  }
0x5: {  	s18 =	simm.s32 $0x2C00;
	s19 =	simm.s32 $0x1;
	s8 =	smul.u32 $0x1800, s1  }
0x6: {  	s20 =	simm.s32 $0x6C00;
	s21 =	simm.s32 $0x2;
	s10 =	smul.u32 $0x1400, s1  }
0x7: {  	s22 =	simm.s32 $0x3;
	s23 =	simm.s32 $0x4;
	s30 =	smul.u32 $0x14000, s1  }
0x8: {  	s24 =	simm.s32 $0x2B00;
	s6 =	sand.u32 $0x1, s0;
	s11 =	smul.u32 $0x50000, s1  }
0x9: {  	s29 =	simm.s32 $0x0;
	[smem:$0x7FF] =	sst s3;
	s7 =	smul.u32 $0x18000, s6  }
0xa: {  	s4 =	sadd.s32 $0xCA00, s5;
	s25 =	sshll.u32 s1, $0x6;
	s9 =	smul.u32 $0x14000, s6  }
0xb: {  	_ =	strace $0x8000004A;
	s26 =	smul.u32 $0x140000, s6;
	s6 =	ssub.s32 $0x2, s6  }
0xc: {  	s25 =	sor.u32 $0x1C05, s25;
	s31 =	sshrl.u32 s6, $0x1;
	s11 =	sshrl.u32 s11, $0x2  }
0xd: {  	s7 =	sadd.s32 s8, s7;
	s9 =	sadd.s32 s10, s9;
	s8 =	sadd.s32 s30, s26  }
0xe: {  	s13 =	ssub.s32 s6, s31;
	s26 =	simm.s32 $0x2B80;
	s7 =	sshrl.u32 s7, $0x3  }
0xf: {  	s9 =	sshrl.u32 s9, $0x3;
	s8 =	sshrl.u32 s8, $0x3;
	s13 =	smax.u32 s13, $0x1  }
0x10: {  	s7 =	sadd.s32 s7, s5;
	s9 =	sadd.s32 s9, s5;
	s12 =	sadd.s32 s8, s5  }
0x11: {  	s5 =	sadd.s32 s11, s2;
	s6 =	sadd.s32 $0x89A00, s7;
	s7 =	sadd.s32 $0x7A00, s9  }
0x12: {  	s8 =	sadd.s32 $0x4000, s5;
	s9 =	sadd.s32 $0x8000, s5;
	s10 =	sadd.s32 $0xC000, s5  }
0x13: {  	s11 =	sadd.s32 $0x10000, s5;
	s12 =	sadd.s32 $0x8FA00, s12;
	s28 =	sshrl.u32 s5, $0x3  }
.LBB2_1:
0x14: {  	[tilespmem:s3], [sflag:$0x5] =	stream.linear.gather [hbm4b:s6+s3], $0x1480, $0x38;
	[tilespmem:$0x1EC00] =	vst v63  }
0x15: {  	_ =	swait.ge [sflag:s14], $0x1480  }
0x16: {  	[sflag:s14] =	ssyncset.done $0x0  }
0x17: {  	[sflag:s14] =	ssyncadd.s32 $0xFFFFEB80  }
0x18: {  	[tilespmem:s15], [sflag:$0x5] =	stream.linear.gather [hbm4b:s7+s3], $0x1400, $0x38;
	[tilespmem:$0x1EC00] =	vst v63  }
0x19: {  	_ =	swait.ge [sflag:s14], $0x1400  }
0x1a: {  	[sflag:s14] =	ssyncset.done $0x0  }
0x1b: {  	[sflag:s14] =	ssyncadd.s32 $0xFFFFEC00  }
0x1c: {  	[tilespmem:s18], [sflag:$0x1] =	stream.indirect.gather [hbm4b:s4+s16], $0x80, s17, s16, $0xb8;
	[tilespmem:$0x1EC00] =	vst v63  }
0x1d: {  	_ =	swait.ge [sflag:s19], $0x4000  }
0x1e: {  	[sflag:s19] =	ssyncset.done $0x0  }
0x1f: {  	[sflag:s19] =	ssyncadd.s32 $0xFFFFC000  }
0x20: {  	[spmem:s5] =	stream.linear.scatter [tilespmem:s18], [sflag:$0x5], $0x4000, $0x38;
	[tilespmem:$0x1EC00] =	vst v63  }
0x21: {  	_ =	swait.ge [sflag:s14], $0x4000  }
0x22: {  	[sflag:s14] =	ssyncset.done $0x0  }
0x23: {  	[sflag:s14] =	ssyncadd.s32 $0xFFFFC000  }
0x24: {  	[spmem:s8] =	stream.linear.scatter [tilespmem:s18], [sflag:$0x5], $0x4000, $0x38;
	[tilespmem:$0x1EC00] =	vst v63  }
0x25: {  	_ =	swait.ge [sflag:s14], $0x4000  }
0x26: {  	[sflag:s14] =	ssyncset.done $0x0  }
0x27: {  	[sflag:s14] =	ssyncadd.s32 $0xFFFFC000  }
0x28: {  	[spmem:s9] =	stream.linear.scatter [tilespmem:s18], [sflag:$0x5], $0x4000, $0x38;
	[tilespmem:$0x1EC00] =	vst v63  }
0x29: {  	_ =	swait.ge [sflag:s14], $0x4000  }
0x2a: {  	[sflag:s14] =	ssyncset.done $0x0  }
0x2b: {  	[sflag:s14] =	ssyncadd.s32 $0xFFFFC000  }
0x2c: {  	[spmem:s10] =	stream.linear.scatter [tilespmem:s18], [sflag:$0x5], $0x4000, $0x38;
	[tilespmem:$0x1EC00] =	vst v63  }
0x2d: {  	_ =	swait.ge [sflag:s14], $0x4000  }
0x2e: {  	[sflag:s14] =	ssyncset.done $0x0  }
0x2f: {  	[sflag:s14] =	ssyncadd.s32 $0xFFFFC000  }
0x30: {  	[spmem:s11] =	stream.linear.scatter [tilespmem:s18], [sflag:$0x5], $0x4000, $0x38;
	[tilespmem:$0x1EC00] =	vst v63  }
0x31: {  	_ =	swait.ge [sflag:s14], $0x4000  }
0x32: {  	[sflag:s14] =	ssyncset.done $0x0  }
0x33: {  	[sflag:s14] =	ssyncadd.s32 $0xFFFFC000  }
0x34: {  	[bflag:$0x0] =	sbarrier.arrive $0xFFFF  }
0x35: {  	[tilespmem:s18], [sflag:$0x1] =	stream.indirect.gather [hbm4b:s4+s16], $0x80, s3, s16, $0xb8;
	[tilespmem:$0x1EC00] =	vst v63  }
0x36: {  	_ = 	snop  }
0x37: {  	[tilespmem:s20], [sflag:$0x2] =	stream.indirect.gather [hbm4b:s4+s16], $0x80, s16, s16, $0xb8;
	[tilespmem:$0x1EC00] =	vst v63  }
0x38: {  	_ =	swait.ge [sflag:s19], $0x4000  }
0x39: {  	[sflag:s19] =	ssyncset.done $0x0  }
0x3a: {  	s30 =	simm.s32 $0x1800;
	[sflag:s19] =	ssyncadd.s32 $0xFFFFC000  }
0x3b: {  	[spmem:s2] =	stream.indirect.scatter.add.f32 [tilespmem:s18], [sflag:$0x3], $0x80, s30, s16, $0xb8;
	[tilespmem:$0x1EC00] =	vst v63  }
0x3c: {  	_ =	swait.ge [sflag:s21], $0x4000  }
0x3d: {  	[sflag:s21] =	ssyncset.done $0x0  }
0x3e: {  	s30 =	simm.s32 $0x1880;
	[sflag:s21] =	ssyncadd.s32 $0xFFFFC000  }
0x3f: {  	[spmem:s2] =	stream.indirect.scatter.add.f32 [tilespmem:s20], [sflag:$0x4], $0x80, s30, s16, $0xb8;
	[tilespmem:$0x1EC00] =	vst v63  }
0x40: {  	_ =	swait.ge [sflag:s22], $0x4000  }
0x41: {  	[sflag:s22] =	ssyncset.done $0x0  }
0x42: {  	s30 =	simm.s32 $0x100;
	[sflag:s22] =	ssyncadd.s32 $0xFFFFC000  }
0x43: {  	[tilespmem:s18], [sflag:$0x1] =	stream.indirect.gather [hbm4b:s4+s16], $0x80, s30, s16, $0xb8;
	[tilespmem:$0x1EC00] =	vst v63  }
0x44: {  	_ =	swait.ge [sflag:s23], $0x4000  }
0x45: {  	[sflag:s23] =	ssyncset.done $0x0  }
0x46: {  	s31 =	simm.s32 $0x180;
	s30 =	simm.s32 $0x400;
	[sflag:s23] =	ssyncadd.s32 $0xFFFFC000  }
.LBB2_2:
0x47: {  	[tilespmem:s20], [sflag:$0x2] =	stream.indirect.gather [hbm4b:s4+s16], $0x80, s31, s16, $0xb8;
	[tilespmem:$0x1EC00] =	vst v63  }
0x48: {  	s31 =	smov.u32 s30  }
0x49: {  	p0 =	sne.s32 s30, $0x4800;
	s30 =	sadd.s32 $0x400, s30;
	_ =	swait.ge [sflag:s19], $0x4000  }
0x4a: {  	s31 =	sshra.s32 s31, $0x2;
	[sflag:s19] =	ssyncset.done $0x0  }
0x4b: {  	s0 =	sadd.s32 $0x1800, s31;
	[sflag:s19] =	ssyncadd.s32 $0xFFFFC000  }
0x4c: {  	[spmem:s2] =	stream.indirect.scatter.add.f32 [tilespmem:s18], [sflag:$0x3], $0x80, s0, s16, $0xb8;
	[tilespmem:$0x1EC00] =	vst v63  }
0x4d: {  	_ =	swait.ge [sflag:s21], $0x4000  }
0x4e: {  	[sflag:s21] =	ssyncset.done $0x0  }
0x4f: {  	s0 =	sadd.s32 $0x1880, s31;
	[sflag:s21] =	ssyncadd.s32 $0xFFFFC000  }
0x50: {  	[spmem:s2] =	stream.indirect.scatter.add.f32 [tilespmem:s20], [sflag:$0x4], $0x80, s0, s16, $0xb8;
	[tilespmem:$0x1EC00] =	vst v63  }
0x51: {  	_ =	swait.ge [sflag:s22], $0x4000  }
0x52: {  	[sflag:s22] =	ssyncset.done $0x0  }
.Ltmp0:
0x53: {  	s0 =	sadd.s32 $0x100, s31;
	[sflag:s22] =	ssyncadd.s32 $0xFFFFC000;
	(pc) =	sbr.rel @p0 .LBB2_2-.Ltmp0, $4  }
0x54: {  	[tilespmem:s18], [sflag:$0x1] =	stream.indirect.gather [hbm4b:s4+s16], $0x80, s0, s16, $0xb8;
	[tilespmem:$0x1EC00] =	vst v63  }
0x55: {  	_ =	swait.ge [sflag:s23], $0x4000  }
0x56: {  	[sflag:s23] =	ssyncset.done $0x0  }
0x57: {  	s31 =	sadd.s32 $0x180, s31;
	[sflag:s23] =	ssyncadd.s32 $0xFFFFC000  }
0x58: {  	[tilespmem:s20], [sflag:$0x2] =	stream.indirect.gather [hbm4b:s4+s16], $0x80, s31, s16, $0xb8;
	[tilespmem:$0x1EC00] =	vst v63  }
0x59: {  	_ =	swait.ge [sflag:s19], $0x4000  }
0x5a: {  	[sflag:s19] =	ssyncset.done $0x0  }
0x5b: {  	[sflag:s19] =	ssyncadd.s32 $0xFFFFC000  }
0x5c: {  	[spmem:s2] =	stream.indirect.scatter.add.f32 [tilespmem:s18], [sflag:$0x3], $0x80, s24, s16, $0xb8;
	[tilespmem:$0x1EC00] =	vst v63  }
0x5d: {  	_ =	swait.ge [sflag:s21], $0x4000  }
0x5e: {  	[sflag:s21] =	ssyncset.done $0x0  }
0x5f: {  	[sflag:s21] =	ssyncadd.s32 $0xFFFFC000  }
0x60: {  	[spmem:s2] =	stream.indirect.scatter.add.f32 [tilespmem:s20], [sflag:$0x4], $0x80, s26, s16, $0xb8;
	[tilespmem:$0x1EC00] =	vst v63  }
0x61: {  	_ =	swait.ge [sflag:s22], $0x4000  }
0x62: {  	[sflag:s22] =	ssyncset.done $0x0  }
0x63: {  	[sflag:s22] =	ssyncadd.s32 $0xFFFFC000  }
0x64: {  	_ =	swait.ge [sflag:s23], $0x4000  }
0x65: {  	s29 =	sadd.s32 $0x1, s29;
	[sflag:s23] =	ssyncset.done $0x0  }
0x66: {  	p0 =	sne.s32 s29, s13;
	[sflag:s23] =	ssyncadd.s32 $0xFFFFC000  }
.Ltmp1:
0x67: {  	[bflag:$0x0] =	sbarrier.arrive $0xFFFF;
	(pc) =	sbr.rel @p0 .LBB2_1-.Ltmp1, $4  }
0x68: {  	[hbm:s12], [sflag:s25] =	dma.local [spmem:s28], $0x2800  }
0x69: {  	_ =	swait.ge [sflag:s14], $0x2800  }
0x6a: {  	[sflag:s14] =	ssyncset.done $0x0  }
0x6b: {  	[sflag:s14] =	ssyncadd.s32 $0xFFFFD800  }
0x6c: {  	_ =	sfence.sel $0x180000  }
0x6d: {  	[bflag:$0x0] =	sbarrier.arrive $0xFFFF  }
0x6e: {  	_ =	strace $0x9000004A  }
0x6f: {  	[bflag:$0x2] =	sbarrier.arrive $0xFFFF  }
0x70: {  	p0 =	sne.s32 s1, $0x0;
	s0 =	rddreg [dreg:$0x2]  }
0x71: {  	s0 =	sadd.s32 @!p0 $0x100000, s0  }
0x72: {  	[sflag:s0] =	ssyncadd.tile.s32 @!p0 $0x1;
	_ =	shalt  }
.Lfunc_end2:
_tile_overlayer_lowered:
.L_overlay_start_2:
0x73: {  	(tag) =	ssettag $0x2  }
0x74: {  	s0 =	rddreg [dreg:$0x0];
	s2 =	stileid.u32  }
0x75: {  	s1 =	rddreg [dreg:$0x1];
	p0 =	sne.s32 s2, $0x0  }
0x76: {  	s3 =	rddreg [dreg:$0x2];
	[bflag:$0x3] =	sbarrier.arrive $0xFFFF;
	s2 =	simm.s32 @!p0 $0x1C05  }
0x77: {  	[timem:s3], [sflag:s2] =	dma.local @!p0 [hbm:s0], s1  }
0x78: {  	s0 =	simm.s32 @!p0 $0x5  }
0x79: {  	_ =	swait.ge @!p0 [sflag:s0], s1  }
0x7a: {  	s1 =	ssub.s32 @!p0 $0x0, s1;
	[sflag:s0] =	ssyncset.done @!p0 $0x0  }
0x7b: {  	[sflag:s0] =	ssyncadd.s32 @!p0 s1  }
0x7c: {  	[bflag:$0x3] =	sbarrier.arrive $0xFFFF  }
0x7d: {  	_ =	shalt  }

// kernel: kernel.23.cloned.1.call-start
scs
__scs_entry_jumppad:
0x0: {  	(pc) =	sbr.rel $0x88, $3  }
0x1: {  	(tag) =	ssettag $0x0;
	lr =	simm.s32 $0x1  }
0x2: {  	[smem:$0x3F98] =	sst lr;
	_ =	strace $0xD0000000  }
0x3: {  	_ = 	snop  }
0x4: {  	_ = 	snop  }
0x5: {  	_ = 	snop  }
0x6: {  	_ = 	snop  }
0x7: {  	_ = 	snop  }
__scs_overlays_trampoline_lowered:
0x8: {  	[smem:$0x3FA7] =	sst s0  }
0x9: {  	[smem:$0x3FA8] =	sst s1  }
0xa: {  	[smem:$0x3FA9] =	sst s2  }
0xb: {  	[smem:$0x3FAA] =	sst s3  }
0xc: {  	[smem:$0x3FAB] =	sst s4  }
0xd: {  	[smem:$0x3FAC] =	sst s5  }
0xe: {  	[smem:$0x3FAD] =	sst s6  }
0xf: {  	[smem:$0x3FAE] =	sst s7  }
0x10: {  	[smem:$0x3FAF] =	sst s8  }
0x11: {  	[smem:$0x3FB0] =	sst s9;
	s0 =	simm.s32 @!p0 $0x0  }
0x12: {  	s1 =	sld [smem:$0x3F96];
	s0 =	simm.s32 @p0 $0x1  }
0x13: {  	[smem:$0x3FB1] =	sst s0;
	s0 =	simm.s32 @!p1 $0x0  }
0x14: {  	s2 =	sld [smem:$0x3F95];
	s0 =	simm.s32 @p1 $0x1  }
0x15: {  	[smem:$0x3FB2] =	sst s0;
	s0 =	simm.s32 @!p2 $0x0  }
0x16: {  	s3 =	sld [smem:$0x3FDB];
	s0 =	simm.s32 @p2 $0x1  }
0x17: {  	s4 =	simm.s32 $0x1BF5;
	[smem:$0x3FB4] =	sst s0  }
0x18: {  	s0 =	sld [smem:$0x3F97];
	_ =	swait.ge [sflag:s4], $0x0  }
0x19: {  	s7 =	sld [smem:$0x3F98]  }
0x1a: {  	s8 =	sadd.s32 $0xFFFFE003, lr  }
0x1b: {  	s9 =	sadd.s32 $0xFFFFFEF7, lr;
	s5 =	simm.s32 $0xFFFFFFFF;
	p2 =	slt.u32 s8, $0xFFFFF086  }
0x1c: {  	p1 =	slt.u32 s9, $0xF7A;
	s5 =	simm.s32 @!p2 $0x0  }
0x1d: {  	s5 =	simm.s32 @p1 $0x1;
	p0 =	seq.s32 s7, s2  }
0x1e: {  	s7 =	smul.u32 @!p0 $0xF7A, s2;
	p2 =	seq.s32 @!p0 s5, $0x0  }
0x1f: {  	s9 =	smul.u32 $0xF7A, s1;
	s8 =	simm.s32 @!p0 $0x1BF5;
	p2 =	por !p2, p0  }
0x20: {  	[sflag:s8] =	ssyncset.s32 @!p0 $0xFFFFF086;
	s6 =	sadd.s32 @!p0 s3, s7;
	s7 =	simm.s32 @!p0 $0x108  }
0x21: {  	s3 =	sadd.s32 s3, s9;
	s6 =	sadd.s32 @!p0 $0x88, s6;
	s7 =	simm.s32 @p2 $0x1082  }
0x22: {  	[simem:s7], [sflag:s8] =	dma.local @!p0 [hbm:s6], $0xF7A  }
0x23: {  	s9 =	sor.u32 $0xD0000000, s2;
	s6 =	simm.s32 $0x108;
	_ =	swait.ge @!p0 [sflag:s8], $0x0  }
0x24: {  	s3 =	sadd.s32 $0x88, s3;
	s6 =	simm.s32 @!p1 $0x1082;
	[sflag:s4] =	ssyncset.s32 $0xFFFFF086  }
0x25: {  	[simem:s6], [sflag:s4] =	dma.local [hbm:s3], $0xF7A  }
0x26: {  	[smem:$0x3F98] =	sst s1;
	(tag) =	ssettag s2;
	_ =	strace s9  }
0x27: {  	s1 =	sld [smem:$0x3FA8]  }
0x28: {  	s2 =	sld [smem:$0x3FA9]  }
0x29: {  	s4 =	sld [smem:$0x3FAB]  }
0x2a: {  	p0 =	seq.s32 s5, $0x0;
	s5 =	sld [smem:$0x3FAC]  }
0x2b: {  	s6 =	sld [smem:$0x3FAD]  }
0x2c: {  	s7 =	sld [smem:$0x3FAE]  }
0x2d: {  	s3 =	simm.s32 $0x108;
	s8 =	sld [smem:$0x3FAF]  }
0x2e: {  	s3 =	simm.s32 @!p0 $0x1082;
	s9 =	sld [smem:$0x3FB0]  }
0x2f: {  	lr =	sadd.s32 s0, s3;
	s0 =	sld [smem:$0x3FA7]  }
0x30: {  	s3 =	sld [smem:$0x3FAA]  }
0x31: {  	[smem:$0x3FB3] =	sst s10  }
0x32: {  	s10 =	sld [smem:$0x3FB1];
	_ =	sdelay $0x3  }
0x33: {  	p0 =	seq.s32 s10, $0x1;
	s10 =	sld [smem:$0x3FB3];
	_ =	sdelay $0x3  }
0x34: {  	[smem:$0x3FB3] =	sst s10  }
0x35: {  	s10 =	sld [smem:$0x3FB2];
	_ =	sdelay $0x3  }
0x36: {  	p1 =	seq.s32 s10, $0x1;
	s10 =	sld [smem:$0x3FB3];
	_ =	sdelay $0x3  }
0x37: {  	[smem:$0x3FB3] =	sst s10  }
0x38: {  	s10 =	sld [smem:$0x3FB4]  }
0x39: {  	_ = 	snop;
	(pc) =	sbr.ind lr, $3  }
0x3a: {  	_ = 	snop  }
0x3b: {  	_ = 	snop  }
0x3c: {  	p2 =	seq.s32 s10, $0x1;
	s10 =	sld [smem:$0x3FB3]  }
0x3d: {  	_ =	shalt  }
0x3e: {  	_ =	shalt  }
0x3f: {  	_ =	shalt  }
0x40: {  	_ =	shalt  }
0x41: {  	_ =	shalt  }
0x42: {  	_ =	shalt  }
0x43: {  	_ =	shalt  }
0x44: {  	_ =	shalt  }
0x45: {  	_ =	shalt  }
0x46: {  	_ =	shalt  }
0x47: {  	_ =	shalt  }
0x48: {  	_ =	shalt  }
0x49: {  	_ =	shalt  }
0x4a: {  	_ =	shalt  }
0x4b: {  	_ =	shalt  }
0x4c: {  	_ =	shalt  }
0x4d: {  	_ =	shalt  }
0x4e: {  	_ =	shalt  }
0x4f: {  	_ =	shalt  }
0x50: {  	_ =	shalt  }
0x51: {  	_ =	shalt  }
0x52: {  	_ =	shalt  }
0x53: {  	_ =	shalt  }
0x54: {  	_ =	shalt  }
0x55: {  	_ =	shalt  }
0x56: {  	_ =	shalt  }
0x57: {  	_ =	shalt  }
0x58: {  	_ =	shalt  }
0x59: {  	_ =	shalt  }
0x5a: {  	_ =	shalt  }
0x5b: {  	_ =	shalt  }
0x5c: {  	_ =	shalt  }
0x5d: {  	_ =	shalt  }
0x5e: {  	_ =	shalt  }
0x5f: {  	_ =	shalt  }
0x60: {  	_ =	shalt  }
0x61: {  	_ =	shalt  }
0x62: {  	_ =	shalt  }
0x63: {  	_ =	shalt  }
0x64: {  	_ =	shalt  }
0x65: {  	_ =	shalt  }
0x66: {  	_ =	shalt  }
0x67: {  	_ =	shalt  }
0x68: {  	_ =	shalt  }
0x69: {  	_ =	shalt  }
0x6a: {  	_ =	shalt  }
0x6b: {  	_ =	shalt  }
0x6c: {  	_ =	shalt  }
0x6d: {  	_ =	shalt  }
0x6e: {  	_ =	shalt  }
0x6f: {  	_ =	shalt  }
0x70: {  	_ =	shalt  }
0x71: {  	_ =	shalt  }
0x72: {  	_ =	shalt  }
0x73: {  	_ =	shalt  }
0x74: {  	_ =	shalt  }
0x75: {  	_ =	shalt  }
0x76: {  	_ =	shalt  }
0x77: {  	_ =	shalt  }
0x78: {  	_ =	shalt  }
0x79: {  	_ =	shalt  }
0x7a: {  	_ =	shalt  }
0x7b: {  	_ =	shalt  }
0x7c: {  	_ =	shalt  }
0x7d: {  	_ =	shalt  }
0x7e: {  	_ =	shalt  }
0x7f: {  	_ =	shalt  }
0x80: {  	_ =	shalt  }
0x81: {  	_ =	shalt  }
0x82: {  	_ =	shalt  }
0x83: {  	_ =	shalt  }
0x84: {  	_ =	shalt  }
0x85: {  	_ =	shalt  }
0x86: {  	_ =	shalt  }
0x87: {  	_ =	shalt  }
.Lfunc_end0:
.L_simem_size_0:
called_computation.5_lowered:
.L_overlay_start_0:
0x88: {  	s2 =	sld [smem:$0x3FD9]  }
0x89: {  	s3 =	sld [smem:$0x3FFE];
	_ =	sdelay $0x1  }
0x8a: {  	s1 =	srdreg.scid  }
0x8b: {  	s0 =	sand.u32 $0x1, s1  }
0x8c: {  	s16 =	sshll.u32 s0, $0xA;
	s2 =	sadd.s32 s3, s2  }
0x8d: {  	s2 =	sadd.s32 s2, s16  }
0x8e: {  	[smem:$0x3FBF] =	sst s2  }
0x8f: {  	_ = 	snop  }
0x90: {  	(tm) =	ssettm $0x1  }
0x91: {  	s17 =	sld [smem:$0x3FFB];
	_ =	sdelay $0x3  }
0x92: {  	_ =	strace s17  }
0x93: {  	s2 =	sld [smem:$0x3FFC];
	_ =	sdelay $0x3  }
0x94: {  	_ =	strace s2  }
0x95: {  	s2 =	sld [smem:$0x3FFD];
	_ =	sdelay $0x3  }
0x96: {  	_ =	strace s2  }
0x97: {  	_ =	strace $0x8FFFFFFF  }
0x98: {  	s18 =	sld [smem:$0x3FDB];
	_ =	sdelay $0x1  }
0x99: {  	s19 =	simm.s32 $_scs_section_size  }
0x9a: {  	s4 =	simm.s32 $_size__tile_overlayer_lowered;
	s5 =	simm.s32 $_tile_overlayer_lowered  }
0x9b: {  	s22 =	simm.s32 $0x1BFF;
	s21 =	sshll.u32 s5, $0x1;
	s2 =	sadd.s32 s19, s18  }
0x9c: {  	s6 =	simm.s32 $0x0;
	s20 =	sshll.u32 s4, $0x1;
	s4 =	sadd.s32 s21, s2  }
0x9d: {  	[timem:s6], [sflag:s22] =	dma.local [hbm:s4], s20  }
0x9e: {  	_ =	swait.ge [sflag:s22], s20  }
0x9f: {  	s3 =	ssub.s32 $0x0, s20;
	[sflag:s22] =	ssyncset.done $0x0  }
0xa0: {  	[sflag:s22] =	ssyncadd.s32 s3;
	_ =	sdelay $0x1  }
0xa1: {  	s23 =	simm.s32 $0x1B8B  }
0xa2: {  	_ =	swait.ge [sflag:s23], $0x1  }
0xa3: {  	[sflag:s23] =	ssyncset.done $0x0  }
0xa4: {  	s25 =	simm.s32 $0x1B8E;
	s24 =	sld [smem:$0x3FFE];
	[sflag:s23] =	ssyncadd.s32 $0xFFFFFFFF  }
0xa5: {  	s26 =	simm.s32 $execute0_lowered;
	[smem:$0x3FD2] =	sst s25  }
0xa6: {  	s4 =	sshll.u32 s26, $0x1;
	_ =	strace $0x8000004C;
	[dreg:$0x1] =	wrdreg $0xFFFFFFFF  }
0xa7: {  	s28 =	simm.s32 $_size_execute0_lowered;
	s2 =	sadd.s32 s2, s4;
	[dreg:$0x0] =	wrdreg $0x0  }
0xa8: {  	s4 =	sshll.u32 s28, $0x1;
	[dreg:$0x2] =	wrdreg s2  }
0xa9: {  	[dreg:$0x3] =	wrdreg s4  }
0xaa: {  	[dreg:$0x4] =	wrdreg $0xC0  }
0xab: {  	_ =	task [dreg:s6], $0x5FFFF  }
0xac: {  	[dreg:$0x1] =	wrdreg $0xFFFFFFFF  }
0xad: {  	[dreg:$0x0] =	wrdreg $0x60  }
0xae: {  	[dreg:$0x2] =	wrdreg s24  }
0xaf: {  	[dreg:$0x3] =	wrdreg $0xAC000  }
0xb0: {  	[dreg:$0x4] =	wrdreg $0x9  }
0xb1: {  	_ =	task.clear_ibuf [dreg:s6], $0x5FFFF;
	_ =	strace $0x9000004C  }
0xb2: {  	s29 =	simm.s32 $0x9;
	_ =	strace $0x8000004E  }
0xb3: {  	_ =	swait.ge [sflag:s29], $0x1  }
0xb4: {  	[sflag:s29] =	ssyncadd.s32 $0xFFFFFFFF  }
0xb5: {  	_ =	strace $0x9000004E  }
0xb6: {  	_ =	sfence  }
0xb7: {  	s30 =	sld [smem:$0x0];
	_ =	sdelay $0x2  }
0xb8: {  	s31 =	sshll.u32 s1, $0xD;
	s1 =	sshrl.u32 s1, $0x2  }
0xb9: {  	s3 =	sand.u32 $0x4000, s31;
	s1 =	sadd.s32 s1, s30  }
0xba: {  	s0 =	sor.u32 s3, s0;
	s1 =	sshll.u32 s1, $0x11  }
0xbb: {  	s0 =	sor.u32 s1, s0  }
0xbc: {  	s0 =	sadd.s32 $0x8F2B, s0  }
0xbd: {  	[sflag:s0] =	ssyncadd.remote.s32 $0x1  }
0xbe: {  	_ =	sfence.sel $0xFFFF  }
0xbf: {  	[dreg:$0x0] =	wrdreg $0xFFFFFFFF;
	(pc) =	sbr.abs _section_cstart, $3  }
0xc0: {  	[dreg:$0x1] =	wrdreg $0xFFFFFFFF  }
0xc1: {  	_ =	task.clear_ibuf [dreg:s6], $0x2FFFF;
	_ =	strace $0x9FFFFFFF  }
0xc2: {  	(tm) =	ssettm $0x7FFFFFFF  }
0xc3: {  	_ =	shalt  }
tec
execute0_lowered:
.L_overlay_start_1:
0x0: {  	(tag) =	ssettag $0x1  }
0x1: {  	s5 =	rddreg [dreg:$0x0]  }
0x2: {  	s0 =	srdreg.scid;
	s2 =	rddreg [dreg:$0x1]  }
0x3: {  	s1 =	stileid.u32;
	s3 =	simm.s32 $0x0;
	s14 =	simm.s32 $0x5  }
0x4: {  	s15 =	simm.s32 $0x1800;
	s16 =	simm.s32 $0x80;
	s17 =	simm.s32 $0x1400  }
0x5: {  	s18 =	simm.s32 $0x2C00;
	s19 =	simm.s32 $0x1;
	s8 =	smul.u32 $0x1800, s1  }
0x6: {  	s20 =	simm.s32 $0x6C00;
	s21 =	simm.s32 $0x2;
	s10 =	smul.u32 $0x1400, s1  }
0x7: {  	s22 =	simm.s32 $0x3;
	s23 =	simm.s32 $0x4;
	s30 =	smul.u32 $0x14000, s1  }
0x8: {  	s24 =	simm.s32 $0x2B00;
	s6 =	sand.u32 $0x1, s0;
	s11 =	smul.u32 $0x50000, s1  }
0x9: {  	s29 =	simm.s32 $0x0;
	[smem:$0x7FF] =	sst s3;
	s7 =	smul.u32 $0x18000, s6  }
0xa: {  	s4 =	sadd.s32 $0x34A00, s5;
	s25 =	sshll.u32 s1, $0x6;
	s9 =	smul.u32 $0x14000, s6  }
0xb: {  	_ =	strace $0x8000004D;
	s26 =	smul.u32 $0x140000, s6;
	s6 =	ssub.s32 $0x2, s6  }
0xc: {  	s25 =	sor.u32 $0x1C05, s25;
	s31 =	sshrl.u32 s6, $0x1;
	s11 =	sshrl.u32 s11, $0x2  }
0xd: {  	s7 =	sadd.s32 s8, s7;
	s9 =	sadd.s32 s10, s9;
	s8 =	sadd.s32 s30, s26  }
0xe: {  	s13 =	ssub.s32 s6, s31;
	s26 =	simm.s32 $0x2B80;
	s7 =	sshrl.u32 s7, $0x3  }
0xf: {  	s9 =	sshrl.u32 s9, $0x3;
	s8 =	sshrl.u32 s8, $0x3;
	s13 =	smax.u32 s13, $0x1  }
0x10: {  	s7 =	sadd.s32 s7, s5;
	s9 =	sadd.s32 s9, s5;
	s12 =	sadd.s32 s8, s5  }
0x11: {  	s5 =	sadd.s32 s11, s2;
	s6 =	sadd.s32 $0x89A00, s7;
	s7 =	sadd.s32 $0x7A00, s9  }
0x12: {  	s8 =	sadd.s32 $0x4000, s5;
	s9 =	sadd.s32 $0x8000, s5;
	s10 =	sadd.s32 $0xC000, s5  }
0x13: {  	s11 =	sadd.s32 $0x10000, s5;
	s12 =	sadd.s32 $0x8FA00, s12;
	s28 =	sshrl.u32 s5, $0x3  }
.LBB2_1:
0x14: {  	[tilespmem:s3], [sflag:$0x5] =	stream.linear.gather [hbm4b:s6+s3], $0x1480, $0x38;
	[tilespmem:$0x1EC00] =	vst v63  }
0x15: {  	_ =	swait.ge [sflag:s14], $0x1480  }
0x16: {  	[sflag:s14] =	ssyncset.done $0x0  }
0x17: {  	[sflag:s14] =	ssyncadd.s32 $0xFFFFEB80  }
0x18: {  	[tilespmem:s15], [sflag:$0x5] =	stream.linear.gather [hbm4b:s7+s3], $0x1400, $0x38;
	[tilespmem:$0x1EC00] =	vst v63  }
0x19: {  	_ =	swait.ge [sflag:s14], $0x1400  }
0x1a: {  	[sflag:s14] =	ssyncset.done $0x0  }
0x1b: {  	[sflag:s14] =	ssyncadd.s32 $0xFFFFEC00  }
0x1c: {  	[tilespmem:s18], [sflag:$0x1] =	stream.indirect.gather [hbm4b:s4+s16], $0x80, s17, s16, $0xb8;
	[tilespmem:$0x1EC00] =	vst v63  }
0x1d: {  	_ =	swait.ge [sflag:s19], $0x4000  }
0x1e: {  	[sflag:s19] =	ssyncset.done $0x0  }
0x1f: {  	[sflag:s19] =	ssyncadd.s32 $0xFFFFC000  }
0x20: {  	[spmem:s5] =	stream.linear.scatter [tilespmem:s18], [sflag:$0x5], $0x4000, $0x38;
	[tilespmem:$0x1EC00] =	vst v63  }
0x21: {  	_ =	swait.ge [sflag:s14], $0x4000  }
0x22: {  	[sflag:s14] =	ssyncset.done $0x0  }
0x23: {  	[sflag:s14] =	ssyncadd.s32 $0xFFFFC000  }
0x24: {  	[spmem:s8] =	stream.linear.scatter [tilespmem:s18], [sflag:$0x5], $0x4000, $0x38;
	[tilespmem:$0x1EC00] =	vst v63  }
0x25: {  	_ =	swait.ge [sflag:s14], $0x4000  }
0x26: {  	[sflag:s14] =	ssyncset.done $0x0  }
0x27: {  	[sflag:s14] =	ssyncadd.s32 $0xFFFFC000  }
0x28: {  	[spmem:s9] =	stream.linear.scatter [tilespmem:s18], [sflag:$0x5], $0x4000, $0x38;
	[tilespmem:$0x1EC00] =	vst v63  }
0x29: {  	_ =	swait.ge [sflag:s14], $0x4000  }
0x2a: {  	[sflag:s14] =	ssyncset.done $0x0  }
0x2b: {  	[sflag:s14] =	ssyncadd.s32 $0xFFFFC000  }
0x2c: {  	[spmem:s10] =	stream.linear.scatter [tilespmem:s18], [sflag:$0x5], $0x4000, $0x38;
	[tilespmem:$0x1EC00] =	vst v63  }
0x2d: {  	_ =	swait.ge [sflag:s14], $0x4000  }
0x2e: {  	[sflag:s14] =	ssyncset.done $0x0  }
0x2f: {  	[sflag:s14] =	ssyncadd.s32 $0xFFFFC000  }
0x30: {  	[spmem:s11] =	stream.linear.scatter [tilespmem:s18], [sflag:$0x5], $0x4000, $0x38;
	[tilespmem:$0x1EC00] =	vst v63  }
0x31: {  	_ =	swait.ge [sflag:s14], $0x4000  }
0x32: {  	[sflag:s14] =	ssyncset.done $0x0  }
0x33: {  	[sflag:s14] =	ssyncadd.s32 $0xFFFFC000  }
0x34: {  	[bflag:$0x0] =	sbarrier.arrive $0xFFFF  }
0x35: {  	[tilespmem:s18], [sflag:$0x1] =	stream.indirect.gather [hbm4b:s4+s16], $0x80, s3, s16, $0xb8;
	[tilespmem:$0x1EC00] =	vst v63  }
0x36: {  	_ = 	snop  }
0x37: {  	[tilespmem:s20], [sflag:$0x2] =	stream.indirect.gather [hbm4b:s4+s16], $0x80, s16, s16, $0xb8;
	[tilespmem:$0x1EC00] =	vst v63  }
0x38: {  	_ =	swait.ge [sflag:s19], $0x4000  }
0x39: {  	[sflag:s19] =	ssyncset.done $0x0  }
0x3a: {  	s30 =	simm.s32 $0x1800;
	[sflag:s19] =	ssyncadd.s32 $0xFFFFC000  }
0x3b: {  	[spmem:s2] =	stream.indirect.scatter.add.f32 [tilespmem:s18], [sflag:$0x3], $0x80, s30, s16, $0xb8;
	[tilespmem:$0x1EC00] =	vst v63  }
0x3c: {  	_ =	swait.ge [sflag:s21], $0x4000  }
0x3d: {  	[sflag:s21] =	ssyncset.done $0x0  }
0x3e: {  	s30 =	simm.s32 $0x1880;
	[sflag:s21] =	ssyncadd.s32 $0xFFFFC000  }
0x3f: {  	[spmem:s2] =	stream.indirect.scatter.add.f32 [tilespmem:s20], [sflag:$0x4], $0x80, s30, s16, $0xb8;
	[tilespmem:$0x1EC00] =	vst v63  }
0x40: {  	_ =	swait.ge [sflag:s22], $0x4000  }
0x41: {  	[sflag:s22] =	ssyncset.done $0x0  }
0x42: {  	s30 =	simm.s32 $0x100;
	[sflag:s22] =	ssyncadd.s32 $0xFFFFC000  }
0x43: {  	[tilespmem:s18], [sflag:$0x1] =	stream.indirect.gather [hbm4b:s4+s16], $0x80, s30, s16, $0xb8;
	[tilespmem:$0x1EC00] =	vst v63  }
0x44: {  	_ =	swait.ge [sflag:s23], $0x4000  }
0x45: {  	[sflag:s23] =	ssyncset.done $0x0  }
0x46: {  	s31 =	simm.s32 $0x180;
	s30 =	simm.s32 $0x400;
	[sflag:s23] =	ssyncadd.s32 $0xFFFFC000  }
.LBB2_2:
0x47: {  	[tilespmem:s20], [sflag:$0x2] =	stream.indirect.gather [hbm4b:s4+s16], $0x80, s31, s16, $0xb8;
	[tilespmem:$0x1EC00] =	vst v63  }
0x48: {  	s31 =	smov.u32 s30  }
0x49: {  	p0 =	sne.s32 s30, $0x4800;
	s30 =	sadd.s32 $0x400, s30;
	_ =	swait.ge [sflag:s19], $0x4000  }
0x4a: {  	s31 =	sshra.s32 s31, $0x2;
	[sflag:s19] =	ssyncset.done $0x0  }
0x4b: {  	s0 =	sadd.s32 $0x1800, s31;
	[sflag:s19] =	ssyncadd.s32 $0xFFFFC000  }
0x4c: {  	[spmem:s2] =	stream.indirect.scatter.add.f32 [tilespmem:s18], [sflag:$0x3], $0x80, s0, s16, $0xb8;
	[tilespmem:$0x1EC00] =	vst v63  }
0x4d: {  	_ =	swait.ge [sflag:s21], $0x4000  }
0x4e: {  	[sflag:s21] =	ssyncset.done $0x0  }
0x4f: {  	s0 =	sadd.s32 $0x1880, s31;
	[sflag:s21] =	ssyncadd.s32 $0xFFFFC000  }
0x50: {  	[spmem:s2] =	stream.indirect.scatter.add.f32 [tilespmem:s20], [sflag:$0x4], $0x80, s0, s16, $0xb8;
	[tilespmem:$0x1EC00] =	vst v63  }
0x51: {  	_ =	swait.ge [sflag:s22], $0x4000  }
0x52: {  	[sflag:s22] =	ssyncset.done $0x0  }
.Ltmp0:
0x53: {  	s0 =	sadd.s32 $0x100, s31;
	[sflag:s22] =	ssyncadd.s32 $0xFFFFC000;
	(pc) =	sbr.rel @p0 .LBB2_2-.Ltmp0, $4  }
0x54: {  	[tilespmem:s18], [sflag:$0x1] =	stream.indirect.gather [hbm4b:s4+s16], $0x80, s0, s16, $0xb8;
	[tilespmem:$0x1EC00] =	vst v63  }
0x55: {  	_ =	swait.ge [sflag:s23], $0x4000  }
0x56: {  	[sflag:s23] =	ssyncset.done $0x0  }
0x57: {  	s31 =	sadd.s32 $0x180, s31;
	[sflag:s23] =	ssyncadd.s32 $0xFFFFC000  }
0x58: {  	[tilespmem:s20], [sflag:$0x2] =	stream.indirect.gather [hbm4b:s4+s16], $0x80, s31, s16, $0xb8;
	[tilespmem:$0x1EC00] =	vst v63  }
0x59: {  	_ =	swait.ge [sflag:s19], $0x4000  }
0x5a: {  	[sflag:s19] =	ssyncset.done $0x0  }
0x5b: {  	[sflag:s19] =	ssyncadd.s32 $0xFFFFC000  }
0x5c: {  	[spmem:s2] =	stream.indirect.scatter.add.f32 [tilespmem:s18], [sflag:$0x3], $0x80, s24, s16, $0xb8;
	[tilespmem:$0x1EC00] =	vst v63  }
0x5d: {  	_ =	swait.ge [sflag:s21], $0x4000  }
0x5e: {  	[sflag:s21] =	ssyncset.done $0x0  }
0x5f: {  	[sflag:s21] =	ssyncadd.s32 $0xFFFFC000  }
0x60: {  	[spmem:s2] =	stream.indirect.scatter.add.f32 [tilespmem:s20], [sflag:$0x4], $0x80, s26, s16, $0xb8;
	[tilespmem:$0x1EC00] =	vst v63  }
0x61: {  	_ =	swait.ge [sflag:s22], $0x4000  }
0x62: {  	[sflag:s22] =	ssyncset.done $0x0  }
0x63: {  	[sflag:s22] =	ssyncadd.s32 $0xFFFFC000  }
0x64: {  	_ =	swait.ge [sflag:s23], $0x4000  }
0x65: {  	s29 =	sadd.s32 $0x1, s29;
	[sflag:s23] =	ssyncset.done $0x0  }
0x66: {  	p0 =	sne.s32 s29, s13;
	[sflag:s23] =	ssyncadd.s32 $0xFFFFC000  }
.Ltmp1:
0x67: {  	[bflag:$0x0] =	sbarrier.arrive $0xFFFF;
	(pc) =	sbr.rel @p0 .LBB2_1-.Ltmp1, $4  }
0x68: {  	[hbm:s12], [sflag:s25] =	dma.local [spmem:s28], $0x2800  }
0x69: {  	_ =	swait.ge [sflag:s14], $0x2800  }
0x6a: {  	[sflag:s14] =	ssyncset.done $0x0  }
0x6b: {  	[sflag:s14] =	ssyncadd.s32 $0xFFFFD800  }
0x6c: {  	_ =	sfence.sel $0x180000  }
0x6d: {  	[bflag:$0x0] =	sbarrier.arrive $0xFFFF  }
0x6e: {  	_ =	strace $0x9000004D  }
0x6f: {  	[bflag:$0x2] =	sbarrier.arrive $0xFFFF  }
0x70: {  	p0 =	sne.s32 s1, $0x0;
	s0 =	rddreg [dreg:$0x2]  }
0x71: {  	s0 =	sadd.s32 @!p0 $0x100000, s0  }
0x72: {  	[sflag:s0] =	ssyncadd.tile.s32 @!p0 $0x1;
	_ =	shalt  }
.Lfunc_end2:
_tile_overlayer_lowered:
.L_overlay_start_2:
0x73: {  	(tag) =	ssettag $0x2  }
0x74: {  	s0 =	rddreg [dreg:$0x0];
	s2 =	stileid.u32  }
0x75: {  	s1 =	rddreg [dreg:$0x1];
	p0 =	sne.s32 s2, $0x0  }
0x76: {  	s3 =	rddreg [dreg:$0x2];
	[bflag:$0x3] =	sbarrier.arrive $0xFFFF;
	s2 =	simm.s32 @!p0 $0x1C05  }
0x77: {  	[timem:s3], [sflag:s2] =	dma.local @!p0 [hbm:s0], s1  }
0x78: {  	s0 =	simm.s32 @!p0 $0x5  }
0x79: {  	_ =	swait.ge @!p0 [sflag:s0], s1  }
0x7a: {  	s1 =	ssub.s32 @!p0 $0x0, s1;
	[sflag:s0] =	ssyncset.done @!p0 $0x0  }
0x7b: {  	[sflag:s0] =	ssyncadd.s32 @!p0 s1  }
0x7c: {  	[bflag:$0x3] =	sbarrier.arrive $0xFFFF  }
0x7d: {  	_ =	shalt  }

// kernel: kernel.26.cloned.1.call-start
scs
__scs_entry_jumppad:
0x0: {  	(pc) =	sbr.rel $0x88, $3  }
0x1: {  	(tag) =	ssettag $0x0;
	lr =	simm.s32 $0x1  }
0x2: {  	[smem:$0x3F98] =	sst lr;
	_ =	strace $0xD0000000  }
0x3: {  	_ = 	snop  }
0x4: {  	_ = 	snop  }
0x5: {  	_ = 	snop  }
0x6: {  	_ = 	snop  }
0x7: {  	_ = 	snop  }
__scs_overlays_trampoline_lowered:
0x8: {  	[smem:$0x3FA7] =	sst s0  }
0x9: {  	[smem:$0x3FA8] =	sst s1  }
0xa: {  	[smem:$0x3FA9] =	sst s2  }
0xb: {  	[smem:$0x3FAA] =	sst s3  }
0xc: {  	[smem:$0x3FAB] =	sst s4  }
0xd: {  	[smem:$0x3FAC] =	sst s5  }
0xe: {  	[smem:$0x3FAD] =	sst s6  }
0xf: {  	[smem:$0x3FAE] =	sst s7  }
0x10: {  	[smem:$0x3FAF] =	sst s8  }
0x11: {  	[smem:$0x3FB0] =	sst s9;
	s0 =	simm.s32 @!p0 $0x0  }
0x12: {  	s1 =	sld [smem:$0x3F96];
	s0 =	simm.s32 @p0 $0x1  }
0x13: {  	[smem:$0x3FB1] =	sst s0;
	s0 =	simm.s32 @!p1 $0x0  }
0x14: {  	s2 =	sld [smem:$0x3F95];
	s0 =	simm.s32 @p1 $0x1  }
0x15: {  	[smem:$0x3FB2] =	sst s0;
	s0 =	simm.s32 @!p2 $0x0  }
0x16: {  	s3 =	sld [smem:$0x3FDB];
	s0 =	simm.s32 @p2 $0x1  }
0x17: {  	s4 =	simm.s32 $0x1BF5;
	[smem:$0x3FB4] =	sst s0  }
0x18: {  	s0 =	sld [smem:$0x3F97];
	_ =	swait.ge [sflag:s4], $0x0  }
0x19: {  	s7 =	sld [smem:$0x3F98]  }
0x1a: {  	s8 =	sadd.s32 $0xFFFFE003, lr  }
0x1b: {  	s9 =	sadd.s32 $0xFFFFFEF7, lr;
	s5 =	simm.s32 $0xFFFFFFFF;
	p2 =	slt.u32 s8, $0xFFFFF086  }
0x1c: {  	p1 =	slt.u32 s9, $0xF7A;
	s5 =	simm.s32 @!p2 $0x0  }
0x1d: {  	s5 =	simm.s32 @p1 $0x1;
	p0 =	seq.s32 s7, s2  }
0x1e: {  	s7 =	smul.u32 @!p0 $0xF7A, s2;
	p2 =	seq.s32 @!p0 s5, $0x0  }
0x1f: {  	s9 =	smul.u32 $0xF7A, s1;
	s8 =	simm.s32 @!p0 $0x1BF5;
	p2 =	por !p2, p0  }
0x20: {  	[sflag:s8] =	ssyncset.s32 @!p0 $0xFFFFF086;
	s6 =	sadd.s32 @!p0 s3, s7;
	s7 =	simm.s32 @!p0 $0x108  }
0x21: {  	s3 =	sadd.s32 s3, s9;
	s6 =	sadd.s32 @!p0 $0x88, s6;
	s7 =	simm.s32 @p2 $0x1082  }
0x22: {  	[simem:s7], [sflag:s8] =	dma.local @!p0 [hbm:s6], $0xF7A  }
0x23: {  	s9 =	sor.u32 $0xD0000000, s2;
	s6 =	simm.s32 $0x108;
	_ =	swait.ge @!p0 [sflag:s8], $0x0  }
0x24: {  	s3 =	sadd.s32 $0x88, s3;
	s6 =	simm.s32 @!p1 $0x1082;
	[sflag:s4] =	ssyncset.s32 $0xFFFFF086  }
0x25: {  	[simem:s6], [sflag:s4] =	dma.local [hbm:s3], $0xF7A  }
0x26: {  	[smem:$0x3F98] =	sst s1;
	(tag) =	ssettag s2;
	_ =	strace s9  }
0x27: {  	s1 =	sld [smem:$0x3FA8]  }
0x28: {  	s2 =	sld [smem:$0x3FA9]  }
0x29: {  	s4 =	sld [smem:$0x3FAB]  }
0x2a: {  	p0 =	seq.s32 s5, $0x0;
	s5 =	sld [smem:$0x3FAC]  }
0x2b: {  	s6 =	sld [smem:$0x3FAD]  }
0x2c: {  	s7 =	sld [smem:$0x3FAE]  }
0x2d: {  	s3 =	simm.s32 $0x108;
	s8 =	sld [smem:$0x3FAF]  }
0x2e: {  	s3 =	simm.s32 @!p0 $0x1082;
	s9 =	sld [smem:$0x3FB0]  }
0x2f: {  	lr =	sadd.s32 s0, s3;
	s0 =	sld [smem:$0x3FA7]  }
0x30: {  	s3 =	sld [smem:$0x3FAA]  }
0x31: {  	[smem:$0x3FB3] =	sst s10  }
0x32: {  	s10 =	sld [smem:$0x3FB1];
	_ =	sdelay $0x3  }
0x33: {  	p0 =	seq.s32 s10, $0x1;
	s10 =	sld [smem:$0x3FB3];
	_ =	sdelay $0x3  }
0x34: {  	[smem:$0x3FB3] =	sst s10  }
0x35: {  	s10 =	sld [smem:$0x3FB2];
	_ =	sdelay $0x3  }
0x36: {  	p1 =	seq.s32 s10, $0x1;
	s10 =	sld [smem:$0x3FB3];
	_ =	sdelay $0x3  }
0x37: {  	[smem:$0x3FB3] =	sst s10  }
0x38: {  	s10 =	sld [smem:$0x3FB4]  }
0x39: {  	_ = 	snop;
	(pc) =	sbr.ind lr, $3  }
0x3a: {  	_ = 	snop  }
0x3b: {  	_ = 	snop  }
0x3c: {  	p2 =	seq.s32 s10, $0x1;
	s10 =	sld [smem:$0x3FB3]  }
0x3d: {  	_ =	shalt  }
0x3e: {  	_ =	shalt  }
0x3f: {  	_ =	shalt  }
0x40: {  	_ =	shalt  }
0x41: {  	_ =	shalt  }
0x42: {  	_ =	shalt  }
0x43: {  	_ =	shalt  }
0x44: {  	_ =	shalt  }
0x45: {  	_ =	shalt  }
0x46: {  	_ =	shalt  }
0x47: {  	_ =	shalt  }
0x48: {  	_ =	shalt  }
0x49: {  	_ =	shalt  }
0x4a: {  	_ =	shalt  }
0x4b: {  	_ =	shalt  }
0x4c: {  	_ =	shalt  }
0x4d: {  	_ =	shalt  }
0x4e: {  	_ =	shalt  }
0x4f: {  	_ =	shalt  }
0x50: {  	_ =	shalt  }
0x51: {  	_ =	shalt  }
0x52: {  	_ =	shalt  }
0x53: {  	_ =	shalt  }
0x54: {  	_ =	shalt  }
0x55: {  	_ =	shalt  }
0x56: {  	_ =	shalt  }
0x57: {  	_ =	shalt  }
0x58: {  	_ =	shalt  }
0x59: {  	_ =	shalt  }
0x5a: {  	_ =	shalt  }
0x5b: {  	_ =	shalt  }
0x5c: {  	_ =	shalt  }
0x5d: {  	_ =	shalt  }
0x5e: {  	_ =	shalt  }
0x5f: {  	_ =	shalt  }
0x60: {  	_ =	shalt  }
0x61: {  	_ =	shalt  }
0x62: {  	_ =	shalt  }
0x63: {  	_ =	shalt  }
0x64: {  	_ =	shalt  }
0x65: {  	_ =	shalt  }
0x66: {  	_ =	shalt  }
0x67: {  	_ =	shalt  }
0x68: {  	_ =	shalt  }
0x69: {  	_ =	shalt  }
0x6a: {  	_ =	shalt  }
0x6b: {  	_ =	shalt  }
0x6c: {  	_ =	shalt  }
0x6d: {  	_ =	shalt  }
0x6e: {  	_ =	shalt  }
0x6f: {  	_ =	shalt  }
0x70: {  	_ =	shalt  }
0x71: {  	_ =	shalt  }
0x72: {  	_ =	shalt  }
0x73: {  	_ =	shalt  }
0x74: {  	_ =	shalt  }
0x75: {  	_ =	shalt  }
0x76: {  	_ =	shalt  }
0x77: {  	_ =	shalt  }
0x78: {  	_ =	shalt  }
0x79: {  	_ =	shalt  }
0x7a: {  	_ =	shalt  }
0x7b: {  	_ =	shalt  }
0x7c: {  	_ =	shalt  }
0x7d: {  	_ =	shalt  }
0x7e: {  	_ =	shalt  }
0x7f: {  	_ =	shalt  }
0x80: {  	_ =	shalt  }
0x81: {  	_ =	shalt  }
0x82: {  	_ =	shalt  }
0x83: {  	_ =	shalt  }
0x84: {  	_ =	shalt  }
0x85: {  	_ =	shalt  }
0x86: {  	_ =	shalt  }
0x87: {  	_ =	shalt  }
.Lfunc_end0:
.L_simem_size_0:
called_computation.6_lowered:
.L_overlay_start_0:
0x88: {  	s2 =	sld [smem:$0x3FD9]  }
0x89: {  	s3 =	sld [smem:$0x3FFE];
	_ =	sdelay $0x1  }
0x8a: {  	s1 =	srdreg.scid  }
0x8b: {  	s0 =	sand.u32 $0x1, s1  }
0x8c: {  	s16 =	sshll.u32 s0, $0xA;
	s2 =	sadd.s32 s3, s2  }
0x8d: {  	s2 =	sadd.s32 s2, s16  }
0x8e: {  	[smem:$0x3FBF] =	sst s2  }
0x8f: {  	_ = 	snop  }
0x90: {  	(tm) =	ssettm $0x1  }
0x91: {  	s17 =	sld [smem:$0x3FFB];
	_ =	sdelay $0x3  }
0x92: {  	_ =	strace s17  }
0x93: {  	s2 =	sld [smem:$0x3FFC];
	_ =	sdelay $0x3  }
0x94: {  	_ =	strace s2  }
0x95: {  	s2 =	sld [smem:$0x3FFD];
	_ =	sdelay $0x3  }
0x96: {  	_ =	strace s2  }
0x97: {  	_ =	strace $0x8FFFFFFF  }
0x98: {  	s18 =	sld [smem:$0x3FDB];
	_ =	sdelay $0x1  }
0x99: {  	s19 =	simm.s32 $_scs_section_size  }
0x9a: {  	s4 =	simm.s32 $_size__tile_overlayer_lowered;
	s5 =	simm.s32 $_tile_overlayer_lowered  }
0x9b: {  	s22 =	simm.s32 $0x1BFF;
	s21 =	sshll.u32 s5, $0x1;
	s2 =	sadd.s32 s19, s18  }
0x9c: {  	s6 =	simm.s32 $0x0;
	s20 =	sshll.u32 s4, $0x1;
	s4 =	sadd.s32 s21, s2  }
0x9d: {  	[timem:s6], [sflag:s22] =	dma.local [hbm:s4], s20  }
0x9e: {  	_ =	swait.ge [sflag:s22], s20  }
0x9f: {  	s3 =	ssub.s32 $0x0, s20;
	[sflag:s22] =	ssyncset.done $0x0  }
0xa0: {  	[sflag:s22] =	ssyncadd.s32 s3;
	_ =	sdelay $0x1  }
0xa1: {  	s23 =	simm.s32 $0x1B8B  }
0xa2: {  	_ =	swait.ge [sflag:s23], $0x1  }
0xa3: {  	[sflag:s23] =	ssyncset.done $0x0  }
0xa4: {  	s25 =	simm.s32 $0x1B8E;
	s24 =	sld [smem:$0x3FFE];
	[sflag:s23] =	ssyncadd.s32 $0xFFFFFFFF  }
0xa5: {  	s26 =	simm.s32 $execute0_lowered;
	[smem:$0x3FD2] =	sst s25  }
0xa6: {  	s4 =	sshll.u32 s26, $0x1;
	_ =	strace $0x8000004F;
	[dreg:$0x1] =	wrdreg $0xFFFFFFFF  }
0xa7: {  	s28 =	simm.s32 $_size_execute0_lowered;
	s2 =	sadd.s32 s2, s4;
	[dreg:$0x0] =	wrdreg $0x0  }
0xa8: {  	s4 =	sshll.u32 s28, $0x1;
	[dreg:$0x2] =	wrdreg s2  }
0xa9: {  	[dreg:$0x3] =	wrdreg s4  }
0xaa: {  	[dreg:$0x4] =	wrdreg $0xC0  }
0xab: {  	_ =	task [dreg:s6], $0x5FFFF  }
0xac: {  	[dreg:$0x1] =	wrdreg $0xFFFFFFFF  }
0xad: {  	[dreg:$0x0] =	wrdreg $0x60  }
0xae: {  	[dreg:$0x2] =	wrdreg s24  }
0xaf: {  	[dreg:$0x3] =	wrdreg $0xAC000  }
0xb0: {  	[dreg:$0x4] =	wrdreg $0x9  }
0xb1: {  	_ =	task.clear_ibuf [dreg:s6], $0x5FFFF;
	_ =	strace $0x9000004F  }
0xb2: {  	s29 =	simm.s32 $0x9;
	_ =	strace $0x80000051  }
0xb3: {  	_ =	swait.ge [sflag:s29], $0x1  }
0xb4: {  	[sflag:s29] =	ssyncadd.s32 $0xFFFFFFFF  }
0xb5: {  	_ =	strace $0x90000051  }
0xb6: {  	_ =	sfence  }
0xb7: {  	s30 =	sld [smem:$0x0];
	_ =	sdelay $0x2  }
0xb8: {  	s31 =	sshll.u32 s1, $0xD;
	s1 =	sshrl.u32 s1, $0x2  }
0xb9: {  	s3 =	sand.u32 $0x4000, s31;
	s1 =	sadd.s32 s1, s30  }
0xba: {  	s0 =	sor.u32 s3, s0;
	s1 =	sshll.u32 s1, $0x11  }
0xbb: {  	s0 =	sor.u32 s1, s0  }
0xbc: {  	s0 =	sadd.s32 $0x8F2B, s0  }
0xbd: {  	[sflag:s0] =	ssyncadd.remote.s32 $0x1  }
0xbe: {  	_ =	sfence.sel $0xFFFF  }
0xbf: {  	[dreg:$0x0] =	wrdreg $0xFFFFFFFF;
	(pc) =	sbr.abs _section_cstart, $3  }
0xc0: {  	[dreg:$0x1] =	wrdreg $0xFFFFFFFF  }
0xc1: {  	_ =	task.clear_ibuf [dreg:s6], $0x2FFFF;
	_ =	strace $0x9FFFFFFF  }
0xc2: {  	(tm) =	ssettm $0x7FFFFFFF  }
0xc3: {  	_ =	shalt  }
tec
execute0_lowered:
.L_overlay_start_1:
0x0: {  	(tag) =	ssettag $0x1  }
0x1: {  	s5 =	rddreg [dreg:$0x0]  }
0x2: {  	s0 =	srdreg.scid;
	s2 =	rddreg [dreg:$0x1]  }
0x3: {  	s1 =	stileid.u32;
	s3 =	simm.s32 $0x0;
	s14 =	simm.s32 $0x5  }
0x4: {  	s15 =	simm.s32 $0x1800;
	s16 =	simm.s32 $0x80;
	s17 =	simm.s32 $0x1400  }
0x5: {  	s18 =	simm.s32 $0x2C00;
	s19 =	simm.s32 $0x1;
	s8 =	smul.u32 $0x1800, s1  }
0x6: {  	s20 =	simm.s32 $0x6C00;
	s21 =	simm.s32 $0x2;
	s10 =	smul.u32 $0x1400, s1  }
0x7: {  	s22 =	simm.s32 $0x3;
	s23 =	simm.s32 $0x4;
	s30 =	smul.u32 $0x14000, s1  }
0x8: {  	s24 =	simm.s32 $0x2B00;
	s6 =	sand.u32 $0x1, s0;
	s11 =	smul.u32 $0x50000, s1  }
0x9: {  	s29 =	simm.s32 $0x0;
	[smem:$0x7FF] =	sst s3;
	s7 =	smul.u32 $0x18000, s6  }
0xa: {  	s4 =	sadd.s32 $0x34A00, s5;
	s25 =	sshll.u32 s1, $0x6;
	s9 =	smul.u32 $0x14000, s6  }
0xb: {  	_ =	strace $0x80000050;
	s26 =	smul.u32 $0x140000, s6;
	s6 =	ssub.s32 $0x2, s6  }
0xc: {  	s25 =	sor.u32 $0x1C05, s25;
	s31 =	sshrl.u32 s6, $0x1;
	s11 =	sshrl.u32 s11, $0x2  }
0xd: {  	s7 =	sadd.s32 s8, s7;
	s9 =	sadd.s32 s10, s9;
	s8 =	sadd.s32 s30, s26  }
0xe: {  	s13 =	ssub.s32 s6, s31;
	s26 =	simm.s32 $0x2B80;
	s7 =	sshrl.u32 s7, $0x3  }
0xf: {  	s9 =	sshrl.u32 s9, $0x3;
	s8 =	sshrl.u32 s8, $0x3;
	s13 =	smax.u32 s13, $0x1  }
0x10: {  	s7 =	sadd.s32 s7, s5;
	s9 =	sadd.s32 s9, s5;
	s12 =	sadd.s32 s8, s5  }
0x11: {  	s5 =	sadd.s32 s11, s2;
	s6 =	sadd.s32 $0x89A00, s7;
	s7 =	sadd.s32 $0x7A00, s9  }
0x12: {  	s8 =	sadd.s32 $0x4000, s5;
	s9 =	sadd.s32 $0x8000, s5;
	s10 =	sadd.s32 $0xC000, s5  }
0x13: {  	s11 =	sadd.s32 $0x10000, s5;
	s12 =	sadd.s32 $0x8FA00, s12;
	s28 =	sshrl.u32 s5, $0x3  }
.LBB2_1:
0x14: {  	[tilespmem:s3], [sflag:$0x5] =	stream.linear.gather [hbm4b:s6+s3], $0x1480, $0x38;
	[tilespmem:$0x1EC00] =	vst v63  }
0x15: {  	_ =	swait.ge [sflag:s14], $0x1480  }
0x16: {  	[sflag:s14] =	ssyncset.done $0x0  }
0x17: {  	[sflag:s14] =	ssyncadd.s32 $0xFFFFEB80  }
0x18: {  	[tilespmem:s15], [sflag:$0x5] =	stream.linear.gather [hbm4b:s7+s3], $0x1400, $0x38;
	[tilespmem:$0x1EC00] =	vst v63  }
0x19: {  	_ =	swait.ge [sflag:s14], $0x1400  }
0x1a: {  	[sflag:s14] =	ssyncset.done $0x0  }
0x1b: {  	[sflag:s14] =	ssyncadd.s32 $0xFFFFEC00  }
0x1c: {  	[tilespmem:s18], [sflag:$0x1] =	stream.indirect.gather [hbm4b:s4+s16], $0x80, s17, s16, $0xb8;
	[tilespmem:$0x1EC00] =	vst v63  }
0x1d: {  	_ =	swait.ge [sflag:s19], $0x4000  }
0x1e: {  	[sflag:s19] =	ssyncset.done $0x0  }
0x1f: {  	[sflag:s19] =	ssyncadd.s32 $0xFFFFC000  }
0x20: {  	[spmem:s5] =	stream.linear.scatter [tilespmem:s18], [sflag:$0x5], $0x4000, $0x38;
	[tilespmem:$0x1EC00] =	vst v63  }
0x21: {  	_ =	swait.ge [sflag:s14], $0x4000  }
0x22: {  	[sflag:s14] =	ssyncset.done $0x0  }
0x23: {  	[sflag:s14] =	ssyncadd.s32 $0xFFFFC000  }
0x24: {  	[spmem:s8] =	stream.linear.scatter [tilespmem:s18], [sflag:$0x5], $0x4000, $0x38;
	[tilespmem:$0x1EC00] =	vst v63  }
0x25: {  	_ =	swait.ge [sflag:s14], $0x4000  }
0x26: {  	[sflag:s14] =	ssyncset.done $0x0  }
0x27: {  	[sflag:s14] =	ssyncadd.s32 $0xFFFFC000  }
0x28: {  	[spmem:s9] =	stream.linear.scatter [tilespmem:s18], [sflag:$0x5], $0x4000, $0x38;
	[tilespmem:$0x1EC00] =	vst v63  }
0x29: {  	_ =	swait.ge [sflag:s14], $0x4000  }
0x2a: {  	[sflag:s14] =	ssyncset.done $0x0  }
0x2b: {  	[sflag:s14] =	ssyncadd.s32 $0xFFFFC000  }
0x2c: {  	[spmem:s10] =	stream.linear.scatter [tilespmem:s18], [sflag:$0x5], $0x4000, $0x38;
	[tilespmem:$0x1EC00] =	vst v63  }
0x2d: {  	_ =	swait.ge [sflag:s14], $0x4000  }
0x2e: {  	[sflag:s14] =	ssyncset.done $0x0  }
0x2f: {  	[sflag:s14] =	ssyncadd.s32 $0xFFFFC000  }
0x30: {  	[spmem:s11] =	stream.linear.scatter [tilespmem:s18], [sflag:$0x5], $0x4000, $0x38;
	[tilespmem:$0x1EC00] =	vst v63  }
0x31: {  	_ =	swait.ge [sflag:s14], $0x4000  }
0x32: {  	[sflag:s14] =	ssyncset.done $0x0  }
0x33: {  	[sflag:s14] =	ssyncadd.s32 $0xFFFFC000  }
0x34: {  	[bflag:$0x0] =	sbarrier.arrive $0xFFFF  }
0x35: {  	[tilespmem:s18], [sflag:$0x1] =	stream.indirect.gather [hbm4b:s4+s16], $0x80, s3, s16, $0xb8;
	[tilespmem:$0x1EC00] =	vst v63  }
0x36: {  	_ = 	snop  }
0x37: {  	[tilespmem:s20], [sflag:$0x2] =	stream.indirect.gather [hbm4b:s4+s16], $0x80, s16, s16, $0xb8;
	[tilespmem:$0x1EC00] =	vst v63  }
0x38: {  	_ =	swait.ge [sflag:s19], $0x4000  }
0x39: {  	[sflag:s19] =	ssyncset.done $0x0  }
0x3a: {  	s30 =	simm.s32 $0x1800;
	[sflag:s19] =	ssyncadd.s32 $0xFFFFC000  }
0x3b: {  	[spmem:s2] =	stream.indirect.scatter.add.f32 [tilespmem:s18], [sflag:$0x3], $0x80, s30, s16, $0xb8;
	[tilespmem:$0x1EC00] =	vst v63  }
0x3c: {  	_ =	swait.ge [sflag:s21], $0x4000  }
0x3d: {  	[sflag:s21] =	ssyncset.done $0x0  }
0x3e: {  	s30 =	simm.s32 $0x1880;
	[sflag:s21] =	ssyncadd.s32 $0xFFFFC000  }
0x3f: {  	[spmem:s2] =	stream.indirect.scatter.add.f32 [tilespmem:s20], [sflag:$0x4], $0x80, s30, s16, $0xb8;
	[tilespmem:$0x1EC00] =	vst v63  }
0x40: {  	_ =	swait.ge [sflag:s22], $0x4000  }
0x41: {  	[sflag:s22] =	ssyncset.done $0x0  }
0x42: {  	s30 =	simm.s32 $0x100;
	[sflag:s22] =	ssyncadd.s32 $0xFFFFC000  }
0x43: {  	[tilespmem:s18], [sflag:$0x1] =	stream.indirect.gather [hbm4b:s4+s16], $0x80, s30, s16, $0xb8;
	[tilespmem:$0x1EC00] =	vst v63  }
0x44: {  	_ =	swait.ge [sflag:s23], $0x4000  }
0x45: {  	[sflag:s23] =	ssyncset.done $0x0  }
0x46: {  	s31 =	simm.s32 $0x180;
	s30 =	simm.s32 $0x400;
	[sflag:s23] =	ssyncadd.s32 $0xFFFFC000  }
.LBB2_2:
0x47: {  	[tilespmem:s20], [sflag:$0x2] =	stream.indirect.gather [hbm4b:s4+s16], $0x80, s31, s16, $0xb8;
	[tilespmem:$0x1EC00] =	vst v63  }
0x48: {  	s31 =	smov.u32 s30  }
0x49: {  	p0 =	sne.s32 s30, $0x4800;
	s30 =	sadd.s32 $0x400, s30;
	_ =	swait.ge [sflag:s19], $0x4000  }
0x4a: {  	s31 =	sshra.s32 s31, $0x2;
	[sflag:s19] =	ssyncset.done $0x0  }
0x4b: {  	s0 =	sadd.s32 $0x1800, s31;
	[sflag:s19] =	ssyncadd.s32 $0xFFFFC000  }
0x4c: {  	[spmem:s2] =	stream.indirect.scatter.add.f32 [tilespmem:s18], [sflag:$0x3], $0x80, s0, s16, $0xb8;
	[tilespmem:$0x1EC00] =	vst v63  }
0x4d: {  	_ =	swait.ge [sflag:s21], $0x4000  }
0x4e: {  	[sflag:s21] =	ssyncset.done $0x0  }
0x4f: {  	s0 =	sadd.s32 $0x1880, s31;
	[sflag:s21] =	ssyncadd.s32 $0xFFFFC000  }
0x50: {  	[spmem:s2] =	stream.indirect.scatter.add.f32 [tilespmem:s20], [sflag:$0x4], $0x80, s0, s16, $0xb8;
	[tilespmem:$0x1EC00] =	vst v63  }
0x51: {  	_ =	swait.ge [sflag:s22], $0x4000  }
0x52: {  	[sflag:s22] =	ssyncset.done $0x0  }
.Ltmp0:
0x53: {  	s0 =	sadd.s32 $0x100, s31;
	[sflag:s22] =	ssyncadd.s32 $0xFFFFC000;
	(pc) =	sbr.rel @p0 .LBB2_2-.Ltmp0, $4  }
0x54: {  	[tilespmem:s18], [sflag:$0x1] =	stream.indirect.gather [hbm4b:s4+s16], $0x80, s0, s16, $0xb8;
	[tilespmem:$0x1EC00] =	vst v63  }
0x55: {  	_ =	swait.ge [sflag:s23], $0x4000  }
0x56: {  	[sflag:s23] =	ssyncset.done $0x0  }
0x57: {  	s31 =	sadd.s32 $0x180, s31;
	[sflag:s23] =	ssyncadd.s32 $0xFFFFC000  }
0x58: {  	[tilespmem:s20], [sflag:$0x2] =	stream.indirect.gather [hbm4b:s4+s16], $0x80, s31, s16, $0xb8;
	[tilespmem:$0x1EC00] =	vst v63  }
0x59: {  	_ =	swait.ge [sflag:s19], $0x4000  }
0x5a: {  	[sflag:s19] =	ssyncset.done $0x0  }
0x5b: {  	[sflag:s19] =	ssyncadd.s32 $0xFFFFC000  }
0x5c: {  	[spmem:s2] =	stream.indirect.scatter.add.f32 [tilespmem:s18], [sflag:$0x3], $0x80, s24, s16, $0xb8;
	[tilespmem:$0x1EC00] =	vst v63  }
0x5d: {  	_ =	swait.ge [sflag:s21], $0x4000  }
0x5e: {  	[sflag:s21] =	ssyncset.done $0x0  }
0x5f: {  	[sflag:s21] =	ssyncadd.s32 $0xFFFFC000  }
0x60: {  	[spmem:s2] =	stream.indirect.scatter.add.f32 [tilespmem:s20], [sflag:$0x4], $0x80, s26, s16, $0xb8;
	[tilespmem:$0x1EC00] =	vst v63  }
0x61: {  	_ =	swait.ge [sflag:s22], $0x4000  }
0x62: {  	[sflag:s22] =	ssyncset.done $0x0  }
0x63: {  	[sflag:s22] =	ssyncadd.s32 $0xFFFFC000  }
0x64: {  	_ =	swait.ge [sflag:s23], $0x4000  }
0x65: {  	s29 =	sadd.s32 $0x1, s29;
	[sflag:s23] =	ssyncset.done $0x0  }
0x66: {  	p0 =	sne.s32 s29, s13;
	[sflag:s23] =	ssyncadd.s32 $0xFFFFC000  }
.Ltmp1:
0x67: {  	[bflag:$0x0] =	sbarrier.arrive $0xFFFF;
	(pc) =	sbr.rel @p0 .LBB2_1-.Ltmp1, $4  }
0x68: {  	[hbm:s12], [sflag:s25] =	dma.local [spmem:s28], $0x2800  }
0x69: {  	_ =	swait.ge [sflag:s14], $0x2800  }
0x6a: {  	[sflag:s14] =	ssyncset.done $0x0  }
0x6b: {  	[sflag:s14] =	ssyncadd.s32 $0xFFFFD800  }
0x6c: {  	_ =	sfence.sel $0x180000  }
0x6d: {  	[bflag:$0x0] =	sbarrier.arrive $0xFFFF  }
0x6e: {  	_ =	strace $0x90000050  }
0x6f: {  	[bflag:$0x2] =	sbarrier.arrive $0xFFFF  }
0x70: {  	p0 =	sne.s32 s1, $0x0;
	s0 =	rddreg [dreg:$0x2]  }
0x71: {  	s0 =	sadd.s32 @!p0 $0x100000, s0  }
0x72: {  	[sflag:s0] =	ssyncadd.tile.s32 @!p0 $0x1;
	_ =	shalt  }
.Lfunc_end2:
_tile_overlayer_lowered:
.L_overlay_start_2:
0x73: {  	(tag) =	ssettag $0x2  }
0x74: {  	s0 =	rddreg [dreg:$0x0];
	s2 =	stileid.u32  }
0x75: {  	s1 =	rddreg [dreg:$0x1];
	p0 =	sne.s32 s2, $0x0  }
0x76: {  	s3 =	rddreg [dreg:$0x2];
	[bflag:$0x3] =	sbarrier.arrive $0xFFFF;
	s2 =	simm.s32 @!p0 $0x1C05  }
0x77: {  	[timem:s3], [sflag:s2] =	dma.local @!p0 [hbm:s0], s1  }
0x78: {  	s0 =	simm.s32 @!p0 $0x5  }
0x79: {  	_ =	swait.ge @!p0 [sflag:s0], s1  }
0x7a: {  	s1 =	ssub.s32 @!p0 $0x0, s1;
	[sflag:s0] =	ssyncset.done @!p0 $0x0  }
0x7b: {  	[sflag:s0] =	ssyncadd.s32 @!p0 s1  }
0x7c: {  	[bflag:$0x3] =	sbarrier.arrive $0xFFFF  }
0x7d: {  	_ =	shalt  }

</sc_bundles>
